<compile_context>
chip_gen: v7x
topology: tpu7x:2x2x1
jax: 0.10.2.dev20260603
libtpu: 0.0.44.dev20260713+nightly
codegen_flags: <defaults>
</compile_context>

<pallas_src>
import functools

import jax
import jax.numpy as jnp
from jax import lax
from jax.experimental import pallas as pl
from jax.experimental.pallas import tpu as pltpu
from jax.experimental.pallas import tpu_sc as plsc

N = 10000
E = 320000
H = 128

NPAD = 10240
NCORES = 2
NSUB = 16
NTILES = NCORES * NSUB
CHUNK = 128
EPT = 10240
NCHUNK = EPT // CHUNK
EPAD = NTILES * EPT
RPT = NPAD // NSUB
RB = 1024
PK = 16384

_mesh = plsc.VectorSubcoreMesh(core_axis_name="c", subcore_axis_name="s")


@functools.partial(
    pl.kernel,
    out_type=jax.ShapeDtypeStruct((NCORES, NPAD, 16), jnp.float32),
    mesh=_mesh,
    scratch_types=[
        pltpu.VMEM((NCHUNK, CHUNK), jnp.int32),
        pltpu.VMEM((CHUNK, 16), jnp.float32),
        pltpu.VMEM((CHUNK, 16), jnp.float32),
        pltpu.VMEM_SHARED((NPAD, 16), jnp.float32),
    ],
)
def _deg_kernel(dsti_hbm, z16_hbm, o16_hbm, out_hbm, dst_v, zbuf, obuf, acc):
    c = lax.axis_index("c")
    s = lax.axis_index("s")
    t = c * NSUB + s
    pltpu.sync_copy(dsti_hbm.at[pl.ds(t * NCHUNK, NCHUNK), :], dst_v)
    pltpu.sync_copy(z16_hbm, zbuf)
    pltpu.sync_copy(o16_hbm, obuf)

    base = s * RPT
    for k in range(RPT // CHUNK):
        pltpu.sync_copy(zbuf, acc.at[pl.ds(base + k * CHUNK, CHUNK), :])
    plsc.subcore_barrier()

    def _body(j, _):
        pltpu.sync_copy(obuf, acc.at[dst_v.at[j]], add=True)
        return 0

    lax.fori_loop(0, NCHUNK, _body, 0)
    plsc.subcore_barrier()

    for k in range(RPT // CHUNK):
        pltpu.sync_copy(acc.at[pl.ds(base + k * CHUNK, CHUNK), :], zbuf)
        pltpu.sync_copy(zbuf, out_hbm.at[c, pl.ds(base + k * CHUNK, CHUNK), :])


NBUF = 2
CHT = 160
PART = 40
NPART = CHT // PART
NCHT = NSUB * CHT
EPAD2 = NCHT * CHUNK
NSC = 10112
RSC = NSC // NSUB


@functools.partial(
    pl.kernel,
    out_type=jax.ShapeDtypeStruct((NCORES, NSC, H), jnp.float32),
    mesh=_mesh,
    scratch_types=[
        pltpu.VMEM((PART, CHUNK), jnp.int32),
        pltpu.VMEM((PART, CHUNK), jnp.int32),
        pltpu.VMEM((CHUNK, H), jnp.float32),
        pltpu.VMEM((CHUNK, H), jnp.float32),
        pltpu.VMEM_SHARED((NSC, H), jnp.float32),
        pltpu.SemaphoreType.DMA,
        pltpu.SemaphoreType.DMA,
    ],
)
def _agg_kernel(table_hbm, srci_hbm, dsti_hbm, z_hbm, out_hbm,
                src_v, dst_v, buf0, buf1, acc, sem0, sem1):
    bufs = (buf0, buf1)
    sems = (sem0, sem1)
    c = lax.axis_index("c")
    s = lax.axis_index("s")

    base = s * RSC
    for k, rows in enumerate((128, 128, 128, 128, 120)):
        pltpu.sync_copy(z_hbm.at[pl.ds(0, rows), :],
                        acc.at[pl.ds(base + k * CHUNK, rows), :])
    plsc.subcore_barrier()

    @pl.when(c == 0)
    def _():
        row0 = s * CHT
        for part in range(NPART):
            pltpu.sync_copy(
                srci_hbm.at[pl.ds(row0 + part * PART, PART), :], src_v)
            pltpu.sync_copy(
                dsti_hbm.at[pl.ds(row0 + part * PART, PART), :], dst_v)
            for b in range(NBUF):
                pltpu.async_copy(table_hbm.at[src_v.at[b]], bufs[b], sems[b])

            def _body(j0, _):
                for b in range(NBUF):
                    jj = NBUF * j0 + b
                    pltpu.make_async_copy(table_hbm.at[src_v.at[b]], bufs[b],
                                          sems[b]).wait()
                    pltpu.sync_copy(bufs[b], acc.at[dst_v.at[jj]], add=True)
                    nxt = lax.rem(jj + NBUF, PART)
                    pltpu.async_copy(table_hbm.at[src_v.at[nxt]], bufs[b],
                                     sems[b])
                return 0

            lax.fori_loop(0, PART // NBUF, _body, 0)
            for b in range(NBUF):
                pltpu.make_async_copy(table_hbm.at[src_v.at[b]], bufs[b],
                                      sems[b]).wait()

    plsc.subcore_barrier()

    for k, rows in enumerate((128, 128, 128, 128, 120)):
        pltpu.sync_copy(acc.at[pl.ds(base + k * CHUNK, rows), :],
                        bufs[0].at[pl.ds(0, rows), :])
        pltpu.sync_copy(bufs[0].at[pl.ds(0, rows), :],
                        out_hbm.at[c, pl.ds(base + k * CHUNK, rows), :])


def _prep_body(cnt0, cnt1, x, w0, o_scaled, o_dinv):
    deg = cnt0[:, 0:1] + cnt1[:, 0:1] + 1.0
    dinv = lax.rsqrt(deg)
    hw = jnp.dot(x[:], w0[:], preferred_element_type=jnp.float32)
    o_scaled[:] = hw * dinv
    o_dinv[:] = jnp.broadcast_to(dinv, (RB, H))


def _gru(gx, bhh):
    r = jax.nn.sigmoid(gx[:, 0:H] + bhh[:, 0:H])
    z = jax.nn.sigmoid(gx[:, H:2 * H] + bhh[:, H:2 * H])
    n = jnp.tanh(gx[:, 2 * H:3 * H] + r * bhh[:, 2 * H:3 * H])
    return (1.0 - z) * n


def _mid_body(agg0, agg1, scaled, dinv, b, wihT, bih, bhh, w_next, o_scaled2):
    conv = dinv[:] * (agg0[:] + agg1[:] + scaled[:]) + b[:]
    a = jnp.maximum(conv, 0.0)
    gx = jnp.dot(a, wihT[:], preferred_element_type=jnp.float32) + bih[:]
    h1 = _gru(gx, bhh[:])
    hw2 = jnp.dot(h1, w_next[:], preferred_element_type=jnp.float32)
    o_scaled2[:] = hw2 * dinv[:]


def _fin_body(agg0, agg1, scaled, dinv, b, wihT, bih, bhh, linWT, linb, o):
    conv = dinv[:] * (agg0[:] + agg1[:] + scaled[:]) + b[:]
    a = jnp.maximum(conv, 0.0)
    gx = jnp.dot(a, wihT[:], preferred_element_type=jnp.float32) + bih[:]
    h2 = _gru(gx, bhh[:])
    o[:] = jnp.dot(h2, linWT[:], preferred_element_type=jnp.float32) + linb[:]


_row = pl.BlockSpec((RB, H), lambda i: (i, 0))
_row16 = pl.BlockSpec((RB, 16), lambda i: (i, 0))
_w128 = pl.BlockSpec((H, H), lambda i: (0, 0))
_w384 = pl.BlockSpec((H, 3 * H), lambda i: (0, 0))
_b128 = pl.BlockSpec((1, H), lambda i: (0, 0))
_b384 = pl.BlockSpec((1, 3 * H), lambda i: (0, 0))
_GRID = (NPAD // RB,)

_prep_call = pl.pallas_call(
    _prep_body,
    grid=_GRID,
    in_specs=[_row16, _row16, _row, _w128],
    out_specs=[_row, _row],
    out_shape=[
        jax.ShapeDtypeStruct((NPAD, H), jnp.float32),
        jax.ShapeDtypeStruct((NPAD, H), jnp.float32),
    ],
)

_mid_call = pl.pallas_call(
    _mid_body,
    grid=_GRID,
    in_specs=[_row, _row, _row, _row, _b128, _w384, _b384, _b384, _w128],
    out_specs=[_row],
    out_shape=[jax.ShapeDtypeStruct((NPAD, H), jnp.float32)],
)

_fin_call = pl.pallas_call(
    _fin_body,
    grid=_GRID,
    in_specs=[_row, _row, _row, _row, _b128, _w384, _b384, _b384, _w128, _b128],
    out_specs=[_row],
    out_shape=[jax.ShapeDtypeStruct((NPAD, H), jnp.float32)],
)


@jax.jit
def kernel(x, edge_index, conv_W0, conv_b0, conv_W1, conv_b1, gru_Wih0,
           gru_Whh0, gru_bih0, gru_bhh0, gru_Wih1, gru_Whh1, gru_bih1,
           gru_bhh1, lin_W, lin_b):
    x_pad = jnp.zeros((NPAD, H), jnp.float32).at[:N].set(x)
    srci = jnp.concatenate(
        [edge_index[0], jnp.zeros((EPAD2 - E,), jnp.int32)]).reshape(
            NCHT, CHUNK)
    dsti = jnp.concatenate(
        [edge_index[1], jnp.full((EPAD2 - E,), N, jnp.int32)]).reshape(
            NCHT, CHUNK)
    z128 = jnp.zeros((CHUNK, H), jnp.float32)
    z16 = jnp.zeros((CHUNK, 16), jnp.float32)
    o16 = jnp.ones((CHUNK, 16), jnp.float32)
    b0 = conv_b0.reshape(1, H)
    b1 = conv_b1.reshape(1, H)
    wih0T = gru_Wih0.T
    wih1T = gru_Wih1.T
    bih0 = gru_bih0.reshape(1, 3 * H)
    bhh0 = gru_bhh0.reshape(1, 3 * H)
    bih1 = gru_bih1.reshape(1, 3 * H)
    bhh1 = gru_bhh1.reshape(1, 3 * H)
    linWT = jnp.zeros((H, H), jnp.float32).at[:, :2].set(lin_W.T)
    linb = jnp.zeros((1, H), jnp.float32).at[:, :2].set(lin_b.reshape(1, 2))

    cnt = _deg_kernel(dsti, z16, o16)
    scaled1, dinv = _prep_call(cnt[0], cnt[1], x_pad, conv_W0)
    agg1 = jnp.pad(_agg_kernel(scaled1, srci, dsti, z128), ((0, 0), (0, NPAD - NSC), (0, 0)))
    (scaled2,) = _mid_call(agg1[0], agg1[1], scaled1, dinv, b0, wih0T, bih0,
                           bhh0, conv_W1)
    agg2 = jnp.pad(_agg_kernel(scaled2, srci, dsti, z128), ((0, 0), (0, NPAD - NSC), (0, 0)))
    (res,) = _fin_call(agg2[0], agg2[1], scaled2, dinv, b1, wih1T, bih1,
                       bhh1, linWT, linb)
    return res[:N, :2]

# --- scband reference (transcript-rebuilt; emitter-appended) ---
"""Pipeline reference for scband-evolve-gcn-44822278701843 (READ-ONLY COPY).

The authoritative reference and input builder live on the scoring server;
editing this copy changes nothing except your own understanding.
"""

import jax, jax.numpy as jnp
import numpy as np

N = 10000
E = 320000
D_IN = 128
H = 128


def setup_inputs(seed: int = 0) -> dict:
    key = jax.random.key(seed)
    ks = jax.random.split(key, 20)
    inp = {}
    inp["x"] = jax.random.normal(ks[0], (N, D_IN), dtype=jnp.float32)
    inp["edge_index"] = jax.random.randint(ks[1], (2, E), 0, N, dtype=jnp.int32)
    s_in = float(1.0 / np.sqrt(D_IN))
    s_h = float(1.0 / np.sqrt(H))
    inp["conv_W0"] = jax.random.uniform(ks[2], (D_IN, H), minval=-s_in, maxval=s_in, dtype=jnp.float32)
    inp["conv_b0"] = jnp.zeros((H,), dtype=jnp.float32)
    inp["conv_W1"] = jax.random.uniform(ks[3], (H, H), minval=-s_h, maxval=s_h, dtype=jnp.float32)
    inp["conv_b1"] = jnp.zeros((H,), dtype=jnp.float32)
    for i in (0, 1):
        inp["gru_Wih%d" % i] = jax.random.uniform(ks[4 + 4 * i], (3 * H, H), minval=-s_h, maxval=s_h, dtype=jnp.float32)
        inp["gru_Whh%d" % i] = jax.random.uniform(ks[5 + 4 * i], (3 * H, H), minval=-s_h, maxval=s_h, dtype=jnp.float32)
        inp["gru_bih%d" % i] = jax.random.uniform(ks[6 + 4 * i], (3 * H,), minval=-s_h, maxval=s_h, dtype=jnp.float32)
        inp["gru_bhh%d" % i] = jax.random.uniform(ks[7 + 4 * i], (3 * H,), minval=-s_h, maxval=s_h, dtype=jnp.float32)
    inp["lin_W"] = jax.random.uniform(ks[12], (2, H), minval=-s_h, maxval=s_h, dtype=jnp.float32)
    inp["lin_b"] = jnp.zeros((2,), dtype=jnp.float32)
    return inp


def _gcn_conv(x, edge_index, W, b):
    # PyG GCNConv: add self-loops, symmetric normalization, scatter-add to dst, bias after aggregation
    n = x.shape[0]
    loop = jnp.arange(n, dtype=edge_index.dtype)
    src = jnp.concatenate([edge_index[0], loop])
    dst = jnp.concatenate([edge_index[1], loop])
    deg = jnp.zeros((n,), dtype=x.dtype).at[dst].add(1.0)
    dinv = jnp.where(deg > 0, deg ** -0.5, 0.0)
    norm = dinv[src] * dinv[dst]
    h = x @ W
    msg = h[src] * norm[:, None]
    out = jnp.zeros((n, W.shape[1]), dtype=x.dtype).at[dst].add(msg)
    return out + b


def _gru_cell(x, Wih, Whh, bih, bhh):
    # torch.nn.GRUCell with hx=None -> zero hidden state (gate order: r, z, n)
    h0 = jnp.zeros_like(x)
    gx = x @ Wih.T + bih
    gh = h0 @ Whh.T + bhh
    xr, xz, xn = jnp.split(gx, 3, axis=1)
    hr, hz, hn = jnp.split(gh, 3, axis=1)
    r = jax.nn.sigmoid(xr + hr)
    z = jax.nn.sigmoid(xz + hz)
    ncand = jnp.tanh(xn + r * hn)
    return (1.0 - z) * ncand + z * h0


def reference(x, edge_index, conv_W0, conv_b0, conv_W1, conv_b1, gru_Wih0, gru_Whh0, gru_bih0, gru_bhh0, gru_Wih1, gru_Whh1, gru_bih1, gru_bhh1, lin_W, lin_b):
    # Dropout is identity in eval/inference mode
    h = jax.nn.relu(_gcn_conv(x, edge_index, conv_W0, conv_b0))
    h = _gru_cell(h, gru_Wih0, gru_Whh0, gru_bih0, gru_bhh0)
    h = jax.nn.relu(_gcn_conv(h, edge_index, conv_W1, conv_b1))
    h = _gru_cell(h, gru_Wih1, gru_Whh1, gru_bih1, gru_bhh1)
    return h @ lin_W.T + lin_b

if __name__ == "__main__":
    import jax
    _d = setup_inputs()
    print(jax.jit(kernel)(*tuple(_d.values())))

</pallas_src>

<mosaic_0001>
#map = affine_map<(d0, d1) -> (0, 0)>
#map1 = affine_map<(d0, d1) -> (0, 0, 0)>
module attributes {stable_mosaic.version = 14 : i64} {
  func.func @_agg_kernel(%arg0: i32, %arg1: i32, %arg2: memref<10240x128xf32, #tpu.memory_space<hbm>>, %arg3: memref<2560x128xi32, #tpu.memory_space<hbm>>, %arg4: memref<2560x128xi32, #tpu.memory_space<hbm>>, %arg5: memref<128x128xf32, #tpu.memory_space<hbm>>, %arg6: memref<2x10112x128xf32, #tpu.memory_space<hbm>>, %arg7: memref<40x128xi32, #tpu.memory_space<vmem>>, %arg8: memref<40x128xi32, #tpu.memory_space<vmem>>, %arg9: memref<128x128xf32, #tpu.memory_space<vmem>>, %arg10: memref<128x128xf32, #tpu.memory_space<vmem>>, %arg11: memref<10112x128xf32, #tpu.memory_space<vmem_shared>>, %arg12: memref<!tpu.dma_semaphore, #tpu.memory_space<semaphore_mem>>, %arg13: memref<!tpu.dma_semaphore, #tpu.memory_space<semaphore_mem>>) attributes {dimension_semantics = [#tpu.dimension_semantics<core_parallel>, #tpu.dimension_semantics<subcore_parallel>], iteration_bounds = array<i64: 2, 16>, scalar_prefetch = 0 : i64, scratch_operands = 7 : i64, tpu.core_type = #tpu.core_type<sc_vector_subcore>, window_params = [{transform_indices = #map}, {transform_indices = #map}, {transform_indices = #map}, {transform_indices = #map}, {transform_indices = #map1}]} {
    %mul3A = arith.constant 632 : i32
    %mul3A_0 = arith.muli %arg1, %mul3A : i32
    %add3A = arith.constant 0 : i32
    %add3A_1 = arith.addi %mul3A_0, %add3A : i32
    "tpu.region"() ({
      %run_scoped3A = tpu.sem_alloc : memref<!tpu.dma_semaphore, #tpu.memory_space<semaphore_mem>>
      %dma_start3A = arith.constant 0 : i32
      %dma_start3A_33 = tpu.memref_slice %arg11[%add3A_1, %dma_start3A] : memref<10112x128xf32, #tpu.memory_space<vmem_shared>> -> memref<128x128xf32, #tpu.memory_space<vmem_shared>>
      %dma_start3A_34 = arith.constant 0 : i32
      %dma_start3A_35 = arith.constant 0 : i32
      %dma_start3A_36 = tpu.memref_slice %arg5[%dma_start3A_34, %dma_start3A_35] : memref<128x128xf32, #tpu.memory_space<hbm>> -> memref<128x128xf32, #tpu.memory_space<hbm>>
      tpu.enqueue_dma source(%dma_start3A_36 : memref<128x128xf32, #tpu.memory_space<hbm>>) target(%dma_start3A_33 : memref<128x128xf32, #tpu.memory_space<vmem_shared>>) target_semaphore(%run_scoped3A : memref<!tpu.dma_semaphore, #tpu.memory_space<semaphore_mem>>)
      %dma_wait3A = arith.constant 0 : i32
      %dma_wait3A_37 = tpu.memref_slice %arg11[%add3A_1, %dma_wait3A] : memref<10112x128xf32, #tpu.memory_space<vmem_shared>> -> memref<128x128xf32, #tpu.memory_space<vmem_shared>>
      %dma_wait3A_38 = arith.constant 0 : i32
      %dma_wait3A_39 = arith.constant 0 : i32
      %dma_wait3A_40 = tpu.memref_slice %arg5[%dma_wait3A_38, %dma_wait3A_39] : memref<128x128xf32, #tpu.memory_space<hbm>> -> memref<128x128xf32, #tpu.memory_space<hbm>>
      tpu.wait_dma2 semaphore(%run_scoped3A : memref<!tpu.dma_semaphore, #tpu.memory_space<semaphore_mem>>) src(%dma_wait3A_40 : memref<128x128xf32, #tpu.memory_space<hbm>>) dst(%dma_wait3A_37 : memref<128x128xf32, #tpu.memory_space<vmem_shared>>)
      tpu.yield
    }) : () -> ()
    %add3A_2 = arith.constant 128 : i32
    %add3A_3 = arith.addi %mul3A_0, %add3A_2 : i32
    "tpu.region"() ({
      %run_scoped3A = tpu.sem_alloc : memref<!tpu.dma_semaphore, #tpu.memory_space<semaphore_mem>>
      %dma_start3A = arith.constant 0 : i32
      %dma_start3A_33 = tpu.memref_slice %arg11[%add3A_3, %dma_start3A] : memref<10112x128xf32, #tpu.memory_space<vmem_shared>> -> memref<128x128xf32, #tpu.memory_space<vmem_shared>>
      %dma_start3A_34 = arith.constant 0 : i32
      %dma_start3A_35 = arith.constant 0 : i32
      %dma_start3A_36 = tpu.memref_slice %arg5[%dma_start3A_34, %dma_start3A_35] : memref<128x128xf32, #tpu.memory_space<hbm>> -> memref<128x128xf32, #tpu.memory_space<hbm>>
      tpu.enqueue_dma source(%dma_start3A_36 : memref<128x128xf32, #tpu.memory_space<hbm>>) target(%dma_start3A_33 : memref<128x128xf32, #tpu.memory_space<vmem_shared>>) target_semaphore(%run_scoped3A : memref<!tpu.dma_semaphore, #tpu.memory_space<semaphore_mem>>)
      %dma_wait3A = arith.constant 0 : i32
      %dma_wait3A_37 = tpu.memref_slice %arg11[%add3A_3, %dma_wait3A] : memref<10112x128xf32, #tpu.memory_space<vmem_shared>> -> memref<128x128xf32, #tpu.memory_space<vmem_shared>>
      %dma_wait3A_38 = arith.constant 0 : i32
      %dma_wait3A_39 = arith.constant 0 : i32
      %dma_wait3A_40 = tpu.memref_slice %arg5[%dma_wait3A_38, %dma_wait3A_39] : memref<128x128xf32, #tpu.memory_space<hbm>> -> memref<128x128xf32, #tpu.memory_space<hbm>>
      tpu.wait_dma2 semaphore(%run_scoped3A : memref<!tpu.dma_semaphore, #tpu.memory_space<semaphore_mem>>) src(%dma_wait3A_40 : memref<128x128xf32, #tpu.memory_space<hbm>>) dst(%dma_wait3A_37 : memref<128x128xf32, #tpu.memory_space<vmem_shared>>)
      tpu.yield
    }) : () -> ()
    %add3A_4 = arith.constant 256 : i32
    %add3A_5 = arith.addi %mul3A_0, %add3A_4 : i32
    "tpu.region"() ({
      %run_scoped3A = tpu.sem_alloc : memref<!tpu.dma_semaphore, #tpu.memory_space<semaphore_mem>>
      %dma_start3A = arith.constant 0 : i32
      %dma_start3A_33 = tpu.memref_slice %arg11[%add3A_5, %dma_start3A] : memref<10112x128xf32, #tpu.memory_space<vmem_shared>> -> memref<128x128xf32, #tpu.memory_space<vmem_shared>>
      %dma_start3A_34 = arith.constant 0 : i32
      %dma_start3A_35 = arith.constant 0 : i32
      %dma_start3A_36 = tpu.memref_slice %arg5[%dma_start3A_34, %dma_start3A_35] : memref<128x128xf32, #tpu.memory_space<hbm>> -> memref<128x128xf32, #tpu.memory_space<hbm>>
      tpu.enqueue_dma source(%dma_start3A_36 : memref<128x128xf32, #tpu.memory_space<hbm>>) target(%dma_start3A_33 : memref<128x128xf32, #tpu.memory_space<vmem_shared>>) target_semaphore(%run_scoped3A : memref<!tpu.dma_semaphore, #tpu.memory_space<semaphore_mem>>)
      %dma_wait3A = arith.constant 0 : i32
      %dma_wait3A_37 = tpu.memref_slice %arg11[%add3A_5, %dma_wait3A] : memref<10112x128xf32, #tpu.memory_space<vmem_shared>> -> memref<128x128xf32, #tpu.memory_space<vmem_shared>>
      %dma_wait3A_38 = arith.constant 0 : i32
      %dma_wait3A_39 = arith.constant 0 : i32
      %dma_wait3A_40 = tpu.memref_slice %arg5[%dma_wait3A_38, %dma_wait3A_39] : memref<128x128xf32, #tpu.memory_space<hbm>> -> memref<128x128xf32, #tpu.memory_space<hbm>>
      tpu.wait_dma2 semaphore(%run_scoped3A : memref<!tpu.dma_semaphore, #tpu.memory_space<semaphore_mem>>) src(%dma_wait3A_40 : memref<128x128xf32, #tpu.memory_space<hbm>>) dst(%dma_wait3A_37 : memref<128x128xf32, #tpu.memory_space<vmem_shared>>)
      tpu.yield
    }) : () -> ()
    %add3A_6 = arith.constant 384 : i32
    %add3A_7 = arith.addi %mul3A_0, %add3A_6 : i32
    "tpu.region"() ({
      %run_scoped3A = tpu.sem_alloc : memref<!tpu.dma_semaphore, #tpu.memory_space<semaphore_mem>>
      %dma_start3A = arith.constant 0 : i32
      %dma_start3A_33 = tpu.memref_slice %arg11[%add3A_7, %dma_start3A] : memref<10112x128xf32, #tpu.memory_space<vmem_shared>> -> memref<128x128xf32, #tpu.memory_space<vmem_shared>>
      %dma_start3A_34 = arith.constant 0 : i32
      %dma_start3A_35 = arith.constant 0 : i32
      %dma_start3A_36 = tpu.memref_slice %arg5[%dma_start3A_34, %dma_start3A_35] : memref<128x128xf32, #tpu.memory_space<hbm>> -> memref<128x128xf32, #tpu.memory_space<hbm>>
      tpu.enqueue_dma source(%dma_start3A_36 : memref<128x128xf32, #tpu.memory_space<hbm>>) target(%dma_start3A_33 : memref<128x128xf32, #tpu.memory_space<vmem_shared>>) target_semaphore(%run_scoped3A : memref<!tpu.dma_semaphore, #tpu.memory_space<semaphore_mem>>)
      %dma_wait3A = arith.constant 0 : i32
      %dma_wait3A_37 = tpu.memref_slice %arg11[%add3A_7, %dma_wait3A] : memref<10112x128xf32, #tpu.memory_space<vmem_shared>> -> memref<128x128xf32, #tpu.memory_space<vmem_shared>>
      %dma_wait3A_38 = arith.constant 0 : i32
      %dma_wait3A_39 = arith.constant 0 : i32
      %dma_wait3A_40 = tpu.memref_slice %arg5[%dma_wait3A_38, %dma_wait3A_39] : memref<128x128xf32, #tpu.memory_space<hbm>> -> memref<128x128xf32, #tpu.memory_space<hbm>>
      tpu.wait_dma2 semaphore(%run_scoped3A : memref<!tpu.dma_semaphore, #tpu.memory_space<semaphore_mem>>) src(%dma_wait3A_40 : memref<128x128xf32, #tpu.memory_space<hbm>>) dst(%dma_wait3A_37 : memref<128x128xf32, #tpu.memory_space<vmem_shared>>)
      tpu.yield
    }) : () -> ()
    %add3A_8 = arith.constant 512 : i32
    %add3A_9 = arith.addi %mul3A_0, %add3A_8 : i32
    "tpu.region"() ({
      %run_scoped3A = tpu.sem_alloc : memref<!tpu.dma_semaphore, #tpu.memory_space<semaphore_mem>>
      %dma_start3A = arith.constant 0 : i32
      %dma_start3A_33 = tpu.memref_slice %arg11[%add3A_9, %dma_start3A] : memref<10112x128xf32, #tpu.memory_space<vmem_shared>> -> memref<120x128xf32, #tpu.memory_space<vmem_shared>>
      %dma_start3A_34 = arith.constant 0 : i32
      %dma_start3A_35 = arith.constant 0 : i32
      %dma_start3A_36 = tpu.memref_slice %arg5[%dma_start3A_34, %dma_start3A_35] : memref<128x128xf32, #tpu.memory_space<hbm>> -> memref<120x128xf32, #tpu.memory_space<hbm>>
      tpu.enqueue_dma source(%dma_start3A_36 : memref<120x128xf32, #tpu.memory_space<hbm>>) target(%dma_start3A_33 : memref<120x128xf32, #tpu.memory_space<vmem_shared>>) target_semaphore(%run_scoped3A : memref<!tpu.dma_semaphore, #tpu.memory_space<semaphore_mem>>)
      %dma_wait3A = arith.constant 0 : i32
      %dma_wait3A_37 = tpu.memref_slice %arg11[%add3A_9, %dma_wait3A] : memref<10112x128xf32, #tpu.memory_space<vmem_shared>> -> memref<120x128xf32, #tpu.memory_space<vmem_shared>>
      %dma_wait3A_38 = arith.constant 0 : i32
      %dma_wait3A_39 = arith.constant 0 : i32
      %dma_wait3A_40 = tpu.memref_slice %arg5[%dma_wait3A_38, %dma_wait3A_39] : memref<128x128xf32, #tpu.memory_space<hbm>> -> memref<120x128xf32, #tpu.memory_space<hbm>>
      tpu.wait_dma2 semaphore(%run_scoped3A : memref<!tpu.dma_semaphore, #tpu.memory_space<semaphore_mem>>) src(%dma_wait3A_40 : memref<120x128xf32, #tpu.memory_space<hbm>>) dst(%dma_wait3A_37 : memref<120x128xf32, #tpu.memory_space<vmem_shared>>)
      tpu.yield
    }) : () -> ()
    %barrier3A = arith.constant 0 : index
    tpu.barrier barrier_id(%barrier3A)
    %eq3A = arith.constant 0 : i32
    %eq3A_10 = arith.cmpi eq, %arg0, %eq3A : i32
    %convert_element_type3A = arith.extui %eq3A_10 : i1 to i32
    %cond3A = arith.constant 0 : i32
    %cond3A_11 = arith.cmpi ne, %convert_element_type3A, %cond3A : i32
    scf.if %cond3A_11 {
      %mul3A_33 = arith.constant 160 : i32
      %mul3A_34 = arith.muli %arg1, %mul3A_33 : i32
      %add3A_35 = arith.constant 0 : i32
      %add3A_36 = arith.addi %mul3A_34, %add3A_35 : i32
      "tpu.region"() ({
        %run_scoped3A = tpu.sem_alloc : memref<!tpu.dma_semaphore, #tpu.memory_space<semaphore_mem>>
        %dma_start3A_188 = arith.constant 0 : i32
        %dma_start3A_189 = tpu.memref_slice %arg3[%add3A_36, %dma_start3A_188] : memref<2560x128xi32, #tpu.memory_space<hbm>> -> memref<40x128xi32, #tpu.memory_space<hbm>>
        %dma_start3A_190 = arith.constant 0 : i32
        %dma_start3A_191 = tpu.memref_slice %arg3[%add3A_36, %dma_start3A_190] : memref<2560x128xi32, #tpu.memory_space<hbm>> -> memref<40x128xi32, #tpu.memory_space<hbm>>
        tpu.enqueue_dma source(%dma_start3A_191 : memref<40x128xi32, #tpu.memory_space<hbm>>) target(%arg7 : memref<40x128xi32, #tpu.memory_space<vmem>>) target_semaphore(%run_scoped3A : memref<!tpu.dma_semaphore, #tpu.memory_space<semaphore_mem>>)
        %dma_wait3A_192 = arith.constant 0 : i32
        %dma_wait3A_193 = tpu.memref_slice %arg3[%add3A_36, %dma_wait3A_192] : memref<2560x128xi32, #tpu.memory_space<hbm>> -> memref<40x128xi32, #tpu.memory_space<hbm>>
        %dma_wait3A_194 = arith.constant 0 : i32
        %dma_wait3A_195 = tpu.memref_slice %arg3[%add3A_36, %dma_wait3A_194] : memref<2560x128xi32, #tpu.memory_space<hbm>> -> memref<40x128xi32, #tpu.memory_space<hbm>>
        tpu.wait_dma2 semaphore(%run_scoped3A : memref<!tpu.dma_semaphore, #tpu.memory_space<semaphore_mem>>) src(%dma_wait3A_195 : memref<40x128xi32, #tpu.memory_space<hbm>>) dst(%arg7 : memref<40x128xi32, #tpu.memory_space<vmem>>)
        tpu.yield
      }) : () -> ()
      %add3A_37 = arith.constant 0 : i32
      %add3A_38 = arith.addi %mul3A_34, %add3A_37 : i32
      "tpu.region"() ({
        %run_scoped3A = tpu.sem_alloc : memref<!tpu.dma_semaphore, #tpu.memory_space<semaphore_mem>>
        %dma_start3A_188 = arith.constant 0 : i32
        %dma_start3A_189 = tpu.memref_slice %arg4[%add3A_38, %dma_start3A_188] : memref<2560x128xi32, #tpu.memory_space<hbm>> -> memref<40x128xi32, #tpu.memory_space<hbm>>
        %dma_start3A_190 = arith.constant 0 : i32
        %dma_start3A_191 = tpu.memref_slice %arg4[%add3A_38, %dma_start3A_190] : memref<2560x128xi32, #tpu.memory_space<hbm>> -> memref<40x128xi32, #tpu.memory_space<hbm>>
        tpu.enqueue_dma source(%dma_start3A_191 : memref<40x128xi32, #tpu.memory_space<hbm>>) target(%arg8 : memref<40x128xi32, #tpu.memory_space<vmem>>) target_semaphore(%run_scoped3A : memref<!tpu.dma_semaphore, #tpu.memory_space<semaphore_mem>>)
        %dma_wait3A_192 = arith.constant 0 : i32
        %dma_wait3A_193 = tpu.memref_slice %arg4[%add3A_38, %dma_wait3A_192] : memref<2560x128xi32, #tpu.memory_space<hbm>> -> memref<40x128xi32, #tpu.memory_space<hbm>>
        %dma_wait3A_194 = arith.constant 0 : i32
        %dma_wait3A_195 = tpu.memref_slice %arg4[%add3A_38, %dma_wait3A_194] : memref<2560x128xi32, #tpu.memory_space<hbm>> -> memref<40x128xi32, #tpu.memory_space<hbm>>
        tpu.wait_dma2 semaphore(%run_scoped3A : memref<!tpu.dma_semaphore, #tpu.memory_space<semaphore_mem>>) src(%dma_wait3A_195 : memref<40x128xi32, #tpu.memory_space<hbm>>) dst(%arg8 : memref<40x128xi32, #tpu.memory_space<vmem>>)
        tpu.yield
      }) : () -> ()
      %dma_start3A = arith.constant 0 : i32
      %dma_start3A_39 = arith.constant 0 : i32
      %dma_start3A_40 = tpu.memref_slice %arg7[%dma_start3A, %dma_start3A_39] : memref<40x128xi32, #tpu.memory_space<vmem>> -> memref<1x128xi32, #tpu.memory_space<vmem>>
      %dma_start3A_41 = tpu.memref_squeeze %dma_start3A_40 : memref<1x128xi32, #tpu.memory_space<vmem>> -> memref<128xi32, #tpu.memory_space<vmem>>
      %dma_start3A_42 = arith.constant 0 : i32
      %dma_start3A_43 = arith.constant 0 : i32
      %dma_start3A_44 = tpu.memref_slice %arg2[%dma_start3A_42, %dma_start3A_43] : memref<10240x128xf32, #tpu.memory_space<hbm>> -> memref<10240x128xf32, #tpu.memory_space<hbm>>
      tpu.enqueue_indirect_dma source(%dma_start3A_44 : memref<10240x128xf32, #tpu.memory_space<hbm>>) target(%arg9 : memref<128x128xf32, #tpu.memory_space<vmem>>) offsets(%dma_start3A_41 : memref<128xi32, #tpu.memory_space<vmem>>) semaphore(%arg12 : memref<!tpu.dma_semaphore, #tpu.memory_space<semaphore_mem>>)
      %dma_start3A_45 = arith.constant 1 : i32
      %dma_start3A_46 = arith.constant 0 : i32
      %dma_start3A_47 = tpu.memref_slice %arg7[%dma_start3A_45, %dma_start3A_46] : memref<40x128xi32, #tpu.memory_space<vmem>> -> memref<1x128xi32, #tpu.memory_space<vmem>>
      %dma_start3A_48 = tpu.memref_squeeze %dma_start3A_47 : memref<1x128xi32, #tpu.memory_space<vmem>> -> memref<128xi32, #tpu.memory_space<vmem>>
      %dma_start3A_49 = arith.constant 0 : i32
      %dma_start3A_50 = arith.constant 0 : i32
      %dma_start3A_51 = tpu.memref_slice %arg2[%dma_start3A_49, %dma_start3A_50] : memref<10240x128xf32, #tpu.memory_space<hbm>> -> memref<10240x128xf32, #tpu.memory_space<hbm>>
      tpu.enqueue_indirect_dma source(%dma_start3A_51 : memref<10240x128xf32, #tpu.memory_space<hbm>>) target(%arg10 : memref<128x128xf32, #tpu.memory_space<vmem>>) offsets(%dma_start3A_48 : memref<128xi32, #tpu.memory_space<vmem>>) semaphore(%arg13 : memref<!tpu.dma_semaphore, #tpu.memory_space<semaphore_mem>>)
      %scan3A = arith.constant 0 : i32
      %scan3A_52 = arith.constant 0 : i32
      %scan3A_53 = arith.constant 20 : i32
      %scan3A_54 = arith.addi %scan3A_52, %scan3A_53 : i32
      %scan3A_55 = arith.constant 1 : i32
      %scan3A_56 = scf.for %scan3A_188 = %scan3A_52 to %scan3A_54 step %scan3A_55 iter_args(%scan3A_189 = %scan3A) -> (i32)  : i32 {
        %mul3A_190 = arith.constant 2 : i32
        %mul3A_191 = arith.muli %mul3A_190, %scan3A_188 : i32
        %add3A_192 = arith.constant 0 : i32
        %add3A_193 = arith.addi %mul3A_191, %add3A_192 : i32
        %dma_wait3A_194 = arith.constant 0 : i32
        %dma_wait3A_195 = arith.constant 0 : i32
        %dma_wait3A_196 = tpu.memref_slice %arg7[%dma_wait3A_194, %dma_wait3A_195] : memref<40x128xi32, #tpu.memory_space<vmem>> -> memref<1x128xi32, #tpu.memory_space<vmem>>
        %dma_wait3A_197 = tpu.memref_squeeze %dma_wait3A_196 : memref<1x128xi32, #tpu.memory_space<vmem>> -> memref<128xi32, #tpu.memory_space<vmem>>
        %dma_wait3A_198 = arith.constant 0 : i32
        %dma_wait3A_199 = arith.constant 0 : i32
        %dma_wait3A_200 = tpu.memref_slice %arg2[%dma_wait3A_198, %dma_wait3A_199] : memref<10240x128xf32, #tpu.memory_space<hbm>> -> memref<10240x128xf32, #tpu.memory_space<hbm>>
        tpu.wait_indirect_dma semaphore(%arg12 : memref<!tpu.dma_semaphore, #tpu.memory_space<semaphore_mem>>) src(%dma_wait3A_200 : memref<10240x128xf32, #tpu.memory_space<hbm>>) dst(%arg9 : memref<128x128xf32, #tpu.memory_space<vmem>>)
        "tpu.region"() ({
          %run_scoped3A = tpu.sem_alloc : memref<!tpu.dma_semaphore, #tpu.memory_space<semaphore_mem>>
          %dma_start3A_232 = arith.constant 0 : i32
          %dma_start3A_233 = tpu.memref_slice %arg8[%add3A_193, %dma_start3A_232] : memref<40x128xi32, #tpu.memory_space<vmem>> -> memref<1x128xi32, #tpu.memory_space<vmem>>
          %dma_start3A_234 = tpu.memref_squeeze %dma_start3A_233 : memref<1x128xi32, #tpu.memory_space<vmem>> -> memref<128xi32, #tpu.memory_space<vmem>>
          %dma_start3A_235 = arith.constant 0 : i32
          %dma_start3A_236 = arith.constant 0 : i32
          %dma_start3A_237 = tpu.memref_slice %arg11[%dma_start3A_235, %dma_start3A_236] : memref<10112x128xf32, #tpu.memory_space<vmem_shared>> -> memref<10112x128xf32, #tpu.memory_space<vmem_shared>>
          tpu.enqueue_indirect_dma source(%arg9 : memref<128x128xf32, #tpu.memory_space<vmem>>) target(%dma_start3A_237 : memref<10112x128xf32, #tpu.memory_space<vmem_shared>>) offsets(%dma_start3A_234 : memref<128xi32, #tpu.memory_space<vmem>>) semaphore(%run_scoped3A : memref<!tpu.dma_semaphore, #tpu.memory_space<semaphore_mem>>) {add = true}
          %dma_wait3A_238 = arith.constant 0 : i32
          %dma_wait3A_239 = tpu.memref_slice %arg8[%add3A_193, %dma_wait3A_238] : memref<40x128xi32, #tpu.memory_space<vmem>> -> memref<1x128xi32, #tpu.memory_space<vmem>>
          %dma_wait3A_240 = tpu.memref_squeeze %dma_wait3A_239 : memref<1x128xi32, #tpu.memory_space<vmem>> -> memref<128xi32, #tpu.memory_space<vmem>>
          %dma_wait3A_241 = arith.constant 0 : i32
          %dma_wait3A_242 = arith.constant 0 : i32
          %dma_wait3A_243 = tpu.memref_slice %arg11[%dma_wait3A_241, %dma_wait3A_242] : memref<10112x128xf32, #tpu.memory_space<vmem_shared>> -> memref<10112x128xf32, #tpu.memory_space<vmem_shared>>
          tpu.wait_indirect_dma semaphore(%run_scoped3A : memref<!tpu.dma_semaphore, #tpu.memory_space<semaphore_mem>>) src(%arg9 : memref<128x128xf32, #tpu.memory_space<vmem>>) dst(%dma_wait3A_243 : memref<10112x128xf32, #tpu.memory_space<vmem_shared>>)
          tpu.yield
        }) : () -> ()
        %add3A_201 = arith.constant 2 : i32
        %add3A_202 = arith.addi %add3A_193, %add3A_201 : i32
        %rem3A = arith.constant 40 : i32
        %rem3A_203 = arith.remsi %add3A_202, %rem3A : i32
        %dma_start3A_204 = arith.constant 0 : i32
        %dma_start3A_205 = tpu.memref_slice %arg7[%rem3A_203, %dma_start3A_204] : memref<40x128xi32, #tpu.memory_space<vmem>> -> memref<1x128xi32, #tpu.memory_space<vmem>>
        %dma_start3A_206 = tpu.memref_squeeze %dma_start3A_205 : memref<1x128xi32, #tpu.memory_space<vmem>> -> memref<128xi32, #tpu.memory_space<vmem>>
        %dma_start3A_207 = arith.constant 0 : i32
        %dma_start3A_208 = arith.constant 0 : i32
        %dma_start3A_209 = tpu.memref_slice %arg2[%dma_start3A_207, %dma_start3A_208] : memref<10240x128xf32, #tpu.memory_space<hbm>> -> memref<10240x128xf32, #tpu.memory_space<hbm>>
        tpu.enqueue_indirect_dma source(%dma_start3A_209 : memref<10240x128xf32, #tpu.memory_space<hbm>>) target(%arg9 : memref<128x128xf32, #tpu.memory_space<vmem>>) offsets(%dma_start3A_206 : memref<128xi32, #tpu.memory_space<vmem>>) semaphore(%arg12 : memref<!tpu.dma_semaphore, #tpu.memory_space<semaphore_mem>>)
        %mul3A_210 = arith.constant 2 : i32
        %mul3A_211 = arith.muli %mul3A_210, %scan3A_188 : i32
        %add3A_212 = arith.constant 1 : i32
        %add3A_213 = arith.addi %mul3A_211, %add3A_212 : i32
        %dma_wait3A_214 = arith.constant 1 : i32
        %dma_wait3A_215 = arith.constant 0 : i32
        %dma_wait3A_216 = tpu.memref_slice %arg7[%dma_wait3A_214, %dma_wait3A_215] : memref<40x128xi32, #tpu.memory_space<vmem>> -> memref<1x128xi32, #tpu.memory_space<vmem>>
        %dma_wait3A_217 = tpu.memref_squeeze %dma_wait3A_216 : memref<1x128xi32, #tpu.memory_space<vmem>> -> memref<128xi32, #tpu.memory_space<vmem>>
        %dma_wait3A_218 = arith.constant 0 : i32
        %dma_wait3A_219 = arith.constant 0 : i32
        %dma_wait3A_220 = tpu.memref_slice %arg2[%dma_wait3A_218, %dma_wait3A_219] : memref<10240x128xf32, #tpu.memory_space<hbm>> -> memref<10240x128xf32, #tpu.memory_space<hbm>>
        tpu.wait_indirect_dma semaphore(%arg13 : memref<!tpu.dma_semaphore, #tpu.memory_space<semaphore_mem>>) src(%dma_wait3A_220 : memref<10240x128xf32, #tpu.memory_space<hbm>>) dst(%arg10 : memref<128x128xf32, #tpu.memory_space<vmem>>)
        "tpu.region"() ({
          %run_scoped3A = tpu.sem_alloc : memref<!tpu.dma_semaphore, #tpu.memory_space<semaphore_mem>>
          %dma_start3A_232 = arith.constant 0 : i32
          %dma_start3A_233 = tpu.memref_slice %arg8[%add3A_213, %dma_start3A_232] : memref<40x128xi32, #tpu.memory_space<vmem>> -> memref<1x128xi32, #tpu.memory_space<vmem>>
          %dma_start3A_234 = tpu.memref_squeeze %dma_start3A_233 : memref<1x128xi32, #tpu.memory_space<vmem>> -> memref<128xi32, #tpu.memory_space<vmem>>
          %dma_start3A_235 = arith.constant 0 : i32
          %dma_start3A_236 = arith.constant 0 : i32
          %dma_start3A_237 = tpu.memref_slice %arg11[%dma_start3A_235, %dma_start3A_236] : memref<10112x128xf32, #tpu.memory_space<vmem_shared>> -> memref<10112x128xf32, #tpu.memory_space<vmem_shared>>
          tpu.enqueue_indirect_dma source(%arg10 : memref<128x128xf32, #tpu.memory_space<vmem>>) target(%dma_start3A_237 : memref<10112x128xf32, #tpu.memory_space<vmem_shared>>) offsets(%dma_start3A_234 : memref<128xi32, #tpu.memory_space<vmem>>) semaphore(%run_scoped3A : memref<!tpu.dma_semaphore, #tpu.memory_space<semaphore_mem>>) {add = true}
          %dma_wait3A_238 = arith.constant 0 : i32
          %dma_wait3A_239 = tpu.memref_slice %arg8[%add3A_213, %dma_wait3A_238] : memref<40x128xi32, #tpu.memory_space<vmem>> -> memref<1x128xi32, #tpu.memory_space<vmem>>
          %dma_wait3A_240 = tpu.memref_squeeze %dma_wait3A_239 : memref<1x128xi32, #tpu.memory_space<vmem>> -> memref<128xi32, #tpu.memory_space<vmem>>
          %dma_wait3A_241 = arith.constant 0 : i32
          %dma_wait3A_242 = arith.constant 0 : i32
          %dma_wait3A_243 = tpu.memref_slice %arg11[%dma_wait3A_241, %dma_wait3A_242] : memref<10112x128xf32, #tpu.memory_space<vmem_shared>> -> memref<10112x128xf32, #tpu.memory_space<vmem_shared>>
          tpu.wait_indirect_dma semaphore(%run_scoped3A : memref<!tpu.dma_semaphore, #tpu.memory_space<semaphore_mem>>) src(%arg10 : memref<128x128xf32, #tpu.memory_space<vmem>>) dst(%dma_wait3A_243 : memref<10112x128xf32, #tpu.memory_space<vmem_shared>>)
          tpu.yield
        }) : () -> ()
        %add3A_221 = arith.constant 2 : i32
        %add3A_222 = arith.addi %add3A_213, %add3A_221 : i32
        %rem3A_223 = arith.constant 40 : i32
        %rem3A_224 = arith.remsi %add3A_222, %rem3A_223 : i32
        %dma_start3A_225 = arith.constant 0 : i32
        %dma_start3A_226 = tpu.memref_slice %arg7[%rem3A_224, %dma_start3A_225] : memref<40x128xi32, #tpu.memory_space<vmem>> -> memref<1x128xi32, #tpu.memory_space<vmem>>
        %dma_start3A_227 = tpu.memref_squeeze %dma_start3A_226 : memref<1x128xi32, #tpu.memory_space<vmem>> -> memref<128xi32, #tpu.memory_space<vmem>>
        %dma_start3A_228 = arith.constant 0 : i32
        %dma_start3A_229 = arith.constant 0 : i32
        %dma_start3A_230 = tpu.memref_slice %arg2[%dma_start3A_228, %dma_start3A_229] : memref<10240x128xf32, #tpu.memory_space<hbm>> -> memref<10240x128xf32, #tpu.memory_space<hbm>>
        tpu.enqueue_indirect_dma source(%dma_start3A_230 : memref<10240x128xf32, #tpu.memory_space<hbm>>) target(%arg10 : memref<128x128xf32, #tpu.memory_space<vmem>>) offsets(%dma_start3A_227 : memref<128xi32, #tpu.memory_space<vmem>>) semaphore(%arg13 : memref<!tpu.dma_semaphore, #tpu.memory_space<semaphore_mem>>)
        %scan3A_231 = arith.constant 0 : i32
        scf.yield %scan3A_231 : i32
      }
      %scan3A_57 = arith.constant 20 : i32
      %dma_wait3A = arith.constant 0 : i32
      %dma_wait3A_58 = arith.constant 0 : i32
      %dma_wait3A_59 = tpu.memref_slice %arg7[%dma_wait3A, %dma_wait3A_58] : memref<40x128xi32, #tpu.memory_space<vmem>> -> memref<1x128xi32, #tpu.memory_space<vmem>>
      %dma_wait3A_60 = tpu.memref_squeeze %dma_wait3A_59 : memref<1x128xi32, #tpu.memory_space<vmem>> -> memref<128xi32, #tpu.memory_space<vmem>>
      %dma_wait3A_61 = arith.constant 0 : i32
      %dma_wait3A_62 = arith.constant 0 : i32
      %dma_wait3A_63 = tpu.memref_slice %arg2[%dma_wait3A_61, %dma_wait3A_62] : memref<10240x128xf32, #tpu.memory_space<hbm>> -> memref<10240x128xf32, #tpu.memory_space<hbm>>
      tpu.wait_indirect_dma semaphore(%arg12 : memref<!tpu.dma_semaphore, #tpu.memory_space<semaphore_mem>>) src(%dma_wait3A_63 : memref<10240x128xf32, #tpu.memory_space<hbm>>) dst(%arg9 : memref<128x128xf32, #tpu.memory_space<vmem>>)
      %dma_wait3A_64 = arith.constant 1 : i32
      %dma_wait3A_65 = arith.constant 0 : i32
      %dma_wait3A_66 = tpu.memref_slice %arg7[%dma_wait3A_64, %dma_wait3A_65] : memref<40x128xi32, #tpu.memory_space<vmem>> -> memref<1x128xi32, #tpu.memory_space<vmem>>
      %dma_wait3A_67 = tpu.memref_squeeze %dma_wait3A_66 : memref<1x128xi32, #tpu.memory_space<vmem>> -> memref<128xi32, #tpu.memory_space<vmem>>
      %dma_wait3A_68 = arith.constant 0 : i32
      %dma_wait3A_69 = arith.constant 0 : i32
      %dma_wait3A_70 = tpu.memref_slice %arg2[%dma_wait3A_68, %dma_wait3A_69] : memref<10240x128xf32, #tpu.memory_space<hbm>> -> memref<10240x128xf32, #tpu.memory_space<hbm>>
      tpu.wait_indirect_dma semaphore(%arg13 : memref<!tpu.dma_semaphore, #tpu.memory_space<semaphore_mem>>) src(%dma_wait3A_70 : memref<10240x128xf32, #tpu.memory_space<hbm>>) dst(%arg10 : memref<128x128xf32, #tpu.memory_space<vmem>>)
      %add3A_71 = arith.constant 40 : i32
      %add3A_72 = arith.addi %mul3A_34, %add3A_71 : i32
      "tpu.region"() ({
        %run_scoped3A = tpu.sem_alloc : memref<!tpu.dma_semaphore, #tpu.memory_space<semaphore_mem>>
        %dma_start3A_188 = arith.constant 0 : i32
        %dma_start3A_189 = tpu.memref_slice %arg3[%add3A_72, %dma_start3A_188] : memref<2560x128xi32, #tpu.memory_space<hbm>> -> memref<40x128xi32, #tpu.memory_space<hbm>>
        %dma_start3A_190 = arith.constant 0 : i32
        %dma_start3A_191 = tpu.memref_slice %arg3[%add3A_72, %dma_start3A_190] : memref<2560x128xi32, #tpu.memory_space<hbm>> -> memref<40x128xi32, #tpu.memory_space<hbm>>
        tpu.enqueue_dma source(%dma_start3A_191 : memref<40x128xi32, #tpu.memory_space<hbm>>) target(%arg7 : memref<40x128xi32, #tpu.memory_space<vmem>>) target_semaphore(%run_scoped3A : memref<!tpu.dma_semaphore, #tpu.memory_space<semaphore_mem>>)
        %dma_wait3A_192 = arith.constant 0 : i32
        %dma_wait3A_193 = tpu.memref_slice %arg3[%add3A_72, %dma_wait3A_192] : memref<2560x128xi32, #tpu.memory_space<hbm>> -> memref<40x128xi32, #tpu.memory_space<hbm>>
        %dma_wait3A_194 = arith.constant 0 : i32
        %dma_wait3A_195 = tpu.memref_slice %arg3[%add3A_72, %dma_wait3A_194] : memref<2560x128xi32, #tpu.memory_space<hbm>> -> memref<40x128xi32, #tpu.memory_space<hbm>>
        tpu.wait_dma2 semaphore(%run_scoped3A : memref<!tpu.dma_semaphore, #tpu.memory_space<semaphore_mem>>) src(%dma_wait3A_195 : memref<40x128xi32, #tpu.memory_space<hbm>>) dst(%arg7 : memref<40x128xi32, #tpu.memory_space<vmem>>)
        tpu.yield
      }) : () -> ()
      %add3A_73 = arith.constant 40 : i32
      %add3A_74 = arith.addi %mul3A_34, %add3A_73 : i32
      "tpu.region"() ({
        %run_scoped3A = tpu.sem_alloc : memref<!tpu.dma_semaphore, #tpu.memory_space<semaphore_mem>>
        %dma_start3A_188 = arith.constant 0 : i32
        %dma_start3A_189 = tpu.memref_slice %arg4[%add3A_74, %dma_start3A_188] : memref<2560x128xi32, #tpu.memory_space<hbm>> -> memref<40x128xi32, #tpu.memory_space<hbm>>
        %dma_start3A_190 = arith.constant 0 : i32
        %dma_start3A_191 = tpu.memref_slice %arg4[%add3A_74, %dma_start3A_190] : memref<2560x128xi32, #tpu.memory_space<hbm>> -> memref<40x128xi32, #tpu.memory_space<hbm>>
        tpu.enqueue_dma source(%dma_start3A_191 : memref<40x128xi32, #tpu.memory_space<hbm>>) target(%arg8 : memref<40x128xi32, #tpu.memory_space<vmem>>) target_semaphore(%run_scoped3A : memref<!tpu.dma_semaphore, #tpu.memory_space<semaphore_mem>>)
        %dma_wait3A_192 = arith.constant 0 : i32
        %dma_wait3A_193 = tpu.memref_slice %arg4[%add3A_74, %dma_wait3A_192] : memref<2560x128xi32, #tpu.memory_space<hbm>> -> memref<40x128xi32, #tpu.memory_space<hbm>>
        %dma_wait3A_194 = arith.constant 0 : i32
        %dma_wait3A_195 = tpu.memref_slice %arg4[%add3A_74, %dma_wait3A_194] : memref<2560x128xi32, #tpu.memory_space<hbm>> -> memref<40x128xi32, #tpu.memory_space<hbm>>
        tpu.wait_dma2 semaphore(%run_scoped3A : memref<!tpu.dma_semaphore, #tpu.memory_space<semaphore_mem>>) src(%dma_wait3A_195 : memref<40x128xi32, #tpu.memory_space<hbm>>) dst(%arg8 : memref<40x128xi32, #tpu.memory_space<vmem>>)
        tpu.yield
      }) : () -> ()
      %dma_start3A_75 = arith.constant 0 : i32
      %dma_start3A_76 = arith.constant 0 : i32
      %dma_start3A_77 = tpu.memref_slice %arg7[%dma_start3A_75, %dma_start3A_76] : memref<40x128xi32, #tpu.memory_space<vmem>> -> memref<1x128xi32, #tpu.memory_space<vmem>>
      %dma_start3A_78 = tpu.memref_squeeze %dma_start3A_77 : memref<1x128xi32, #tpu.memory_space<vmem>> -> memref<128xi32, #tpu.memory_space<vmem>>
      %dma_start3A_79 = arith.constant 0 : i32
      %dma_start3A_80 = arith.constant 0 : i32
      %dma_start3A_81 = tpu.memref_slice %arg2[%dma_start3A_79, %dma_start3A_80] : memref<10240x128xf32, #tpu.memory_space<hbm>> -> memref<10240x128xf32, #tpu.memory_space<hbm>>
      tpu.enqueue_indirect_dma source(%dma_start3A_81 : memref<10240x128xf32, #tpu.memory_space<hbm>>) target(%arg9 : memref<128x128xf32, #tpu.memory_space<vmem>>) offsets(%dma_start3A_78 : memref<128xi32, #tpu.memory_space<vmem>>) semaphore(%arg12 : memref<!tpu.dma_semaphore, #tpu.memory_space<semaphore_mem>>)
      %dma_start3A_82 = arith.constant 1 : i32
      %dma_start3A_83 = arith.constant 0 : i32
      %dma_start3A_84 = tpu.memref_slice %arg7[%dma_start3A_82, %dma_start3A_83] : memref<40x128xi32, #tpu.memory_space<vmem>> -> memref<1x128xi32, #tpu.memory_space<vmem>>
      %dma_start3A_85 = tpu.memref_squeeze %dma_start3A_84 : memref<1x128xi32, #tpu.memory_space<vmem>> -> memref<128xi32, #tpu.memory_space<vmem>>
      %dma_start3A_86 = arith.constant 0 : i32
      %dma_start3A_87 = arith.constant 0 : i32
      %dma_start3A_88 = tpu.memref_slice %arg2[%dma_start3A_86, %dma_start3A_87] : memref<10240x128xf32, #tpu.memory_space<hbm>> -> memref<10240x128xf32, #tpu.memory_space<hbm>>
      tpu.enqueue_indirect_dma source(%dma_start3A_88 : memref<10240x128xf32, #tpu.memory_space<hbm>>) target(%arg10 : memref<128x128xf32, #tpu.memory_space<vmem>>) offsets(%dma_start3A_85 : memref<128xi32, #tpu.memory_space<vmem>>) semaphore(%arg13 : memref<!tpu.dma_semaphore, #tpu.memory_space<semaphore_mem>>)
      %scan3A_89 = arith.constant 0 : i32
      %scan3A_90 = arith.constant 0 : i32
      %scan3A_91 = arith.constant 20 : i32
      %scan3A_92 = arith.addi %scan3A_90, %scan3A_91 : i32
      %scan3A_93 = arith.constant 1 : i32
      %scan3A_94 = scf.for %scan3A_188 = %scan3A_90 to %scan3A_92 step %scan3A_93 iter_args(%scan3A_189 = %scan3A_89) -> (i32)  : i32 {
        %mul3A_190 = arith.constant 2 : i32
        %mul3A_191 = arith.muli %mul3A_190, %scan3A_188 : i32
        %add3A_192 = arith.constant 0 : i32
        %add3A_193 = arith.addi %mul3A_191, %add3A_192 : i32
        %dma_wait3A_194 = arith.constant 0 : i32
        %dma_wait3A_195 = arith.constant 0 : i32
        %dma_wait3A_196 = tpu.memref_slice %arg7[%dma_wait3A_194, %dma_wait3A_195] : memref<40x128xi32, #tpu.memory_space<vmem>> -> memref<1x128xi32, #tpu.memory_space<vmem>>
        %dma_wait3A_197 = tpu.memref_squeeze %dma_wait3A_196 : memref<1x128xi32, #tpu.memory_space<vmem>> -> memref<128xi32, #tpu.memory_space<vmem>>
        %dma_wait3A_198 = arith.constant 0 : i32
        %dma_wait3A_199 = arith.constant 0 : i32
        %dma_wait3A_200 = tpu.memref_slice %arg2[%dma_wait3A_198, %dma_wait3A_199] : memref<10240x128xf32, #tpu.memory_space<hbm>> -> memref<10240x128xf32, #tpu.memory_space<hbm>>
        tpu.wait_indirect_dma semaphore(%arg12 : memref<!tpu.dma_semaphore, #tpu.memory_space<semaphore_mem>>) src(%dma_wait3A_200 : memref<10240x128xf32, #tpu.memory_space<hbm>>) dst(%arg9 : memref<128x128xf32, #tpu.memory_space<vmem>>)
        "tpu.region"() ({
          %run_scoped3A = tpu.sem_alloc : memref<!tpu.dma_semaphore, #tpu.memory_space<semaphore_mem>>
          %dma_start3A_232 = arith.constant 0 : i32
          %dma_start3A_233 = tpu.memref_slice %arg8[%add3A_193, %dma_start3A_232] : memref<40x128xi32, #tpu.memory_space<vmem>> -> memref<1x128xi32, #tpu.memory_space<vmem>>
          %dma_start3A_234 = tpu.memref_squeeze %dma_start3A_233 : memref<1x128xi32, #tpu.memory_space<vmem>> -> memref<128xi32, #tpu.memory_space<vmem>>
          %dma_start3A_235 = arith.constant 0 : i32
          %dma_start3A_236 = arith.constant 0 : i32
          %dma_start3A_237 = tpu.memref_slice %arg11[%dma_start3A_235, %dma_start3A_236] : memref<10112x128xf32, #tpu.memory_space<vmem_shared>> -> memref<10112x128xf32, #tpu.memory_space<vmem_shared>>
          tpu.enqueue_indirect_dma source(%arg9 : memref<128x128xf32, #tpu.memory_space<vmem>>) target(%dma_start3A_237 : memref<10112x128xf32, #tpu.memory_space<vmem_shared>>) offsets(%dma_start3A_234 : memref<128xi32, #tpu.memory_space<vmem>>) semaphore(%run_scoped3A : memref<!tpu.dma_semaphore, #tpu.memory_space<semaphore_mem>>) {add = true}
          %dma_wait3A_238 = arith.constant 0 : i32
          %dma_wait3A_239 = tpu.memref_slice %arg8[%add3A_193, %dma_wait3A_238] : memref<40x128xi32, #tpu.memory_space<vmem>> -> memref<1x128xi32, #tpu.memory_space<vmem>>
          %dma_wait3A_240 = tpu.memref_squeeze %dma_wait3A_239 : memref<1x128xi32, #tpu.memory_space<vmem>> -> memref<128xi32, #tpu.memory_space<vmem>>
          %dma_wait3A_241 = arith.constant 0 : i32
          %dma_wait3A_242 = arith.constant 0 : i32
          %dma_wait3A_243 = tpu.memref_slice %arg11[%dma_wait3A_241, %dma_wait3A_242] : memref<10112x128xf32, #tpu.memory_space<vmem_shared>> -> memref<10112x128xf32, #tpu.memory_space<vmem_shared>>
          tpu.wait_indirect_dma semaphore(%run_scoped3A : memref<!tpu.dma_semaphore, #tpu.memory_space<semaphore_mem>>) src(%arg9 : memref<128x128xf32, #tpu.memory_space<vmem>>) dst(%dma_wait3A_243 : memref<10112x128xf32, #tpu.memory_space<vmem_shared>>)
          tpu.yield
        }) : () -> ()
        %add3A_201 = arith.constant 2 : i32
        %add3A_202 = arith.addi %add3A_193, %add3A_201 : i32
        %rem3A = arith.constant 40 : i32
        %rem3A_203 = arith.remsi %add3A_202, %rem3A : i32
        %dma_start3A_204 = arith.constant 0 : i32
        %dma_start3A_205 = tpu.memref_slice %arg7[%rem3A_203, %dma_start3A_204] : memref<40x128xi32, #tpu.memory_space<vmem>> -> memref<1x128xi32, #tpu.memory_space<vmem>>
        %dma_start3A_206 = tpu.memref_squeeze %dma_start3A_205 : memref<1x128xi32, #tpu.memory_space<vmem>> -> memref<128xi32, #tpu.memory_space<vmem>>
        %dma_start3A_207 = arith.constant 0 : i32
        %dma_start3A_208 = arith.constant 0 : i32
        %dma_start3A_209 = tpu.memref_slice %arg2[%dma_start3A_207, %dma_start3A_208] : memref<10240x128xf32, #tpu.memory_space<hbm>> -> memref<10240x128xf32, #tpu.memory_space<hbm>>
        tpu.enqueue_indirect_dma source(%dma_start3A_209 : memref<10240x128xf32, #tpu.memory_space<hbm>>) target(%arg9 : memref<128x128xf32, #tpu.memory_space<vmem>>) offsets(%dma_start3A_206 : memref<128xi32, #tpu.memory_space<vmem>>) semaphore(%arg12 : memref<!tpu.dma_semaphore, #tpu.memory_space<semaphore_mem>>)
        %mul3A_210 = arith.constant 2 : i32
        %mul3A_211 = arith.muli %mul3A_210, %scan3A_188 : i32
        %add3A_212 = arith.constant 1 : i32
        %add3A_213 = arith.addi %mul3A_211, %add3A_212 : i32
        %dma_wait3A_214 = arith.constant 1 : i32
        %dma_wait3A_215 = arith.constant 0 : i32
        %dma_wait3A_216 = tpu.memref_slice %arg7[%dma_wait3A_214, %dma_wait3A_215] : memref<40x128xi32, #tpu.memory_space<vmem>> -> memref<1x128xi32, #tpu.memory_space<vmem>>
        %dma_wait3A_217 = tpu.memref_squeeze %dma_wait3A_216 : memref<1x128xi32, #tpu.memory_space<vmem>> -> memref<128xi32, #tpu.memory_space<vmem>>
        %dma_wait3A_218 = arith.constant 0 : i32
        %dma_wait3A_219 = arith.constant 0 : i32
        %dma_wait3A_220 = tpu.memref_slice %arg2[%dma_wait3A_218, %dma_wait3A_219] : memref<10240x128xf32, #tpu.memory_space<hbm>> -> memref<10240x128xf32, #tpu.memory_space<hbm>>
        tpu.wait_indirect_dma semaphore(%arg13 : memref<!tpu.dma_semaphore, #tpu.memory_space<semaphore_mem>>) src(%dma_wait3A_220 : memref<10240x128xf32, #tpu.memory_space<hbm>>) dst(%arg10 : memref<128x128xf32, #tpu.memory_space<vmem>>)
        "tpu.region"() ({
          %run_scoped3A = tpu.sem_alloc : memref<!tpu.dma_semaphore, #tpu.memory_space<semaphore_mem>>
          %dma_start3A_232 = arith.constant 0 : i32
          %dma_start3A_233 = tpu.memref_slice %arg8[%add3A_213, %dma_start3A_232] : memref<40x128xi32, #tpu.memory_space<vmem>> -> memref<1x128xi32, #tpu.memory_space<vmem>>
          %dma_start3A_234 = tpu.memref_squeeze %dma_start3A_233 : memref<1x128xi32, #tpu.memory_space<vmem>> -> memref<128xi32, #tpu.memory_space<vmem>>
          %dma_start3A_235 = arith.constant 0 : i32
          %dma_start3A_236 = arith.constant 0 : i32
          %dma_start3A_237 = tpu.memref_slice %arg11[%dma_start3A_235, %dma_start3A_236] : memref<10112x128xf32, #tpu.memory_space<vmem_shared>> -> memref<10112x128xf32, #tpu.memory_space<vmem_shared>>
          tpu.enqueue_indirect_dma source(%arg10 : memref<128x128xf32, #tpu.memory_space<vmem>>) target(%dma_start3A_237 : memref<10112x128xf32, #tpu.memory_space<vmem_shared>>) offsets(%dma_start3A_234 : memref<128xi32, #tpu.memory_space<vmem>>) semaphore(%run_scoped3A : memref<!tpu.dma_semaphore, #tpu.memory_space<semaphore_mem>>) {add = true}
          %dma_wait3A_238 = arith.constant 0 : i32
          %dma_wait3A_239 = tpu.memref_slice %arg8[%add3A_213, %dma_wait3A_238] : memref<40x128xi32, #tpu.memory_space<vmem>> -> memref<1x128xi32, #tpu.memory_space<vmem>>
          %dma_wait3A_240 = tpu.memref_squeeze %dma_wait3A_239 : memref<1x128xi32, #tpu.memory_space<vmem>> -> memref<128xi32, #tpu.memory_space<vmem>>
          %dma_wait3A_241 = arith.constant 0 : i32
          %dma_wait3A_242 = arith.constant 0 : i32
          %dma_wait3A_243 = tpu.memref_slice %arg11[%dma_wait3A_241, %dma_wait3A_242] : memref<10112x128xf32, #tpu.memory_space<vmem_shared>> -> memref<10112x128xf32, #tpu.memory_space<vmem_shared>>
          tpu.wait_indirect_dma semaphore(%run_scoped3A : memref<!tpu.dma_semaphore, #tpu.memory_space<semaphore_mem>>) src(%arg10 : memref<128x128xf32, #tpu.memory_space<vmem>>) dst(%dma_wait3A_243 : memref<10112x128xf32, #tpu.memory_space<vmem_shared>>)
          tpu.yield
        }) : () -> ()
        %add3A_221 = arith.constant 2 : i32
        %add3A_222 = arith.addi %add3A_213, %add3A_221 : i32
        %rem3A_223 = arith.constant 40 : i32
        %rem3A_224 = arith.remsi %add3A_222, %rem3A_223 : i32
        %dma_start3A_225 = arith.constant 0 : i32
        %dma_start3A_226 = tpu.memref_slice %arg7[%rem3A_224, %dma_start3A_225] : memref<40x128xi32, #tpu.memory_space<vmem>> -> memref<1x128xi32, #tpu.memory_space<vmem>>
        %dma_start3A_227 = tpu.memref_squeeze %dma_start3A_226 : memref<1x128xi32, #tpu.memory_space<vmem>> -> memref<128xi32, #tpu.memory_space<vmem>>
        %dma_start3A_228 = arith.constant 0 : i32
        %dma_start3A_229 = arith.constant 0 : i32
        %dma_start3A_230 = tpu.memref_slice %arg2[%dma_start3A_228, %dma_start3A_229] : memref<10240x128xf32, #tpu.memory_space<hbm>> -> memref<10240x128xf32, #tpu.memory_space<hbm>>
        tpu.enqueue_indirect_dma source(%dma_start3A_230 : memref<10240x128xf32, #tpu.memory_space<hbm>>) target(%arg10 : memref<128x128xf32, #tpu.memory_space<vmem>>) offsets(%dma_start3A_227 : memref<128xi32, #tpu.memory_space<vmem>>) semaphore(%arg13 : memref<!tpu.dma_semaphore, #tpu.memory_space<semaphore_mem>>)
        %scan3A_231 = arith.constant 0 : i32
        scf.yield %scan3A_231 : i32
      }
      %scan3A_95 = arith.constant 20 : i32
      %dma_wait3A_96 = arith.constant 0 : i32
      %dma_wait3A_97 = arith.constant 0 : i32
      %dma_wait3A_98 = tpu.memref_slice %arg7[%dma_wait3A_96, %dma_wait3A_97] : memref<40x128xi32, #tpu.memory_space<vmem>> -> memref<1x128xi32, #tpu.memory_space<vmem>>
      %dma_wait3A_99 = tpu.memref_squeeze %dma_wait3A_98 : memref<1x128xi32, #tpu.memory_space<vmem>> -> memref<128xi32, #tpu.memory_space<vmem>>
      %dma_wait3A_100 = arith.constant 0 : i32
      %dma_wait3A_101 = arith.constant 0 : i32
      %dma_wait3A_102 = tpu.memref_slice %arg2[%dma_wait3A_100, %dma_wait3A_101] : memref<10240x128xf32, #tpu.memory_space<hbm>> -> memref<10240x128xf32, #tpu.memory_space<hbm>>
      tpu.wait_indirect_dma semaphore(%arg12 : memref<!tpu.dma_semaphore, #tpu.memory_space<semaphore_mem>>) src(%dma_wait3A_102 : memref<10240x128xf32, #tpu.memory_space<hbm>>) dst(%arg9 : memref<128x128xf32, #tpu.memory_space<vmem>>)
      %dma_wait3A_103 = arith.constant 1 : i32
      %dma_wait3A_104 = arith.constant 0 : i32
      %dma_wait3A_105 = tpu.memref_slice %arg7[%dma_wait3A_103, %dma_wait3A_104] : memref<40x128xi32, #tpu.memory_space<vmem>> -> memref<1x128xi32, #tpu.memory_space<vmem>>
      %dma_wait3A_106 = tpu.memref_squeeze %dma_wait3A_105 : memref<1x128xi32, #tpu.memory_space<vmem>> -> memref<128xi32, #tpu.memory_space<vmem>>
      %dma_wait3A_107 = arith.constant 0 : i32
      %dma_wait3A_108 = arith.constant 0 : i32
      %dma_wait3A_109 = tpu.memref_slice %arg2[%dma_wait3A_107, %dma_wait3A_108] : memref<10240x128xf32, #tpu.memory_space<hbm>> -> memref<10240x128xf32, #tpu.memory_space<hbm>>
      tpu.wait_indirect_dma semaphore(%arg13 : memref<!tpu.dma_semaphore, #tpu.memory_space<semaphore_mem>>) src(%dma_wait3A_109 : memref<10240x128xf32, #tpu.memory_space<hbm>>) dst(%arg10 : memref<128x128xf32, #tpu.memory_space<vmem>>)
      %add3A_110 = arith.constant 80 : i32
      %add3A_111 = arith.addi %mul3A_34, %add3A_110 : i32
      "tpu.region"() ({
        %run_scoped3A = tpu.sem_alloc : memref<!tpu.dma_semaphore, #tpu.memory_space<semaphore_mem>>
        %dma_start3A_188 = arith.constant 0 : i32
        %dma_start3A_189 = tpu.memref_slice %arg3[%add3A_111, %dma_start3A_188] : memref<2560x128xi32, #tpu.memory_space<hbm>> -> memref<40x128xi32, #tpu.memory_space<hbm>>
        %dma_start3A_190 = arith.constant 0 : i32
        %dma_start3A_191 = tpu.memref_slice %arg3[%add3A_111, %dma_start3A_190] : memref<2560x128xi32, #tpu.memory_space<hbm>> -> memref<40x128xi32, #tpu.memory_space<hbm>>
        tpu.enqueue_dma source(%dma_start3A_191 : memref<40x128xi32, #tpu.memory_space<hbm>>) target(%arg7 : memref<40x128xi32, #tpu.memory_space<vmem>>) target_semaphore(%run_scoped3A : memref<!tpu.dma_semaphore, #tpu.memory_space<semaphore_mem>>)
        %dma_wait3A_192 = arith.constant 0 : i32
        %dma_wait3A_193 = tpu.memref_slice %arg3[%add3A_111, %dma_wait3A_192] : memref<2560x128xi32, #tpu.memory_space<hbm>> -> memref<40x128xi32, #tpu.memory_space<hbm>>
        %dma_wait3A_194 = arith.constant 0 : i32
        %dma_wait3A_195 = tpu.memref_slice %arg3[%add3A_111, %dma_wait3A_194] : memref<2560x128xi32, #tpu.memory_space<hbm>> -> memref<40x128xi32, #tpu.memory_space<hbm>>
        tpu.wait_dma2 semaphore(%run_scoped3A : memref<!tpu.dma_semaphore, #tpu.memory_space<semaphore_mem>>) src(%dma_wait3A_195 : memref<40x128xi32, #tpu.memory_space<hbm>>) dst(%arg7 : memref<40x128xi32, #tpu.memory_space<vmem>>)
        tpu.yield
      }) : () -> ()
      %add3A_112 = arith.constant 80 : i32
      %add3A_113 = arith.addi %mul3A_34, %add3A_112 : i32
      "tpu.region"() ({
        %run_scoped3A = tpu.sem_alloc : memref<!tpu.dma_semaphore, #tpu.memory_space<semaphore_mem>>
        %dma_start3A_188 = arith.constant 0 : i32
        %dma_start3A_189 = tpu.memref_slice %arg4[%add3A_113, %dma_start3A_188] : memref<2560x128xi32, #tpu.memory_space<hbm>> -> memref<40x128xi32, #tpu.memory_space<hbm>>
        %dma_start3A_190 = arith.constant 0 : i32
        %dma_start3A_191 = tpu.memref_slice %arg4[%add3A_113, %dma_start3A_190] : memref<2560x128xi32, #tpu.memory_space<hbm>> -> memref<40x128xi32, #tpu.memory_space<hbm>>
        tpu.enqueue_dma source(%dma_start3A_191 : memref<40x128xi32, #tpu.memory_space<hbm>>) target(%arg8 : memref<40x128xi32, #tpu.memory_space<vmem>>) target_semaphore(%run_scoped3A : memref<!tpu.dma_semaphore, #tpu.memory_space<semaphore_mem>>)
        %dma_wait3A_192 = arith.constant 0 : i32
        %dma_wait3A_193 = tpu.memref_slice %arg4[%add3A_113, %dma_wait3A_192] : memref<2560x128xi32, #tpu.memory_space<hbm>> -> memref<40x128xi32, #tpu.memory_space<hbm>>
        %dma_wait3A_194 = arith.constant 0 : i32
        %dma_wait3A_195 = tpu.memref_slice %arg4[%add3A_113, %dma_wait3A_194] : memref<2560x128xi32, #tpu.memory_space<hbm>> -> memref<40x128xi32, #tpu.memory_space<hbm>>
        tpu.wait_dma2 semaphore(%run_scoped3A : memref<!tpu.dma_semaphore, #tpu.memory_space<semaphore_mem>>) src(%dma_wait3A_195 : memref<40x128xi32, #tpu.memory_space<hbm>>) dst(%arg8 : memref<40x128xi32, #tpu.memory_space<vmem>>)
        tpu.yield
      }) : () -> ()
      %dma_start3A_114 = arith.constant 0 : i32
      %dma_start3A_115 = arith.constant 0 : i32
      %dma_start3A_116 = tpu.memref_slice %arg7[%dma_start3A_114, %dma_start3A_115] : memref<40x128xi32, #tpu.memory_space<vmem>> -> memref<1x128xi32, #tpu.memory_space<vmem>>
      %dma_start3A_117 = tpu.memref_squeeze %dma_start3A_116 : memref<1x128xi32, #tpu.memory_space<vmem>> -> memref<128xi32, #tpu.memory_space<vmem>>
      %dma_start3A_118 = arith.constant 0 : i32
      %dma_start3A_119 = arith.constant 0 : i32
      %dma_start3A_120 = tpu.memref_slice %arg2[%dma_start3A_118, %dma_start3A_119] : memref<10240x128xf32, #tpu.memory_space<hbm>> -> memref<10240x128xf32, #tpu.memory_space<hbm>>
      tpu.enqueue_indirect_dma source(%dma_start3A_120 : memref<10240x128xf32, #tpu.memory_space<hbm>>) target(%arg9 : memref<128x128xf32, #tpu.memory_space<vmem>>) offsets(%dma_start3A_117 : memref<128xi32, #tpu.memory_space<vmem>>) semaphore(%arg12 : memref<!tpu.dma_semaphore, #tpu.memory_space<semaphore_mem>>)
      %dma_start3A_121 = arith.constant 1 : i32
      %dma_start3A_122 = arith.constant 0 : i32
      %dma_start3A_123 = tpu.memref_slice %arg7[%dma_start3A_121, %dma_start3A_122] : memref<40x128xi32, #tpu.memory_space<vmem>> -> memref<1x128xi32, #tpu.memory_space<vmem>>
      %dma_start3A_124 = tpu.memref_squeeze %dma_start3A_123 : memref<1x128xi32, #tpu.memory_space<vmem>> -> memref<128xi32, #tpu.memory_space<vmem>>
      %dma_start3A_125 = arith.constant 0 : i32
      %dma_start3A_126 = arith.constant 0 : i32
      %dma_start3A_127 = tpu.memref_slice %arg2[%dma_start3A_125, %dma_start3A_126] : memref<10240x128xf32, #tpu.memory_space<hbm>> -> memref<10240x128xf32, #tpu.memory_space<hbm>>
      tpu.enqueue_indirect_dma source(%dma_start3A_127 : memref<10240x128xf32, #tpu.memory_space<hbm>>) target(%arg10 : memref<128x128xf32, #tpu.memory_space<vmem>>) offsets(%dma_start3A_124 : memref<128xi32, #tpu.memory_space<vmem>>) semaphore(%arg13 : memref<!tpu.dma_semaphore, #tpu.memory_space<semaphore_mem>>)
      %scan3A_128 = arith.constant 0 : i32
      %scan3A_129 = arith.constant 0 : i32
      %scan3A_130 = arith.constant 20 : i32
      %scan3A_131 = arith.addi %scan3A_129, %scan3A_130 : i32
      %scan3A_132 = arith.constant 1 : i32
      %scan3A_133 = scf.for %scan3A_188 = %scan3A_129 to %scan3A_131 step %scan3A_132 iter_args(%scan3A_189 = %scan3A_128) -> (i32)  : i32 {
        %mul3A_190 = arith.constant 2 : i32
        %mul3A_191 = arith.muli %mul3A_190, %scan3A_188 : i32
        %add3A_192 = arith.constant 0 : i32
        %add3A_193 = arith.addi %mul3A_191, %add3A_192 : i32
        %dma_wait3A_194 = arith.constant 0 : i32
        %dma_wait3A_195 = arith.constant 0 : i32
        %dma_wait3A_196 = tpu.memref_slice %arg7[%dma_wait3A_194, %dma_wait3A_195] : memref<40x128xi32, #tpu.memory_space<vmem>> -> memref<1x128xi32, #tpu.memory_space<vmem>>
        %dma_wait3A_197 = tpu.memref_squeeze %dma_wait3A_196 : memref<1x128xi32, #tpu.memory_space<vmem>> -> memref<128xi32, #tpu.memory_space<vmem>>
        %dma_wait3A_198 = arith.constant 0 : i32
        %dma_wait3A_199 = arith.constant 0 : i32
        %dma_wait3A_200 = tpu.memref_slice %arg2[%dma_wait3A_198, %dma_wait3A_199] : memref<10240x128xf32, #tpu.memory_space<hbm>> -> memref<10240x128xf32, #tpu.memory_space<hbm>>
        tpu.wait_indirect_dma semaphore(%arg12 : memref<!tpu.dma_semaphore, #tpu.memory_space<semaphore_mem>>) src(%dma_wait3A_200 : memref<10240x128xf32, #tpu.memory_space<hbm>>) dst(%arg9 : memref<128x128xf32, #tpu.memory_space<vmem>>)
        "tpu.region"() ({
          %run_scoped3A = tpu.sem_alloc : memref<!tpu.dma_semaphore, #tpu.memory_space<semaphore_mem>>
          %dma_start3A_232 = arith.constant 0 : i32
          %dma_start3A_233 = tpu.memref_slice %arg8[%add3A_193, %dma_start3A_232] : memref<40x128xi32, #tpu.memory_space<vmem>> -> memref<1x128xi32, #tpu.memory_space<vmem>>
          %dma_start3A_234 = tpu.memref_squeeze %dma_start3A_233 : memref<1x128xi32, #tpu.memory_space<vmem>> -> memref<128xi32, #tpu.memory_space<vmem>>
          %dma_start3A_235 = arith.constant 0 : i32
          %dma_start3A_236 = arith.constant 0 : i32
          %dma_start3A_237 = tpu.memref_slice %arg11[%dma_start3A_235, %dma_start3A_236] : memref<10112x128xf32, #tpu.memory_space<vmem_shared>> -> memref<10112x128xf32, #tpu.memory_space<vmem_shared>>
          tpu.enqueue_indirect_dma source(%arg9 : memref<128x128xf32, #tpu.memory_space<vmem>>) target(%dma_start3A_237 : memref<10112x128xf32, #tpu.memory_space<vmem_shared>>) offsets(%dma_start3A_234 : memref<128xi32, #tpu.memory_space<vmem>>) semaphore(%run_scoped3A : memref<!tpu.dma_semaphore, #tpu.memory_space<semaphore_mem>>) {add = true}
          %dma_wait3A_238 = arith.constant 0 : i32
          %dma_wait3A_239 = tpu.memref_slice %arg8[%add3A_193, %dma_wait3A_238] : memref<40x128xi32, #tpu.memory_space<vmem>> -> memref<1x128xi32, #tpu.memory_space<vmem>>
          %dma_wait3A_240 = tpu.memref_squeeze %dma_wait3A_239 : memref<1x128xi32, #tpu.memory_space<vmem>> -> memref<128xi32, #tpu.memory_space<vmem>>
          %dma_wait3A_241 = arith.constant 0 : i32
          %dma_wait3A_242 = arith.constant 0 : i32
          %dma_wait3A_243 = tpu.memref_slice %arg11[%dma_wait3A_241, %dma_wait3A_242] : memref<10112x128xf32, #tpu.memory_space<vmem_shared>> -> memref<10112x128xf32, #tpu.memory_space<vmem_shared>>
          tpu.wait_indirect_dma semaphore(%run_scoped3A : memref<!tpu.dma_semaphore, #tpu.memory_space<semaphore_mem>>) src(%arg9 : memref<128x128xf32, #tpu.memory_space<vmem>>) dst(%dma_wait3A_243 : memref<10112x128xf32, #tpu.memory_space<vmem_shared>>)
          tpu.yield
        }) : () -> ()
        %add3A_201 = arith.constant 2 : i32
        %add3A_202 = arith.addi %add3A_193, %add3A_201 : i32
        %rem3A = arith.constant 40 : i32
        %rem3A_203 = arith.remsi %add3A_202, %rem3A : i32
        %dma_start3A_204 = arith.constant 0 : i32
        %dma_start3A_205 = tpu.memref_slice %arg7[%rem3A_203, %dma_start3A_204] : memref<40x128xi32, #tpu.memory_space<vmem>> -> memref<1x128xi32, #tpu.memory_space<vmem>>
        %dma_start3A_206 = tpu.memref_squeeze %dma_start3A_205 : memref<1x128xi32, #tpu.memory_space<vmem>> -> memref<128xi32, #tpu.memory_space<vmem>>
        %dma_start3A_207 = arith.constant 0 : i32
        %dma_start3A_208 = arith.constant 0 : i32
        %dma_start3A_209 = tpu.memref_slice %arg2[%dma_start3A_207, %dma_start3A_208] : memref<10240x128xf32, #tpu.memory_space<hbm>> -> memref<10240x128xf32, #tpu.memory_space<hbm>>
        tpu.enqueue_indirect_dma source(%dma_start3A_209 : memref<10240x128xf32, #tpu.memory_space<hbm>>) target(%arg9 : memref<128x128xf32, #tpu.memory_space<vmem>>) offsets(%dma_start3A_206 : memref<128xi32, #tpu.memory_space<vmem>>) semaphore(%arg12 : memref<!tpu.dma_semaphore, #tpu.memory_space<semaphore_mem>>)
        %mul3A_210 = arith.constant 2 : i32
        %mul3A_211 = arith.muli %mul3A_210, %scan3A_188 : i32
        %add3A_212 = arith.constant 1 : i32
        %add3A_213 = arith.addi %mul3A_211, %add3A_212 : i32
        %dma_wait3A_214 = arith.constant 1 : i32
        %dma_wait3A_215 = arith.constant 0 : i32
        %dma_wait3A_216 = tpu.memref_slice %arg7[%dma_wait3A_214, %dma_wait3A_215] : memref<40x128xi32, #tpu.memory_space<vmem>> -> memref<1x128xi32, #tpu.memory_space<vmem>>
        %dma_wait3A_217 = tpu.memref_squeeze %dma_wait3A_216 : memref<1x128xi32, #tpu.memory_space<vmem>> -> memref<128xi32, #tpu.memory_space<vmem>>
        %dma_wait3A_218 = arith.constant 0 : i32
        %dma_wait3A_219 = arith.constant 0 : i32
        %dma_wait3A_220 = tpu.memref_slice %arg2[%dma_wait3A_218, %dma_wait3A_219] : memref<10240x128xf32, #tpu.memory_space<hbm>> -> memref<10240x128xf32, #tpu.memory_space<hbm>>
        tpu.wait_indirect_dma semaphore(%arg13 : memref<!tpu.dma_semaphore, #tpu.memory_space<semaphore_mem>>) src(%dma_wait3A_220 : memref<10240x128xf32, #tpu.memory_space<hbm>>) dst(%arg10 : memref<128x128xf32, #tpu.memory_space<vmem>>)
        "tpu.region"() ({
          %run_scoped3A = tpu.sem_alloc : memref<!tpu.dma_semaphore, #tpu.memory_space<semaphore_mem>>
          %dma_start3A_232 = arith.constant 0 : i32
          %dma_start3A_233 = tpu.memref_slice %arg8[%add3A_213, %dma_start3A_232] : memref<40x128xi32, #tpu.memory_space<vmem>> -> memref<1x128xi32, #tpu.memory_space<vmem>>
          %dma_start3A_234 = tpu.memref_squeeze %dma_start3A_233 : memref<1x128xi32, #tpu.memory_space<vmem>> -> memref<128xi32, #tpu.memory_space<vmem>>
          %dma_start3A_235 = arith.constant 0 : i32
          %dma_start3A_236 = arith.constant 0 : i32
          %dma_start3A_237 = tpu.memref_slice %arg11[%dma_start3A_235, %dma_start3A_236] : memref<10112x128xf32, #tpu.memory_space<vmem_shared>> -> memref<10112x128xf32, #tpu.memory_space<vmem_shared>>
          tpu.enqueue_indirect_dma source(%arg10 : memref<128x128xf32, #tpu.memory_space<vmem>>) target(%dma_start3A_237 : memref<10112x128xf32, #tpu.memory_space<vmem_shared>>) offsets(%dma_start3A_234 : memref<128xi32, #tpu.memory_space<vmem>>) semaphore(%run_scoped3A : memref<!tpu.dma_semaphore, #tpu.memory_space<semaphore_mem>>) {add = true}
          %dma_wait3A_238 = arith.constant 0 : i32
          %dma_wait3A_239 = tpu.memref_slice %arg8[%add3A_213, %dma_wait3A_238] : memref<40x128xi32, #tpu.memory_space<vmem>> -> memref<1x128xi32, #tpu.memory_space<vmem>>
          %dma_wait3A_240 = tpu.memref_squeeze %dma_wait3A_239 : memref<1x128xi32, #tpu.memory_space<vmem>> -> memref<128xi32, #tpu.memory_space<vmem>>
          %dma_wait3A_241 = arith.constant 0 : i32
          %dma_wait3A_242 = arith.constant 0 : i32
          %dma_wait3A_243 = tpu.memref_slice %arg11[%dma_wait3A_241, %dma_wait3A_242] : memref<10112x128xf32, #tpu.memory_space<vmem_shared>> -> memref<10112x128xf32, #tpu.memory_space<vmem_shared>>
          tpu.wait_indirect_dma semaphore(%run_scoped3A : memref<!tpu.dma_semaphore, #tpu.memory_space<semaphore_mem>>) src(%arg10 : memref<128x128xf32, #tpu.memory_space<vmem>>) dst(%dma_wait3A_243 : memref<10112x128xf32, #tpu.memory_space<vmem_shared>>)
          tpu.yield
        }) : () -> ()
        %add3A_221 = arith.constant 2 : i32
        %add3A_222 = arith.addi %add3A_213, %add3A_221 : i32
        %rem3A_223 = arith.constant 40 : i32
        %rem3A_224 = arith.remsi %add3A_222, %rem3A_223 : i32
        %dma_start3A_225 = arith.constant 0 : i32
        %dma_start3A_226 = tpu.memref_slice %arg7[%rem3A_224, %dma_start3A_225] : memref<40x128xi32, #tpu.memory_space<vmem>> -> memref<1x128xi32, #tpu.memory_space<vmem>>
        %dma_start3A_227 = tpu.memref_squeeze %dma_start3A_226 : memref<1x128xi32, #tpu.memory_space<vmem>> -> memref<128xi32, #tpu.memory_space<vmem>>
        %dma_start3A_228 = arith.constant 0 : i32
        %dma_start3A_229 = arith.constant 0 : i32
        %dma_start3A_230 = tpu.memref_slice %arg2[%dma_start3A_228, %dma_start3A_229] : memref<10240x128xf32, #tpu.memory_space<hbm>> -> memref<10240x128xf32, #tpu.memory_space<hbm>>
        tpu.enqueue_indirect_dma source(%dma_start3A_230 : memref<10240x128xf32, #tpu.memory_space<hbm>>) target(%arg10 : memref<128x128xf32, #tpu.memory_space<vmem>>) offsets(%dma_start3A_227 : memref<128xi32, #tpu.memory_space<vmem>>) semaphore(%arg13 : memref<!tpu.dma_semaphore, #tpu.memory_space<semaphore_mem>>)
        %scan3A_231 = arith.constant 0 : i32
        scf.yield %scan3A_231 : i32
      }
      %scan3A_134 = arith.constant 20 : i32
      %dma_wait3A_135 = arith.constant 0 : i32
      %dma_wait3A_136 = arith.constant 0 : i32
      %dma_wait3A_137 = tpu.memref_slice %arg7[%dma_wait3A_135, %dma_wait3A_136] : memref<40x128xi32, #tpu.memory_space<vmem>> -> memref<1x128xi32, #tpu.memory_space<vmem>>
      %dma_wait3A_138 = tpu.memref_squeeze %dma_wait3A_137 : memref<1x128xi32, #tpu.memory_space<vmem>> -> memref<128xi32, #tpu.memory_space<vmem>>
      %dma_wait3A_139 = arith.constant 0 : i32
      %dma_wait3A_140 = arith.constant 0 : i32
      %dma_wait3A_141 = tpu.memref_slice %arg2[%dma_wait3A_139, %dma_wait3A_140] : memref<10240x128xf32, #tpu.memory_space<hbm>> -> memref<10240x128xf32, #tpu.memory_space<hbm>>
      tpu.wait_indirect_dma semaphore(%arg12 : memref<!tpu.dma_semaphore, #tpu.memory_space<semaphore_mem>>) src(%dma_wait3A_141 : memref<10240x128xf32, #tpu.memory_space<hbm>>) dst(%arg9 : memref<128x128xf32, #tpu.memory_space<vmem>>)
      %dma_wait3A_142 = arith.constant 1 : i32
      %dma_wait3A_143 = arith.constant 0 : i32
      %dma_wait3A_144 = tpu.memref_slice %arg7[%dma_wait3A_142, %dma_wait3A_143] : memref<40x128xi32, #tpu.memory_space<vmem>> -> memref<1x128xi32, #tpu.memory_space<vmem>>
      %dma_wait3A_145 = tpu.memref_squeeze %dma_wait3A_144 : memref<1x128xi32, #tpu.memory_space<vmem>> -> memref<128xi32, #tpu.memory_space<vmem>>
      %dma_wait3A_146 = arith.constant 0 : i32
      %dma_wait3A_147 = arith.constant 0 : i32
      %dma_wait3A_148 = tpu.memref_slice %arg2[%dma_wait3A_146, %dma_wait3A_147] : memref<10240x128xf32, #tpu.memory_space<hbm>> -> memref<10240x128xf32, #tpu.memory_space<hbm>>
      tpu.wait_indirect_dma semaphore(%arg13 : memref<!tpu.dma_semaphore, #tpu.memory_space<semaphore_mem>>) src(%dma_wait3A_148 : memref<10240x128xf32, #tpu.memory_space<hbm>>) dst(%arg10 : memref<128x128xf32, #tpu.memory_space<vmem>>)
      %add3A_149 = arith.constant 120 : i32
      %add3A_150 = arith.addi %mul3A_34, %add3A_149 : i32
      "tpu.region"() ({
        %run_scoped3A = tpu.sem_alloc : memref<!tpu.dma_semaphore, #tpu.memory_space<semaphore_mem>>
        %dma_start3A_188 = arith.constant 0 : i32
        %dma_start3A_189 = tpu.memref_slice %arg3[%add3A_150, %dma_start3A_188] : memref<2560x128xi32, #tpu.memory_space<hbm>> -> memref<40x128xi32, #tpu.memory_space<hbm>>
        %dma_start3A_190 = arith.constant 0 : i32
        %dma_start3A_191 = tpu.memref_slice %arg3[%add3A_150, %dma_start3A_190] : memref<2560x128xi32, #tpu.memory_space<hbm>> -> memref<40x128xi32, #tpu.memory_space<hbm>>
        tpu.enqueue_dma source(%dma_start3A_191 : memref<40x128xi32, #tpu.memory_space<hbm>>) target(%arg7 : memref<40x128xi32, #tpu.memory_space<vmem>>) target_semaphore(%run_scoped3A : memref<!tpu.dma_semaphore, #tpu.memory_space<semaphore_mem>>)
        %dma_wait3A_192 = arith.constant 0 : i32
        %dma_wait3A_193 = tpu.memref_slice %arg3[%add3A_150, %dma_wait3A_192] : memref<2560x128xi32, #tpu.memory_space<hbm>> -> memref<40x128xi32, #tpu.memory_space<hbm>>
        %dma_wait3A_194 = arith.constant 0 : i32
        %dma_wait3A_195 = tpu.memref_slice %arg3[%add3A_150, %dma_wait3A_194] : memref<2560x128xi32, #tpu.memory_space<hbm>> -> memref<40x128xi32, #tpu.memory_space<hbm>>
        tpu.wait_dma2 semaphore(%run_scoped3A : memref<!tpu.dma_semaphore, #tpu.memory_space<semaphore_mem>>) src(%dma_wait3A_195 : memref<40x128xi32, #tpu.memory_space<hbm>>) dst(%arg7 : memref<40x128xi32, #tpu.memory_space<vmem>>)
        tpu.yield
      }) : () -> ()
      %add3A_151 = arith.constant 120 : i32
      %add3A_152 = arith.addi %mul3A_34, %add3A_151 : i32
      "tpu.region"() ({
        %run_scoped3A = tpu.sem_alloc : memref<!tpu.dma_semaphore, #tpu.memory_space<semaphore_mem>>
        %dma_start3A_188 = arith.constant 0 : i32
        %dma_start3A_189 = tpu.memref_slice %arg4[%add3A_152, %dma_start3A_188] : memref<2560x128xi32, #tpu.memory_space<hbm>> -> memref<40x128xi32, #tpu.memory_space<hbm>>
        %dma_start3A_190 = arith.constant 0 : i32
        %dma_start3A_191 = tpu.memref_slice %arg4[%add3A_152, %dma_start3A_190] : memref<2560x128xi32, #tpu.memory_space<hbm>> -> memref<40x128xi32, #tpu.memory_space<hbm>>
        tpu.enqueue_dma source(%dma_start3A_191 : memref<40x128xi32, #tpu.memory_space<hbm>>) target(%arg8 : memref<40x128xi32, #tpu.memory_space<vmem>>) target_semaphore(%run_scoped3A : memref<!tpu.dma_semaphore, #tpu.memory_space<semaphore_mem>>)
        %dma_wait3A_192 = arith.constant 0 : i32
        %dma_wait3A_193 = tpu.memref_slice %arg4[%add3A_152, %dma_wait3A_192] : memref<2560x128xi32, #tpu.memory_space<hbm>> -> memref<40x128xi32, #tpu.memory_space<hbm>>
        %dma_wait3A_194 = arith.constant 0 : i32
        %dma_wait3A_195 = tpu.memref_slice %arg4[%add3A_152, %dma_wait3A_194] : memref<2560x128xi32, #tpu.memory_space<hbm>> -> memref<40x128xi32, #tpu.memory_space<hbm>>
        tpu.wait_dma2 semaphore(%run_scoped3A : memref<!tpu.dma_semaphore, #tpu.memory_space<semaphore_mem>>) src(%dma_wait3A_195 : memref<40x128xi32, #tpu.memory_space<hbm>>) dst(%arg8 : memref<40x128xi32, #tpu.memory_space<vmem>>)
        tpu.yield
      }) : () -> ()
      %dma_start3A_153 = arith.constant 0 : i32
      %dma_start3A_154 = arith.constant 0 : i32
      %dma_start3A_155 = tpu.memref_slice %arg7[%dma_start3A_153, %dma_start3A_154] : memref<40x128xi32, #tpu.memory_space<vmem>> -> memref<1x128xi32, #tpu.memory_space<vmem>>
      %dma_start3A_156 = tpu.memref_squeeze %dma_start3A_155 : memref<1x128xi32, #tpu.memory_space<vmem>> -> memref<128xi32, #tpu.memory_space<vmem>>
      %dma_start3A_157 = arith.constant 0 : i32
      %dma_start3A_158 = arith.constant 0 : i32
      %dma_start3A_159 = tpu.memref_slice %arg2[%dma_start3A_157, %dma_start3A_158] : memref<10240x128xf32, #tpu.memory_space<hbm>> -> memref<10240x128xf32, #tpu.memory_space<hbm>>
      tpu.enqueue_indirect_dma source(%dma_start3A_159 : memref<10240x128xf32, #tpu.memory_space<hbm>>) target(%arg9 : memref<128x128xf32, #tpu.memory_space<vmem>>) offsets(%dma_start3A_156 : memref<128xi32, #tpu.memory_space<vmem>>) semaphore(%arg12 : memref<!tpu.dma_semaphore, #tpu.memory_space<semaphore_mem>>)
      %dma_start3A_160 = arith.constant 1 : i32
      %dma_start3A_161 = arith.constant 0 : i32
      %dma_start3A_162 = tpu.memref_slice %arg7[%dma_start3A_160, %dma_start3A_161] : memref<40x128xi32, #tpu.memory_space<vmem>> -> memref<1x128xi32, #tpu.memory_space<vmem>>
      %dma_start3A_163 = tpu.memref_squeeze %dma_start3A_162 : memref<1x128xi32, #tpu.memory_space<vmem>> -> memref<128xi32, #tpu.memory_space<vmem>>
      %dma_start3A_164 = arith.constant 0 : i32
      %dma_start3A_165 = arith.constant 0 : i32
      %dma_start3A_166 = tpu.memref_slice %arg2[%dma_start3A_164, %dma_start3A_165] : memref<10240x128xf32, #tpu.memory_space<hbm>> -> memref<10240x128xf32, #tpu.memory_space<hbm>>
      tpu.enqueue_indirect_dma source(%dma_start3A_166 : memref<10240x128xf32, #tpu.memory_space<hbm>>) target(%arg10 : memref<128x128xf32, #tpu.memory_space<vmem>>) offsets(%dma_start3A_163 : memref<128xi32, #tpu.memory_space<vmem>>) semaphore(%arg13 : memref<!tpu.dma_semaphore, #tpu.memory_space<semaphore_mem>>)
      %scan3A_167 = arith.constant 0 : i32
      %scan3A_168 = arith.constant 0 : i32
      %scan3A_169 = arith.constant 20 : i32
      %scan3A_170 = arith.addi %scan3A_168, %scan3A_169 : i32
      %scan3A_171 = arith.constant 1 : i32
      %scan3A_172 = scf.for %scan3A_188 = %scan3A_168 to %scan3A_170 step %scan3A_171 iter_args(%scan3A_189 = %scan3A_167) -> (i32)  : i32 {
        %mul3A_190 = arith.constant 2 : i32
        %mul3A_191 = arith.muli %mul3A_190, %scan3A_188 : i32
        %add3A_192 = arith.constant 0 : i32
        %add3A_193 = arith.addi %mul3A_191, %add3A_192 : i32
        %dma_wait3A_194 = arith.constant 0 : i32
        %dma_wait3A_195 = arith.constant 0 : i32
        %dma_wait3A_196 = tpu.memref_slice %arg7[%dma_wait3A_194, %dma_wait3A_195] : memref<40x128xi32, #tpu.memory_space<vmem>> -> memref<1x128xi32, #tpu.memory_space<vmem>>
        %dma_wait3A_197 = tpu.memref_squeeze %dma_wait3A_196 : memref<1x128xi32, #tpu.memory_space<vmem>> -> memref<128xi32, #tpu.memory_space<vmem>>
        %dma_wait3A_198 = arith.constant 0 : i32
        %dma_wait3A_199 = arith.constant 0 : i32
        %dma_wait3A_200 = tpu.memref_slice %arg2[%dma_wait3A_198, %dma_wait3A_199] : memref<10240x128xf32, #tpu.memory_space<hbm>> -> memref<10240x128xf32, #tpu.memory_space<hbm>>
        tpu.wait_indirect_dma semaphore(%arg12 : memref<!tpu.dma_semaphore, #tpu.memory_space<semaphore_mem>>) src(%dma_wait3A_200 : memref<10240x128xf32, #tpu.memory_space<hbm>>) dst(%arg9 : memref<128x128xf32, #tpu.memory_space<vmem>>)
        "tpu.region"() ({
          %run_scoped3A = tpu.sem_alloc : memref<!tpu.dma_semaphore, #tpu.memory_space<semaphore_mem>>
          %dma_start3A_232 = arith.constant 0 : i32
          %dma_start3A_233 = tpu.memref_slice %arg8[%add3A_193, %dma_start3A_232] : memref<40x128xi32, #tpu.memory_space<vmem>> -> memref<1x128xi32, #tpu.memory_space<vmem>>
          %dma_start3A_234 = tpu.memref_squeeze %dma_start3A_233 : memref<1x128xi32, #tpu.memory_space<vmem>> -> memref<128xi32, #tpu.memory_space<vmem>>
          %dma_start3A_235 = arith.constant 0 : i32
          %dma_start3A_236 = arith.constant 0 : i32
          %dma_start3A_237 = tpu.memref_slice %arg11[%dma_start3A_235, %dma_start3A_236] : memref<10112x128xf32, #tpu.memory_space<vmem_shared>> -> memref<10112x128xf32, #tpu.memory_space<vmem_shared>>
          tpu.enqueue_indirect_dma source(%arg9 : memref<128x128xf32, #tpu.memory_space<vmem>>) target(%dma_start3A_237 : memref<10112x128xf32, #tpu.memory_space<vmem_shared>>) offsets(%dma_start3A_234 : memref<128xi32, #tpu.memory_space<vmem>>) semaphore(%run_scoped3A : memref<!tpu.dma_semaphore, #tpu.memory_space<semaphore_mem>>) {add = true}
          %dma_wait3A_238 = arith.constant 0 : i32
          %dma_wait3A_239 = tpu.memref_slice %arg8[%add3A_193, %dma_wait3A_238] : memref<40x128xi32, #tpu.memory_space<vmem>> -> memref<1x128xi32, #tpu.memory_space<vmem>>
          %dma_wait3A_240 = tpu.memref_squeeze %dma_wait3A_239 : memref<1x128xi32, #tpu.memory_space<vmem>> -> memref<128xi32, #tpu.memory_space<vmem>>
          %dma_wait3A_241 = arith.constant 0 : i32
          %dma_wait3A_242 = arith.constant 0 : i32
          %dma_wait3A_243 = tpu.memref_slice %arg11[%dma_wait3A_241, %dma_wait3A_242] : memref<10112x128xf32, #tpu.memory_space<vmem_shared>> -> memref<10112x128xf32, #tpu.memory_space<vmem_shared>>
          tpu.wait_indirect_dma semaphore(%run_scoped3A : memref<!tpu.dma_semaphore, #tpu.memory_space<semaphore_mem>>) src(%arg9 : memref<128x128xf32, #tpu.memory_space<vmem>>) dst(%dma_wait3A_243 : memref<10112x128xf32, #tpu.memory_space<vmem_shared>>)
          tpu.yield
        }) : () -> ()
        %add3A_201 = arith.constant 2 : i32
        %add3A_202 = arith.addi %add3A_193, %add3A_201 : i32
        %rem3A = arith.constant 40 : i32
        %rem3A_203 = arith.remsi %add3A_202, %rem3A : i32
        %dma_start3A_204 = arith.constant 0 : i32
        %dma_start3A_205 = tpu.memref_slice %arg7[%rem3A_203, %dma_start3A_204] : memref<40x128xi32, #tpu.memory_space<vmem>> -> memref<1x128xi32, #tpu.memory_space<vmem>>
        %dma_start3A_206 = tpu.memref_squeeze %dma_start3A_205 : memref<1x128xi32, #tpu.memory_space<vmem>> -> memref<128xi32, #tpu.memory_space<vmem>>
        %dma_start3A_207 = arith.constant 0 : i32
        %dma_start3A_208 = arith.constant 0 : i32
        %dma_start3A_209 = tpu.memref_slice %arg2[%dma_start3A_207, %dma_start3A_208] : memref<10240x128xf32, #tpu.memory_space<hbm>> -> memref<10240x128xf32, #tpu.memory_space<hbm>>
        tpu.enqueue_indirect_dma source(%dma_start3A_209 : memref<10240x128xf32, #tpu.memory_space<hbm>>) target(%arg9 : memref<128x128xf32, #tpu.memory_space<vmem>>) offsets(%dma_start3A_206 : memref<128xi32, #tpu.memory_space<vmem>>) semaphore(%arg12 : memref<!tpu.dma_semaphore, #tpu.memory_space<semaphore_mem>>)
        %mul3A_210 = arith.constant 2 : i32
        %mul3A_211 = arith.muli %mul3A_210, %scan3A_188 : i32
        %add3A_212 = arith.constant 1 : i32
        %add3A_213 = arith.addi %mul3A_211, %add3A_212 : i32
        %dma_wait3A_214 = arith.constant 1 : i32
        %dma_wait3A_215 = arith.constant 0 : i32
        %dma_wait3A_216 = tpu.memref_slice %arg7[%dma_wait3A_214, %dma_wait3A_215] : memref<40x128xi32, #tpu.memory_space<vmem>> -> memref<1x128xi32, #tpu.memory_space<vmem>>
        %dma_wait3A_217 = tpu.memref_squeeze %dma_wait3A_216 : memref<1x128xi32, #tpu.memory_space<vmem>> -> memref<128xi32, #tpu.memory_space<vmem>>
        %dma_wait3A_218 = arith.constant 0 : i32
        %dma_wait3A_219 = arith.constant 0 : i32
        %dma_wait3A_220 = tpu.memref_slice %arg2[%dma_wait3A_218, %dma_wait3A_219] : memref<10240x128xf32, #tpu.memory_space<hbm>> -> memref<10240x128xf32, #tpu.memory_space<hbm>>
        tpu.wait_indirect_dma semaphore(%arg13 : memref<!tpu.dma_semaphore, #tpu.memory_space<semaphore_mem>>) src(%dma_wait3A_220 : memref<10240x128xf32, #tpu.memory_space<hbm>>) dst(%arg10 : memref<128x128xf32, #tpu.memory_space<vmem>>)
        "tpu.region"() ({
          %run_scoped3A = tpu.sem_alloc : memref<!tpu.dma_semaphore, #tpu.memory_space<semaphore_mem>>
          %dma_start3A_232 = arith.constant 0 : i32
          %dma_start3A_233 = tpu.memref_slice %arg8[%add3A_213, %dma_start3A_232] : memref<40x128xi32, #tpu.memory_space<vmem>> -> memref<1x128xi32, #tpu.memory_space<vmem>>
          %dma_start3A_234 = tpu.memref_squeeze %dma_start3A_233 : memref<1x128xi32, #tpu.memory_space<vmem>> -> memref<128xi32, #tpu.memory_space<vmem>>
          %dma_start3A_235 = arith.constant 0 : i32
          %dma_start3A_236 = arith.constant 0 : i32
          %dma_start3A_237 = tpu.memref_slice %arg11[%dma_start3A_235, %dma_start3A_236] : memref<10112x128xf32, #tpu.memory_space<vmem_shared>> -> memref<10112x128xf32, #tpu.memory_space<vmem_shared>>
          tpu.enqueue_indirect_dma source(%arg10 : memref<128x128xf32, #tpu.memory_space<vmem>>) target(%dma_start3A_237 : memref<10112x128xf32, #tpu.memory_space<vmem_shared>>) offsets(%dma_start3A_234 : memref<128xi32, #tpu.memory_space<vmem>>) semaphore(%run_scoped3A : memref<!tpu.dma_semaphore, #tpu.memory_space<semaphore_mem>>) {add = true}
          %dma_wait3A_238 = arith.constant 0 : i32
          %dma_wait3A_239 = tpu.memref_slice %arg8[%add3A_213, %dma_wait3A_238] : memref<40x128xi32, #tpu.memory_space<vmem>> -> memref<1x128xi32, #tpu.memory_space<vmem>>
          %dma_wait3A_240 = tpu.memref_squeeze %dma_wait3A_239 : memref<1x128xi32, #tpu.memory_space<vmem>> -> memref<128xi32, #tpu.memory_space<vmem>>
          %dma_wait3A_241 = arith.constant 0 : i32
          %dma_wait3A_242 = arith.constant 0 : i32
          %dma_wait3A_243 = tpu.memref_slice %arg11[%dma_wait3A_241, %dma_wait3A_242] : memref<10112x128xf32, #tpu.memory_space<vmem_shared>> -> memref<10112x128xf32, #tpu.memory_space<vmem_shared>>
          tpu.wait_indirect_dma semaphore(%run_scoped3A : memref<!tpu.dma_semaphore, #tpu.memory_space<semaphore_mem>>) src(%arg10 : memref<128x128xf32, #tpu.memory_space<vmem>>) dst(%dma_wait3A_243 : memref<10112x128xf32, #tpu.memory_space<vmem_shared>>)
          tpu.yield
        }) : () -> ()
        %add3A_221 = arith.constant 2 : i32
        %add3A_222 = arith.addi %add3A_213, %add3A_221 : i32
        %rem3A_223 = arith.constant 40 : i32
        %rem3A_224 = arith.remsi %add3A_222, %rem3A_223 : i32
        %dma_start3A_225 = arith.constant 0 : i32
        %dma_start3A_226 = tpu.memref_slice %arg7[%rem3A_224, %dma_start3A_225] : memref<40x128xi32, #tpu.memory_space<vmem>> -> memref<1x128xi32, #tpu.memory_space<vmem>>
        %dma_start3A_227 = tpu.memref_squeeze %dma_start3A_226 : memref<1x128xi32, #tpu.memory_space<vmem>> -> memref<128xi32, #tpu.memory_space<vmem>>
        %dma_start3A_228 = arith.constant 0 : i32
        %dma_start3A_229 = arith.constant 0 : i32
        %dma_start3A_230 = tpu.memref_slice %arg2[%dma_start3A_228, %dma_start3A_229] : memref<10240x128xf32, #tpu.memory_space<hbm>> -> memref<10240x128xf32, #tpu.memory_space<hbm>>
        tpu.enqueue_indirect_dma source(%dma_start3A_230 : memref<10240x128xf32, #tpu.memory_space<hbm>>) target(%arg10 : memref<128x128xf32, #tpu.memory_space<vmem>>) offsets(%dma_start3A_227 : memref<128xi32, #tpu.memory_space<vmem>>) semaphore(%arg13 : memref<!tpu.dma_semaphore, #tpu.memory_space<semaphore_mem>>)
        %scan3A_231 = arith.constant 0 : i32
        scf.yield %scan3A_231 : i32
      }
      %scan3A_173 = arith.constant 20 : i32
      %dma_wait3A_174 = arith.constant 0 : i32
      %dma_wait3A_175 = arith.constant 0 : i32
      %dma_wait3A_176 = tpu.memref_slice %arg7[%dma_wait3A_174, %dma_wait3A_175] : memref<40x128xi32, #tpu.memory_space<vmem>> -> memref<1x128xi32, #tpu.memory_space<vmem>>
      %dma_wait3A_177 = tpu.memref_squeeze %dma_wait3A_176 : memref<1x128xi32, #tpu.memory_space<vmem>> -> memref<128xi32, #tpu.memory_space<vmem>>
      %dma_wait3A_178 = arith.constant 0 : i32
      %dma_wait3A_179 = arith.constant 0 : i32
      %dma_wait3A_180 = tpu.memref_slice %arg2[%dma_wait3A_178, %dma_wait3A_179] : memref<10240x128xf32, #tpu.memory_space<hbm>> -> memref<10240x128xf32, #tpu.memory_space<hbm>>
      tpu.wait_indirect_dma semaphore(%arg12 : memref<!tpu.dma_semaphore, #tpu.memory_space<semaphore_mem>>) src(%dma_wait3A_180 : memref<10240x128xf32, #tpu.memory_space<hbm>>) dst(%arg9 : memref<128x128xf32, #tpu.memory_space<vmem>>)
      %dma_wait3A_181 = arith.constant 1 : i32
      %dma_wait3A_182 = arith.constant 0 : i32
      %dma_wait3A_183 = tpu.memref_slice %arg7[%dma_wait3A_181, %dma_wait3A_182] : memref<40x128xi32, #tpu.memory_space<vmem>> -> memref<1x128xi32, #tpu.memory_space<vmem>>
      %dma_wait3A_184 = tpu.memref_squeeze %dma_wait3A_183 : memref<1x128xi32, #tpu.memory_space<vmem>> -> memref<128xi32, #tpu.memory_space<vmem>>
      %dma_wait3A_185 = arith.constant 0 : i32
      %dma_wait3A_186 = arith.constant 0 : i32
      %dma_wait3A_187 = tpu.memref_slice %arg2[%dma_wait3A_185, %dma_wait3A_186] : memref<10240x128xf32, #tpu.memory_space<hbm>> -> memref<10240x128xf32, #tpu.memory_space<hbm>>
      tpu.wait_indirect_dma semaphore(%arg13 : memref<!tpu.dma_semaphore, #tpu.memory_space<semaphore_mem>>) src(%dma_wait3A_187 : memref<10240x128xf32, #tpu.memory_space<hbm>>) dst(%arg10 : memref<128x128xf32, #tpu.memory_space<vmem>>)
    } else {
    }
    %barrier3A_12 = arith.constant 0 : index
    tpu.barrier barrier_id(%barrier3A_12)
    %add3A_13 = arith.constant 0 : i32
    %add3A_14 = arith.addi %mul3A_0, %add3A_13 : i32
    "tpu.region"() ({
      %run_scoped3A = tpu.sem_alloc : memref<!tpu.dma_semaphore, #tpu.memory_space<semaphore_mem>>
      %dma_start3A = arith.constant 0 : i32
      %dma_start3A_33 = arith.constant 0 : i32
      %dma_start3A_34 = tpu.memref_slice %arg9[%dma_start3A, %dma_start3A_33] : memref<128x128xf32, #tpu.memory_space<vmem>> -> memref<128x128xf32, #tpu.memory_space<vmem>>
      %dma_start3A_35 = arith.constant 0 : i32
      %dma_start3A_36 = tpu.memref_slice %arg11[%add3A_14, %dma_start3A_35] : memref<10112x128xf32, #tpu.memory_space<vmem_shared>> -> memref<128x128xf32, #tpu.memory_space<vmem_shared>>
      %dma_start3A_37 = arith.constant 0 : i32
      %dma_start3A_38 = arith.constant 0 : i32
      %dma_start3A_39 = tpu.memref_slice %arg9[%dma_start3A_37, %dma_start3A_38] : memref<128x128xf32, #tpu.memory_space<vmem>> -> memref<128x128xf32, #tpu.memory_space<vmem>>
      %dma_start3A_40 = arith.constant 0 : i32
      %dma_start3A_41 = tpu.memref_slice %arg11[%add3A_14, %dma_start3A_40] : memref<10112x128xf32, #tpu.memory_space<vmem_shared>> -> memref<128x128xf32, #tpu.memory_space<vmem_shared>>
      tpu.enqueue_dma source(%dma_start3A_41 : memref<128x128xf32, #tpu.memory_space<vmem_shared>>) target(%dma_start3A_39 : memref<128x128xf32, #tpu.memory_space<vmem>>) target_semaphore(%run_scoped3A : memref<!tpu.dma_semaphore, #tpu.memory_space<semaphore_mem>>)
      %dma_wait3A = arith.constant 0 : i32
      %dma_wait3A_42 = arith.constant 0 : i32
      %dma_wait3A_43 = tpu.memref_slice %arg9[%dma_wait3A, %dma_wait3A_42] : memref<128x128xf32, #tpu.memory_space<vmem>> -> memref<128x128xf32, #tpu.memory_space<vmem>>
      %dma_wait3A_44 = arith.constant 0 : i32
      %dma_wait3A_45 = tpu.memref_slice %arg11[%add3A_14, %dma_wait3A_44] : memref<10112x128xf32, #tpu.memory_space<vmem_shared>> -> memref<128x128xf32, #tpu.memory_space<vmem_shared>>
      %dma_wait3A_46 = arith.constant 0 : i32
      %dma_wait3A_47 = arith.constant 0 : i32
      %dma_wait3A_48 = tpu.memref_slice %arg9[%dma_wait3A_46, %dma_wait3A_47] : memref<128x128xf32, #tpu.memory_space<vmem>> -> memref<128x128xf32, #tpu.memory_space<vmem>>
      %dma_wait3A_49 = arith.constant 0 : i32
      %dma_wait3A_50 = tpu.memref_slice %arg11[%add3A_14, %dma_wait3A_49] : memref<10112x128xf32, #tpu.memory_space<vmem_shared>> -> memref<128x128xf32, #tpu.memory_space<vmem_shared>>
      tpu.wait_dma2 semaphore(%run_scoped3A : memref<!tpu.dma_semaphore, #tpu.memory_space<semaphore_mem>>) src(%dma_wait3A_50 : memref<128x128xf32, #tpu.memory_space<vmem_shared>>) dst(%dma_wait3A_48 : memref<128x128xf32, #tpu.memory_space<vmem>>)
      tpu.yield
    }) : () -> ()
    %add3A_15 = arith.constant 0 : i32
    %add3A_16 = arith.addi %mul3A_0, %add3A_15 : i32
    "tpu.region"() ({
      %run_scoped3A = tpu.sem_alloc : memref<!tpu.dma_semaphore, #tpu.memory_space<semaphore_mem>>
      %dma_start3A = arith.constant 0 : i32
      %dma_start3A_33 = arith.constant 0 : i32
      %dma_start3A_34 = tpu.memref_slice %arg9[%dma_start3A, %dma_start3A_33] : memref<128x128xf32, #tpu.memory_space<vmem>> -> memref<128x128xf32, #tpu.memory_space<vmem>>
      %dma_start3A_35 = arith.constant 0 : i32
      %dma_start3A_36 = tpu.memref_slice %arg6[%arg0, %add3A_16, %dma_start3A_35] : memref<2x10112x128xf32, #tpu.memory_space<hbm>> -> memref<1x128x128xf32, #tpu.memory_space<hbm>>
      %dma_start3A_37 = tpu.memref_squeeze %dma_start3A_36 : memref<1x128x128xf32, #tpu.memory_space<hbm>> -> memref<128x128xf32, #tpu.memory_space<hbm>>
      %dma_start3A_38 = arith.constant 0 : i32
      %dma_start3A_39 = tpu.memref_slice %arg6[%arg0, %add3A_16, %dma_start3A_38] : memref<2x10112x128xf32, #tpu.memory_space<hbm>> -> memref<1x128x128xf32, #tpu.memory_space<hbm>>
      %dma_start3A_40 = tpu.memref_squeeze %dma_start3A_39 : memref<1x128x128xf32, #tpu.memory_space<hbm>> -> memref<128x128xf32, #tpu.memory_space<hbm>>
      %dma_start3A_41 = arith.constant 0 : i32
      %dma_start3A_42 = arith.constant 0 : i32
      %dma_start3A_43 = tpu.memref_slice %arg9[%dma_start3A_41, %dma_start3A_42] : memref<128x128xf32, #tpu.memory_space<vmem>> -> memref<128x128xf32, #tpu.memory_space<vmem>>
      tpu.enqueue_dma source(%dma_start3A_43 : memref<128x128xf32, #tpu.memory_space<vmem>>) target(%dma_start3A_40 : memref<128x128xf32, #tpu.memory_space<hbm>>) target_semaphore(%run_scoped3A : memref<!tpu.dma_semaphore, #tpu.memory_space<semaphore_mem>>)
      %dma_wait3A = arith.constant 0 : i32
      %dma_wait3A_44 = arith.constant 0 : i32
      %dma_wait3A_45 = tpu.memref_slice %arg9[%dma_wait3A, %dma_wait3A_44] : memref<128x128xf32, #tpu.memory_space<vmem>> -> memref<128x128xf32, #tpu.memory_space<vmem>>
      %dma_wait3A_46 = arith.constant 0 : i32
      %dma_wait3A_47 = tpu.memref_slice %arg6[%arg0, %add3A_16, %dma_wait3A_46] : memref<2x10112x128xf32, #tpu.memory_space<hbm>> -> memref<1x128x128xf32, #tpu.memory_space<hbm>>
      %dma_wait3A_48 = tpu.memref_squeeze %dma_wait3A_47 : memref<1x128x128xf32, #tpu.memory_space<hbm>> -> memref<128x128xf32, #tpu.memory_space<hbm>>
      %dma_wait3A_49 = arith.constant 0 : i32
      %dma_wait3A_50 = tpu.memref_slice %arg6[%arg0, %add3A_16, %dma_wait3A_49] : memref<2x10112x128xf32, #tpu.memory_space<hbm>> -> memref<1x128x128xf32, #tpu.memory_space<hbm>>
      %dma_wait3A_51 = tpu.memref_squeeze %dma_wait3A_50 : memref<1x128x128xf32, #tpu.memory_space<hbm>> -> memref<128x128xf32, #tpu.memory_space<hbm>>
      %dma_wait3A_52 = arith.constant 0 : i32
      %dma_wait3A_53 = arith.constant 0 : i32
      %dma_wait3A_54 = tpu.memref_slice %arg9[%dma_wait3A_52, %dma_wait3A_53] : memref<128x128xf32, #tpu.memory_space<vmem>> -> memref<128x128xf32, #tpu.memory_space<vmem>>
      tpu.wait_dma2 semaphore(%run_scoped3A : memref<!tpu.dma_semaphore, #tpu.memory_space<semaphore_mem>>) src(%dma_wait3A_54 : memref<128x128xf32, #tpu.memory_space<vmem>>) dst(%dma_wait3A_51 : memref<128x128xf32, #tpu.memory_space<hbm>>)
      tpu.yield
    }) : () -> ()
    %add3A_17 = arith.constant 128 : i32
    %add3A_18 = arith.addi %mul3A_0, %add3A_17 : i32
    "tpu.region"() ({
      %run_scoped3A = tpu.sem_alloc : memref<!tpu.dma_semaphore, #tpu.memory_space<semaphore_mem>>
      %dma_start3A = arith.constant 0 : i32
      %dma_start3A_33 = arith.constant 0 : i32
      %dma_start3A_34 = tpu.memref_slice %arg9[%dma_start3A, %dma_start3A_33] : memref<128x128xf32, #tpu.memory_space<vmem>> -> memref<128x128xf32, #tpu.memory_space<vmem>>
      %dma_start3A_35 = arith.constant 0 : i32
      %dma_start3A_36 = tpu.memref_slice %arg11[%add3A_18, %dma_start3A_35] : memref<10112x128xf32, #tpu.memory_space<vmem_shared>> -> memref<128x128xf32, #tpu.memory_space<vmem_shared>>
      %dma_start3A_37 = arith.constant 0 : i32
      %dma_start3A_38 = arith.constant 0 : i32
      %dma_start3A_39 = tpu.memref_slice %arg9[%dma_start3A_37, %dma_start3A_38] : memref<128x128xf32, #tpu.memory_space<vmem>> -> memref<128x128xf32, #tpu.memory_space<vmem>>
      %dma_start3A_40 = arith.constant 0 : i32
      %dma_start3A_41 = tpu.memref_slice %arg11[%add3A_18, %dma_start3A_40] : memref<10112x128xf32, #tpu.memory_space<vmem_shared>> -> memref<128x128xf32, #tpu.memory_space<vmem_shared>>
      tpu.enqueue_dma source(%dma_start3A_41 : memref<128x128xf32, #tpu.memory_space<vmem_shared>>) target(%dma_start3A_39 : memref<128x128xf32, #tpu.memory_space<vmem>>) target_semaphore(%run_scoped3A : memref<!tpu.dma_semaphore, #tpu.memory_space<semaphore_mem>>)
      %dma_wait3A = arith.constant 0 : i32
      %dma_wait3A_42 = arith.constant 0 : i32
      %dma_wait3A_43 = tpu.memref_slice %arg9[%dma_wait3A, %dma_wait3A_42] : memref<128x128xf32, #tpu.memory_space<vmem>> -> memref<128x128xf32, #tpu.memory_space<vmem>>
      %dma_wait3A_44 = arith.constant 0 : i32
      %dma_wait3A_45 = tpu.memref_slice %arg11[%add3A_18, %dma_wait3A_44] : memref<10112x128xf32, #tpu.memory_space<vmem_shared>> -> memref<128x128xf32, #tpu.memory_space<vmem_shared>>
      %dma_wait3A_46 = arith.constant 0 : i32
      %dma_wait3A_47 = arith.constant 0 : i32
      %dma_wait3A_48 = tpu.memref_slice %arg9[%dma_wait3A_46, %dma_wait3A_47] : memref<128x128xf32, #tpu.memory_space<vmem>> -> memref<128x128xf32, #tpu.memory_space<vmem>>
      %dma_wait3A_49 = arith.constant 0 : i32
      %dma_wait3A_50 = tpu.memref_slice %arg11[%add3A_18, %dma_wait3A_49] : memref<10112x128xf32, #tpu.memory_space<vmem_shared>> -> memref<128x128xf32, #tpu.memory_space<vmem_shared>>
      tpu.wait_dma2 semaphore(%run_scoped3A : memref<!tpu.dma_semaphore, #tpu.memory_space<semaphore_mem>>) src(%dma_wait3A_50 : memref<128x128xf32, #tpu.memory_space<vmem_shared>>) dst(%dma_wait3A_48 : memref<128x128xf32, #tpu.memory_space<vmem>>)
      tpu.yield
    }) : () -> ()
    %add3A_19 = arith.constant 128 : i32
    %add3A_20 = arith.addi %mul3A_0, %add3A_19 : i32
    "tpu.region"() ({
      %run_scoped3A = tpu.sem_alloc : memref<!tpu.dma_semaphore, #tpu.memory_space<semaphore_mem>>
      %dma_start3A = arith.constant 0 : i32
      %dma_start3A_33 = arith.constant 0 : i32
      %dma_start3A_34 = tpu.memref_slice %arg9[%dma_start3A, %dma_start3A_33] : memref<128x128xf32, #tpu.memory_space<vmem>> -> memref<128x128xf32, #tpu.memory_space<vmem>>
      %dma_start3A_35 = arith.constant 0 : i32
      %dma_start3A_36 = tpu.memref_slice %arg6[%arg0, %add3A_20, %dma_start3A_35] : memref<2x10112x128xf32, #tpu.memory_space<hbm>> -> memref<1x128x128xf32, #tpu.memory_space<hbm>>
      %dma_start3A_37 = tpu.memref_squeeze %dma_start3A_36 : memref<1x128x128xf32, #tpu.memory_space<hbm>> -> memref<128x128xf32, #tpu.memory_space<hbm>>
      %dma_start3A_38 = arith.constant 0 : i32
      %dma_start3A_39 = tpu.memref_slice %arg6[%arg0, %add3A_20, %dma_start3A_38] : memref<2x10112x128xf32, #tpu.memory_space<hbm>> -> memref<1x128x128xf32, #tpu.memory_space<hbm>>
      %dma_start3A_40 = tpu.memref_squeeze %dma_start3A_39 : memref<1x128x128xf32, #tpu.memory_space<hbm>> -> memref<128x128xf32, #tpu.memory_space<hbm>>
      %dma_start3A_41 = arith.constant 0 : i32
      %dma_start3A_42 = arith.constant 0 : i32
      %dma_start3A_43 = tpu.memref_slice %arg9[%dma_start3A_41, %dma_start3A_42] : memref<128x128xf32, #tpu.memory_space<vmem>> -> memref<128x128xf32, #tpu.memory_space<vmem>>
      tpu.enqueue_dma source(%dma_start3A_43 : memref<128x128xf32, #tpu.memory_space<vmem>>) target(%dma_start3A_40 : memref<128x128xf32, #tpu.memory_space<hbm>>) target_semaphore(%run_scoped3A : memref<!tpu.dma_semaphore, #tpu.memory_space<semaphore_mem>>)
      %dma_wait3A = arith.constant 0 : i32
      %dma_wait3A_44 = arith.constant 0 : i32
      %dma_wait3A_45 = tpu.memref_slice %arg9[%dma_wait3A, %dma_wait3A_44] : memref<128x128xf32, #tpu.memory_space<vmem>> -> memref<128x128xf32, #tpu.memory_space<vmem>>
      %dma_wait3A_46 = arith.constant 0 : i32
      %dma_wait3A_47 = tpu.memref_slice %arg6[%arg0, %add3A_20, %dma_wait3A_46] : memref<2x10112x128xf32, #tpu.memory_space<hbm>> -> memref<1x128x128xf32, #tpu.memory_space<hbm>>
      %dma_wait3A_48 = tpu.memref_squeeze %dma_wait3A_47 : memref<1x128x128xf32, #tpu.memory_space<hbm>> -> memref<128x128xf32, #tpu.memory_space<hbm>>
      %dma_wait3A_49 = arith.constant 0 : i32
      %dma_wait3A_50 = tpu.memref_slice %arg6[%arg0, %add3A_20, %dma_wait3A_49] : memref<2x10112x128xf32, #tpu.memory_space<hbm>> -> memref<1x128x128xf32, #tpu.memory_space<hbm>>
      %dma_wait3A_51 = tpu.memref_squeeze %dma_wait3A_50 : memref<1x128x128xf32, #tpu.memory_space<hbm>> -> memref<128x128xf32, #tpu.memory_space<hbm>>
      %dma_wait3A_52 = arith.constant 0 : i32
      %dma_wait3A_53 = arith.constant 0 : i32
      %dma_wait3A_54 = tpu.memref_slice %arg9[%dma_wait3A_52, %dma_wait3A_53] : memref<128x128xf32, #tpu.memory_space<vmem>> -> memref<128x128xf32, #tpu.memory_space<vmem>>
      tpu.wait_dma2 semaphore(%run_scoped3A : memref<!tpu.dma_semaphore, #tpu.memory_space<semaphore_mem>>) src(%dma_wait3A_54 : memref<128x128xf32, #tpu.memory_space<vmem>>) dst(%dma_wait3A_51 : memref<128x128xf32, #tpu.memory_space<hbm>>)
      tpu.yield
    }) : () -> ()
    %add3A_21 = arith.constant 256 : i32
    %add3A_22 = arith.addi %mul3A_0, %add3A_21 : i32
    "tpu.region"() ({
      %run_scoped3A = tpu.sem_alloc : memref<!tpu.dma_semaphore, #tpu.memory_space<semaphore_mem>>
      %dma_start3A = arith.constant 0 : i32
      %dma_start3A_33 = arith.constant 0 : i32
      %dma_start3A_34 = tpu.memref_slice %arg9[%dma_start3A, %dma_start3A_33] : memref<128x128xf32, #tpu.memory_space<vmem>> -> memref<128x128xf32, #tpu.memory_space<vmem>>
      %dma_start3A_35 = arith.constant 0 : i32
      %dma_start3A_36 = tpu.memref_slice %arg11[%add3A_22, %dma_start3A_35] : memref<10112x128xf32, #tpu.memory_space<vmem_shared>> -> memref<128x128xf32, #tpu.memory_space<vmem_shared>>
      %dma_start3A_37 = arith.constant 0 : i32
      %dma_start3A_38 = arith.constant 0 : i32
      %dma_start3A_39 = tpu.memref_slice %arg9[%dma_start3A_37, %dma_start3A_38] : memref<128x128xf32, #tpu.memory_space<vmem>> -> memref<128x128xf32, #tpu.memory_space<vmem>>
      %dma_start3A_40 = arith.constant 0 : i32
      %dma_start3A_41 = tpu.memref_slice %arg11[%add3A_22, %dma_start3A_40] : memref<10112x128xf32, #tpu.memory_space<vmem_shared>> -> memref<128x128xf32, #tpu.memory_space<vmem_shared>>
      tpu.enqueue_dma source(%dma_start3A_41 : memref<128x128xf32, #tpu.memory_space<vmem_shared>>) target(%dma_start3A_39 : memref<128x128xf32, #tpu.memory_space<vmem>>) target_semaphore(%run_scoped3A : memref<!tpu.dma_semaphore, #tpu.memory_space<semaphore_mem>>)
      %dma_wait3A = arith.constant 0 : i32
      %dma_wait3A_42 = arith.constant 0 : i32
      %dma_wait3A_43 = tpu.memref_slice %arg9[%dma_wait3A, %dma_wait3A_42] : memref<128x128xf32, #tpu.memory_space<vmem>> -> memref<128x128xf32, #tpu.memory_space<vmem>>
      %dma_wait3A_44 = arith.constant 0 : i32
      %dma_wait3A_45 = tpu.memref_slice %arg11[%add3A_22, %dma_wait3A_44] : memref<10112x128xf32, #tpu.memory_space<vmem_shared>> -> memref<128x128xf32, #tpu.memory_space<vmem_shared>>
      %dma_wait3A_46 = arith.constant 0 : i32
      %dma_wait3A_47 = arith.constant 0 : i32
      %dma_wait3A_48 = tpu.memref_slice %arg9[%dma_wait3A_46, %dma_wait3A_47] : memref<128x128xf32, #tpu.memory_space<vmem>> -> memref<128x128xf32, #tpu.memory_space<vmem>>
      %dma_wait3A_49 = arith.constant 0 : i32
      %dma_wait3A_50 = tpu.memref_slice %arg11[%add3A_22, %dma_wait3A_49] : memref<10112x128xf32, #tpu.memory_space<vmem_shared>> -> memref<128x128xf32, #tpu.memory_space<vmem_shared>>
      tpu.wait_dma2 semaphore(%run_scoped3A : memref<!tpu.dma_semaphore, #tpu.memory_space<semaphore_mem>>) src(%dma_wait3A_50 : memref<128x128xf32, #tpu.memory_space<vmem_shared>>) dst(%dma_wait3A_48 : memref<128x128xf32, #tpu.memory_space<vmem>>)
      tpu.yield
    }) : () -> ()
    %add3A_23 = arith.constant 256 : i32
    %add3A_24 = arith.addi %mul3A_0, %add3A_23 : i32
    "tpu.region"() ({
      %run_scoped3A = tpu.sem_alloc : memref<!tpu.dma_semaphore, #tpu.memory_space<semaphore_mem>>
      %dma_start3A = arith.constant 0 : i32
      %dma_start3A_33 = arith.constant 0 : i32
      %dma_start3A_34 = tpu.memref_slice %arg9[%dma_start3A, %dma_start3A_33] : memref<128x128xf32, #tpu.memory_space<vmem>> -> memref<128x128xf32, #tpu.memory_space<vmem>>
      %dma_start3A_35 = arith.constant 0 : i32
      %dma_start3A_36 = tpu.memref_slice %arg6[%arg0, %add3A_24, %dma_start3A_35] : memref<2x10112x128xf32, #tpu.memory_space<hbm>> -> memref<1x128x128xf32, #tpu.memory_space<hbm>>
      %dma_start3A_37 = tpu.memref_squeeze %dma_start3A_36 : memref<1x128x128xf32, #tpu.memory_space<hbm>> -> memref<128x128xf32, #tpu.memory_space<hbm>>
      %dma_start3A_38 = arith.constant 0 : i32
      %dma_start3A_39 = tpu.memref_slice %arg6[%arg0, %add3A_24, %dma_start3A_38] : memref<2x10112x128xf32, #tpu.memory_space<hbm>> -> memref<1x128x128xf32, #tpu.memory_space<hbm>>
      %dma_start3A_40 = tpu.memref_squeeze %dma_start3A_39 : memref<1x128x128xf32, #tpu.memory_space<hbm>> -> memref<128x128xf32, #tpu.memory_space<hbm>>
      %dma_start3A_41 = arith.constant 0 : i32
      %dma_start3A_42 = arith.constant 0 : i32
      %dma_start3A_43 = tpu.memref_slice %arg9[%dma_start3A_41, %dma_start3A_42] : memref<128x128xf32, #tpu.memory_space<vmem>> -> memref<128x128xf32, #tpu.memory_space<vmem>>
      tpu.enqueue_dma source(%dma_start3A_43 : memref<128x128xf32, #tpu.memory_space<vmem>>) target(%dma_start3A_40 : memref<128x128xf32, #tpu.memory_space<hbm>>) target_semaphore(%run_scoped3A : memref<!tpu.dma_semaphore, #tpu.memory_space<semaphore_mem>>)
      %dma_wait3A = arith.constant 0 : i32
      %dma_wait3A_44 = arith.constant 0 : i32
      %dma_wait3A_45 = tpu.memref_slice %arg9[%dma_wait3A, %dma_wait3A_44] : memref<128x128xf32, #tpu.memory_space<vmem>> -> memref<128x128xf32, #tpu.memory_space<vmem>>
      %dma_wait3A_46 = arith.constant 0 : i32
      %dma_wait3A_47 = tpu.memref_slice %arg6[%arg0, %add3A_24, %dma_wait3A_46] : memref<2x10112x128xf32, #tpu.memory_space<hbm>> -> memref<1x128x128xf32, #tpu.memory_space<hbm>>
      %dma_wait3A_48 = tpu.memref_squeeze %dma_wait3A_47 : memref<1x128x128xf32, #tpu.memory_space<hbm>> -> memref<128x128xf32, #tpu.memory_space<hbm>>
      %dma_wait3A_49 = arith.constant 0 : i32
      %dma_wait3A_50 = tpu.memref_slice %arg6[%arg0, %add3A_24, %dma_wait3A_49] : memref<2x10112x128xf32, #tpu.memory_space<hbm>> -> memref<1x128x128xf32, #tpu.memory_space<hbm>>
      %dma_wait3A_51 = tpu.memref_squeeze %dma_wait3A_50 : memref<1x128x128xf32, #tpu.memory_space<hbm>> -> memref<128x128xf32, #tpu.memory_space<hbm>>
      %dma_wait3A_52 = arith.constant 0 : i32
      %dma_wait3A_53 = arith.constant 0 : i32
      %dma_wait3A_54 = tpu.memref_slice %arg9[%dma_wait3A_52, %dma_wait3A_53] : memref<128x128xf32, #tpu.memory_space<vmem>> -> memref<128x128xf32, #tpu.memory_space<vmem>>
      tpu.wait_dma2 semaphore(%run_scoped3A : memref<!tpu.dma_semaphore, #tpu.memory_space<semaphore_mem>>) src(%dma_wait3A_54 : memref<128x128xf32, #tpu.memory_space<vmem>>) dst(%dma_wait3A_51 : memref<128x128xf32, #tpu.memory_space<hbm>>)
      tpu.yield
    }) : () -> ()
    %add3A_25 = arith.constant 384 : i32
    %add3A_26 = arith.addi %mul3A_0, %add3A_25 : i32
    "tpu.region"() ({
      %run_scoped3A = tpu.sem_alloc : memref<!tpu.dma_semaphore, #tpu.memory_space<semaphore_mem>>
      %dma_start3A = arith.constant 0 : i32
      %dma_start3A_33 = arith.constant 0 : i32
      %dma_start3A_34 = tpu.memref_slice %arg9[%dma_start3A, %dma_start3A_33] : memref<128x128xf32, #tpu.memory_space<vmem>> -> memref<128x128xf32, #tpu.memory_space<vmem>>
      %dma_start3A_35 = arith.constant 0 : i32
      %dma_start3A_36 = tpu.memref_slice %arg11[%add3A_26, %dma_start3A_35] : memref<10112x128xf32, #tpu.memory_space<vmem_shared>> -> memref<128x128xf32, #tpu.memory_space<vmem_shared>>
      %dma_start3A_37 = arith.constant 0 : i32
      %dma_start3A_38 = arith.constant 0 : i32
      %dma_start3A_39 = tpu.memref_slice %arg9[%dma_start3A_37, %dma_start3A_38] : memref<128x128xf32, #tpu.memory_space<vmem>> -> memref<128x128xf32, #tpu.memory_space<vmem>>
      %dma_start3A_40 = arith.constant 0 : i32
      %dma_start3A_41 = tpu.memref_slice %arg11[%add3A_26, %dma_start3A_40] : memref<10112x128xf32, #tpu.memory_space<vmem_shared>> -> memref<128x128xf32, #tpu.memory_space<vmem_shared>>
      tpu.enqueue_dma source(%dma_start3A_41 : memref<128x128xf32, #tpu.memory_space<vmem_shared>>) target(%dma_start3A_39 : memref<128x128xf32, #tpu.memory_space<vmem>>) target_semaphore(%run_scoped3A : memref<!tpu.dma_semaphore, #tpu.memory_space<semaphore_mem>>)
      %dma_wait3A = arith.constant 0 : i32
      %dma_wait3A_42 = arith.constant 0 : i32
      %dma_wait3A_43 = tpu.memref_slice %arg9[%dma_wait3A, %dma_wait3A_42] : memref<128x128xf32, #tpu.memory_space<vmem>> -> memref<128x128xf32, #tpu.memory_space<vmem>>
      %dma_wait3A_44 = arith.constant 0 : i32
      %dma_wait3A_45 = tpu.memref_slice %arg11[%add3A_26, %dma_wait3A_44] : memref<10112x128xf32, #tpu.memory_space<vmem_shared>> -> memref<128x128xf32, #tpu.memory_space<vmem_shared>>
      %dma_wait3A_46 = arith.constant 0 : i32
      %dma_wait3A_47 = arith.constant 0 : i32
      %dma_wait3A_48 = tpu.memref_slice %arg9[%dma_wait3A_46, %dma_wait3A_47] : memref<128x128xf32, #tpu.memory_space<vmem>> -> memref<128x128xf32, #tpu.memory_space<vmem>>
      %dma_wait3A_49 = arith.constant 0 : i32
      %dma_wait3A_50 = tpu.memref_slice %arg11[%add3A_26, %dma_wait3A_49] : memref<10112x128xf32, #tpu.memory_space<vmem_shared>> -> memref<128x128xf32, #tpu.memory_space<vmem_shared>>
      tpu.wait_dma2 semaphore(%run_scoped3A : memref<!tpu.dma_semaphore, #tpu.memory_space<semaphore_mem>>) src(%dma_wait3A_50 : memref<128x128xf32, #tpu.memory_space<vmem_shared>>) dst(%dma_wait3A_48 : memref<128x128xf32, #tpu.memory_space<vmem>>)
      tpu.yield
    }) : () -> ()
    %add3A_27 = arith.constant 384 : i32
    %add3A_28 = arith.addi %mul3A_0, %add3A_27 : i32
    "tpu.region"() ({
      %run_scoped3A = tpu.sem_alloc : memref<!tpu.dma_semaphore, #tpu.memory_space<semaphore_mem>>
      %dma_start3A = arith.constant 0 : i32
      %dma_start3A_33 = arith.constant 0 : i32
      %dma_start3A_34 = tpu.memref_slice %arg9[%dma_start3A, %dma_start3A_33] : memref<128x128xf32, #tpu.memory_space<vmem>> -> memref<128x128xf32, #tpu.memory_space<vmem>>
      %dma_start3A_35 = arith.constant 0 : i32
      %dma_start3A_36 = tpu.memref_slice %arg6[%arg0, %add3A_28, %dma_start3A_35] : memref<2x10112x128xf32, #tpu.memory_space<hbm>> -> memref<1x128x128xf32, #tpu.memory_space<hbm>>
      %dma_start3A_37 = tpu.memref_squeeze %dma_start3A_36 : memref<1x128x128xf32, #tpu.memory_space<hbm>> -> memref<128x128xf32, #tpu.memory_space<hbm>>
      %dma_start3A_38 = arith.constant 0 : i32
      %dma_start3A_39 = tpu.memref_slice %arg6[%arg0, %add3A_28, %dma_start3A_38] : memref<2x10112x128xf32, #tpu.memory_space<hbm>> -> memref<1x128x128xf32, #tpu.memory_space<hbm>>
      %dma_start3A_40 = tpu.memref_squeeze %dma_start3A_39 : memref<1x128x128xf32, #tpu.memory_space<hbm>> -> memref<128x128xf32, #tpu.memory_space<hbm>>
      %dma_start3A_41 = arith.constant 0 : i32
      %dma_start3A_42 = arith.constant 0 : i32
      %dma_start3A_43 = tpu.memref_slice %arg9[%dma_start3A_41, %dma_start3A_42] : memref<128x128xf32, #tpu.memory_space<vmem>> -> memref<128x128xf32, #tpu.memory_space<vmem>>
      tpu.enqueue_dma source(%dma_start3A_43 : memref<128x128xf32, #tpu.memory_space<vmem>>) target(%dma_start3A_40 : memref<128x128xf32, #tpu.memory_space<hbm>>) target_semaphore(%run_scoped3A : memref<!tpu.dma_semaphore, #tpu.memory_space<semaphore_mem>>)
      %dma_wait3A = arith.constant 0 : i32
      %dma_wait3A_44 = arith.constant 0 : i32
      %dma_wait3A_45 = tpu.memref_slice %arg9[%dma_wait3A, %dma_wait3A_44] : memref<128x128xf32, #tpu.memory_space<vmem>> -> memref<128x128xf32, #tpu.memory_space<vmem>>
      %dma_wait3A_46 = arith.constant 0 : i32
      %dma_wait3A_47 = tpu.memref_slice %arg6[%arg0, %add3A_28, %dma_wait3A_46] : memref<2x10112x128xf32, #tpu.memory_space<hbm>> -> memref<1x128x128xf32, #tpu.memory_space<hbm>>
      %dma_wait3A_48 = tpu.memref_squeeze %dma_wait3A_47 : memref<1x128x128xf32, #tpu.memory_space<hbm>> -> memref<128x128xf32, #tpu.memory_space<hbm>>
      %dma_wait3A_49 = arith.constant 0 : i32
      %dma_wait3A_50 = tpu.memref_slice %arg6[%arg0, %add3A_28, %dma_wait3A_49] : memref<2x10112x128xf32, #tpu.memory_space<hbm>> -> memref<1x128x128xf32, #tpu.memory_space<hbm>>
      %dma_wait3A_51 = tpu.memref_squeeze %dma_wait3A_50 : memref<1x128x128xf32, #tpu.memory_space<hbm>> -> memref<128x128xf32, #tpu.memory_space<hbm>>
      %dma_wait3A_52 = arith.constant 0 : i32
      %dma_wait3A_53 = arith.constant 0 : i32
      %dma_wait3A_54 = tpu.memref_slice %arg9[%dma_wait3A_52, %dma_wait3A_53] : memref<128x128xf32, #tpu.memory_space<vmem>> -> memref<128x128xf32, #tpu.memory_space<vmem>>
      tpu.wait_dma2 semaphore(%run_scoped3A : memref<!tpu.dma_semaphore, #tpu.memory_space<semaphore_mem>>) src(%dma_wait3A_54 : memref<128x128xf32, #tpu.memory_space<vmem>>) dst(%dma_wait3A_51 : memref<128x128xf32, #tpu.memory_space<hbm>>)
      tpu.yield
    }) : () -> ()
    %add3A_29 = arith.constant 512 : i32
    %add3A_30 = arith.addi %mul3A_0, %add3A_29 : i32
    "tpu.region"() ({
      %run_scoped3A = tpu.sem_alloc : memref<!tpu.dma_semaphore, #tpu.memory_space<semaphore_mem>>
      %dma_start3A = arith.constant 0 : i32
      %dma_start3A_33 = arith.constant 0 : i32
      %dma_start3A_34 = tpu.memref_slice %arg9[%dma_start3A, %dma_start3A_33] : memref<128x128xf32, #tpu.memory_space<vmem>> -> memref<120x128xf32, #tpu.memory_space<vmem>>
      %dma_start3A_35 = arith.constant 0 : i32
      %dma_start3A_36 = tpu.memref_slice %arg11[%add3A_30, %dma_start3A_35] : memref<10112x128xf32, #tpu.memory_space<vmem_shared>> -> memref<120x128xf32, #tpu.memory_space<vmem_shared>>
      %dma_start3A_37 = arith.constant 0 : i32
      %dma_start3A_38 = arith.constant 0 : i32
      %dma_start3A_39 = tpu.memref_slice %arg9[%dma_start3A_37, %dma_start3A_38] : memref<128x128xf32, #tpu.memory_space<vmem>> -> memref<120x128xf32, #tpu.memory_space<vmem>>
      %dma_start3A_40 = arith.constant 0 : i32
      %dma_start3A_41 = tpu.memref_slice %arg11[%add3A_30, %dma_start3A_40] : memref<10112x128xf32, #tpu.memory_space<vmem_shared>> -> memref<120x128xf32, #tpu.memory_space<vmem_shared>>
      tpu.enqueue_dma source(%dma_start3A_41 : memref<120x128xf32, #tpu.memory_space<vmem_shared>>) target(%dma_start3A_39 : memref<120x128xf32, #tpu.memory_space<vmem>>) target_semaphore(%run_scoped3A : memref<!tpu.dma_semaphore, #tpu.memory_space<semaphore_mem>>)
      %dma_wait3A = arith.constant 0 : i32
      %dma_wait3A_42 = arith.constant 0 : i32
      %dma_wait3A_43 = tpu.memref_slice %arg9[%dma_wait3A, %dma_wait3A_42] : memref<128x128xf32, #tpu.memory_space<vmem>> -> memref<120x128xf32, #tpu.memory_space<vmem>>
      %dma_wait3A_44 = arith.constant 0 : i32
      %dma_wait3A_45 = tpu.memref_slice %arg11[%add3A_30, %dma_wait3A_44] : memref<10112x128xf32, #tpu.memory_space<vmem_shared>> -> memref<120x128xf32, #tpu.memory_space<vmem_shared>>
      %dma_wait3A_46 = arith.constant 0 : i32
      %dma_wait3A_47 = arith.constant 0 : i32
      %dma_wait3A_48 = tpu.memref_slice %arg9[%dma_wait3A_46, %dma_wait3A_47] : memref<128x128xf32, #tpu.memory_space<vmem>> -> memref<120x128xf32, #tpu.memory_space<vmem>>
      %dma_wait3A_49 = arith.constant 0 : i32
      %dma_wait3A_50 = tpu.memref_slice %arg11[%add3A_30, %dma_wait3A_49] : memref<10112x128xf32, #tpu.memory_space<vmem_shared>> -> memref<120x128xf32, #tpu.memory_space<vmem_shared>>
      tpu.wait_dma2 semaphore(%run_scoped3A : memref<!tpu.dma_semaphore, #tpu.memory_space<semaphore_mem>>) src(%dma_wait3A_50 : memref<120x128xf32, #tpu.memory_space<vmem_shared>>) dst(%dma_wait3A_48 : memref<120x128xf32, #tpu.memory_space<vmem>>)
      tpu.yield
    }) : () -> ()
    %add3A_31 = arith.constant 512 : i32
    %add3A_32 = arith.addi %mul3A_0, %add3A_31 : i32
    "tpu.region"() ({
      %run_scoped3A = tpu.sem_alloc : memref<!tpu.dma_semaphore, #tpu.memory_space<semaphore_mem>>
      %dma_start3A = arith.constant 0 : i32
      %dma_start3A_33 = arith.constant 0 : i32
      %dma_start3A_34 = tpu.memref_slice %arg9[%dma_start3A, %dma_start3A_33] : memref<128x128xf32, #tpu.memory_space<vmem>> -> memref<120x128xf32, #tpu.memory_space<vmem>>
      %dma_start3A_35 = arith.constant 0 : i32
      %dma_start3A_36 = tpu.memref_slice %arg6[%arg0, %add3A_32, %dma_start3A_35] : memref<2x10112x128xf32, #tpu.memory_space<hbm>> -> memref<1x120x128xf32, #tpu.memory_space<hbm>>
      %dma_start3A_37 = tpu.memref_squeeze %dma_start3A_36 : memref<1x120x128xf32, #tpu.memory_space<hbm>> -> memref<120x128xf32, #tpu.memory_space<hbm>>
      %dma_start3A_38 = arith.constant 0 : i32
      %dma_start3A_39 = tpu.memref_slice %arg6[%arg0, %add3A_32, %dma_start3A_38] : memref<2x10112x128xf32, #tpu.memory_space<hbm>> -> memref<1x120x128xf32, #tpu.memory_space<hbm>>
      %dma_start3A_40 = tpu.memref_squeeze %dma_start3A_39 : memref<1x120x128xf32, #tpu.memory_space<hbm>> -> memref<120x128xf32, #tpu.memory_space<hbm>>
      %dma_start3A_41 = arith.constant 0 : i32
      %dma_start3A_42 = arith.constant 0 : i32
      %dma_start3A_43 = tpu.memref_slice %arg9[%dma_start3A_41, %dma_start3A_42] : memref<128x128xf32, #tpu.memory_space<vmem>> -> memref<120x128xf32, #tpu.memory_space<vmem>>
      tpu.enqueue_dma source(%dma_start3A_43 : memref<120x128xf32, #tpu.memory_space<vmem>>) target(%dma_start3A_40 : memref<120x128xf32, #tpu.memory_space<hbm>>) target_semaphore(%run_scoped3A : memref<!tpu.dma_semaphore, #tpu.memory_space<semaphore_mem>>)
      %dma_wait3A = arith.constant 0 : i32
      %dma_wait3A_44 = arith.constant 0 : i32
      %dma_wait3A_45 = tpu.memref_slice %arg9[%dma_wait3A, %dma_wait3A_44] : memref<128x128xf32, #tpu.memory_space<vmem>> -> memref<120x128xf32, #tpu.memory_space<vmem>>
      %dma_wait3A_46 = arith.constant 0 : i32
      %dma_wait3A_47 = tpu.memref_slice %arg6[%arg0, %add3A_32, %dma_wait3A_46] : memref<2x10112x128xf32, #tpu.memory_space<hbm>> -> memref<1x120x128xf32, #tpu.memory_space<hbm>>
      %dma_wait3A_48 = tpu.memref_squeeze %dma_wait3A_47 : memref<1x120x128xf32, #tpu.memory_space<hbm>> -> memref<120x128xf32, #tpu.memory_space<hbm>>
      %dma_wait3A_49 = arith.constant 0 : i32
      %dma_wait3A_50 = tpu.memref_slice %arg6[%arg0, %add3A_32, %dma_wait3A_49] : memref<2x10112x128xf32, #tpu.memory_space<hbm>> -> memref<1x120x128xf32, #tpu.memory_space<hbm>>
      %dma_wait3A_51 = tpu.memref_squeeze %dma_wait3A_50 : memref<1x120x128xf32, #tpu.memory_space<hbm>> -> memref<120x128xf32, #tpu.memory_space<hbm>>
      %dma_wait3A_52 = arith.constant 0 : i32
      %dma_wait3A_53 = arith.constant 0 : i32
      %dma_wait3A_54 = tpu.memref_slice %arg9[%dma_wait3A_52, %dma_wait3A_53] : memref<128x128xf32, #tpu.memory_space<vmem>> -> memref<120x128xf32, #tpu.memory_space<vmem>>
      tpu.wait_dma2 semaphore(%run_scoped3A : memref<!tpu.dma_semaphore, #tpu.memory_space<semaphore_mem>>) src(%dma_wait3A_54 : memref<120x128xf32, #tpu.memory_space<vmem>>) dst(%dma_wait3A_51 : memref<120x128xf32, #tpu.memory_space<hbm>>)
      tpu.yield
    }) : () -> ()
    return
  }
}

#map = affine_map<(d0, d1) -> (0, 0)>
#map1 = affine_map<(d0, d1) -> (0, 0, 0)>
module attributes {stable_mosaic.version = 14 : i64} {
  func.func @_deg_kernel(%arg0: i32, %arg1: i32, %arg2: memref<2560x128xi32, #tpu.memory_space<hbm>>, %arg3: memref<128x16xf32, #tpu.memory_space<hbm>>, %arg4: memref<128x16xf32, #tpu.memory_space<hbm>>, %arg5: memref<2x10240x16xf32, #tpu.memory_space<hbm>>, %arg6: memref<80x128xi32, #tpu.memory_space<vmem>>, %arg7: memref<128x16xf32, #tpu.memory_space<vmem>>, %arg8: memref<128x16xf32, #tpu.memory_space<vmem>>, %arg9: memref<10240x16xf32, #tpu.memory_space<vmem_shared>>) attributes {dimension_semantics = [#tpu.dimension_semantics<core_parallel>, #tpu.dimension_semantics<subcore_parallel>], iteration_bounds = array<i64: 2, 16>, scalar_prefetch = 0 : i64, scratch_operands = 4 : i64, tpu.core_type = #tpu.core_type<sc_vector_subcore>, window_params = [{transform_indices = #map}, {transform_indices = #map}, {transform_indices = #map}, {transform_indices = #map1}]} {
    %mul3A = arith.constant 16 : i32
    %mul3A_0 = arith.muli %arg0, %mul3A : i32
    %add3A = arith.addi %mul3A_0, %arg1 : i32
    %mul3A_1 = arith.constant 80 : i32
    %mul3A_2 = arith.muli %add3A, %mul3A_1 : i32
    "tpu.region"() ({
      %run_scoped3A = tpu.sem_alloc : memref<!tpu.dma_semaphore, #tpu.memory_space<semaphore_mem>>
      %dma_start3A = arith.constant 0 : i32
      %dma_start3A_42 = tpu.memref_slice %arg2[%mul3A_2, %dma_start3A] : memref<2560x128xi32, #tpu.memory_space<hbm>> -> memref<80x128xi32, #tpu.memory_space<hbm>>
      %dma_start3A_43 = arith.constant 0 : i32
      %dma_start3A_44 = tpu.memref_slice %arg2[%mul3A_2, %dma_start3A_43] : memref<2560x128xi32, #tpu.memory_space<hbm>> -> memref<80x128xi32, #tpu.memory_space<hbm>>
      tpu.enqueue_dma source(%dma_start3A_44 : memref<80x128xi32, #tpu.memory_space<hbm>>) target(%arg6 : memref<80x128xi32, #tpu.memory_space<vmem>>) target_semaphore(%run_scoped3A : memref<!tpu.dma_semaphore, #tpu.memory_space<semaphore_mem>>)
      %dma_wait3A = arith.constant 0 : i32
      %dma_wait3A_45 = tpu.memref_slice %arg2[%mul3A_2, %dma_wait3A] : memref<2560x128xi32, #tpu.memory_space<hbm>> -> memref<80x128xi32, #tpu.memory_space<hbm>>
      %dma_wait3A_46 = arith.constant 0 : i32
      %dma_wait3A_47 = tpu.memref_slice %arg2[%mul3A_2, %dma_wait3A_46] : memref<2560x128xi32, #tpu.memory_space<hbm>> -> memref<80x128xi32, #tpu.memory_space<hbm>>
      tpu.wait_dma2 semaphore(%run_scoped3A : memref<!tpu.dma_semaphore, #tpu.memory_space<semaphore_mem>>) src(%dma_wait3A_47 : memref<80x128xi32, #tpu.memory_space<hbm>>) dst(%arg6 : memref<80x128xi32, #tpu.memory_space<vmem>>)
      tpu.yield
    }) : () -> ()
    "tpu.region"() ({
      %run_scoped3A = tpu.sem_alloc : memref<!tpu.dma_semaphore, #tpu.memory_space<semaphore_mem>>
      tpu.enqueue_dma source(%arg3 : memref<128x16xf32, #tpu.memory_space<hbm>>) target(%arg7 : memref<128x16xf32, #tpu.memory_space<vmem>>) target_semaphore(%run_scoped3A : memref<!tpu.dma_semaphore, #tpu.memory_space<semaphore_mem>>)
      tpu.wait_dma2 semaphore(%run_scoped3A : memref<!tpu.dma_semaphore, #tpu.memory_space<semaphore_mem>>) src(%arg3 : memref<128x16xf32, #tpu.memory_space<hbm>>) dst(%arg7 : memref<128x16xf32, #tpu.memory_space<vmem>>)
      tpu.yield
    }) : () -> ()
    "tpu.region"() ({
      %run_scoped3A = tpu.sem_alloc : memref<!tpu.dma_semaphore, #tpu.memory_space<semaphore_mem>>
      tpu.enqueue_dma source(%arg4 : memref<128x16xf32, #tpu.memory_space<hbm>>) target(%arg8 : memref<128x16xf32, #tpu.memory_space<vmem>>) target_semaphore(%run_scoped3A : memref<!tpu.dma_semaphore, #tpu.memory_space<semaphore_mem>>)
      tpu.wait_dma2 semaphore(%run_scoped3A : memref<!tpu.dma_semaphore, #tpu.memory_space<semaphore_mem>>) src(%arg4 : memref<128x16xf32, #tpu.memory_space<hbm>>) dst(%arg8 : memref<128x16xf32, #tpu.memory_space<vmem>>)
      tpu.yield
    }) : () -> ()
    %mul3A_3 = arith.constant 640 : i32
    %mul3A_4 = arith.muli %arg1, %mul3A_3 : i32
    %add3A_5 = arith.constant 0 : i32
    %add3A_6 = arith.addi %mul3A_4, %add3A_5 : i32
    "tpu.region"() ({
      %run_scoped3A = tpu.sem_alloc : memref<!tpu.dma_semaphore, #tpu.memory_space<semaphore_mem>>
      %dma_start3A = arith.constant 0 : i32
      %dma_start3A_42 = tpu.memref_slice %arg9[%add3A_6, %dma_start3A] : memref<10240x16xf32, #tpu.memory_space<vmem_shared>> -> memref<128x16xf32, #tpu.memory_space<vmem_shared>>
      %dma_start3A_43 = arith.constant 0 : i32
      %dma_start3A_44 = tpu.memref_slice %arg9[%add3A_6, %dma_start3A_43] : memref<10240x16xf32, #tpu.memory_space<vmem_shared>> -> memref<128x16xf32, #tpu.memory_space<vmem_shared>>
      tpu.enqueue_dma source(%arg7 : memref<128x16xf32, #tpu.memory_space<vmem>>) target(%dma_start3A_44 : memref<128x16xf32, #tpu.memory_space<vmem_shared>>) target_semaphore(%run_scoped3A : memref<!tpu.dma_semaphore, #tpu.memory_space<semaphore_mem>>)
      %dma_wait3A = arith.constant 0 : i32
      %dma_wait3A_45 = tpu.memref_slice %arg9[%add3A_6, %dma_wait3A] : memref<10240x16xf32, #tpu.memory_space<vmem_shared>> -> memref<128x16xf32, #tpu.memory_space<vmem_shared>>
      %dma_wait3A_46 = arith.constant 0 : i32
      %dma_wait3A_47 = tpu.memref_slice %arg9[%add3A_6, %dma_wait3A_46] : memref<10240x16xf32, #tpu.memory_space<vmem_shared>> -> memref<128x16xf32, #tpu.memory_space<vmem_shared>>
      tpu.wait_dma2 semaphore(%run_scoped3A : memref<!tpu.dma_semaphore, #tpu.memory_space<semaphore_mem>>) src(%arg7 : memref<128x16xf32, #tpu.memory_space<vmem>>) dst(%dma_wait3A_47 : memref<128x16xf32, #tpu.memory_space<vmem_shared>>)
      tpu.yield
    }) : () -> ()
    %add3A_7 = arith.constant 128 : i32
    %add3A_8 = arith.addi %mul3A_4, %add3A_7 : i32
    "tpu.region"() ({
      %run_scoped3A = tpu.sem_alloc : memref<!tpu.dma_semaphore, #tpu.memory_space<semaphore_mem>>
      %dma_start3A = arith.constant 0 : i32
      %dma_start3A_42 = tpu.memref_slice %arg9[%add3A_8, %dma_start3A] : memref<10240x16xf32, #tpu.memory_space<vmem_shared>> -> memref<128x16xf32, #tpu.memory_space<vmem_shared>>
      %dma_start3A_43 = arith.constant 0 : i32
      %dma_start3A_44 = tpu.memref_slice %arg9[%add3A_8, %dma_start3A_43] : memref<10240x16xf32, #tpu.memory_space<vmem_shared>> -> memref<128x16xf32, #tpu.memory_space<vmem_shared>>
      tpu.enqueue_dma source(%arg7 : memref<128x16xf32, #tpu.memory_space<vmem>>) target(%dma_start3A_44 : memref<128x16xf32, #tpu.memory_space<vmem_shared>>) target_semaphore(%run_scoped3A : memref<!tpu.dma_semaphore, #tpu.memory_space<semaphore_mem>>)
      %dma_wait3A = arith.constant 0 : i32
      %dma_wait3A_45 = tpu.memref_slice %arg9[%add3A_8, %dma_wait3A] : memref<10240x16xf32, #tpu.memory_space<vmem_shared>> -> memref<128x16xf32, #tpu.memory_space<vmem_shared>>
      %dma_wait3A_46 = arith.constant 0 : i32
      %dma_wait3A_47 = tpu.memref_slice %arg9[%add3A_8, %dma_wait3A_46] : memref<10240x16xf32, #tpu.memory_space<vmem_shared>> -> memref<128x16xf32, #tpu.memory_space<vmem_shared>>
      tpu.wait_dma2 semaphore(%run_scoped3A : memref<!tpu.dma_semaphore, #tpu.memory_space<semaphore_mem>>) src(%arg7 : memref<128x16xf32, #tpu.memory_space<vmem>>) dst(%dma_wait3A_47 : memref<128x16xf32, #tpu.memory_space<vmem_shared>>)
      tpu.yield
    }) : () -> ()
    %add3A_9 = arith.constant 256 : i32
    %add3A_10 = arith.addi %mul3A_4, %add3A_9 : i32
    "tpu.region"() ({
      %run_scoped3A = tpu.sem_alloc : memref<!tpu.dma_semaphore, #tpu.memory_space<semaphore_mem>>
      %dma_start3A = arith.constant 0 : i32
      %dma_start3A_42 = tpu.memref_slice %arg9[%add3A_10, %dma_start3A] : memref<10240x16xf32, #tpu.memory_space<vmem_shared>> -> memref<128x16xf32, #tpu.memory_space<vmem_shared>>
      %dma_start3A_43 = arith.constant 0 : i32
      %dma_start3A_44 = tpu.memref_slice %arg9[%add3A_10, %dma_start3A_43] : memref<10240x16xf32, #tpu.memory_space<vmem_shared>> -> memref<128x16xf32, #tpu.memory_space<vmem_shared>>
      tpu.enqueue_dma source(%arg7 : memref<128x16xf32, #tpu.memory_space<vmem>>) target(%dma_start3A_44 : memref<128x16xf32, #tpu.memory_space<vmem_shared>>) target_semaphore(%run_scoped3A : memref<!tpu.dma_semaphore, #tpu.memory_space<semaphore_mem>>)
      %dma_wait3A = arith.constant 0 : i32
      %dma_wait3A_45 = tpu.memref_slice %arg9[%add3A_10, %dma_wait3A] : memref<10240x16xf32, #tpu.memory_space<vmem_shared>> -> memref<128x16xf32, #tpu.memory_space<vmem_shared>>
      %dma_wait3A_46 = arith.constant 0 : i32
      %dma_wait3A_47 = tpu.memref_slice %arg9[%add3A_10, %dma_wait3A_46] : memref<10240x16xf32, #tpu.memory_space<vmem_shared>> -> memref<128x16xf32, #tpu.memory_space<vmem_shared>>
      tpu.wait_dma2 semaphore(%run_scoped3A : memref<!tpu.dma_semaphore, #tpu.memory_space<semaphore_mem>>) src(%arg7 : memref<128x16xf32, #tpu.memory_space<vmem>>) dst(%dma_wait3A_47 : memref<128x16xf32, #tpu.memory_space<vmem_shared>>)
      tpu.yield
    }) : () -> ()
    %add3A_11 = arith.constant 384 : i32
    %add3A_12 = arith.addi %mul3A_4, %add3A_11 : i32
    "tpu.region"() ({
      %run_scoped3A = tpu.sem_alloc : memref<!tpu.dma_semaphore, #tpu.memory_space<semaphore_mem>>
      %dma_start3A = arith.constant 0 : i32
      %dma_start3A_42 = tpu.memref_slice %arg9[%add3A_12, %dma_start3A] : memref<10240x16xf32, #tpu.memory_space<vmem_shared>> -> memref<128x16xf32, #tpu.memory_space<vmem_shared>>
      %dma_start3A_43 = arith.constant 0 : i32
      %dma_start3A_44 = tpu.memref_slice %arg9[%add3A_12, %dma_start3A_43] : memref<10240x16xf32, #tpu.memory_space<vmem_shared>> -> memref<128x16xf32, #tpu.memory_space<vmem_shared>>
      tpu.enqueue_dma source(%arg7 : memref<128x16xf32, #tpu.memory_space<vmem>>) target(%dma_start3A_44 : memref<128x16xf32, #tpu.memory_space<vmem_shared>>) target_semaphore(%run_scoped3A : memref<!tpu.dma_semaphore, #tpu.memory_space<semaphore_mem>>)
      %dma_wait3A = arith.constant 0 : i32
      %dma_wait3A_45 = tpu.memref_slice %arg9[%add3A_12, %dma_wait3A] : memref<10240x16xf32, #tpu.memory_space<vmem_shared>> -> memref<128x16xf32, #tpu.memory_space<vmem_shared>>
      %dma_wait3A_46 = arith.constant 0 : i32
      %dma_wait3A_47 = tpu.memref_slice %arg9[%add3A_12, %dma_wait3A_46] : memref<10240x16xf32, #tpu.memory_space<vmem_shared>> -> memref<128x16xf32, #tpu.memory_space<vmem_shared>>
      tpu.wait_dma2 semaphore(%run_scoped3A : memref<!tpu.dma_semaphore, #tpu.memory_space<semaphore_mem>>) src(%arg7 : memref<128x16xf32, #tpu.memory_space<vmem>>) dst(%dma_wait3A_47 : memref<128x16xf32, #tpu.memory_space<vmem_shared>>)
      tpu.yield
    }) : () -> ()
    %add3A_13 = arith.constant 512 : i32
    %add3A_14 = arith.addi %mul3A_4, %add3A_13 : i32
    "tpu.region"() ({
      %run_scoped3A = tpu.sem_alloc : memref<!tpu.dma_semaphore, #tpu.memory_space<semaphore_mem>>
      %dma_start3A = arith.constant 0 : i32
      %dma_start3A_42 = tpu.memref_slice %arg9[%add3A_14, %dma_start3A] : memref<10240x16xf32, #tpu.memory_space<vmem_shared>> -> memref<128x16xf32, #tpu.memory_space<vmem_shared>>
      %dma_start3A_43 = arith.constant 0 : i32
      %dma_start3A_44 = tpu.memref_slice %arg9[%add3A_14, %dma_start3A_43] : memref<10240x16xf32, #tpu.memory_space<vmem_shared>> -> memref<128x16xf32, #tpu.memory_space<vmem_shared>>
      tpu.enqueue_dma source(%arg7 : memref<128x16xf32, #tpu.memory_space<vmem>>) target(%dma_start3A_44 : memref<128x16xf32, #tpu.memory_space<vmem_shared>>) target_semaphore(%run_scoped3A : memref<!tpu.dma_semaphore, #tpu.memory_space<semaphore_mem>>)
      %dma_wait3A = arith.constant 0 : i32
      %dma_wait3A_45 = tpu.memref_slice %arg9[%add3A_14, %dma_wait3A] : memref<10240x16xf32, #tpu.memory_space<vmem_shared>> -> memref<128x16xf32, #tpu.memory_space<vmem_shared>>
      %dma_wait3A_46 = arith.constant 0 : i32
      %dma_wait3A_47 = tpu.memref_slice %arg9[%add3A_14, %dma_wait3A_46] : memref<10240x16xf32, #tpu.memory_space<vmem_shared>> -> memref<128x16xf32, #tpu.memory_space<vmem_shared>>
      tpu.wait_dma2 semaphore(%run_scoped3A : memref<!tpu.dma_semaphore, #tpu.memory_space<semaphore_mem>>) src(%arg7 : memref<128x16xf32, #tpu.memory_space<vmem>>) dst(%dma_wait3A_47 : memref<128x16xf32, #tpu.memory_space<vmem_shared>>)
      tpu.yield
    }) : () -> ()
    %barrier3A = arith.constant 0 : index
    tpu.barrier barrier_id(%barrier3A)
    %scan3A = arith.constant 0 : i32
    %scan3A_15 = arith.constant 0 : i32
    %scan3A_16 = arith.constant 80 : i32
    %scan3A_17 = arith.addi %scan3A_15, %scan3A_16 : i32
    %scan3A_18 = arith.constant 1 : i32
    %scan3A_19 = scf.for %scan3A_42 = %scan3A_15 to %scan3A_17 step %scan3A_18 iter_args(%scan3A_43 = %scan3A) -> (i32)  : i32 {
      "tpu.region"() ({
        %run_scoped3A = tpu.sem_alloc : memref<!tpu.dma_semaphore, #tpu.memory_space<semaphore_mem>>
        %dma_start3A = arith.constant 0 : i32
        %dma_start3A_45 = tpu.memref_slice %arg6[%scan3A_42, %dma_start3A] : memref<80x128xi32, #tpu.memory_space<vmem>> -> memref<1x128xi32, #tpu.memory_space<vmem>>
        %dma_start3A_46 = tpu.memref_squeeze %dma_start3A_45 : memref<1x128xi32, #tpu.memory_space<vmem>> -> memref<128xi32, #tpu.memory_space<vmem>>
        %dma_start3A_47 = arith.constant 0 : i32
        %dma_start3A_48 = arith.constant 0 : i32
        %dma_start3A_49 = tpu.memref_slice %arg9[%dma_start3A_47, %dma_start3A_48] : memref<10240x16xf32, #tpu.memory_space<vmem_shared>> -> memref<10240x16xf32, #tpu.memory_space<vmem_shared>>
        tpu.enqueue_indirect_dma source(%arg8 : memref<128x16xf32, #tpu.memory_space<vmem>>) target(%dma_start3A_49 : memref<10240x16xf32, #tpu.memory_space<vmem_shared>>) offsets(%dma_start3A_46 : memref<128xi32, #tpu.memory_space<vmem>>) semaphore(%run_scoped3A : memref<!tpu.dma_semaphore, #tpu.memory_space<semaphore_mem>>) {add = true}
        %dma_wait3A = arith.constant 0 : i32
        %dma_wait3A_50 = tpu.memref_slice %arg6[%scan3A_42, %dma_wait3A] : memref<80x128xi32, #tpu.memory_space<vmem>> -> memref<1x128xi32, #tpu.memory_space<vmem>>
        %dma_wait3A_51 = tpu.memref_squeeze %dma_wait3A_50 : memref<1x128xi32, #tpu.memory_space<vmem>> -> memref<128xi32, #tpu.memory_space<vmem>>
        %dma_wait3A_52 = arith.constant 0 : i32
        %dma_wait3A_53 = arith.constant 0 : i32
        %dma_wait3A_54 = tpu.memref_slice %arg9[%dma_wait3A_52, %dma_wait3A_53] : memref<10240x16xf32, #tpu.memory_space<vmem_shared>> -> memref<10240x16xf32, #tpu.memory_space<vmem_shared>>
        tpu.wait_indirect_dma semaphore(%run_scoped3A : memref<!tpu.dma_semaphore, #tpu.memory_space<semaphore_mem>>) src(%arg8 : memref<128x16xf32, #tpu.memory_space<vmem>>) dst(%dma_wait3A_54 : memref<10240x16xf32, #tpu.memory_space<vmem_shared>>)
        tpu.yield
      }) : () -> ()
      %scan3A_44 = arith.constant 0 : i32
      scf.yield %scan3A_44 : i32
    }
    %scan3A_20 = arith.constant 80 : i32
    %barrier3A_21 = arith.constant 0 : index
    tpu.barrier barrier_id(%barrier3A_21)
    %add3A_22 = arith.constant 0 : i32
    %add3A_23 = arith.addi %mul3A_4, %add3A_22 : i32
    "tpu.region"() ({
      %run_scoped3A = tpu.sem_alloc : memref<!tpu.dma_semaphore, #tpu.memory_space<semaphore_mem>>
      %dma_start3A = arith.constant 0 : i32
      %dma_start3A_42 = tpu.memref_slice %arg9[%add3A_23, %dma_start3A] : memref<10240x16xf32, #tpu.memory_space<vmem_shared>> -> memref<128x16xf32, #tpu.memory_space<vmem_shared>>
      %dma_start3A_43 = arith.constant 0 : i32
      %dma_start3A_44 = tpu.memref_slice %arg9[%add3A_23, %dma_start3A_43] : memref<10240x16xf32, #tpu.memory_space<vmem_shared>> -> memref<128x16xf32, #tpu.memory_space<vmem_shared>>
      tpu.enqueue_dma source(%dma_start3A_44 : memref<128x16xf32, #tpu.memory_space<vmem_shared>>) target(%arg7 : memref<128x16xf32, #tpu.memory_space<vmem>>) target_semaphore(%run_scoped3A : memref<!tpu.dma_semaphore, #tpu.memory_space<semaphore_mem>>)
      %dma_wait3A = arith.constant 0 : i32
      %dma_wait3A_45 = tpu.memref_slice %arg9[%add3A_23, %dma_wait3A] : memref<10240x16xf32, #tpu.memory_space<vmem_shared>> -> memref<128x16xf32, #tpu.memory_space<vmem_shared>>
      %dma_wait3A_46 = arith.constant 0 : i32
      %dma_wait3A_47 = tpu.memref_slice %arg9[%add3A_23, %dma_wait3A_46] : memref<10240x16xf32, #tpu.memory_space<vmem_shared>> -> memref<128x16xf32, #tpu.memory_space<vmem_shared>>
      tpu.wait_dma2 semaphore(%run_scoped3A : memref<!tpu.dma_semaphore, #tpu.memory_space<semaphore_mem>>) src(%dma_wait3A_47 : memref<128x16xf32, #tpu.memory_space<vmem_shared>>) dst(%arg7 : memref<128x16xf32, #tpu.memory_space<vmem>>)
      tpu.yield
    }) : () -> ()
    %add3A_24 = arith.constant 0 : i32
    %add3A_25 = arith.addi %mul3A_4, %add3A_24 : i32
    "tpu.region"() ({
      %run_scoped3A = tpu.sem_alloc : memref<!tpu.dma_semaphore, #tpu.memory_space<semaphore_mem>>
      %dma_start3A = arith.constant 0 : i32
      %dma_start3A_42 = tpu.memref_slice %arg5[%arg0, %add3A_25, %dma_start3A] : memref<2x10240x16xf32, #tpu.memory_space<hbm>> -> memref<1x128x16xf32, #tpu.memory_space<hbm>>
      %dma_start3A_43 = tpu.memref_squeeze %dma_start3A_42 : memref<1x128x16xf32, #tpu.memory_space<hbm>> -> memref<128x16xf32, #tpu.memory_space<hbm>>
      %dma_start3A_44 = arith.constant 0 : i32
      %dma_start3A_45 = tpu.memref_slice %arg5[%arg0, %add3A_25, %dma_start3A_44] : memref<2x10240x16xf32, #tpu.memory_space<hbm>> -> memref<1x128x16xf32, #tpu.memory_space<hbm>>
      %dma_start3A_46 = tpu.memref_squeeze %dma_start3A_45 : memref<1x128x16xf32, #tpu.memory_space<hbm>> -> memref<128x16xf32, #tpu.memory_space<hbm>>
      tpu.enqueue_dma source(%arg7 : memref<128x16xf32, #tpu.memory_space<vmem>>) target(%dma_start3A_46 : memref<128x16xf32, #tpu.memory_space<hbm>>) target_semaphore(%run_scoped3A : memref<!tpu.dma_semaphore, #tpu.memory_space<semaphore_mem>>)
      %dma_wait3A = arith.constant 0 : i32
      %dma_wait3A_47 = tpu.memref_slice %arg5[%arg0, %add3A_25, %dma_wait3A] : memref<2x10240x16xf32, #tpu.memory_space<hbm>> -> memref<1x128x16xf32, #tpu.memory_space<hbm>>
      %dma_wait3A_48 = tpu.memref_squeeze %dma_wait3A_47 : memref<1x128x16xf32, #tpu.memory_space<hbm>> -> memref<128x16xf32, #tpu.memory_space<hbm>>
      %dma_wait3A_49 = arith.constant 0 : i32
      %dma_wait3A_50 = tpu.memref_slice %arg5[%arg0, %add3A_25, %dma_wait3A_49] : memref<2x10240x16xf32, #tpu.memory_space<hbm>> -> memref<1x128x16xf32, #tpu.memory_space<hbm>>
      %dma_wait3A_51 = tpu.memref_squeeze %dma_wait3A_50 : memref<1x128x16xf32, #tpu.memory_space<hbm>> -> memref<128x16xf32, #tpu.memory_space<hbm>>
      tpu.wait_dma2 semaphore(%run_scoped3A : memref<!tpu.dma_semaphore, #tpu.memory_space<semaphore_mem>>) src(%arg7 : memref<128x16xf32, #tpu.memory_space<vmem>>) dst(%dma_wait3A_51 : memref<128x16xf32, #tpu.memory_space<hbm>>)
      tpu.yield
    }) : () -> ()
    %add3A_26 = arith.constant 128 : i32
    %add3A_27 = arith.addi %mul3A_4, %add3A_26 : i32
    "tpu.region"() ({
      %run_scoped3A = tpu.sem_alloc : memref<!tpu.dma_semaphore, #tpu.memory_space<semaphore_mem>>
      %dma_start3A = arith.constant 0 : i32
      %dma_start3A_42 = tpu.memref_slice %arg9[%add3A_27, %dma_start3A] : memref<10240x16xf32, #tpu.memory_space<vmem_shared>> -> memref<128x16xf32, #tpu.memory_space<vmem_shared>>
      %dma_start3A_43 = arith.constant 0 : i32
      %dma_start3A_44 = tpu.memref_slice %arg9[%add3A_27, %dma_start3A_43] : memref<10240x16xf32, #tpu.memory_space<vmem_shared>> -> memref<128x16xf32, #tpu.memory_space<vmem_shared>>
      tpu.enqueue_dma source(%dma_start3A_44 : memref<128x16xf32, #tpu.memory_space<vmem_shared>>) target(%arg7 : memref<128x16xf32, #tpu.memory_space<vmem>>) target_semaphore(%run_scoped3A : memref<!tpu.dma_semaphore, #tpu.memory_space<semaphore_mem>>)
      %dma_wait3A = arith.constant 0 : i32
      %dma_wait3A_45 = tpu.memref_slice %arg9[%add3A_27, %dma_wait3A] : memref<10240x16xf32, #tpu.memory_space<vmem_shared>> -> memref<128x16xf32, #tpu.memory_space<vmem_shared>>
      %dma_wait3A_46 = arith.constant 0 : i32
      %dma_wait3A_47 = tpu.memref_slice %arg9[%add3A_27, %dma_wait3A_46] : memref<10240x16xf32, #tpu.memory_space<vmem_shared>> -> memref<128x16xf32, #tpu.memory_space<vmem_shared>>
      tpu.wait_dma2 semaphore(%run_scoped3A : memref<!tpu.dma_semaphore, #tpu.memory_space<semaphore_mem>>) src(%dma_wait3A_47 : memref<128x16xf32, #tpu.memory_space<vmem_shared>>) dst(%arg7 : memref<128x16xf32, #tpu.memory_space<vmem>>)
      tpu.yield
    }) : () -> ()
    %add3A_28 = arith.constant 128 : i32
    %add3A_29 = arith.addi %mul3A_4, %add3A_28 : i32
    "tpu.region"() ({
      %run_scoped3A = tpu.sem_alloc : memref<!tpu.dma_semaphore, #tpu.memory_space<semaphore_mem>>
      %dma_start3A = arith.constant 0 : i32
      %dma_start3A_42 = tpu.memref_slice %arg5[%arg0, %add3A_29, %dma_start3A] : memref<2x10240x16xf32, #tpu.memory_space<hbm>> -> memref<1x128x16xf32, #tpu.memory_space<hbm>>
      %dma_start3A_43 = tpu.memref_squeeze %dma_start3A_42 : memref<1x128x16xf32, #tpu.memory_space<hbm>> -> memref<128x16xf32, #tpu.memory_space<hbm>>
      %dma_start3A_44 = arith.constant 0 : i32
      %dma_start3A_45 = tpu.memref_slice %arg5[%arg0, %add3A_29, %dma_start3A_44] : memref<2x10240x16xf32, #tpu.memory_space<hbm>> -> memref<1x128x16xf32, #tpu.memory_space<hbm>>
      %dma_start3A_46 = tpu.memref_squeeze %dma_start3A_45 : memref<1x128x16xf32, #tpu.memory_space<hbm>> -> memref<128x16xf32, #tpu.memory_space<hbm>>
      tpu.enqueue_dma source(%arg7 : memref<128x16xf32, #tpu.memory_space<vmem>>) target(%dma_start3A_46 : memref<128x16xf32, #tpu.memory_space<hbm>>) target_semaphore(%run_scoped3A : memref<!tpu.dma_semaphore, #tpu.memory_space<semaphore_mem>>)
      %dma_wait3A = arith.constant 0 : i32
      %dma_wait3A_47 = tpu.memref_slice %arg5[%arg0, %add3A_29, %dma_wait3A] : memref<2x10240x16xf32, #tpu.memory_space<hbm>> -> memref<1x128x16xf32, #tpu.memory_space<hbm>>
      %dma_wait3A_48 = tpu.memref_squeeze %dma_wait3A_47 : memref<1x128x16xf32, #tpu.memory_space<hbm>> -> memref<128x16xf32, #tpu.memory_space<hbm>>
      %dma_wait3A_49 = arith.constant 0 : i32
      %dma_wait3A_50 = tpu.memref_slice %arg5[%arg0, %add3A_29, %dma_wait3A_49] : memref<2x10240x16xf32, #tpu.memory_space<hbm>> -> memref<1x128x16xf32, #tpu.memory_space<hbm>>
      %dma_wait3A_51 = tpu.memref_squeeze %dma_wait3A_50 : memref<1x128x16xf32, #tpu.memory_space<hbm>> -> memref<128x16xf32, #tpu.memory_space<hbm>>
      tpu.wait_dma2 semaphore(%run_scoped3A : memref<!tpu.dma_semaphore, #tpu.memory_space<semaphore_mem>>) src(%arg7 : memref<128x16xf32, #tpu.memory_space<vmem>>) dst(%dma_wait3A_51 : memref<128x16xf32, #tpu.memory_space<hbm>>)
      tpu.yield
    }) : () -> ()
    %add3A_30 = arith.constant 256 : i32
    %add3A_31 = arith.addi %mul3A_4, %add3A_30 : i32
    "tpu.region"() ({
      %run_scoped3A = tpu.sem_alloc : memref<!tpu.dma_semaphore, #tpu.memory_space<semaphore_mem>>
      %dma_start3A = arith.constant 0 : i32
      %dma_start3A_42 = tpu.memref_slice %arg9[%add3A_31, %dma_start3A] : memref<10240x16xf32, #tpu.memory_space<vmem_shared>> -> memref<128x16xf32, #tpu.memory_space<vmem_shared>>
      %dma_start3A_43 = arith.constant 0 : i32
      %dma_start3A_44 = tpu.memref_slice %arg9[%add3A_31, %dma_start3A_43] : memref<10240x16xf32, #tpu.memory_space<vmem_shared>> -> memref<128x16xf32, #tpu.memory_space<vmem_shared>>
      tpu.enqueue_dma source(%dma_start3A_44 : memref<128x16xf32, #tpu.memory_space<vmem_shared>>) target(%arg7 : memref<128x16xf32, #tpu.memory_space<vmem>>) target_semaphore(%run_scoped3A : memref<!tpu.dma_semaphore, #tpu.memory_space<semaphore_mem>>)
      %dma_wait3A = arith.constant 0 : i32
      %dma_wait3A_45 = tpu.memref_slice %arg9[%add3A_31, %dma_wait3A] : memref<10240x16xf32, #tpu.memory_space<vmem_shared>> -> memref<128x16xf32, #tpu.memory_space<vmem_shared>>
      %dma_wait3A_46 = arith.constant 0 : i32
      %dma_wait3A_47 = tpu.memref_slice %arg9[%add3A_31, %dma_wait3A_46] : memref<10240x16xf32, #tpu.memory_space<vmem_shared>> -> memref<128x16xf32, #tpu.memory_space<vmem_shared>>
      tpu.wait_dma2 semaphore(%run_scoped3A : memref<!tpu.dma_semaphore, #tpu.memory_space<semaphore_mem>>) src(%dma_wait3A_47 : memref<128x16xf32, #tpu.memory_space<vmem_shared>>) dst(%arg7 : memref<128x16xf32, #tpu.memory_space<vmem>>)
      tpu.yield
    }) : () -> ()
    %add3A_32 = arith.constant 256 : i32
    %add3A_33 = arith.addi %mul3A_4, %add3A_32 : i32
    "tpu.region"() ({
      %run_scoped3A = tpu.sem_alloc : memref<!tpu.dma_semaphore, #tpu.memory_space<semaphore_mem>>
      %dma_start3A = arith.constant 0 : i32
      %dma_start3A_42 = tpu.memref_slice %arg5[%arg0, %add3A_33, %dma_start3A] : memref<2x10240x16xf32, #tpu.memory_space<hbm>> -> memref<1x128x16xf32, #tpu.memory_space<hbm>>
      %dma_start3A_43 = tpu.memref_squeeze %dma_start3A_42 : memref<1x128x16xf32, #tpu.memory_space<hbm>> -> memref<128x16xf32, #tpu.memory_space<hbm>>
      %dma_start3A_44 = arith.constant 0 : i32
      %dma_start3A_45 = tpu.memref_slice %arg5[%arg0, %add3A_33, %dma_start3A_44] : memref<2x10240x16xf32, #tpu.memory_space<hbm>> -> memref<1x128x16xf32, #tpu.memory_space<hbm>>
      %dma_start3A_46 = tpu.memref_squeeze %dma_start3A_45 : memref<1x128x16xf32, #tpu.memory_space<hbm>> -> memref<128x16xf32, #tpu.memory_space<hbm>>
      tpu.enqueue_dma source(%arg7 : memref<128x16xf32, #tpu.memory_space<vmem>>) target(%dma_start3A_46 : memref<128x16xf32, #tpu.memory_space<hbm>>) target_semaphore(%run_scoped3A : memref<!tpu.dma_semaphore, #tpu.memory_space<semaphore_mem>>)
      %dma_wait3A = arith.constant 0 : i32
      %dma_wait3A_47 = tpu.memref_slice %arg5[%arg0, %add3A_33, %dma_wait3A] : memref<2x10240x16xf32, #tpu.memory_space<hbm>> -> memref<1x128x16xf32, #tpu.memory_space<hbm>>
      %dma_wait3A_48 = tpu.memref_squeeze %dma_wait3A_47 : memref<1x128x16xf32, #tpu.memory_space<hbm>> -> memref<128x16xf32, #tpu.memory_space<hbm>>
      %dma_wait3A_49 = arith.constant 0 : i32
      %dma_wait3A_50 = tpu.memref_slice %arg5[%arg0, %add3A_33, %dma_wait3A_49] : memref<2x10240x16xf32, #tpu.memory_space<hbm>> -> memref<1x128x16xf32, #tpu.memory_space<hbm>>
      %dma_wait3A_51 = tpu.memref_squeeze %dma_wait3A_50 : memref<1x128x16xf32, #tpu.memory_space<hbm>> -> memref<128x16xf32, #tpu.memory_space<hbm>>
      tpu.wait_dma2 semaphore(%run_scoped3A : memref<!tpu.dma_semaphore, #tpu.memory_space<semaphore_mem>>) src(%arg7 : memref<128x16xf32, #tpu.memory_space<vmem>>) dst(%dma_wait3A_51 : memref<128x16xf32, #tpu.memory_space<hbm>>)
      tpu.yield
    }) : () -> ()
    %add3A_34 = arith.constant 384 : i32
    %add3A_35 = arith.addi %mul3A_4, %add3A_34 : i32
    "tpu.region"() ({
      %run_scoped3A = tpu.sem_alloc : memref<!tpu.dma_semaphore, #tpu.memory_space<semaphore_mem>>
      %dma_start3A = arith.constant 0 : i32
      %dma_start3A_42 = tpu.memref_slice %arg9[%add3A_35, %dma_start3A] : memref<10240x16xf32, #tpu.memory_space<vmem_shared>> -> memref<128x16xf32, #tpu.memory_space<vmem_shared>>
      %dma_start3A_43 = arith.constant 0 : i32
      %dma_start3A_44 = tpu.memref_slice %arg9[%add3A_35, %dma_start3A_43] : memref<10240x16xf32, #tpu.memory_space<vmem_shared>> -> memref<128x16xf32, #tpu.memory_space<vmem_shared>>
      tpu.enqueue_dma source(%dma_start3A_44 : memref<128x16xf32, #tpu.memory_space<vmem_shared>>) target(%arg7 : memref<128x16xf32, #tpu.memory_space<vmem>>) target_semaphore(%run_scoped3A : memref<!tpu.dma_semaphore, #tpu.memory_space<semaphore_mem>>)
      %dma_wait3A = arith.constant 0 : i32
      %dma_wait3A_45 = tpu.memref_slice %arg9[%add3A_35, %dma_wait3A] : memref<10240x16xf32, #tpu.memory_space<vmem_shared>> -> memref<128x16xf32, #tpu.memory_space<vmem_shared>>
      %dma_wait3A_46 = arith.constant 0 : i32
      %dma_wait3A_47 = tpu.memref_slice %arg9[%add3A_35, %dma_wait3A_46] : memref<10240x16xf32, #tpu.memory_space<vmem_shared>> -> memref<128x16xf32, #tpu.memory_space<vmem_shared>>
      tpu.wait_dma2 semaphore(%run_scoped3A : memref<!tpu.dma_semaphore, #tpu.memory_space<semaphore_mem>>) src(%dma_wait3A_47 : memref<128x16xf32, #tpu.memory_space<vmem_shared>>) dst(%arg7 : memref<128x16xf32, #tpu.memory_space<vmem>>)
      tpu.yield
    }) : () -> ()
    %add3A_36 = arith.constant 384 : i32
    %add3A_37 = arith.addi %mul3A_4, %add3A_36 : i32
    "tpu.region"() ({
      %run_scoped3A = tpu.sem_alloc : memref<!tpu.dma_semaphore, #tpu.memory_space<semaphore_mem>>
      %dma_start3A = arith.constant 0 : i32
      %dma_start3A_42 = tpu.memref_slice %arg5[%arg0, %add3A_37, %dma_start3A] : memref<2x10240x16xf32, #tpu.memory_space<hbm>> -> memref<1x128x16xf32, #tpu.memory_space<hbm>>
      %dma_start3A_43 = tpu.memref_squeeze %dma_start3A_42 : memref<1x128x16xf32, #tpu.memory_space<hbm>> -> memref<128x16xf32, #tpu.memory_space<hbm>>
      %dma_start3A_44 = arith.constant 0 : i32
      %dma_start3A_45 = tpu.memref_slice %arg5[%arg0, %add3A_37, %dma_start3A_44] : memref<2x10240x16xf32, #tpu.memory_space<hbm>> -> memref<1x128x16xf32, #tpu.memory_space<hbm>>
      %dma_start3A_46 = tpu.memref_squeeze %dma_start3A_45 : memref<1x128x16xf32, #tpu.memory_space<hbm>> -> memref<128x16xf32, #tpu.memory_space<hbm>>
      tpu.enqueue_dma source(%arg7 : memref<128x16xf32, #tpu.memory_space<vmem>>) target(%dma_start3A_46 : memref<128x16xf32, #tpu.memory_space<hbm>>) target_semaphore(%run_scoped3A : memref<!tpu.dma_semaphore, #tpu.memory_space<semaphore_mem>>)
      %dma_wait3A = arith.constant 0 : i32
      %dma_wait3A_47 = tpu.memref_slice %arg5[%arg0, %add3A_37, %dma_wait3A] : memref<2x10240x16xf32, #tpu.memory_space<hbm>> -> memref<1x128x16xf32, #tpu.memory_space<hbm>>
      %dma_wait3A_48 = tpu.memref_squeeze %dma_wait3A_47 : memref<1x128x16xf32, #tpu.memory_space<hbm>> -> memref<128x16xf32, #tpu.memory_space<hbm>>
      %dma_wait3A_49 = arith.constant 0 : i32
      %dma_wait3A_50 = tpu.memref_slice %arg5[%arg0, %add3A_37, %dma_wait3A_49] : memref<2x10240x16xf32, #tpu.memory_space<hbm>> -> memref<1x128x16xf32, #tpu.memory_space<hbm>>
      %dma_wait3A_51 = tpu.memref_squeeze %dma_wait3A_50 : memref<1x128x16xf32, #tpu.memory_space<hbm>> -> memref<128x16xf32, #tpu.memory_space<hbm>>
      tpu.wait_dma2 semaphore(%run_scoped3A : memref<!tpu.dma_semaphore, #tpu.memory_space<semaphore_mem>>) src(%arg7 : memref<128x16xf32, #tpu.memory_space<vmem>>) dst(%dma_wait3A_51 : memref<128x16xf32, #tpu.memory_space<hbm>>)
      tpu.yield
    }) : () -> ()
    %add3A_38 = arith.constant 512 : i32
    %add3A_39 = arith.addi %mul3A_4, %add3A_38 : i32
    "tpu.region"() ({
      %run_scoped3A = tpu.sem_alloc : memref<!tpu.dma_semaphore, #tpu.memory_space<semaphore_mem>>
      %dma_start3A = arith.constant 0 : i32
      %dma_start3A_42 = tpu.memref_slice %arg9[%add3A_39, %dma_start3A] : memref<10240x16xf32, #tpu.memory_space<vmem_shared>> -> memref<128x16xf32, #tpu.memory_space<vmem_shared>>
      %dma_start3A_43 = arith.constant 0 : i32
      %dma_start3A_44 = tpu.memref_slice %arg9[%add3A_39, %dma_start3A_43] : memref<10240x16xf32, #tpu.memory_space<vmem_shared>> -> memref<128x16xf32, #tpu.memory_space<vmem_shared>>
      tpu.enqueue_dma source(%dma_start3A_44 : memref<128x16xf32, #tpu.memory_space<vmem_shared>>) target(%arg7 : memref<128x16xf32, #tpu.memory_space<vmem>>) target_semaphore(%run_scoped3A : memref<!tpu.dma_semaphore, #tpu.memory_space<semaphore_mem>>)
      %dma_wait3A = arith.constant 0 : i32
      %dma_wait3A_45 = tpu.memref_slice %arg9[%add3A_39, %dma_wait3A] : memref<10240x16xf32, #tpu.memory_space<vmem_shared>> -> memref<128x16xf32, #tpu.memory_space<vmem_shared>>
      %dma_wait3A_46 = arith.constant 0 : i32
      %dma_wait3A_47 = tpu.memref_slice %arg9[%add3A_39, %dma_wait3A_46] : memref<10240x16xf32, #tpu.memory_space<vmem_shared>> -> memref<128x16xf32, #tpu.memory_space<vmem_shared>>
      tpu.wait_dma2 semaphore(%run_scoped3A : memref<!tpu.dma_semaphore, #tpu.memory_space<semaphore_mem>>) src(%dma_wait3A_47 : memref<128x16xf32, #tpu.memory_space<vmem_shared>>) dst(%arg7 : memref<128x16xf32, #tpu.memory_space<vmem>>)
      tpu.yield
    }) : () -> ()
    %add3A_40 = arith.constant 512 : i32
    %add3A_41 = arith.addi %mul3A_4, %add3A_40 : i32
    "tpu.region"() ({
      %run_scoped3A = tpu.sem_alloc : memref<!tpu.dma_semaphore, #tpu.memory_space<semaphore_mem>>
      %dma_start3A = arith.constant 0 : i32
      %dma_start3A_42 = tpu.memref_slice %arg5[%arg0, %add3A_41, %dma_start3A] : memref<2x10240x16xf32, #tpu.memory_space<hbm>> -> memref<1x128x16xf32, #tpu.memory_space<hbm>>
      %dma_start3A_43 = tpu.memref_squeeze %dma_start3A_42 : memref<1x128x16xf32, #tpu.memory_space<hbm>> -> memref<128x16xf32, #tpu.memory_space<hbm>>
      %dma_start3A_44 = arith.constant 0 : i32
      %dma_start3A_45 = tpu.memref_slice %arg5[%arg0, %add3A_41, %dma_start3A_44] : memref<2x10240x16xf32, #tpu.memory_space<hbm>> -> memref<1x128x16xf32, #tpu.memory_space<hbm>>
      %dma_start3A_46 = tpu.memref_squeeze %dma_start3A_45 : memref<1x128x16xf32, #tpu.memory_space<hbm>> -> memref<128x16xf32, #tpu.memory_space<hbm>>
      tpu.enqueue_dma source(%arg7 : memref<128x16xf32, #tpu.memory_space<vmem>>) target(%dma_start3A_46 : memref<128x16xf32, #tpu.memory_space<hbm>>) target_semaphore(%run_scoped3A : memref<!tpu.dma_semaphore, #tpu.memory_space<semaphore_mem>>)
      %dma_wait3A = arith.constant 0 : i32
      %dma_wait3A_47 = tpu.memref_slice %arg5[%arg0, %add3A_41, %dma_wait3A] : memref<2x10240x16xf32, #tpu.memory_space<hbm>> -> memref<1x128x16xf32, #tpu.memory_space<hbm>>
      %dma_wait3A_48 = tpu.memref_squeeze %dma_wait3A_47 : memref<1x128x16xf32, #tpu.memory_space<hbm>> -> memref<128x16xf32, #tpu.memory_space<hbm>>
      %dma_wait3A_49 = arith.constant 0 : i32
      %dma_wait3A_50 = tpu.memref_slice %arg5[%arg0, %add3A_41, %dma_wait3A_49] : memref<2x10240x16xf32, #tpu.memory_space<hbm>> -> memref<1x128x16xf32, #tpu.memory_space<hbm>>
      %dma_wait3A_51 = tpu.memref_squeeze %dma_wait3A_50 : memref<1x128x16xf32, #tpu.memory_space<hbm>> -> memref<128x16xf32, #tpu.memory_space<hbm>>
      tpu.wait_dma2 semaphore(%run_scoped3A : memref<!tpu.dma_semaphore, #tpu.memory_space<semaphore_mem>>) src(%arg7 : memref<128x16xf32, #tpu.memory_space<vmem>>) dst(%dma_wait3A_51 : memref<128x16xf32, #tpu.memory_space<hbm>>)
      tpu.yield
    }) : () -> ()
    return
  }
}

#map = affine_map<(d0, d1) -> (0, 0)>
#map1 = affine_map<(d0, d1) -> (0, 0, 0)>
module attributes {stable_mosaic.version = 14 : i64} {
  func.func @_agg_kernel(%arg0: i32, %arg1: i32, %arg2: memref<10240x128xf32, #tpu.memory_space<hbm>>, %arg3: memref<2560x128xi32, #tpu.memory_space<hbm>>, %arg4: memref<2560x128xi32, #tpu.memory_space<hbm>>, %arg5: memref<128x128xf32, #tpu.memory_space<hbm>>, %arg6: memref<2x10112x128xf32, #tpu.memory_space<hbm>>, %arg7: memref<40x128xi32, #tpu.memory_space<vmem>>, %arg8: memref<40x128xi32, #tpu.memory_space<vmem>>, %arg9: memref<128x128xf32, #tpu.memory_space<vmem>>, %arg10: memref<128x128xf32, #tpu.memory_space<vmem>>, %arg11: memref<10112x128xf32, #tpu.memory_space<vmem_shared>>, %arg12: memref<!tpu.dma_semaphore, #tpu.memory_space<semaphore_mem>>, %arg13: memref<!tpu.dma_semaphore, #tpu.memory_space<semaphore_mem>>) attributes {dimension_semantics = [#tpu.dimension_semantics<core_parallel>, #tpu.dimension_semantics<subcore_parallel>], iteration_bounds = array<i64: 2, 16>, scalar_prefetch = 0 : i64, scratch_operands = 7 : i64, tpu.core_type = #tpu.core_type<sc_vector_subcore>, window_params = [{transform_indices = #map}, {transform_indices = #map}, {transform_indices = #map}, {transform_indices = #map}, {transform_indices = #map1}]} {
    %mul3A = arith.constant 632 : i32
    %mul3A_0 = arith.muli %arg1, %mul3A : i32
    %add3A = arith.constant 0 : i32
    %add3A_1 = arith.addi %mul3A_0, %add3A : i32
    "tpu.region"() ({
      %run_scoped3A = tpu.sem_alloc : memref<!tpu.dma_semaphore, #tpu.memory_space<semaphore_mem>>
      %dma_start3A = arith.constant 0 : i32
      %dma_start3A_33 = tpu.memref_slice %arg11[%add3A_1, %dma_start3A] : memref<10112x128xf32, #tpu.memory_space<vmem_shared>> -> memref<128x128xf32, #tpu.memory_space<vmem_shared>>
      %dma_start3A_34 = arith.constant 0 : i32
      %dma_start3A_35 = arith.constant 0 : i32
      %dma_start3A_36 = tpu.memref_slice %arg5[%dma_start3A_34, %dma_start3A_35] : memref<128x128xf32, #tpu.memory_space<hbm>> -> memref<128x128xf32, #tpu.memory_space<hbm>>
      tpu.enqueue_dma source(%dma_start3A_36 : memref<128x128xf32, #tpu.memory_space<hbm>>) target(%dma_start3A_33 : memref<128x128xf32, #tpu.memory_space<vmem_shared>>) target_semaphore(%run_scoped3A : memref<!tpu.dma_semaphore, #tpu.memory_space<semaphore_mem>>)
      %dma_wait3A = arith.constant 0 : i32
      %dma_wait3A_37 = tpu.memref_slice %arg11[%add3A_1, %dma_wait3A] : memref<10112x128xf32, #tpu.memory_space<vmem_shared>> -> memref<128x128xf32, #tpu.memory_space<vmem_shared>>
      %dma_wait3A_38 = arith.constant 0 : i32
      %dma_wait3A_39 = arith.constant 0 : i32
      %dma_wait3A_40 = tpu.memref_slice %arg5[%dma_wait3A_38, %dma_wait3A_39] : memref<128x128xf32, #tpu.memory_space<hbm>> -> memref<128x128xf32, #tpu.memory_space<hbm>>
      tpu.wait_dma2 semaphore(%run_scoped3A : memref<!tpu.dma_semaphore, #tpu.memory_space<semaphore_mem>>) src(%dma_wait3A_40 : memref<128x128xf32, #tpu.memory_space<hbm>>) dst(%dma_wait3A_37 : memref<128x128xf32, #tpu.memory_space<vmem_shared>>)
      tpu.yield
    }) : () -> ()
    %add3A_2 = arith.constant 128 : i32
    %add3A_3 = arith.addi %mul3A_0, %add3A_2 : i32
    "tpu.region"() ({
      %run_scoped3A = tpu.sem_alloc : memref<!tpu.dma_semaphore, #tpu.memory_space<semaphore_mem>>
      %dma_start3A = arith.constant 0 : i32
      %dma_start3A_33 = tpu.memref_slice %arg11[%add3A_3, %dma_start3A] : memref<10112x128xf32, #tpu.memory_space<vmem_shared>> -> memref<128x128xf32, #tpu.memory_space<vmem_shared>>
      %dma_start3A_34 = arith.constant 0 : i32
      %dma_start3A_35 = arith.constant 0 : i32
      %dma_start3A_36 = tpu.memref_slice %arg5[%dma_start3A_34, %dma_start3A_35] : memref<128x128xf32, #tpu.memory_space<hbm>> -> memref<128x128xf32, #tpu.memory_space<hbm>>
      tpu.enqueue_dma source(%dma_start3A_36 : memref<128x128xf32, #tpu.memory_space<hbm>>) target(%dma_start3A_33 : memref<128x128xf32, #tpu.memory_space<vmem_shared>>) target_semaphore(%run_scoped3A : memref<!tpu.dma_semaphore, #tpu.memory_space<semaphore_mem>>)
      %dma_wait3A = arith.constant 0 : i32
      %dma_wait3A_37 = tpu.memref_slice %arg11[%add3A_3, %dma_wait3A] : memref<10112x128xf32, #tpu.memory_space<vmem_shared>> -> memref<128x128xf32, #tpu.memory_space<vmem_shared>>
      %dma_wait3A_38 = arith.constant 0 : i32
      %dma_wait3A_39 = arith.constant 0 : i32
      %dma_wait3A_40 = tpu.memref_slice %arg5[%dma_wait3A_38, %dma_wait3A_39] : memref<128x128xf32, #tpu.memory_space<hbm>> -> memref<128x128xf32, #tpu.memory_space<hbm>>
      tpu.wait_dma2 semaphore(%run_scoped3A : memref<!tpu.dma_semaphore, #tpu.memory_space<semaphore_mem>>) src(%dma_wait3A_40 : memref<128x128xf32, #tpu.memory_space<hbm>>) dst(%dma_wait3A_37 : memref<128x128xf32, #tpu.memory_space<vmem_shared>>)
      tpu.yield
    }) : () -> ()
    %add3A_4 = arith.constant 256 : i32
    %add3A_5 = arith.addi %mul3A_0, %add3A_4 : i32
    "tpu.region"() ({
      %run_scoped3A = tpu.sem_alloc : memref<!tpu.dma_semaphore, #tpu.memory_space<semaphore_mem>>
      %dma_start3A = arith.constant 0 : i32
      %dma_start3A_33 = tpu.memref_slice %arg11[%add3A_5, %dma_start3A] : memref<10112x128xf32, #tpu.memory_space<vmem_shared>> -> memref<128x128xf32, #tpu.memory_space<vmem_shared>>
      %dma_start3A_34 = arith.constant 0 : i32
      %dma_start3A_35 = arith.constant 0 : i32
      %dma_start3A_36 = tpu.memref_slice %arg5[%dma_start3A_34, %dma_start3A_35] : memref<128x128xf32, #tpu.memory_space<hbm>> -> memref<128x128xf32, #tpu.memory_space<hbm>>
      tpu.enqueue_dma source(%dma_start3A_36 : memref<128x128xf32, #tpu.memory_space<hbm>>) target(%dma_start3A_33 : memref<128x128xf32, #tpu.memory_space<vmem_shared>>) target_semaphore(%run_scoped3A : memref<!tpu.dma_semaphore, #tpu.memory_space<semaphore_mem>>)
      %dma_wait3A = arith.constant 0 : i32
      %dma_wait3A_37 = tpu.memref_slice %arg11[%add3A_5, %dma_wait3A] : memref<10112x128xf32, #tpu.memory_space<vmem_shared>> -> memref<128x128xf32, #tpu.memory_space<vmem_shared>>
      %dma_wait3A_38 = arith.constant 0 : i32
      %dma_wait3A_39 = arith.constant 0 : i32
      %dma_wait3A_40 = tpu.memref_slice %arg5[%dma_wait3A_38, %dma_wait3A_39] : memref<128x128xf32, #tpu.memory_space<hbm>> -> memref<128x128xf32, #tpu.memory_space<hbm>>
      tpu.wait_dma2 semaphore(%run_scoped3A : memref<!tpu.dma_semaphore, #tpu.memory_space<semaphore_mem>>) src(%dma_wait3A_40 : memref<128x128xf32, #tpu.memory_space<hbm>>) dst(%dma_wait3A_37 : memref<128x128xf32, #tpu.memory_space<vmem_shared>>)
      tpu.yield
    }) : () -> ()
    %add3A_6 = arith.constant 384 : i32
    %add3A_7 = arith.addi %mul3A_0, %add3A_6 : i32
    "tpu.region"() ({
      %run_scoped3A = tpu.sem_alloc : memref<!tpu.dma_semaphore, #tpu.memory_space<semaphore_mem>>
      %dma_start3A = arith.constant 0 : i32
      %dma_start3A_33 = tpu.memref_slice %arg11[%add3A_7, %dma_start3A] : memref<10112x128xf32, #tpu.memory_space<vmem_shared>> -> memref<128x128xf32, #tpu.memory_space<vmem_shared>>
      %dma_start3A_34 = arith.constant 0 : i32
      %dma_start3A_35 = arith.constant 0 : i32
      %dma_start3A_36 = tpu.memref_slice %arg5[%dma_start3A_34, %dma_start3A_35] : memref<128x128xf32, #tpu.memory_space<hbm>> -> memref<128x128xf32, #tpu.memory_space<hbm>>
      tpu.enqueue_dma source(%dma_start3A_36 : memref<128x128xf32, #tpu.memory_space<hbm>>) target(%dma_start3A_33 : memref<128x128xf32, #tpu.memory_space<vmem_shared>>) target_semaphore(%run_scoped3A : memref<!tpu.dma_semaphore, #tpu.memory_space<semaphore_mem>>)
      %dma_wait3A = arith.constant 0 : i32
      %dma_wait3A_37 = tpu.memref_slice %arg11[%add3A_7, %dma_wait3A] : memref<10112x128xf32, #tpu.memory_space<vmem_shared>> -> memref<128x128xf32, #tpu.memory_space<vmem_shared>>
      %dma_wait3A_38 = arith.constant 0 : i32
      %dma_wait3A_39 = arith.constant 0 : i32
      %dma_wait3A_40 = tpu.memref_slice %arg5[%dma_wait3A_38, %dma_wait3A_39] : memref<128x128xf32, #tpu.memory_space<hbm>> -> memref<128x128xf32, #tpu.memory_space<hbm>>
      tpu.wait_dma2 semaphore(%run_scoped3A : memref<!tpu.dma_semaphore, #tpu.memory_space<semaphore_mem>>) src(%dma_wait3A_40 : memref<128x128xf32, #tpu.memory_space<hbm>>) dst(%dma_wait3A_37 : memref<128x128xf32, #tpu.memory_space<vmem_shared>>)
      tpu.yield
    }) : () -> ()
    %add3A_8 = arith.constant 512 : i32
    %add3A_9 = arith.addi %mul3A_0, %add3A_8 : i32
    "tpu.region"() ({
      %run_scoped3A = tpu.sem_alloc : memref<!tpu.dma_semaphore, #tpu.memory_space<semaphore_mem>>
      %dma_start3A = arith.constant 0 : i32
      %dma_start3A_33 = tpu.memref_slice %arg11[%add3A_9, %dma_start3A] : memref<10112x128xf32, #tpu.memory_space<vmem_shared>> -> memref<120x128xf32, #tpu.memory_space<vmem_shared>>
      %dma_start3A_34 = arith.constant 0 : i32
      %dma_start3A_35 = arith.constant 0 : i32
      %dma_start3A_36 = tpu.memref_slice %arg5[%dma_start3A_34, %dma_start3A_35] : memref<128x128xf32, #tpu.memory_space<hbm>> -> memref<120x128xf32, #tpu.memory_space<hbm>>
      tpu.enqueue_dma source(%dma_start3A_36 : memref<120x128xf32, #tpu.memory_space<hbm>>) target(%dma_start3A_33 : memref<120x128xf32, #tpu.memory_space<vmem_shared>>) target_semaphore(%run_scoped3A : memref<!tpu.dma_semaphore, #tpu.memory_space<semaphore_mem>>)
      %dma_wait3A = arith.constant 0 : i32
      %dma_wait3A_37 = tpu.memref_slice %arg11[%add3A_9, %dma_wait3A] : memref<10112x128xf32, #tpu.memory_space<vmem_shared>> -> memref<120x128xf32, #tpu.memory_space<vmem_shared>>
      %dma_wait3A_38 = arith.constant 0 : i32
      %dma_wait3A_39 = arith.constant 0 : i32
      %dma_wait3A_40 = tpu.memref_slice %arg5[%dma_wait3A_38, %dma_wait3A_39] : memref<128x128xf32, #tpu.memory_space<hbm>> -> memref<120x128xf32, #tpu.memory_space<hbm>>
      tpu.wait_dma2 semaphore(%run_scoped3A : memref<!tpu.dma_semaphore, #tpu.memory_space<semaphore_mem>>) src(%dma_wait3A_40 : memref<120x128xf32, #tpu.memory_space<hbm>>) dst(%dma_wait3A_37 : memref<120x128xf32, #tpu.memory_space<vmem_shared>>)
      tpu.yield
    }) : () -> ()
    %barrier3A = arith.constant 0 : index
    tpu.barrier barrier_id(%barrier3A)
    %eq3A = arith.constant 0 : i32
    %eq3A_10 = arith.cmpi eq, %arg0, %eq3A : i32
    %convert_element_type3A = arith.extui %eq3A_10 : i1 to i32
    %cond3A = arith.constant 0 : i32
    %cond3A_11 = arith.cmpi ne, %convert_element_type3A, %cond3A : i32
    scf.if %cond3A_11 {
      %mul3A_33 = arith.constant 160 : i32
      %mul3A_34 = arith.muli %arg1, %mul3A_33 : i32
      %add3A_35 = arith.constant 0 : i32
      %add3A_36 = arith.addi %mul3A_34, %add3A_35 : i32
      "tpu.region"() ({
        %run_scoped3A = tpu.sem_alloc : memref<!tpu.dma_semaphore, #tpu.memory_space<semaphore_mem>>
        %dma_start3A_188 = arith.constant 0 : i32
        %dma_start3A_189 = tpu.memref_slice %arg3[%add3A_36, %dma_start3A_188] : memref<2560x128xi32, #tpu.memory_space<hbm>> -> memref<40x128xi32, #tpu.memory_space<hbm>>
        %dma_start3A_190 = arith.constant 0 : i32
        %dma_start3A_191 = tpu.memref_slice %arg3[%add3A_36, %dma_start3A_190] : memref<2560x128xi32, #tpu.memory_space<hbm>> -> memref<40x128xi32, #tpu.memory_space<hbm>>
        tpu.enqueue_dma source(%dma_start3A_191 : memref<40x128xi32, #tpu.memory_space<hbm>>) target(%arg7 : memref<40x128xi32, #tpu.memory_space<vmem>>) target_semaphore(%run_scoped3A : memref<!tpu.dma_semaphore, #tpu.memory_space<semaphore_mem>>)
        %dma_wait3A_192 = arith.constant 0 : i32
        %dma_wait3A_193 = tpu.memref_slice %arg3[%add3A_36, %dma_wait3A_192] : memref<2560x128xi32, #tpu.memory_space<hbm>> -> memref<40x128xi32, #tpu.memory_space<hbm>>
        %dma_wait3A_194 = arith.constant 0 : i32
        %dma_wait3A_195 = tpu.memref_slice %arg3[%add3A_36, %dma_wait3A_194] : memref<2560x128xi32, #tpu.memory_space<hbm>> -> memref<40x128xi32, #tpu.memory_space<hbm>>
        tpu.wait_dma2 semaphore(%run_scoped3A : memref<!tpu.dma_semaphore, #tpu.memory_space<semaphore_mem>>) src(%dma_wait3A_195 : memref<40x128xi32, #tpu.memory_space<hbm>>) dst(%arg7 : memref<40x128xi32, #tpu.memory_space<vmem>>)
        tpu.yield
      }) : () -> ()
      %add3A_37 = arith.constant 0 : i32
      %add3A_38 = arith.addi %mul3A_34, %add3A_37 : i32
      "tpu.region"() ({
        %run_scoped3A = tpu.sem_alloc : memref<!tpu.dma_semaphore, #tpu.memory_space<semaphore_mem>>
        %dma_start3A_188 = arith.constant 0 : i32
        %dma_start3A_189 = tpu.memref_slice %arg4[%add3A_38, %dma_start3A_188] : memref<2560x128xi32, #tpu.memory_space<hbm>> -> memref<40x128xi32, #tpu.memory_space<hbm>>
        %dma_start3A_190 = arith.constant 0 : i32
        %dma_start3A_191 = tpu.memref_slice %arg4[%add3A_38, %dma_start3A_190] : memref<2560x128xi32, #tpu.memory_space<hbm>> -> memref<40x128xi32, #tpu.memory_space<hbm>>
        tpu.enqueue_dma source(%dma_start3A_191 : memref<40x128xi32, #tpu.memory_space<hbm>>) target(%arg8 : memref<40x128xi32, #tpu.memory_space<vmem>>) target_semaphore(%run_scoped3A : memref<!tpu.dma_semaphore, #tpu.memory_space<semaphore_mem>>)
        %dma_wait3A_192 = arith.constant 0 : i32
        %dma_wait3A_193 = tpu.memref_slice %arg4[%add3A_38, %dma_wait3A_192] : memref<2560x128xi32, #tpu.memory_space<hbm>> -> memref<40x128xi32, #tpu.memory_space<hbm>>
        %dma_wait3A_194 = arith.constant 0 : i32
        %dma_wait3A_195 = tpu.memref_slice %arg4[%add3A_38, %dma_wait3A_194] : memref<2560x128xi32, #tpu.memory_space<hbm>> -> memref<40x128xi32, #tpu.memory_space<hbm>>
        tpu.wait_dma2 semaphore(%run_scoped3A : memref<!tpu.dma_semaphore, #tpu.memory_space<semaphore_mem>>) src(%dma_wait3A_195 : memref<40x128xi32, #tpu.memory_space<hbm>>) dst(%arg8 : memref<40x128xi32, #tpu.memory_space<vmem>>)
        tpu.yield
      }) : () -> ()
      %dma_start3A = arith.constant 0 : i32
      %dma_start3A_39 = arith.constant 0 : i32
      %dma_start3A_40 = tpu.memref_slice %arg7[%dma_start3A, %dma_start3A_39] : memref<40x128xi32, #tpu.memory_space<vmem>> -> memref<1x128xi32, #tpu.memory_space<vmem>>
      %dma_start3A_41 = tpu.memref_squeeze %dma_start3A_40 : memref<1x128xi32, #tpu.memory_space<vmem>> -> memref<128xi32, #tpu.memory_space<vmem>>
      %dma_start3A_42 = arith.constant 0 : i32
      %dma_start3A_43 = arith.constant 0 : i32
      %dma_start3A_44 = tpu.memref_slice %arg2[%dma_start3A_42, %dma_start3A_43] : memref<10240x128xf32, #tpu.memory_space<hbm>> -> memref<10240x128xf32, #tpu.memory_space<hbm>>
      tpu.enqueue_indirect_dma source(%dma_start3A_44 : memref<10240x128xf32, #tpu.memory_space<hbm>>) target(%arg9 : memref<128x128xf32, #tpu.memory_space<vmem>>) offsets(%dma_start3A_41 : memref<128xi32, #tpu.memory_space<vmem>>) semaphore(%arg12 : memref<!tpu.dma_semaphore, #tpu.memory_space<semaphore_mem>>)
      %dma_start3A_45 = arith.constant 1 : i32
      %dma_start3A_46 = arith.constant 0 : i32
      %dma_start3A_47 = tpu.memref_slice %arg7[%dma_start3A_45, %dma_start3A_46] : memref<40x128xi32, #tpu.memory_space<vmem>> -> memref<1x128xi32, #tpu.memory_space<vmem>>
      %dma_start3A_48 = tpu.memref_squeeze %dma_start3A_47 : memref<1x128xi32, #tpu.memory_space<vmem>> -> memref<128xi32, #tpu.memory_space<vmem>>
      %dma_start3A_49 = arith.constant 0 : i32
      %dma_start3A_50 = arith.constant 0 : i32
      %dma_start3A_51 = tpu.memref_slice %arg2[%dma_start3A_49, %dma_start3A_50] : memref<10240x128xf32, #tpu.memory_space<hbm>> -> memref<10240x128xf32, #tpu.memory_space<hbm>>
      tpu.enqueue_indirect_dma source(%dma_start3A_51 : memref<10240x128xf32, #tpu.memory_space<hbm>>) target(%arg10 : memref<128x128xf32, #tpu.memory_space<vmem>>) offsets(%dma_start3A_48 : memref<128xi32, #tpu.memory_space<vmem>>) semaphore(%arg13 : memref<!tpu.dma_semaphore, #tpu.memory_space<semaphore_mem>>)
      %scan3A = arith.constant 0 : i32
      %scan3A_52 = arith.constant 0 : i32
      %scan3A_53 = arith.constant 20 : i32
      %scan3A_54 = arith.addi %scan3A_52, %scan3A_53 : i32
      %scan3A_55 = arith.constant 1 : i32
      %scan3A_56 = scf.for %scan3A_188 = %scan3A_52 to %scan3A_54 step %scan3A_55 iter_args(%scan3A_189 = %scan3A) -> (i32)  : i32 {
        %mul3A_190 = arith.constant 2 : i32
        %mul3A_191 = arith.muli %mul3A_190, %scan3A_188 : i32
        %add3A_192 = arith.constant 0 : i32
        %add3A_193 = arith.addi %mul3A_191, %add3A_192 : i32
        %dma_wait3A_194 = arith.constant 0 : i32
        %dma_wait3A_195 = arith.constant 0 : i32
        %dma_wait3A_196 = tpu.memref_slice %arg7[%dma_wait3A_194, %dma_wait3A_195] : memref<40x128xi32, #tpu.memory_space<vmem>> -> memref<1x128xi32, #tpu.memory_space<vmem>>
        %dma_wait3A_197 = tpu.memref_squeeze %dma_wait3A_196 : memref<1x128xi32, #tpu.memory_space<vmem>> -> memref<128xi32, #tpu.memory_space<vmem>>
        %dma_wait3A_198 = arith.constant 0 : i32
        %dma_wait3A_199 = arith.constant 0 : i32
        %dma_wait3A_200 = tpu.memref_slice %arg2[%dma_wait3A_198, %dma_wait3A_199] : memref<10240x128xf32, #tpu.memory_space<hbm>> -> memref<10240x128xf32, #tpu.memory_space<hbm>>
        tpu.wait_indirect_dma semaphore(%arg12 : memref<!tpu.dma_semaphore, #tpu.memory_space<semaphore_mem>>) src(%dma_wait3A_200 : memref<10240x128xf32, #tpu.memory_space<hbm>>) dst(%arg9 : memref<128x128xf32, #tpu.memory_space<vmem>>)
        "tpu.region"() ({
          %run_scoped3A = tpu.sem_alloc : memref<!tpu.dma_semaphore, #tpu.memory_space<semaphore_mem>>
          %dma_start3A_232 = arith.constant 0 : i32
          %dma_start3A_233 = tpu.memref_slice %arg8[%add3A_193, %dma_start3A_232] : memref<40x128xi32, #tpu.memory_space<vmem>> -> memref<1x128xi32, #tpu.memory_space<vmem>>
          %dma_start3A_234 = tpu.memref_squeeze %dma_start3A_233 : memref<1x128xi32, #tpu.memory_space<vmem>> -> memref<128xi32, #tpu.memory_space<vmem>>
          %dma_start3A_235 = arith.constant 0 : i32
          %dma_start3A_236 = arith.constant 0 : i32
          %dma_start3A_237 = tpu.memref_slice %arg11[%dma_start3A_235, %dma_start3A_236] : memref<10112x128xf32, #tpu.memory_space<vmem_shared>> -> memref<10112x128xf32, #tpu.memory_space<vmem_shared>>
          tpu.enqueue_indirect_dma source(%arg9 : memref<128x128xf32, #tpu.memory_space<vmem>>) target(%dma_start3A_237 : memref<10112x128xf32, #tpu.memory_space<vmem_shared>>) offsets(%dma_start3A_234 : memref<128xi32, #tpu.memory_space<vmem>>) semaphore(%run_scoped3A : memref<!tpu.dma_semaphore, #tpu.memory_space<semaphore_mem>>) {add = true}
          %dma_wait3A_238 = arith.constant 0 : i32
          %dma_wait3A_239 = tpu.memref_slice %arg8[%add3A_193, %dma_wait3A_238] : memref<40x128xi32, #tpu.memory_space<vmem>> -> memref<1x128xi32, #tpu.memory_space<vmem>>
          %dma_wait3A_240 = tpu.memref_squeeze %dma_wait3A_239 : memref<1x128xi32, #tpu.memory_space<vmem>> -> memref<128xi32, #tpu.memory_space<vmem>>
          %dma_wait3A_241 = arith.constant 0 : i32
          %dma_wait3A_242 = arith.constant 0 : i32
          %dma_wait3A_243 = tpu.memref_slice %arg11[%dma_wait3A_241, %dma_wait3A_242] : memref<10112x128xf32, #tpu.memory_space<vmem_shared>> -> memref<10112x128xf32, #tpu.memory_space<vmem_shared>>
          tpu.wait_indirect_dma semaphore(%run_scoped3A : memref<!tpu.dma_semaphore, #tpu.memory_space<semaphore_mem>>) src(%arg9 : memref<128x128xf32, #tpu.memory_space<vmem>>) dst(%dma_wait3A_243 : memref<10112x128xf32, #tpu.memory_space<vmem_shared>>)
          tpu.yield
        }) : () -> ()
        %add3A_201 = arith.constant 2 : i32
        %add3A_202 = arith.addi %add3A_193, %add3A_201 : i32
        %rem3A = arith.constant 40 : i32
        %rem3A_203 = arith.remsi %add3A_202, %rem3A : i32
        %dma_start3A_204 = arith.constant 0 : i32
        %dma_start3A_205 = tpu.memref_slice %arg7[%rem3A_203, %dma_start3A_204] : memref<40x128xi32, #tpu.memory_space<vmem>> -> memref<1x128xi32, #tpu.memory_space<vmem>>
        %dma_start3A_206 = tpu.memref_squeeze %dma_start3A_205 : memref<1x128xi32, #tpu.memory_space<vmem>> -> memref<128xi32, #tpu.memory_space<vmem>>
        %dma_start3A_207 = arith.constant 0 : i32
        %dma_start3A_208 = arith.constant 0 : i32
        %dma_start3A_209 = tpu.memref_slice %arg2[%dma_start3A_207, %dma_start3A_208] : memref<10240x128xf32, #tpu.memory_space<hbm>> -> memref<10240x128xf32, #tpu.memory_space<hbm>>
        tpu.enqueue_indirect_dma source(%dma_start3A_209 : memref<10240x128xf32, #tpu.memory_space<hbm>>) target(%arg9 : memref<128x128xf32, #tpu.memory_space<vmem>>) offsets(%dma_start3A_206 : memref<128xi32, #tpu.memory_space<vmem>>) semaphore(%arg12 : memref<!tpu.dma_semaphore, #tpu.memory_space<semaphore_mem>>)
        %mul3A_210 = arith.constant 2 : i32
        %mul3A_211 = arith.muli %mul3A_210, %scan3A_188 : i32
        %add3A_212 = arith.constant 1 : i32
        %add3A_213 = arith.addi %mul3A_211, %add3A_212 : i32
        %dma_wait3A_214 = arith.constant 1 : i32
        %dma_wait3A_215 = arith.constant 0 : i32
        %dma_wait3A_216 = tpu.memref_slice %arg7[%dma_wait3A_214, %dma_wait3A_215] : memref<40x128xi32, #tpu.memory_space<vmem>> -> memref<1x128xi32, #tpu.memory_space<vmem>>
        %dma_wait3A_217 = tpu.memref_squeeze %dma_wait3A_216 : memref<1x128xi32, #tpu.memory_space<vmem>> -> memref<128xi32, #tpu.memory_space<vmem>>
        %dma_wait3A_218 = arith.constant 0 : i32
        %dma_wait3A_219 = arith.constant 0 : i32
        %dma_wait3A_220 = tpu.memref_slice %arg2[%dma_wait3A_218, %dma_wait3A_219] : memref<10240x128xf32, #tpu.memory_space<hbm>> -> memref<10240x128xf32, #tpu.memory_space<hbm>>
        tpu.wait_indirect_dma semaphore(%arg13 : memref<!tpu.dma_semaphore, #tpu.memory_space<semaphore_mem>>) src(%dma_wait3A_220 : memref<10240x128xf32, #tpu.memory_space<hbm>>) dst(%arg10 : memref<128x128xf32, #tpu.memory_space<vmem>>)
        "tpu.region"() ({
          %run_scoped3A = tpu.sem_alloc : memref<!tpu.dma_semaphore, #tpu.memory_space<semaphore_mem>>
          %dma_start3A_232 = arith.constant 0 : i32
          %dma_start3A_233 = tpu.memref_slice %arg8[%add3A_213, %dma_start3A_232] : memref<40x128xi32, #tpu.memory_space<vmem>> -> memref<1x128xi32, #tpu.memory_space<vmem>>
          %dma_start3A_234 = tpu.memref_squeeze %dma_start3A_233 : memref<1x128xi32, #tpu.memory_space<vmem>> -> memref<128xi32, #tpu.memory_space<vmem>>
          %dma_start3A_235 = arith.constant 0 : i32
          %dma_start3A_236 = arith.constant 0 : i32
          %dma_start3A_237 = tpu.memref_slice %arg11[%dma_start3A_235, %dma_start3A_236] : memref<10112x128xf32, #tpu.memory_space<vmem_shared>> -> memref<10112x128xf32, #tpu.memory_space<vmem_shared>>
          tpu.enqueue_indirect_dma source(%arg10 : memref<128x128xf32, #tpu.memory_space<vmem>>) target(%dma_start3A_237 : memref<10112x128xf32, #tpu.memory_space<vmem_shared>>) offsets(%dma_start3A_234 : memref<128xi32, #tpu.memory_space<vmem>>) semaphore(%run_scoped3A : memref<!tpu.dma_semaphore, #tpu.memory_space<semaphore_mem>>) {add = true}
          %dma_wait3A_238 = arith.constant 0 : i32
          %dma_wait3A_239 = tpu.memref_slice %arg8[%add3A_213, %dma_wait3A_238] : memref<40x128xi32, #tpu.memory_space<vmem>> -> memref<1x128xi32, #tpu.memory_space<vmem>>
          %dma_wait3A_240 = tpu.memref_squeeze %dma_wait3A_239 : memref<1x128xi32, #tpu.memory_space<vmem>> -> memref<128xi32, #tpu.memory_space<vmem>>
          %dma_wait3A_241 = arith.constant 0 : i32
          %dma_wait3A_242 = arith.constant 0 : i32
          %dma_wait3A_243 = tpu.memref_slice %arg11[%dma_wait3A_241, %dma_wait3A_242] : memref<10112x128xf32, #tpu.memory_space<vmem_shared>> -> memref<10112x128xf32, #tpu.memory_space<vmem_shared>>
          tpu.wait_indirect_dma semaphore(%run_scoped3A : memref<!tpu.dma_semaphore, #tpu.memory_space<semaphore_mem>>) src(%arg10 : memref<128x128xf32, #tpu.memory_space<vmem>>) dst(%dma_wait3A_243 : memref<10112x128xf32, #tpu.memory_space<vmem_shared>>)
          tpu.yield
        }) : () -> ()
        %add3A_221 = arith.constant 2 : i32
        %add3A_222 = arith.addi %add3A_213, %add3A_221 : i32
        %rem3A_223 = arith.constant 40 : i32
        %rem3A_224 = arith.remsi %add3A_222, %rem3A_223 : i32
        %dma_start3A_225 = arith.constant 0 : i32
        %dma_start3A_226 = tpu.memref_slice %arg7[%rem3A_224, %dma_start3A_225] : memref<40x128xi32, #tpu.memory_space<vmem>> -> memref<1x128xi32, #tpu.memory_space<vmem>>
        %dma_start3A_227 = tpu.memref_squeeze %dma_start3A_226 : memref<1x128xi32, #tpu.memory_space<vmem>> -> memref<128xi32, #tpu.memory_space<vmem>>
        %dma_start3A_228 = arith.constant 0 : i32
        %dma_start3A_229 = arith.constant 0 : i32
        %dma_start3A_230 = tpu.memref_slice %arg2[%dma_start3A_228, %dma_start3A_229] : memref<10240x128xf32, #tpu.memory_space<hbm>> -> memref<10240x128xf32, #tpu.memory_space<hbm>>
        tpu.enqueue_indirect_dma source(%dma_start3A_230 : memref<10240x128xf32, #tpu.memory_space<hbm>>) target(%arg10 : memref<128x128xf32, #tpu.memory_space<vmem>>) offsets(%dma_start3A_227 : memref<128xi32, #tpu.memory_space<vmem>>) semaphore(%arg13 : memref<!tpu.dma_semaphore, #tpu.memory_space<semaphore_mem>>)
        %scan3A_231 = arith.constant 0 : i32
        scf.yield %scan3A_231 : i32
      }
      %scan3A_57 = arith.constant 20 : i32
      %dma_wait3A = arith.constant 0 : i32
      %dma_wait3A_58 = arith.constant 0 : i32
      %dma_wait3A_59 = tpu.memref_slice %arg7[%dma_wait3A, %dma_wait3A_58] : memref<40x128xi32, #tpu.memory_space<vmem>> -> memref<1x128xi32, #tpu.memory_space<vmem>>
      %dma_wait3A_60 = tpu.memref_squeeze %dma_wait3A_59 : memref<1x128xi32, #tpu.memory_space<vmem>> -> memref<128xi32, #tpu.memory_space<vmem>>
      %dma_wait3A_61 = arith.constant 0 : i32
      %dma_wait3A_62 = arith.constant 0 : i32
      %dma_wait3A_63 = tpu.memref_slice %arg2[%dma_wait3A_61, %dma_wait3A_62] : memref<10240x128xf32, #tpu.memory_space<hbm>> -> memref<10240x128xf32, #tpu.memory_space<hbm>>
      tpu.wait_indirect_dma semaphore(%arg12 : memref<!tpu.dma_semaphore, #tpu.memory_space<semaphore_mem>>) src(%dma_wait3A_63 : memref<10240x128xf32, #tpu.memory_space<hbm>>) dst(%arg9 : memref<128x128xf32, #tpu.memory_space<vmem>>)
      %dma_wait3A_64 = arith.constant 1 : i32
      %dma_wait3A_65 = arith.constant 0 : i32
      %dma_wait3A_66 = tpu.memref_slice %arg7[%dma_wait3A_64, %dma_wait3A_65] : memref<40x128xi32, #tpu.memory_space<vmem>> -> memref<1x128xi32, #tpu.memory_space<vmem>>
      %dma_wait3A_67 = tpu.memref_squeeze %dma_wait3A_66 : memref<1x128xi32, #tpu.memory_space<vmem>> -> memref<128xi32, #tpu.memory_space<vmem>>
      %dma_wait3A_68 = arith.constant 0 : i32
      %dma_wait3A_69 = arith.constant 0 : i32
      %dma_wait3A_70 = tpu.memref_slice %arg2[%dma_wait3A_68, %dma_wait3A_69] : memref<10240x128xf32, #tpu.memory_space<hbm>> -> memref<10240x128xf32, #tpu.memory_space<hbm>>
      tpu.wait_indirect_dma semaphore(%arg13 : memref<!tpu.dma_semaphore, #tpu.memory_space<semaphore_mem>>) src(%dma_wait3A_70 : memref<10240x128xf32, #tpu.memory_space<hbm>>) dst(%arg10 : memref<128x128xf32, #tpu.memory_space<vmem>>)
      %add3A_71 = arith.constant 40 : i32
      %add3A_72 = arith.addi %mul3A_34, %add3A_71 : i32
      "tpu.region"() ({
        %run_scoped3A = tpu.sem_alloc : memref<!tpu.dma_semaphore, #tpu.memory_space<semaphore_mem>>
        %dma_start3A_188 = arith.constant 0 : i32
        %dma_start3A_189 = tpu.memref_slice %arg3[%add3A_72, %dma_start3A_188] : memref<2560x128xi32, #tpu.memory_space<hbm>> -> memref<40x128xi32, #tpu.memory_space<hbm>>
        %dma_start3A_190 = arith.constant 0 : i32
        %dma_start3A_191 = tpu.memref_slice %arg3[%add3A_72, %dma_start3A_190] : memref<2560x128xi32, #tpu.memory_space<hbm>> -> memref<40x128xi32, #tpu.memory_space<hbm>>
        tpu.enqueue_dma source(%dma_start3A_191 : memref<40x128xi32, #tpu.memory_space<hbm>>) target(%arg7 : memref<40x128xi32, #tpu.memory_space<vmem>>) target_semaphore(%run_scoped3A : memref<!tpu.dma_semaphore, #tpu.memory_space<semaphore_mem>>)
        %dma_wait3A_192 = arith.constant 0 : i32
        %dma_wait3A_193 = tpu.memref_slice %arg3[%add3A_72, %dma_wait3A_192] : memref<2560x128xi32, #tpu.memory_space<hbm>> -> memref<40x128xi32, #tpu.memory_space<hbm>>
        %dma_wait3A_194 = arith.constant 0 : i32
        %dma_wait3A_195 = tpu.memref_slice %arg3[%add3A_72, %dma_wait3A_194] : memref<2560x128xi32, #tpu.memory_space<hbm>> -> memref<40x128xi32, #tpu.memory_space<hbm>>
        tpu.wait_dma2 semaphore(%run_scoped3A : memref<!tpu.dma_semaphore, #tpu.memory_space<semaphore_mem>>) src(%dma_wait3A_195 : memref<40x128xi32, #tpu.memory_space<hbm>>) dst(%arg7 : memref<40x128xi32, #tpu.memory_space<vmem>>)
        tpu.yield
      }) : () -> ()
      %add3A_73 = arith.constant 40 : i32
      %add3A_74 = arith.addi %mul3A_34, %add3A_73 : i32
      "tpu.region"() ({
        %run_scoped3A = tpu.sem_alloc : memref<!tpu.dma_semaphore, #tpu.memory_space<semaphore_mem>>
        %dma_start3A_188 = arith.constant 0 : i32
        %dma_start3A_189 = tpu.memref_slice %arg4[%add3A_74, %dma_start3A_188] : memref<2560x128xi32, #tpu.memory_space<hbm>> -> memref<40x128xi32, #tpu.memory_space<hbm>>
        %dma_start3A_190 = arith.constant 0 : i32
        %dma_start3A_191 = tpu.memref_slice %arg4[%add3A_74, %dma_start3A_190] : memref<2560x128xi32, #tpu.memory_space<hbm>> -> memref<40x128xi32, #tpu.memory_space<hbm>>
        tpu.enqueue_dma source(%dma_start3A_191 : memref<40x128xi32, #tpu.memory_space<hbm>>) target(%arg8 : memref<40x128xi32, #tpu.memory_space<vmem>>) target_semaphore(%run_scoped3A : memref<!tpu.dma_semaphore, #tpu.memory_space<semaphore_mem>>)
        %dma_wait3A_192 = arith.constant 0 : i32
        %dma_wait3A_193 = tpu.memref_slice %arg4[%add3A_74, %dma_wait3A_192] : memref<2560x128xi32, #tpu.memory_space<hbm>> -> memref<40x128xi32, #tpu.memory_space<hbm>>
        %dma_wait3A_194 = arith.constant 0 : i32
        %dma_wait3A_195 = tpu.memref_slice %arg4[%add3A_74, %dma_wait3A_194] : memref<2560x128xi32, #tpu.memory_space<hbm>> -> memref<40x128xi32, #tpu.memory_space<hbm>>
        tpu.wait_dma2 semaphore(%run_scoped3A : memref<!tpu.dma_semaphore, #tpu.memory_space<semaphore_mem>>) src(%dma_wait3A_195 : memref<40x128xi32, #tpu.memory_space<hbm>>) dst(%arg8 : memref<40x128xi32, #tpu.memory_space<vmem>>)
        tpu.yield
      }) : () -> ()
      %dma_start3A_75 = arith.constant 0 : i32
      %dma_start3A_76 = arith.constant 0 : i32
      %dma_start3A_77 = tpu.memref_slice %arg7[%dma_start3A_75, %dma_start3A_76] : memref<40x128xi32, #tpu.memory_space<vmem>> -> memref<1x128xi32, #tpu.memory_space<vmem>>
      %dma_start3A_78 = tpu.memref_squeeze %dma_start3A_77 : memref<1x128xi32, #tpu.memory_space<vmem>> -> memref<128xi32, #tpu.memory_space<vmem>>
      %dma_start3A_79 = arith.constant 0 : i32
      %dma_start3A_80 = arith.constant 0 : i32
      %dma_start3A_81 = tpu.memref_slice %arg2[%dma_start3A_79, %dma_start3A_80] : memref<10240x128xf32, #tpu.memory_space<hbm>> -> memref<10240x128xf32, #tpu.memory_space<hbm>>
      tpu.enqueue_indirect_dma source(%dma_start3A_81 : memref<10240x128xf32, #tpu.memory_space<hbm>>) target(%arg9 : memref<128x128xf32, #tpu.memory_space<vmem>>) offsets(%dma_start3A_78 : memref<128xi32, #tpu.memory_space<vmem>>) semaphore(%arg12 : memref<!tpu.dma_semaphore, #tpu.memory_space<semaphore_mem>>)
      %dma_start3A_82 = arith.constant 1 : i32
      %dma_start3A_83 = arith.constant 0 : i32
      %dma_start3A_84 = tpu.memref_slice %arg7[%dma_start3A_82, %dma_start3A_83] : memref<40x128xi32, #tpu.memory_space<vmem>> -> memref<1x128xi32, #tpu.memory_space<vmem>>
      %dma_start3A_85 = tpu.memref_squeeze %dma_start3A_84 : memref<1x128xi32, #tpu.memory_space<vmem>> -> memref<128xi32, #tpu.memory_space<vmem>>
      %dma_start3A_86 = arith.constant 0 : i32
      %dma_start3A_87 = arith.constant 0 : i32
      %dma_start3A_88 = tpu.memref_slice %arg2[%dma_start3A_86, %dma_start3A_87] : memref<10240x128xf32, #tpu.memory_space<hbm>> -> memref<10240x128xf32, #tpu.memory_space<hbm>>
      tpu.enqueue_indirect_dma source(%dma_start3A_88 : memref<10240x128xf32, #tpu.memory_space<hbm>>) target(%arg10 : memref<128x128xf32, #tpu.memory_space<vmem>>) offsets(%dma_start3A_85 : memref<128xi32, #tpu.memory_space<vmem>>) semaphore(%arg13 : memref<!tpu.dma_semaphore, #tpu.memory_space<semaphore_mem>>)
      %scan3A_89 = arith.constant 0 : i32
      %scan3A_90 = arith.constant 0 : i32
      %scan3A_91 = arith.constant 20 : i32
      %scan3A_92 = arith.addi %scan3A_90, %scan3A_91 : i32
      %scan3A_93 = arith.constant 1 : i32
      %scan3A_94 = scf.for %scan3A_188 = %scan3A_90 to %scan3A_92 step %scan3A_93 iter_args(%scan3A_189 = %scan3A_89) -> (i32)  : i32 {
        %mul3A_190 = arith.constant 2 : i32
        %mul3A_191 = arith.muli %mul3A_190, %scan3A_188 : i32
        %add3A_192 = arith.constant 0 : i32
        %add3A_193 = arith.addi %mul3A_191, %add3A_192 : i32
        %dma_wait3A_194 = arith.constant 0 : i32
        %dma_wait3A_195 = arith.constant 0 : i32
        %dma_wait3A_196 = tpu.memref_slice %arg7[%dma_wait3A_194, %dma_wait3A_195] : memref<40x128xi32, #tpu.memory_space<vmem>> -> memref<1x128xi32, #tpu.memory_space<vmem>>
        %dma_wait3A_197 = tpu.memref_squeeze %dma_wait3A_196 : memref<1x128xi32, #tpu.memory_space<vmem>> -> memref<128xi32, #tpu.memory_space<vmem>>
        %dma_wait3A_198 = arith.constant 0 : i32
        %dma_wait3A_199 = arith.constant 0 : i32
        %dma_wait3A_200 = tpu.memref_slice %arg2[%dma_wait3A_198, %dma_wait3A_199] : memref<10240x128xf32, #tpu.memory_space<hbm>> -> memref<10240x128xf32, #tpu.memory_space<hbm>>
        tpu.wait_indirect_dma semaphore(%arg12 : memref<!tpu.dma_semaphore, #tpu.memory_space<semaphore_mem>>) src(%dma_wait3A_200 : memref<10240x128xf32, #tpu.memory_space<hbm>>) dst(%arg9 : memref<128x128xf32, #tpu.memory_space<vmem>>)
        "tpu.region"() ({
          %run_scoped3A = tpu.sem_alloc : memref<!tpu.dma_semaphore, #tpu.memory_space<semaphore_mem>>
          %dma_start3A_232 = arith.constant 0 : i32
          %dma_start3A_233 = tpu.memref_slice %arg8[%add3A_193, %dma_start3A_232] : memref<40x128xi32, #tpu.memory_space<vmem>> -> memref<1x128xi32, #tpu.memory_space<vmem>>
          %dma_start3A_234 = tpu.memref_squeeze %dma_start3A_233 : memref<1x128xi32, #tpu.memory_space<vmem>> -> memref<128xi32, #tpu.memory_space<vmem>>
          %dma_start3A_235 = arith.constant 0 : i32
          %dma_start3A_236 = arith.constant 0 : i32
          %dma_start3A_237 = tpu.memref_slice %arg11[%dma_start3A_235, %dma_start3A_236] : memref<10112x128xf32, #tpu.memory_space<vmem_shared>> -> memref<10112x128xf32, #tpu.memory_space<vmem_shared>>
          tpu.enqueue_indirect_dma source(%arg9 : memref<128x128xf32, #tpu.memory_space<vmem>>) target(%dma_start3A_237 : memref<10112x128xf32, #tpu.memory_space<vmem_shared>>) offsets(%dma_start3A_234 : memref<128xi32, #tpu.memory_space<vmem>>) semaphore(%run_scoped3A : memref<!tpu.dma_semaphore, #tpu.memory_space<semaphore_mem>>) {add = true}
          %dma_wait3A_238 = arith.constant 0 : i32
          %dma_wait3A_239 = tpu.memref_slice %arg8[%add3A_193, %dma_wait3A_238] : memref<40x128xi32, #tpu.memory_space<vmem>> -> memref<1x128xi32, #tpu.memory_space<vmem>>
          %dma_wait3A_240 = tpu.memref_squeeze %dma_wait3A_239 : memref<1x128xi32, #tpu.memory_space<vmem>> -> memref<128xi32, #tpu.memory_space<vmem>>
          %dma_wait3A_241 = arith.constant 0 : i32
          %dma_wait3A_242 = arith.constant 0 : i32
          %dma_wait3A_243 = tpu.memref_slice %arg11[%dma_wait3A_241, %dma_wait3A_242] : memref<10112x128xf32, #tpu.memory_space<vmem_shared>> -> memref<10112x128xf32, #tpu.memory_space<vmem_shared>>
          tpu.wait_indirect_dma semaphore(%run_scoped3A : memref<!tpu.dma_semaphore, #tpu.memory_space<semaphore_mem>>) src(%arg9 : memref<128x128xf32, #tpu.memory_space<vmem>>) dst(%dma_wait3A_243 : memref<10112x128xf32, #tpu.memory_space<vmem_shared>>)
          tpu.yield
        }) : () -> ()
        %add3A_201 = arith.constant 2 : i32
        %add3A_202 = arith.addi %add3A_193, %add3A_201 : i32
        %rem3A = arith.constant 40 : i32
        %rem3A_203 = arith.remsi %add3A_202, %rem3A : i32
        %dma_start3A_204 = arith.constant 0 : i32
        %dma_start3A_205 = tpu.memref_slice %arg7[%rem3A_203, %dma_start3A_204] : memref<40x128xi32, #tpu.memory_space<vmem>> -> memref<1x128xi32, #tpu.memory_space<vmem>>
        %dma_start3A_206 = tpu.memref_squeeze %dma_start3A_205 : memref<1x128xi32, #tpu.memory_space<vmem>> -> memref<128xi32, #tpu.memory_space<vmem>>
        %dma_start3A_207 = arith.constant 0 : i32
        %dma_start3A_208 = arith.constant 0 : i32
        %dma_start3A_209 = tpu.memref_slice %arg2[%dma_start3A_207, %dma_start3A_208] : memref<10240x128xf32, #tpu.memory_space<hbm>> -> memref<10240x128xf32, #tpu.memory_space<hbm>>
        tpu.enqueue_indirect_dma source(%dma_start3A_209 : memref<10240x128xf32, #tpu.memory_space<hbm>>) target(%arg9 : memref<128x128xf32, #tpu.memory_space<vmem>>) offsets(%dma_start3A_206 : memref<128xi32, #tpu.memory_space<vmem>>) semaphore(%arg12 : memref<!tpu.dma_semaphore, #tpu.memory_space<semaphore_mem>>)
        %mul3A_210 = arith.constant 2 : i32
        %mul3A_211 = arith.muli %mul3A_210, %scan3A_188 : i32
        %add3A_212 = arith.constant 1 : i32
        %add3A_213 = arith.addi %mul3A_211, %add3A_212 : i32
        %dma_wait3A_214 = arith.constant 1 : i32
        %dma_wait3A_215 = arith.constant 0 : i32
        %dma_wait3A_216 = tpu.memref_slice %arg7[%dma_wait3A_214, %dma_wait3A_215] : memref<40x128xi32, #tpu.memory_space<vmem>> -> memref<1x128xi32, #tpu.memory_space<vmem>>
        %dma_wait3A_217 = tpu.memref_squeeze %dma_wait3A_216 : memref<1x128xi32, #tpu.memory_space<vmem>> -> memref<128xi32, #tpu.memory_space<vmem>>
        %dma_wait3A_218 = arith.constant 0 : i32
        %dma_wait3A_219 = arith.constant 0 : i32
        %dma_wait3A_220 = tpu.memref_slice %arg2[%dma_wait3A_218, %dma_wait3A_219] : memref<10240x128xf32, #tpu.memory_space<hbm>> -> memref<10240x128xf32, #tpu.memory_space<hbm>>
        tpu.wait_indirect_dma semaphore(%arg13 : memref<!tpu.dma_semaphore, #tpu.memory_space<semaphore_mem>>) src(%dma_wait3A_220 : memref<10240x128xf32, #tpu.memory_space<hbm>>) dst(%arg10 : memref<128x128xf32, #tpu.memory_space<vmem>>)
        "tpu.region"() ({
          %run_scoped3A = tpu.sem_alloc : memref<!tpu.dma_semaphore, #tpu.memory_space<semaphore_mem>>
          %dma_start3A_232 = arith.constant 0 : i32
          %dma_start3A_233 = tpu.memref_slice %arg8[%add3A_213, %dma_start3A_232] : memref<40x128xi32, #tpu.memory_space<vmem>> -> memref<1x128xi32, #tpu.memory_space<vmem>>
          %dma_start3A_234 = tpu.memref_squeeze %dma_start3A_233 : memref<1x128xi32, #tpu.memory_space<vmem>> -> memref<128xi32, #tpu.memory_space<vmem>>
          %dma_start3A_235 = arith.constant 0 : i32
          %dma_start3A_236 = arith.constant 0 : i32
          %dma_start3A_237 = tpu.memref_slice %arg11[%dma_start3A_235, %dma_start3A_236] : memref<10112x128xf32, #tpu.memory_space<vmem_shared>> -> memref<10112x128xf32, #tpu.memory_space<vmem_shared>>
          tpu.enqueue_indirect_dma source(%arg10 : memref<128x128xf32, #tpu.memory_space<vmem>>) target(%dma_start3A_237 : memref<10112x128xf32, #tpu.memory_space<vmem_shared>>) offsets(%dma_start3A_234 : memref<128xi32, #tpu.memory_space<vmem>>) semaphore(%run_scoped3A : memref<!tpu.dma_semaphore, #tpu.memory_space<semaphore_mem>>) {add = true}
          %dma_wait3A_238 = arith.constant 0 : i32
          %dma_wait3A_239 = tpu.memref_slice %arg8[%add3A_213, %dma_wait3A_238] : memref<40x128xi32, #tpu.memory_space<vmem>> -> memref<1x128xi32, #tpu.memory_space<vmem>>
          %dma_wait3A_240 = tpu.memref_squeeze %dma_wait3A_239 : memref<1x128xi32, #tpu.memory_space<vmem>> -> memref<128xi32, #tpu.memory_space<vmem>>
          %dma_wait3A_241 = arith.constant 0 : i32
          %dma_wait3A_242 = arith.constant 0 : i32
          %dma_wait3A_243 = tpu.memref_slice %arg11[%dma_wait3A_241, %dma_wait3A_242] : memref<10112x128xf32, #tpu.memory_space<vmem_shared>> -> memref<10112x128xf32, #tpu.memory_space<vmem_shared>>
          tpu.wait_indirect_dma semaphore(%run_scoped3A : memref<!tpu.dma_semaphore, #tpu.memory_space<semaphore_mem>>) src(%arg10 : memref<128x128xf32, #tpu.memory_space<vmem>>) dst(%dma_wait3A_243 : memref<10112x128xf32, #tpu.memory_space<vmem_shared>>)
          tpu.yield
        }) : () -> ()
        %add3A_221 = arith.constant 2 : i32
        %add3A_222 = arith.addi %add3A_213, %add3A_221 : i32
        %rem3A_223 = arith.constant 40 : i32
        %rem3A_224 = arith.remsi %add3A_222, %rem3A_223 : i32
        %dma_start3A_225 = arith.constant 0 : i32
        %dma_start3A_226 = tpu.memref_slice %arg7[%rem3A_224, %dma_start3A_225] : memref<40x128xi32, #tpu.memory_space<vmem>> -> memref<1x128xi32, #tpu.memory_space<vmem>>
        %dma_start3A_227 = tpu.memref_squeeze %dma_start3A_226 : memref<1x128xi32, #tpu.memory_space<vmem>> -> memref<128xi32, #tpu.memory_space<vmem>>
        %dma_start3A_228 = arith.constant 0 : i32
        %dma_start3A_229 = arith.constant 0 : i32
        %dma_start3A_230 = tpu.memref_slice %arg2[%dma_start3A_228, %dma_start3A_229] : memref<10240x128xf32, #tpu.memory_space<hbm>> -> memref<10240x128xf32, #tpu.memory_space<hbm>>
        tpu.enqueue_indirect_dma source(%dma_start3A_230 : memref<10240x128xf32, #tpu.memory_space<hbm>>) target(%arg10 : memref<128x128xf32, #tpu.memory_space<vmem>>) offsets(%dma_start3A_227 : memref<128xi32, #tpu.memory_space<vmem>>) semaphore(%arg13 : memref<!tpu.dma_semaphore, #tpu.memory_space<semaphore_mem>>)
        %scan3A_231 = arith.constant 0 : i32
        scf.yield %scan3A_231 : i32
      }
      %scan3A_95 = arith.constant 20 : i32
      %dma_wait3A_96 = arith.constant 0 : i32
      %dma_wait3A_97 = arith.constant 0 : i32
      %dma_wait3A_98 = tpu.memref_slice %arg7[%dma_wait3A_96, %dma_wait3A_97] : memref<40x128xi32, #tpu.memory_space<vmem>> -> memref<1x128xi32, #tpu.memory_space<vmem>>
      %dma_wait3A_99 = tpu.memref_squeeze %dma_wait3A_98 : memref<1x128xi32, #tpu.memory_space<vmem>> -> memref<128xi32, #tpu.memory_space<vmem>>
      %dma_wait3A_100 = arith.constant 0 : i32
      %dma_wait3A_101 = arith.constant 0 : i32
      %dma_wait3A_102 = tpu.memref_slice %arg2[%dma_wait3A_100, %dma_wait3A_101] : memref<10240x128xf32, #tpu.memory_space<hbm>> -> memref<10240x128xf32, #tpu.memory_space<hbm>>
      tpu.wait_indirect_dma semaphore(%arg12 : memref<!tpu.dma_semaphore, #tpu.memory_space<semaphore_mem>>) src(%dma_wait3A_102 : memref<10240x128xf32, #tpu.memory_space<hbm>>) dst(%arg9 : memref<128x128xf32, #tpu.memory_space<vmem>>)
      %dma_wait3A_103 = arith.constant 1 : i32
      %dma_wait3A_104 = arith.constant 0 : i32
      %dma_wait3A_105 = tpu.memref_slice %arg7[%dma_wait3A_103, %dma_wait3A_104] : memref<40x128xi32, #tpu.memory_space<vmem>> -> memref<1x128xi32, #tpu.memory_space<vmem>>
      %dma_wait3A_106 = tpu.memref_squeeze %dma_wait3A_105 : memref<1x128xi32, #tpu.memory_space<vmem>> -> memref<128xi32, #tpu.memory_space<vmem>>
      %dma_wait3A_107 = arith.constant 0 : i32
      %dma_wait3A_108 = arith.constant 0 : i32
      %dma_wait3A_109 = tpu.memref_slice %arg2[%dma_wait3A_107, %dma_wait3A_108] : memref<10240x128xf32, #tpu.memory_space<hbm>> -> memref<10240x128xf32, #tpu.memory_space<hbm>>
      tpu.wait_indirect_dma semaphore(%arg13 : memref<!tpu.dma_semaphore, #tpu.memory_space<semaphore_mem>>) src(%dma_wait3A_109 : memref<10240x128xf32, #tpu.memory_space<hbm>>) dst(%arg10 : memref<128x128xf32, #tpu.memory_space<vmem>>)
      %add3A_110 = arith.constant 80 : i32
      %add3A_111 = arith.addi %mul3A_34, %add3A_110 : i32
      "tpu.region"() ({
        %run_scoped3A = tpu.sem_alloc : memref<!tpu.dma_semaphore, #tpu.memory_space<semaphore_mem>>
        %dma_start3A_188 = arith.constant 0 : i32
        %dma_start3A_189 = tpu.memref_slice %arg3[%add3A_111, %dma_start3A_188] : memref<2560x128xi32, #tpu.memory_space<hbm>> -> memref<40x128xi32, #tpu.memory_space<hbm>>
        %dma_start3A_190 = arith.constant 0 : i32
        %dma_start3A_191 = tpu.memref_slice %arg3[%add3A_111, %dma_start3A_190] : memref<2560x128xi32, #tpu.memory_space<hbm>> -> memref<40x128xi32, #tpu.memory_space<hbm>>
        tpu.enqueue_dma source(%dma_start3A_191 : memref<40x128xi32, #tpu.memory_space<hbm>>) target(%arg7 : memref<40x128xi32, #tpu.memory_space<vmem>>) target_semaphore(%run_scoped3A : memref<!tpu.dma_semaphore, #tpu.memory_space<semaphore_mem>>)
        %dma_wait3A_192 = arith.constant 0 : i32
        %dma_wait3A_193 = tpu.memref_slice %arg3[%add3A_111, %dma_wait3A_192] : memref<2560x128xi32, #tpu.memory_space<hbm>> -> memref<40x128xi32, #tpu.memory_space<hbm>>
        %dma_wait3A_194 = arith.constant 0 : i32
        %dma_wait3A_195 = tpu.memref_slice %arg3[%add3A_111, %dma_wait3A_194] : memref<2560x128xi32, #tpu.memory_space<hbm>> -> memref<40x128xi32, #tpu.memory_space<hbm>>
        tpu.wait_dma2 semaphore(%run_scoped3A : memref<!tpu.dma_semaphore, #tpu.memory_space<semaphore_mem>>) src(%dma_wait3A_195 : memref<40x128xi32, #tpu.memory_space<hbm>>) dst(%arg7 : memref<40x128xi32, #tpu.memory_space<vmem>>)
        tpu.yield
      }) : () -> ()
      %add3A_112 = arith.constant 80 : i32
      %add3A_113 = arith.addi %mul3A_34, %add3A_112 : i32
      "tpu.region"() ({
        %run_scoped3A = tpu.sem_alloc : memref<!tpu.dma_semaphore, #tpu.memory_space<semaphore_mem>>
        %dma_start3A_188 = arith.constant 0 : i32
        %dma_start3A_189 = tpu.memref_slice %arg4[%add3A_113, %dma_start3A_188] : memref<2560x128xi32, #tpu.memory_space<hbm>> -> memref<40x128xi32, #tpu.memory_space<hbm>>
        %dma_start3A_190 = arith.constant 0 : i32
        %dma_start3A_191 = tpu.memref_slice %arg4[%add3A_113, %dma_start3A_190] : memref<2560x128xi32, #tpu.memory_space<hbm>> -> memref<40x128xi32, #tpu.memory_space<hbm>>
        tpu.enqueue_dma source(%dma_start3A_191 : memref<40x128xi32, #tpu.memory_space<hbm>>) target(%arg8 : memref<40x128xi32, #tpu.memory_space<vmem>>) target_semaphore(%run_scoped3A : memref<!tpu.dma_semaphore, #tpu.memory_space<semaphore_mem>>)
        %dma_wait3A_192 = arith.constant 0 : i32
        %dma_wait3A_193 = tpu.memref_slice %arg4[%add3A_113, %dma_wait3A_192] : memref<2560x128xi32, #tpu.memory_space<hbm>> -> memref<40x128xi32, #tpu.memory_space<hbm>>
        %dma_wait3A_194 = arith.constant 0 : i32
        %dma_wait3A_195 = tpu.memref_slice %arg4[%add3A_113, %dma_wait3A_194] : memref<2560x128xi32, #tpu.memory_space<hbm>> -> memref<40x128xi32, #tpu.memory_space<hbm>>
        tpu.wait_dma2 semaphore(%run_scoped3A : memref<!tpu.dma_semaphore, #tpu.memory_space<semaphore_mem>>) src(%dma_wait3A_195 : memref<40x128xi32, #tpu.memory_space<hbm>>) dst(%arg8 : memref<40x128xi32, #tpu.memory_space<vmem>>)
        tpu.yield
      }) : () -> ()
      %dma_start3A_114 = arith.constant 0 : i32
      %dma_start3A_115 = arith.constant 0 : i32
      %dma_start3A_116 = tpu.memref_slice %arg7[%dma_start3A_114, %dma_start3A_115] : memref<40x128xi32, #tpu.memory_space<vmem>> -> memref<1x128xi32, #tpu.memory_space<vmem>>
      %dma_start3A_117 = tpu.memref_squeeze %dma_start3A_116 : memref<1x128xi32, #tpu.memory_space<vmem>> -> memref<128xi32, #tpu.memory_space<vmem>>
      %dma_start3A_118 = arith.constant 0 : i32
      %dma_start3A_119 = arith.constant 0 : i32
      %dma_start3A_120 = tpu.memref_slice %arg2[%dma_start3A_118, %dma_start3A_119] : memref<10240x128xf32, #tpu.memory_space<hbm>> -> memref<10240x128xf32, #tpu.memory_space<hbm>>
      tpu.enqueue_indirect_dma source(%dma_start3A_120 : memref<10240x128xf32, #tpu.memory_space<hbm>>) target(%arg9 : memref<128x128xf32, #tpu.memory_space<vmem>>) offsets(%dma_start3A_117 : memref<128xi32, #tpu.memory_space<vmem>>) semaphore(%arg12 : memref<!tpu.dma_semaphore, #tpu.memory_space<semaphore_mem>>)
      %dma_start3A_121 = arith.constant 1 : i32
      %dma_start3A_122 = arith.constant 0 : i32
      %dma_start3A_123 = tpu.memref_slice %arg7[%dma_start3A_121, %dma_start3A_122] : memref<40x128xi32, #tpu.memory_space<vmem>> -> memref<1x128xi32, #tpu.memory_space<vmem>>
      %dma_start3A_124 = tpu.memref_squeeze %dma_start3A_123 : memref<1x128xi32, #tpu.memory_space<vmem>> -> memref<128xi32, #tpu.memory_space<vmem>>
      %dma_start3A_125 = arith.constant 0 : i32
      %dma_start3A_126 = arith.constant 0 : i32
      %dma_start3A_127 = tpu.memref_slice %arg2[%dma_start3A_125, %dma_start3A_126] : memref<10240x128xf32, #tpu.memory_space<hbm>> -> memref<10240x128xf32, #tpu.memory_space<hbm>>
      tpu.enqueue_indirect_dma source(%dma_start3A_127 : memref<10240x128xf32, #tpu.memory_space<hbm>>) target(%arg10 : memref<128x128xf32, #tpu.memory_space<vmem>>) offsets(%dma_start3A_124 : memref<128xi32, #tpu.memory_space<vmem>>) semaphore(%arg13 : memref<!tpu.dma_semaphore, #tpu.memory_space<semaphore_mem>>)
      %scan3A_128 = arith.constant 0 : i32
      %scan3A_129 = arith.constant 0 : i32
      %scan3A_130 = arith.constant 20 : i32
      %scan3A_131 = arith.addi %scan3A_129, %scan3A_130 : i32
      %scan3A_132 = arith.constant 1 : i32
      %scan3A_133 = scf.for %scan3A_188 = %scan3A_129 to %scan3A_131 step %scan3A_132 iter_args(%scan3A_189 = %scan3A_128) -> (i32)  : i32 {
        %mul3A_190 = arith.constant 2 : i32
        %mul3A_191 = arith.muli %mul3A_190, %scan3A_188 : i32
        %add3A_192 = arith.constant 0 : i32
        %add3A_193 = arith.addi %mul3A_191, %add3A_192 : i32
        %dma_wait3A_194 = arith.constant 0 : i32
        %dma_wait3A_195 = arith.constant 0 : i32
        %dma_wait3A_196 = tpu.memref_slice %arg7[%dma_wait3A_194, %dma_wait3A_195] : memref<40x128xi32, #tpu.memory_space<vmem>> -> memref<1x128xi32, #tpu.memory_space<vmem>>
        %dma_wait3A_197 = tpu.memref_squeeze %dma_wait3A_196 : memref<1x128xi32, #tpu.memory_space<vmem>> -> memref<128xi32, #tpu.memory_space<vmem>>
        %dma_wait3A_198 = arith.constant 0 : i32
        %dma_wait3A_199 = arith.constant 0 : i32
        %dma_wait3A_200 = tpu.memref_slice %arg2[%dma_wait3A_198, %dma_wait3A_199] : memref<10240x128xf32, #tpu.memory_space<hbm>> -> memref<10240x128xf32, #tpu.memory_space<hbm>>
        tpu.wait_indirect_dma semaphore(%arg12 : memref<!tpu.dma_semaphore, #tpu.memory_space<semaphore_mem>>) src(%dma_wait3A_200 : memref<10240x128xf32, #tpu.memory_space<hbm>>) dst(%arg9 : memref<128x128xf32, #tpu.memory_space<vmem>>)
        "tpu.region"() ({
          %run_scoped3A = tpu.sem_alloc : memref<!tpu.dma_semaphore, #tpu.memory_space<semaphore_mem>>
          %dma_start3A_232 = arith.constant 0 : i32
          %dma_start3A_233 = tpu.memref_slice %arg8[%add3A_193, %dma_start3A_232] : memref<40x128xi32, #tpu.memory_space<vmem>> -> memref<1x128xi32, #tpu.memory_space<vmem>>
          %dma_start3A_234 = tpu.memref_squeeze %dma_start3A_233 : memref<1x128xi32, #tpu.memory_space<vmem>> -> memref<128xi32, #tpu.memory_space<vmem>>
          %dma_start3A_235 = arith.constant 0 : i32
          %dma_start3A_236 = arith.constant 0 : i32
          %dma_start3A_237 = tpu.memref_slice %arg11[%dma_start3A_235, %dma_start3A_236] : memref<10112x128xf32, #tpu.memory_space<vmem_shared>> -> memref<10112x128xf32, #tpu.memory_space<vmem_shared>>
          tpu.enqueue_indirect_dma source(%arg9 : memref<128x128xf32, #tpu.memory_space<vmem>>) target(%dma_start3A_237 : memref<10112x128xf32, #tpu.memory_space<vmem_shared>>) offsets(%dma_start3A_234 : memref<128xi32, #tpu.memory_space<vmem>>) semaphore(%run_scoped3A : memref<!tpu.dma_semaphore, #tpu.memory_space<semaphore_mem>>) {add = true}
          %dma_wait3A_238 = arith.constant 0 : i32
          %dma_wait3A_239 = tpu.memref_slice %arg8[%add3A_193, %dma_wait3A_238] : memref<40x128xi32, #tpu.memory_space<vmem>> -> memref<1x128xi32, #tpu.memory_space<vmem>>
          %dma_wait3A_240 = tpu.memref_squeeze %dma_wait3A_239 : memref<1x128xi32, #tpu.memory_space<vmem>> -> memref<128xi32, #tpu.memory_space<vmem>>
          %dma_wait3A_241 = arith.constant 0 : i32
          %dma_wait3A_242 = arith.constant 0 : i32
          %dma_wait3A_243 = tpu.memref_slice %arg11[%dma_wait3A_241, %dma_wait3A_242] : memref<10112x128xf32, #tpu.memory_space<vmem_shared>> -> memref<10112x128xf32, #tpu.memory_space<vmem_shared>>
          tpu.wait_indirect_dma semaphore(%run_scoped3A : memref<!tpu.dma_semaphore, #tpu.memory_space<semaphore_mem>>) src(%arg9 : memref<128x128xf32, #tpu.memory_space<vmem>>) dst(%dma_wait3A_243 : memref<10112x128xf32, #tpu.memory_space<vmem_shared>>)
          tpu.yield
        }) : () -> ()
        %add3A_201 = arith.constant 2 : i32
        %add3A_202 = arith.addi %add3A_193, %add3A_201 : i32
        %rem3A = arith.constant 40 : i32
        %rem3A_203 = arith.remsi %add3A_202, %rem3A : i32
        %dma_start3A_204 = arith.constant 0 : i32
        %dma_start3A_205 = tpu.memref_slice %arg7[%rem3A_203, %dma_start3A_204] : memref<40x128xi32, #tpu.memory_space<vmem>> -> memref<1x128xi32, #tpu.memory_space<vmem>>
        %dma_start3A_206 = tpu.memref_squeeze %dma_start3A_205 : memref<1x128xi32, #tpu.memory_space<vmem>> -> memref<128xi32, #tpu.memory_space<vmem>>
        %dma_start3A_207 = arith.constant 0 : i32
        %dma_start3A_208 = arith.constant 0 : i32
        %dma_start3A_209 = tpu.memref_slice %arg2[%dma_start3A_207, %dma_start3A_208] : memref<10240x128xf32, #tpu.memory_space<hbm>> -> memref<10240x128xf32, #tpu.memory_space<hbm>>
        tpu.enqueue_indirect_dma source(%dma_start3A_209 : memref<10240x128xf32, #tpu.memory_space<hbm>>) target(%arg9 : memref<128x128xf32, #tpu.memory_space<vmem>>) offsets(%dma_start3A_206 : memref<128xi32, #tpu.memory_space<vmem>>) semaphore(%arg12 : memref<!tpu.dma_semaphore, #tpu.memory_space<semaphore_mem>>)
        %mul3A_210 = arith.constant 2 : i32
        %mul3A_211 = arith.muli %mul3A_210, %scan3A_188 : i32
        %add3A_212 = arith.constant 1 : i32
        %add3A_213 = arith.addi %mul3A_211, %add3A_212 : i32
        %dma_wait3A_214 = arith.constant 1 : i32
        %dma_wait3A_215 = arith.constant 0 : i32
        %dma_wait3A_216 = tpu.memref_slice %arg7[%dma_wait3A_214, %dma_wait3A_215] : memref<40x128xi32, #tpu.memory_space<vmem>> -> memref<1x128xi32, #tpu.memory_space<vmem>>
        %dma_wait3A_217 = tpu.memref_squeeze %dma_wait3A_216 : memref<1x128xi32, #tpu.memory_space<vmem>> -> memref<128xi32, #tpu.memory_space<vmem>>
        %dma_wait3A_218 = arith.constant 0 : i32
        %dma_wait3A_219 = arith.constant 0 : i32
        %dma_wait3A_220 = tpu.memref_slice %arg2[%dma_wait3A_218, %dma_wait3A_219] : memref<10240x128xf32, #tpu.memory_space<hbm>> -> memref<10240x128xf32, #tpu.memory_space<hbm>>
        tpu.wait_indirect_dma semaphore(%arg13 : memref<!tpu.dma_semaphore, #tpu.memory_space<semaphore_mem>>) src(%dma_wait3A_220 : memref<10240x128xf32, #tpu.memory_space<hbm>>) dst(%arg10 : memref<128x128xf32, #tpu.memory_space<vmem>>)
        "tpu.region"() ({
          %run_scoped3A = tpu.sem_alloc : memref<!tpu.dma_semaphore, #tpu.memory_space<semaphore_mem>>
          %dma_start3A_232 = arith.constant 0 : i32
          %dma_start3A_233 = tpu.memref_slice %arg8[%add3A_213, %dma_start3A_232] : memref<40x128xi32, #tpu.memory_space<vmem>> -> memref<1x128xi32, #tpu.memory_space<vmem>>
          %dma_start3A_234 = tpu.memref_squeeze %dma_start3A_233 : memref<1x128xi32, #tpu.memory_space<vmem>> -> memref<128xi32, #tpu.memory_space<vmem>>
          %dma_start3A_235 = arith.constant 0 : i32
          %dma_start3A_236 = arith.constant 0 : i32
          %dma_start3A_237 = tpu.memref_slice %arg11[%dma_start3A_235, %dma_start3A_236] : memref<10112x128xf32, #tpu.memory_space<vmem_shared>> -> memref<10112x128xf32, #tpu.memory_space<vmem_shared>>
          tpu.enqueue_indirect_dma source(%arg10 : memref<128x128xf32, #tpu.memory_space<vmem>>) target(%dma_start3A_237 : memref<10112x128xf32, #tpu.memory_space<vmem_shared>>) offsets(%dma_start3A_234 : memref<128xi32, #tpu.memory_space<vmem>>) semaphore(%run_scoped3A : memref<!tpu.dma_semaphore, #tpu.memory_space<semaphore_mem>>) {add = true}
          %dma_wait3A_238 = arith.constant 0 : i32
          %dma_wait3A_239 = tpu.memref_slice %arg8[%add3A_213, %dma_wait3A_238] : memref<40x128xi32, #tpu.memory_space<vmem>> -> memref<1x128xi32, #tpu.memory_space<vmem>>
          %dma_wait3A_240 = tpu.memref_squeeze %dma_wait3A_239 : memref<1x128xi32, #tpu.memory_space<vmem>> -> memref<128xi32, #tpu.memory_space<vmem>>
          %dma_wait3A_241 = arith.constant 0 : i32
          %dma_wait3A_242 = arith.constant 0 : i32
          %dma_wait3A_243 = tpu.memref_slice %arg11[%dma_wait3A_241, %dma_wait3A_242] : memref<10112x128xf32, #tpu.memory_space<vmem_shared>> -> memref<10112x128xf32, #tpu.memory_space<vmem_shared>>
          tpu.wait_indirect_dma semaphore(%run_scoped3A : memref<!tpu.dma_semaphore, #tpu.memory_space<semaphore_mem>>) src(%arg10 : memref<128x128xf32, #tpu.memory_space<vmem>>) dst(%dma_wait3A_243 : memref<10112x128xf32, #tpu.memory_space<vmem_shared>>)
          tpu.yield
        }) : () -> ()
        %add3A_221 = arith.constant 2 : i32
        %add3A_222 = arith.addi %add3A_213, %add3A_221 : i32
        %rem3A_223 = arith.constant 40 : i32
        %rem3A_224 = arith.remsi %add3A_222, %rem3A_223 : i32
        %dma_start3A_225 = arith.constant 0 : i32
        %dma_start3A_226 = tpu.memref_slice %arg7[%rem3A_224, %dma_start3A_225] : memref<40x128xi32, #tpu.memory_space<vmem>> -> memref<1x128xi32, #tpu.memory_space<vmem>>
        %dma_start3A_227 = tpu.memref_squeeze %dma_start3A_226 : memref<1x128xi32, #tpu.memory_space<vmem>> -> memref<128xi32, #tpu.memory_space<vmem>>
        %dma_start3A_228 = arith.constant 0 : i32
        %dma_start3A_229 = arith.constant 0 : i32
        %dma_start3A_230 = tpu.memref_slice %arg2[%dma_start3A_228, %dma_start3A_229] : memref<10240x128xf32, #tpu.memory_space<hbm>> -> memref<10240x128xf32, #tpu.memory_space<hbm>>
        tpu.enqueue_indirect_dma source(%dma_start3A_230 : memref<10240x128xf32, #tpu.memory_space<hbm>>) target(%arg10 : memref<128x128xf32, #tpu.memory_space<vmem>>) offsets(%dma_start3A_227 : memref<128xi32, #tpu.memory_space<vmem>>) semaphore(%arg13 : memref<!tpu.dma_semaphore, #tpu.memory_space<semaphore_mem>>)
        %scan3A_231 = arith.constant 0 : i32
        scf.yield %scan3A_231 : i32
      }
      %scan3A_134 = arith.constant 20 : i32
      %dma_wait3A_135 = arith.constant 0 : i32
      %dma_wait3A_136 = arith.constant 0 : i32
      %dma_wait3A_137 = tpu.memref_slice %arg7[%dma_wait3A_135, %dma_wait3A_136] : memref<40x128xi32, #tpu.memory_space<vmem>> -> memref<1x128xi32, #tpu.memory_space<vmem>>
      %dma_wait3A_138 = tpu.memref_squeeze %dma_wait3A_137 : memref<1x128xi32, #tpu.memory_space<vmem>> -> memref<128xi32, #tpu.memory_space<vmem>>
      %dma_wait3A_139 = arith.constant 0 : i32
      %dma_wait3A_140 = arith.constant 0 : i32
      %dma_wait3A_141 = tpu.memref_slice %arg2[%dma_wait3A_139, %dma_wait3A_140] : memref<10240x128xf32, #tpu.memory_space<hbm>> -> memref<10240x128xf32, #tpu.memory_space<hbm>>
      tpu.wait_indirect_dma semaphore(%arg12 : memref<!tpu.dma_semaphore, #tpu.memory_space<semaphore_mem>>) src(%dma_wait3A_141 : memref<10240x128xf32, #tpu.memory_space<hbm>>) dst(%arg9 : memref<128x128xf32, #tpu.memory_space<vmem>>)
      %dma_wait3A_142 = arith.constant 1 : i32
      %dma_wait3A_143 = arith.constant 0 : i32
      %dma_wait3A_144 = tpu.memref_slice %arg7[%dma_wait3A_142, %dma_wait3A_143] : memref<40x128xi32, #tpu.memory_space<vmem>> -> memref<1x128xi32, #tpu.memory_space<vmem>>
      %dma_wait3A_145 = tpu.memref_squeeze %dma_wait3A_144 : memref<1x128xi32, #tpu.memory_space<vmem>> -> memref<128xi32, #tpu.memory_space<vmem>>
      %dma_wait3A_146 = arith.constant 0 : i32
      %dma_wait3A_147 = arith.constant 0 : i32
      %dma_wait3A_148 = tpu.memref_slice %arg2[%dma_wait3A_146, %dma_wait3A_147] : memref<10240x128xf32, #tpu.memory_space<hbm>> -> memref<10240x128xf32, #tpu.memory_space<hbm>>
      tpu.wait_indirect_dma semaphore(%arg13 : memref<!tpu.dma_semaphore, #tpu.memory_space<semaphore_mem>>) src(%dma_wait3A_148 : memref<10240x128xf32, #tpu.memory_space<hbm>>) dst(%arg10 : memref<128x128xf32, #tpu.memory_space<vmem>>)
      %add3A_149 = arith.constant 120 : i32
      %add3A_150 = arith.addi %mul3A_34, %add3A_149 : i32
      "tpu.region"() ({
        %run_scoped3A = tpu.sem_alloc : memref<!tpu.dma_semaphore, #tpu.memory_space<semaphore_mem>>
        %dma_start3A_188 = arith.constant 0 : i32
        %dma_start3A_189 = tpu.memref_slice %arg3[%add3A_150, %dma_start3A_188] : memref<2560x128xi32, #tpu.memory_space<hbm>> -> memref<40x128xi32, #tpu.memory_space<hbm>>
        %dma_start3A_190 = arith.constant 0 : i32
        %dma_start3A_191 = tpu.memref_slice %arg3[%add3A_150, %dma_start3A_190] : memref<2560x128xi32, #tpu.memory_space<hbm>> -> memref<40x128xi32, #tpu.memory_space<hbm>>
        tpu.enqueue_dma source(%dma_start3A_191 : memref<40x128xi32, #tpu.memory_space<hbm>>) target(%arg7 : memref<40x128xi32, #tpu.memory_space<vmem>>) target_semaphore(%run_scoped3A : memref<!tpu.dma_semaphore, #tpu.memory_space<semaphore_mem>>)
        %dma_wait3A_192 = arith.constant 0 : i32
        %dma_wait3A_193 = tpu.memref_slice %arg3[%add3A_150, %dma_wait3A_192] : memref<2560x128xi32, #tpu.memory_space<hbm>> -> memref<40x128xi32, #tpu.memory_space<hbm>>
        %dma_wait3A_194 = arith.constant 0 : i32
        %dma_wait3A_195 = tpu.memref_slice %arg3[%add3A_150, %dma_wait3A_194] : memref<2560x128xi32, #tpu.memory_space<hbm>> -> memref<40x128xi32, #tpu.memory_space<hbm>>
        tpu.wait_dma2 semaphore(%run_scoped3A : memref<!tpu.dma_semaphore, #tpu.memory_space<semaphore_mem>>) src(%dma_wait3A_195 : memref<40x128xi32, #tpu.memory_space<hbm>>) dst(%arg7 : memref<40x128xi32, #tpu.memory_space<vmem>>)
        tpu.yield
      }) : () -> ()
      %add3A_151 = arith.constant 120 : i32
      %add3A_152 = arith.addi %mul3A_34, %add3A_151 : i32
      "tpu.region"() ({
        %run_scoped3A = tpu.sem_alloc : memref<!tpu.dma_semaphore, #tpu.memory_space<semaphore_mem>>
        %dma_start3A_188 = arith.constant 0 : i32
        %dma_start3A_189 = tpu.memref_slice %arg4[%add3A_152, %dma_start3A_188] : memref<2560x128xi32, #tpu.memory_space<hbm>> -> memref<40x128xi32, #tpu.memory_space<hbm>>
        %dma_start3A_190 = arith.constant 0 : i32
        %dma_start3A_191 = tpu.memref_slice %arg4[%add3A_152, %dma_start3A_190] : memref<2560x128xi32, #tpu.memory_space<hbm>> -> memref<40x128xi32, #tpu.memory_space<hbm>>
        tpu.enqueue_dma source(%dma_start3A_191 : memref<40x128xi32, #tpu.memory_space<hbm>>) target(%arg8 : memref<40x128xi32, #tpu.memory_space<vmem>>) target_semaphore(%run_scoped3A : memref<!tpu.dma_semaphore, #tpu.memory_space<semaphore_mem>>)
        %dma_wait3A_192 = arith.constant 0 : i32
        %dma_wait3A_193 = tpu.memref_slice %arg4[%add3A_152, %dma_wait3A_192] : memref<2560x128xi32, #tpu.memory_space<hbm>> -> memref<40x128xi32, #tpu.memory_space<hbm>>
        %dma_wait3A_194 = arith.constant 0 : i32
        %dma_wait3A_195 = tpu.memref_slice %arg4[%add3A_152, %dma_wait3A_194] : memref<2560x128xi32, #tpu.memory_space<hbm>> -> memref<40x128xi32, #tpu.memory_space<hbm>>
        tpu.wait_dma2 semaphore(%run_scoped3A : memref<!tpu.dma_semaphore, #tpu.memory_space<semaphore_mem>>) src(%dma_wait3A_195 : memref<40x128xi32, #tpu.memory_space<hbm>>) dst(%arg8 : memref<40x128xi32, #tpu.memory_space<vmem>>)
        tpu.yield
      }) : () -> ()
      %dma_start3A_153 = arith.constant 0 : i32
      %dma_start3A_154 = arith.constant 0 : i32
      %dma_start3A_155 = tpu.memref_slice %arg7[%dma_start3A_153, %dma_start3A_154] : memref<40x128xi32, #tpu.memory_space<vmem>> -> memref<1x128xi32, #tpu.memory_space<vmem>>
      %dma_start3A_156 = tpu.memref_squeeze %dma_start3A_155 : memref<1x128xi32, #tpu.memory_space<vmem>> -> memref<128xi32, #tpu.memory_space<vmem>>
      %dma_start3A_157 = arith.constant 0 : i32
      %dma_start3A_158 = arith.constant 0 : i32
      %dma_start3A_159 = tpu.memref_slice %arg2[%dma_start3A_157, %dma_start3A_158] : memref<10240x128xf32, #tpu.memory_space<hbm>> -> memref<10240x128xf32, #tpu.memory_space<hbm>>
      tpu.enqueue_indirect_dma source(%dma_start3A_159 : memref<10240x128xf32, #tpu.memory_space<hbm>>) target(%arg9 : memref<128x128xf32, #tpu.memory_space<vmem>>) offsets(%dma_start3A_156 : memref<128xi32, #tpu.memory_space<vmem>>) semaphore(%arg12 : memref<!tpu.dma_semaphore, #tpu.memory_space<semaphore_mem>>)
      %dma_start3A_160 = arith.constant 1 : i32
      %dma_start3A_161 = arith.constant 0 : i32
      %dma_start3A_162 = tpu.memref_slice %arg7[%dma_start3A_160, %dma_start3A_161] : memref<40x128xi32, #tpu.memory_space<vmem>> -> memref<1x128xi32, #tpu.memory_space<vmem>>
      %dma_start3A_163 = tpu.memref_squeeze %dma_start3A_162 : memref<1x128xi32, #tpu.memory_space<vmem>> -> memref<128xi32, #tpu.memory_space<vmem>>
      %dma_start3A_164 = arith.constant 0 : i32
      %dma_start3A_165 = arith.constant 0 : i32
      %dma_start3A_166 = tpu.memref_slice %arg2[%dma_start3A_164, %dma_start3A_165] : memref<10240x128xf32, #tpu.memory_space<hbm>> -> memref<10240x128xf32, #tpu.memory_space<hbm>>
      tpu.enqueue_indirect_dma source(%dma_start3A_166 : memref<10240x128xf32, #tpu.memory_space<hbm>>) target(%arg10 : memref<128x128xf32, #tpu.memory_space<vmem>>) offsets(%dma_start3A_163 : memref<128xi32, #tpu.memory_space<vmem>>) semaphore(%arg13 : memref<!tpu.dma_semaphore, #tpu.memory_space<semaphore_mem>>)
      %scan3A_167 = arith.constant 0 : i32
      %scan3A_168 = arith.constant 0 : i32
      %scan3A_169 = arith.constant 20 : i32
      %scan3A_170 = arith.addi %scan3A_168, %scan3A_169 : i32
      %scan3A_171 = arith.constant 1 : i32
      %scan3A_172 = scf.for %scan3A_188 = %scan3A_168 to %scan3A_170 step %scan3A_171 iter_args(%scan3A_189 = %scan3A_167) -> (i32)  : i32 {
        %mul3A_190 = arith.constant 2 : i32
        %mul3A_191 = arith.muli %mul3A_190, %scan3A_188 : i32
        %add3A_192 = arith.constant 0 : i32
        %add3A_193 = arith.addi %mul3A_191, %add3A_192 : i32
        %dma_wait3A_194 = arith.constant 0 : i32
        %dma_wait3A_195 = arith.constant 0 : i32
        %dma_wait3A_196 = tpu.memref_slice %arg7[%dma_wait3A_194, %dma_wait3A_195] : memref<40x128xi32, #tpu.memory_space<vmem>> -> memref<1x128xi32, #tpu.memory_space<vmem>>
        %dma_wait3A_197 = tpu.memref_squeeze %dma_wait3A_196 : memref<1x128xi32, #tpu.memory_space<vmem>> -> memref<128xi32, #tpu.memory_space<vmem>>
        %dma_wait3A_198 = arith.constant 0 : i32
        %dma_wait3A_199 = arith.constant 0 : i32
        %dma_wait3A_200 = tpu.memref_slice %arg2[%dma_wait3A_198, %dma_wait3A_199] : memref<10240x128xf32, #tpu.memory_space<hbm>> -> memref<10240x128xf32, #tpu.memory_space<hbm>>
        tpu.wait_indirect_dma semaphore(%arg12 : memref<!tpu.dma_semaphore, #tpu.memory_space<semaphore_mem>>) src(%dma_wait3A_200 : memref<10240x128xf32, #tpu.memory_space<hbm>>) dst(%arg9 : memref<128x128xf32, #tpu.memory_space<vmem>>)
        "tpu.region"() ({
          %run_scoped3A = tpu.sem_alloc : memref<!tpu.dma_semaphore, #tpu.memory_space<semaphore_mem>>
          %dma_start3A_232 = arith.constant 0 : i32
          %dma_start3A_233 = tpu.memref_slice %arg8[%add3A_193, %dma_start3A_232] : memref<40x128xi32, #tpu.memory_space<vmem>> -> memref<1x128xi32, #tpu.memory_space<vmem>>
          %dma_start3A_234 = tpu.memref_squeeze %dma_start3A_233 : memref<1x128xi32, #tpu.memory_space<vmem>> -> memref<128xi32, #tpu.memory_space<vmem>>
          %dma_start3A_235 = arith.constant 0 : i32
          %dma_start3A_236 = arith.constant 0 : i32
          %dma_start3A_237 = tpu.memref_slice %arg11[%dma_start3A_235, %dma_start3A_236] : memref<10112x128xf32, #tpu.memory_space<vmem_shared>> -> memref<10112x128xf32, #tpu.memory_space<vmem_shared>>
          tpu.enqueue_indirect_dma source(%arg9 : memref<128x128xf32, #tpu.memory_space<vmem>>) target(%dma_start3A_237 : memref<10112x128xf32, #tpu.memory_space<vmem_shared>>) offsets(%dma_start3A_234 : memref<128xi32, #tpu.memory_space<vmem>>) semaphore(%run_scoped3A : memref<!tpu.dma_semaphore, #tpu.memory_space<semaphore_mem>>) {add = true}
          %dma_wait3A_238 = arith.constant 0 : i32
          %dma_wait3A_239 = tpu.memref_slice %arg8[%add3A_193, %dma_wait3A_238] : memref<40x128xi32, #tpu.memory_space<vmem>> -> memref<1x128xi32, #tpu.memory_space<vmem>>
          %dma_wait3A_240 = tpu.memref_squeeze %dma_wait3A_239 : memref<1x128xi32, #tpu.memory_space<vmem>> -> memref<128xi32, #tpu.memory_space<vmem>>
          %dma_wait3A_241 = arith.constant 0 : i32
          %dma_wait3A_242 = arith.constant 0 : i32
          %dma_wait3A_243 = tpu.memref_slice %arg11[%dma_wait3A_241, %dma_wait3A_242] : memref<10112x128xf32, #tpu.memory_space<vmem_shared>> -> memref<10112x128xf32, #tpu.memory_space<vmem_shared>>
          tpu.wait_indirect_dma semaphore(%run_scoped3A : memref<!tpu.dma_semaphore, #tpu.memory_space<semaphore_mem>>) src(%arg9 : memref<128x128xf32, #tpu.memory_space<vmem>>) dst(%dma_wait3A_243 : memref<10112x128xf32, #tpu.memory_space<vmem_shared>>)
          tpu.yield
        }) : () -> ()
        %add3A_201 = arith.constant 2 : i32
        %add3A_202 = arith.addi %add3A_193, %add3A_201 : i32
        %rem3A = arith.constant 40 : i32
        %rem3A_203 = arith.remsi %add3A_202, %rem3A : i32
        %dma_start3A_204 = arith.constant 0 : i32
        %dma_start3A_205 = tpu.memref_slice %arg7[%rem3A_203, %dma_start3A_204] : memref<40x128xi32, #tpu.memory_space<vmem>> -> memref<1x128xi32, #tpu.memory_space<vmem>>
        %dma_start3A_206 = tpu.memref_squeeze %dma_start3A_205 : memref<1x128xi32, #tpu.memory_space<vmem>> -> memref<128xi32, #tpu.memory_space<vmem>>
        %dma_start3A_207 = arith.constant 0 : i32
        %dma_start3A_208 = arith.constant 0 : i32
        %dma_start3A_209 = tpu.memref_slice %arg2[%dma_start3A_207, %dma_start3A_208] : memref<10240x128xf32, #tpu.memory_space<hbm>> -> memref<10240x128xf32, #tpu.memory_space<hbm>>
        tpu.enqueue_indirect_dma source(%dma_start3A_209 : memref<10240x128xf32, #tpu.memory_space<hbm>>) target(%arg9 : memref<128x128xf32, #tpu.memory_space<vmem>>) offsets(%dma_start3A_206 : memref<128xi32, #tpu.memory_space<vmem>>) semaphore(%arg12 : memref<!tpu.dma_semaphore, #tpu.memory_space<semaphore_mem>>)
        %mul3A_210 = arith.constant 2 : i32
        %mul3A_211 = arith.muli %mul3A_210, %scan3A_188 : i32
        %add3A_212 = arith.constant 1 : i32
        %add3A_213 = arith.addi %mul3A_211, %add3A_212 : i32
        %dma_wait3A_214 = arith.constant 1 : i32
        %dma_wait3A_215 = arith.constant 0 : i32
        %dma_wait3A_216 = tpu.memref_slice %arg7[%dma_wait3A_214, %dma_wait3A_215] : memref<40x128xi32, #tpu.memory_space<vmem>> -> memref<1x128xi32, #tpu.memory_space<vmem>>
        %dma_wait3A_217 = tpu.memref_squeeze %dma_wait3A_216 : memref<1x128xi32, #tpu.memory_space<vmem>> -> memref<128xi32, #tpu.memory_space<vmem>>
        %dma_wait3A_218 = arith.constant 0 : i32
        %dma_wait3A_219 = arith.constant 0 : i32
        %dma_wait3A_220 = tpu.memref_slice %arg2[%dma_wait3A_218, %dma_wait3A_219] : memref<10240x128xf32, #tpu.memory_space<hbm>> -> memref<10240x128xf32, #tpu.memory_space<hbm>>
        tpu.wait_indirect_dma semaphore(%arg13 : memref<!tpu.dma_semaphore, #tpu.memory_space<semaphore_mem>>) src(%dma_wait3A_220 : memref<10240x128xf32, #tpu.memory_space<hbm>>) dst(%arg10 : memref<128x128xf32, #tpu.memory_space<vmem>>)
        "tpu.region"() ({
          %run_scoped3A = tpu.sem_alloc : memref<!tpu.dma_semaphore, #tpu.memory_space<semaphore_mem>>
          %dma_start3A_232 = arith.constant 0 : i32
          %dma_start3A_233 = tpu.memref_slice %arg8[%add3A_213, %dma_start3A_232] : memref<40x128xi32, #tpu.memory_space<vmem>> -> memref<1x128xi32, #tpu.memory_space<vmem>>
          %dma_start3A_234 = tpu.memref_squeeze %dma_start3A_233 : memref<1x128xi32, #tpu.memory_space<vmem>> -> memref<128xi32, #tpu.memory_space<vmem>>
          %dma_start3A_235 = arith.constant 0 : i32
          %dma_start3A_236 = arith.constant 0 : i32
          %dma_start3A_237 = tpu.memref_slice %arg11[%dma_start3A_235, %dma_start3A_236] : memref<10112x128xf32, #tpu.memory_space<vmem_shared>> -> memref<10112x128xf32, #tpu.memory_space<vmem_shared>>
          tpu.enqueue_indirect_dma source(%arg10 : memref<128x128xf32, #tpu.memory_space<vmem>>) target(%dma_start3A_237 : memref<10112x128xf32, #tpu.memory_space<vmem_shared>>) offsets(%dma_start3A_234 : memref<128xi32, #tpu.memory_space<vmem>>) semaphore(%run_scoped3A : memref<!tpu.dma_semaphore, #tpu.memory_space<semaphore_mem>>) {add = true}
          %dma_wait3A_238 = arith.constant 0 : i32
          %dma_wait3A_239 = tpu.memref_slice %arg8[%add3A_213, %dma_wait3A_238] : memref<40x128xi32, #tpu.memory_space<vmem>> -> memref<1x128xi32, #tpu.memory_space<vmem>>
          %dma_wait3A_240 = tpu.memref_squeeze %dma_wait3A_239 : memref<1x128xi32, #tpu.memory_space<vmem>> -> memref<128xi32, #tpu.memory_space<vmem>>
          %dma_wait3A_241 = arith.constant 0 : i32
          %dma_wait3A_242 = arith.constant 0 : i32
          %dma_wait3A_243 = tpu.memref_slice %arg11[%dma_wait3A_241, %dma_wait3A_242] : memref<10112x128xf32, #tpu.memory_space<vmem_shared>> -> memref<10112x128xf32, #tpu.memory_space<vmem_shared>>
          tpu.wait_indirect_dma semaphore(%run_scoped3A : memref<!tpu.dma_semaphore, #tpu.memory_space<semaphore_mem>>) src(%arg10 : memref<128x128xf32, #tpu.memory_space<vmem>>) dst(%dma_wait3A_243 : memref<10112x128xf32, #tpu.memory_space<vmem_shared>>)
          tpu.yield
        }) : () -> ()
        %add3A_221 = arith.constant 2 : i32
        %add3A_222 = arith.addi %add3A_213, %add3A_221 : i32
        %rem3A_223 = arith.constant 40 : i32
        %rem3A_224 = arith.remsi %add3A_222, %rem3A_223 : i32
        %dma_start3A_225 = arith.constant 0 : i32
        %dma_start3A_226 = tpu.memref_slice %arg7[%rem3A_224, %dma_start3A_225] : memref<40x128xi32, #tpu.memory_space<vmem>> -> memref<1x128xi32, #tpu.memory_space<vmem>>
        %dma_start3A_227 = tpu.memref_squeeze %dma_start3A_226 : memref<1x128xi32, #tpu.memory_space<vmem>> -> memref<128xi32, #tpu.memory_space<vmem>>
        %dma_start3A_228 = arith.constant 0 : i32
        %dma_start3A_229 = arith.constant 0 : i32
        %dma_start3A_230 = tpu.memref_slice %arg2[%dma_start3A_228, %dma_start3A_229] : memref<10240x128xf32, #tpu.memory_space<hbm>> -> memref<10240x128xf32, #tpu.memory_space<hbm>>
        tpu.enqueue_indirect_dma source(%dma_start3A_230 : memref<10240x128xf32, #tpu.memory_space<hbm>>) target(%arg10 : memref<128x128xf32, #tpu.memory_space<vmem>>) offsets(%dma_start3A_227 : memref<128xi32, #tpu.memory_space<vmem>>) semaphore(%arg13 : memref<!tpu.dma_semaphore, #tpu.memory_space<semaphore_mem>>)
        %scan3A_231 = arith.constant 0 : i32
        scf.yield %scan3A_231 : i32
      }
      %scan3A_173 = arith.constant 20 : i32
      %dma_wait3A_174 = arith.constant 0 : i32
      %dma_wait3A_175 = arith.constant 0 : i32
      %dma_wait3A_176 = tpu.memref_slice %arg7[%dma_wait3A_174, %dma_wait3A_175] : memref<40x128xi32, #tpu.memory_space<vmem>> -> memref<1x128xi32, #tpu.memory_space<vmem>>
      %dma_wait3A_177 = tpu.memref_squeeze %dma_wait3A_176 : memref<1x128xi32, #tpu.memory_space<vmem>> -> memref<128xi32, #tpu.memory_space<vmem>>
      %dma_wait3A_178 = arith.constant 0 : i32
      %dma_wait3A_179 = arith.constant 0 : i32
      %dma_wait3A_180 = tpu.memref_slice %arg2[%dma_wait3A_178, %dma_wait3A_179] : memref<10240x128xf32, #tpu.memory_space<hbm>> -> memref<10240x128xf32, #tpu.memory_space<hbm>>
      tpu.wait_indirect_dma semaphore(%arg12 : memref<!tpu.dma_semaphore, #tpu.memory_space<semaphore_mem>>) src(%dma_wait3A_180 : memref<10240x128xf32, #tpu.memory_space<hbm>>) dst(%arg9 : memref<128x128xf32, #tpu.memory_space<vmem>>)
      %dma_wait3A_181 = arith.constant 1 : i32
      %dma_wait3A_182 = arith.constant 0 : i32
      %dma_wait3A_183 = tpu.memref_slice %arg7[%dma_wait3A_181, %dma_wait3A_182] : memref<40x128xi32, #tpu.memory_space<vmem>> -> memref<1x128xi32, #tpu.memory_space<vmem>>
      %dma_wait3A_184 = tpu.memref_squeeze %dma_wait3A_183 : memref<1x128xi32, #tpu.memory_space<vmem>> -> memref<128xi32, #tpu.memory_space<vmem>>
      %dma_wait3A_185 = arith.constant 0 : i32
      %dma_wait3A_186 = arith.constant 0 : i32
      %dma_wait3A_187 = tpu.memref_slice %arg2[%dma_wait3A_185, %dma_wait3A_186] : memref<10240x128xf32, #tpu.memory_space<hbm>> -> memref<10240x128xf32, #tpu.memory_space<hbm>>
      tpu.wait_indirect_dma semaphore(%arg13 : memref<!tpu.dma_semaphore, #tpu.memory_space<semaphore_mem>>) src(%dma_wait3A_187 : memref<10240x128xf32, #tpu.memory_space<hbm>>) dst(%arg10 : memref<128x128xf32, #tpu.memory_space<vmem>>)
    } else {
    }
    %barrier3A_12 = arith.constant 0 : index
    tpu.barrier barrier_id(%barrier3A_12)
    %add3A_13 = arith.constant 0 : i32
    %add3A_14 = arith.addi %mul3A_0, %add3A_13 : i32
    "tpu.region"() ({
      %run_scoped3A = tpu.sem_alloc : memref<!tpu.dma_semaphore, #tpu.memory_space<semaphore_mem>>
      %dma_start3A = arith.constant 0 : i32
      %dma_start3A_33 = arith.constant 0 : i32
      %dma_start3A_34 = tpu.memref_slice %arg9[%dma_start3A, %dma_start3A_33] : memref<128x128xf32, #tpu.memory_space<vmem>> -> memref<128x128xf32, #tpu.memory_space<vmem>>
      %dma_start3A_35 = arith.constant 0 : i32
      %dma_start3A_36 = tpu.memref_slice %arg11[%add3A_14, %dma_start3A_35] : memref<10112x128xf32, #tpu.memory_space<vmem_shared>> -> memref<128x128xf32, #tpu.memory_space<vmem_shared>>
      %dma_start3A_37 = arith.constant 0 : i32
      %dma_start3A_38 = arith.constant 0 : i32
      %dma_start3A_39 = tpu.memref_slice %arg9[%dma_start3A_37, %dma_start3A_38] : memref<128x128xf32, #tpu.memory_space<vmem>> -> memref<128x128xf32, #tpu.memory_space<vmem>>
      %dma_start3A_40 = arith.constant 0 : i32
      %dma_start3A_41 = tpu.memref_slice %arg11[%add3A_14, %dma_start3A_40] : memref<10112x128xf32, #tpu.memory_space<vmem_shared>> -> memref<128x128xf32, #tpu.memory_space<vmem_shared>>
      tpu.enqueue_dma source(%dma_start3A_41 : memref<128x128xf32, #tpu.memory_space<vmem_shared>>) target(%dma_start3A_39 : memref<128x128xf32, #tpu.memory_space<vmem>>) target_semaphore(%run_scoped3A : memref<!tpu.dma_semaphore, #tpu.memory_space<semaphore_mem>>)
      %dma_wait3A = arith.constant 0 : i32
      %dma_wait3A_42 = arith.constant 0 : i32
      %dma_wait3A_43 = tpu.memref_slice %arg9[%dma_wait3A, %dma_wait3A_42] : memref<128x128xf32, #tpu.memory_space<vmem>> -> memref<128x128xf32, #tpu.memory_space<vmem>>
      %dma_wait3A_44 = arith.constant 0 : i32
      %dma_wait3A_45 = tpu.memref_slice %arg11[%add3A_14, %dma_wait3A_44] : memref<10112x128xf32, #tpu.memory_space<vmem_shared>> -> memref<128x128xf32, #tpu.memory_space<vmem_shared>>
      %dma_wait3A_46 = arith.constant 0 : i32
      %dma_wait3A_47 = arith.constant 0 : i32
      %dma_wait3A_48 = tpu.memref_slice %arg9[%dma_wait3A_46, %dma_wait3A_47] : memref<128x128xf32, #tpu.memory_space<vmem>> -> memref<128x128xf32, #tpu.memory_space<vmem>>
      %dma_wait3A_49 = arith.constant 0 : i32
      %dma_wait3A_50 = tpu.memref_slice %arg11[%add3A_14, %dma_wait3A_49] : memref<10112x128xf32, #tpu.memory_space<vmem_shared>> -> memref<128x128xf32, #tpu.memory_space<vmem_shared>>
      tpu.wait_dma2 semaphore(%run_scoped3A : memref<!tpu.dma_semaphore, #tpu.memory_space<semaphore_mem>>) src(%dma_wait3A_50 : memref<128x128xf32, #tpu.memory_space<vmem_shared>>) dst(%dma_wait3A_48 : memref<128x128xf32, #tpu.memory_space<vmem>>)
      tpu.yield
    }) : () -> ()
    %add3A_15 = arith.constant 0 : i32
    %add3A_16 = arith.addi %mul3A_0, %add3A_15 : i32
    "tpu.region"() ({
      %run_scoped3A = tpu.sem_alloc : memref<!tpu.dma_semaphore, #tpu.memory_space<semaphore_mem>>
      %dma_start3A = arith.constant 0 : i32
      %dma_start3A_33 = arith.constant 0 : i32
      %dma_start3A_34 = tpu.memref_slice %arg9[%dma_start3A, %dma_start3A_33] : memref<128x128xf32, #tpu.memory_space<vmem>> -> memref<128x128xf32, #tpu.memory_space<vmem>>
      %dma_start3A_35 = arith.constant 0 : i32
      %dma_start3A_36 = tpu.memref_slice %arg6[%arg0, %add3A_16, %dma_start3A_35] : memref<2x10112x128xf32, #tpu.memory_space<hbm>> -> memref<1x128x128xf32, #tpu.memory_space<hbm>>
      %dma_start3A_37 = tpu.memref_squeeze %dma_start3A_36 : memref<1x128x128xf32, #tpu.memory_space<hbm>> -> memref<128x128xf32, #tpu.memory_space<hbm>>
      %dma_start3A_38 = arith.constant 0 : i32
      %dma_start3A_39 = tpu.memref_slice %arg6[%arg0, %add3A_16, %dma_start3A_38] : memref<2x10112x128xf32, #tpu.memory_space<hbm>> -> memref<1x128x128xf32, #tpu.memory_space<hbm>>
      %dma_start3A_40 = tpu.memref_squeeze %dma_start3A_39 : memref<1x128x128xf32, #tpu.memory_space<hbm>> -> memref<128x128xf32, #tpu.memory_space<hbm>>
      %dma_start3A_41 = arith.constant 0 : i32
      %dma_start3A_42 = arith.constant 0 : i32
      %dma_start3A_43 = tpu.memref_slice %arg9[%dma_start3A_41, %dma_start3A_42] : memref<128x128xf32, #tpu.memory_space<vmem>> -> memref<128x128xf32, #tpu.memory_space<vmem>>
      tpu.enqueue_dma source(%dma_start3A_43 : memref<128x128xf32, #tpu.memory_space<vmem>>) target(%dma_start3A_40 : memref<128x128xf32, #tpu.memory_space<hbm>>) target_semaphore(%run_scoped3A : memref<!tpu.dma_semaphore, #tpu.memory_space<semaphore_mem>>)
      %dma_wait3A = arith.constant 0 : i32
      %dma_wait3A_44 = arith.constant 0 : i32
      %dma_wait3A_45 = tpu.memref_slice %arg9[%dma_wait3A, %dma_wait3A_44] : memref<128x128xf32, #tpu.memory_space<vmem>> -> memref<128x128xf32, #tpu.memory_space<vmem>>
      %dma_wait3A_46 = arith.constant 0 : i32
      %dma_wait3A_47 = tpu.memref_slice %arg6[%arg0, %add3A_16, %dma_wait3A_46] : memref<2x10112x128xf32, #tpu.memory_space<hbm>> -> memref<1x128x128xf32, #tpu.memory_space<hbm>>
      %dma_wait3A_48 = tpu.memref_squeeze %dma_wait3A_47 : memref<1x128x128xf32, #tpu.memory_space<hbm>> -> memref<128x128xf32, #tpu.memory_space<hbm>>
      %dma_wait3A_49 = arith.constant 0 : i32
      %dma_wait3A_50 = tpu.memref_slice %arg6[%arg0, %add3A_16, %dma_wait3A_49] : memref<2x10112x128xf32, #tpu.memory_space<hbm>> -> memref<1x128x128xf32, #tpu.memory_space<hbm>>
      %dma_wait3A_51 = tpu.memref_squeeze %dma_wait3A_50 : memref<1x128x128xf32, #tpu.memory_space<hbm>> -> memref<128x128xf32, #tpu.memory_space<hbm>>
      %dma_wait3A_52 = arith.constant 0 : i32
      %dma_wait3A_53 = arith.constant 0 : i32
      %dma_wait3A_54 = tpu.memref_slice %arg9[%dma_wait3A_52, %dma_wait3A_53] : memref<128x128xf32, #tpu.memory_space<vmem>> -> memref<128x128xf32, #tpu.memory_space<vmem>>
      tpu.wait_dma2 semaphore(%run_scoped3A : memref<!tpu.dma_semaphore, #tpu.memory_space<semaphore_mem>>) src(%dma_wait3A_54 : memref<128x128xf32, #tpu.memory_space<vmem>>) dst(%dma_wait3A_51 : memref<128x128xf32, #tpu.memory_space<hbm>>)
      tpu.yield
    }) : () -> ()
    %add3A_17 = arith.constant 128 : i32
    %add3A_18 = arith.addi %mul3A_0, %add3A_17 : i32
    "tpu.region"() ({
      %run_scoped3A = tpu.sem_alloc : memref<!tpu.dma_semaphore, #tpu.memory_space<semaphore_mem>>
      %dma_start3A = arith.constant 0 : i32
      %dma_start3A_33 = arith.constant 0 : i32
      %dma_start3A_34 = tpu.memref_slice %arg9[%dma_start3A, %dma_start3A_33] : memref<128x128xf32, #tpu.memory_space<vmem>> -> memref<128x128xf32, #tpu.memory_space<vmem>>
      %dma_start3A_35 = arith.constant 0 : i32
      %dma_start3A_36 = tpu.memref_slice %arg11[%add3A_18, %dma_start3A_35] : memref<10112x128xf32, #tpu.memory_space<vmem_shared>> -> memref<128x128xf32, #tpu.memory_space<vmem_shared>>
      %dma_start3A_37 = arith.constant 0 : i32
      %dma_start3A_38 = arith.constant 0 : i32
      %dma_start3A_39 = tpu.memref_slice %arg9[%dma_start3A_37, %dma_start3A_38] : memref<128x128xf32, #tpu.memory_space<vmem>> -> memref<128x128xf32, #tpu.memory_space<vmem>>
      %dma_start3A_40 = arith.constant 0 : i32
      %dma_start3A_41 = tpu.memref_slice %arg11[%add3A_18, %dma_start3A_40] : memref<10112x128xf32, #tpu.memory_space<vmem_shared>> -> memref<128x128xf32, #tpu.memory_space<vmem_shared>>
      tpu.enqueue_dma source(%dma_start3A_41 : memref<128x128xf32, #tpu.memory_space<vmem_shared>>) target(%dma_start3A_39 : memref<128x128xf32, #tpu.memory_space<vmem>>) target_semaphore(%run_scoped3A : memref<!tpu.dma_semaphore, #tpu.memory_space<semaphore_mem>>)
      %dma_wait3A = arith.constant 0 : i32
      %dma_wait3A_42 = arith.constant 0 : i32
      %dma_wait3A_43 = tpu.memref_slice %arg9[%dma_wait3A, %dma_wait3A_42] : memref<128x128xf32, #tpu.memory_space<vmem>> -> memref<128x128xf32, #tpu.memory_space<vmem>>
      %dma_wait3A_44 = arith.constant 0 : i32
      %dma_wait3A_45 = tpu.memref_slice %arg11[%add3A_18, %dma_wait3A_44] : memref<10112x128xf32, #tpu.memory_space<vmem_shared>> -> memref<128x128xf32, #tpu.memory_space<vmem_shared>>
      %dma_wait3A_46 = arith.constant 0 : i32
      %dma_wait3A_47 = arith.constant 0 : i32
      %dma_wait3A_48 = tpu.memref_slice %arg9[%dma_wait3A_46, %dma_wait3A_47] : memref<128x128xf32, #tpu.memory_space<vmem>> -> memref<128x128xf32, #tpu.memory_space<vmem>>
      %dma_wait3A_49 = arith.constant 0 : i32
      %dma_wait3A_50 = tpu.memref_slice %arg11[%add3A_18, %dma_wait3A_49] : memref<10112x128xf32, #tpu.memory_space<vmem_shared>> -> memref<128x128xf32, #tpu.memory_space<vmem_shared>>
      tpu.wait_dma2 semaphore(%run_scoped3A : memref<!tpu.dma_semaphore, #tpu.memory_space<semaphore_mem>>) src(%dma_wait3A_50 : memref<128x128xf32, #tpu.memory_space<vmem_shared>>) dst(%dma_wait3A_48 : memref<128x128xf32, #tpu.memory_space<vmem>>)
      tpu.yield
    }) : () -> ()
    %add3A_19 = arith.constant 128 : i32
    %add3A_20 = arith.addi %mul3A_0, %add3A_19 : i32
    "tpu.region"() ({
      %run_scoped3A = tpu.sem_alloc : memref<!tpu.dma_semaphore, #tpu.memory_space<semaphore_mem>>
      %dma_start3A = arith.constant 0 : i32
      %dma_start3A_33 = arith.constant 0 : i32
      %dma_start3A_34 = tpu.memref_slice %arg9[%dma_start3A, %dma_start3A_33] : memref<128x128xf32, #tpu.memory_space<vmem>> -> memref<128x128xf32, #tpu.memory_space<vmem>>
      %dma_start3A_35 = arith.constant 0 : i32
      %dma_start3A_36 = tpu.memref_slice %arg6[%arg0, %add3A_20, %dma_start3A_35] : memref<2x10112x128xf32, #tpu.memory_space<hbm>> -> memref<1x128x128xf32, #tpu.memory_space<hbm>>
      %dma_start3A_37 = tpu.memref_squeeze %dma_start3A_36 : memref<1x128x128xf32, #tpu.memory_space<hbm>> -> memref<128x128xf32, #tpu.memory_space<hbm>>
      %dma_start3A_38 = arith.constant 0 : i32
      %dma_start3A_39 = tpu.memref_slice %arg6[%arg0, %add3A_20, %dma_start3A_38] : memref<2x10112x128xf32, #tpu.memory_space<hbm>> -> memref<1x128x128xf32, #tpu.memory_space<hbm>>
      %dma_start3A_40 = tpu.memref_squeeze %dma_start3A_39 : memref<1x128x128xf32, #tpu.memory_space<hbm>> -> memref<128x128xf32, #tpu.memory_space<hbm>>
      %dma_start3A_41 = arith.constant 0 : i32
      %dma_start3A_42 = arith.constant 0 : i32
      %dma_start3A_43 = tpu.memref_slice %arg9[%dma_start3A_41, %dma_start3A_42] : memref<128x128xf32, #tpu.memory_space<vmem>> -> memref<128x128xf32, #tpu.memory_space<vmem>>
      tpu.enqueue_dma source(%dma_start3A_43 : memref<128x128xf32, #tpu.memory_space<vmem>>) target(%dma_start3A_40 : memref<128x128xf32, #tpu.memory_space<hbm>>) target_semaphore(%run_scoped3A : memref<!tpu.dma_semaphore, #tpu.memory_space<semaphore_mem>>)
      %dma_wait3A = arith.constant 0 : i32
      %dma_wait3A_44 = arith.constant 0 : i32
      %dma_wait3A_45 = tpu.memref_slice %arg9[%dma_wait3A, %dma_wait3A_44] : memref<128x128xf32, #tpu.memory_space<vmem>> -> memref<128x128xf32, #tpu.memory_space<vmem>>
      %dma_wait3A_46 = arith.constant 0 : i32
      %dma_wait3A_47 = tpu.memref_slice %arg6[%arg0, %add3A_20, %dma_wait3A_46] : memref<2x10112x128xf32, #tpu.memory_space<hbm>> -> memref<1x128x128xf32, #tpu.memory_space<hbm>>
      %dma_wait3A_48 = tpu.memref_squeeze %dma_wait3A_47 : memref<1x128x128xf32, #tpu.memory_space<hbm>> -> memref<128x128xf32, #tpu.memory_space<hbm>>
      %dma_wait3A_49 = arith.constant 0 : i32
      %dma_wait3A_50 = tpu.memref_slice %arg6[%arg0, %add3A_20, %dma_wait3A_49] : memref<2x10112x128xf32, #tpu.memory_space<hbm>> -> memref<1x128x128xf32, #tpu.memory_space<hbm>>
      %dma_wait3A_51 = tpu.memref_squeeze %dma_wait3A_50 : memref<1x128x128xf32, #tpu.memory_space<hbm>> -> memref<128x128xf32, #tpu.memory_space<hbm>>
      %dma_wait3A_52 = arith.constant 0 : i32
      %dma_wait3A_53 = arith.constant 0 : i32
      %dma_wait3A_54 = tpu.memref_slice %arg9[%dma_wait3A_52, %dma_wait3A_53] : memref<128x128xf32, #tpu.memory_space<vmem>> -> memref<128x128xf32, #tpu.memory_space<vmem>>
      tpu.wait_dma2 semaphore(%run_scoped3A : memref<!tpu.dma_semaphore, #tpu.memory_space<semaphore_mem>>) src(%dma_wait3A_54 : memref<128x128xf32, #tpu.memory_space<vmem>>) dst(%dma_wait3A_51 : memref<128x128xf32, #tpu.memory_space<hbm>>)
      tpu.yield
    }) : () -> ()
    %add3A_21 = arith.constant 256 : i32
    %add3A_22 = arith.addi %mul3A_0, %add3A_21 : i32
    "tpu.region"() ({
      %run_scoped3A = tpu.sem_alloc : memref<!tpu.dma_semaphore, #tpu.memory_space<semaphore_mem>>
      %dma_start3A = arith.constant 0 : i32
      %dma_start3A_33 = arith.constant 0 : i32
      %dma_start3A_34 = tpu.memref_slice %arg9[%dma_start3A, %dma_start3A_33] : memref<128x128xf32, #tpu.memory_space<vmem>> -> memref<128x128xf32, #tpu.memory_space<vmem>>
      %dma_start3A_35 = arith.constant 0 : i32
      %dma_start3A_36 = tpu.memref_slice %arg11[%add3A_22, %dma_start3A_35] : memref<10112x128xf32, #tpu.memory_space<vmem_shared>> -> memref<128x128xf32, #tpu.memory_space<vmem_shared>>
      %dma_start3A_37 = arith.constant 0 : i32
      %dma_start3A_38 = arith.constant 0 : i32
      %dma_start3A_39 = tpu.memref_slice %arg9[%dma_start3A_37, %dma_start3A_38] : memref<128x128xf32, #tpu.memory_space<vmem>> -> memref<128x128xf32, #tpu.memory_space<vmem>>
      %dma_start3A_40 = arith.constant 0 : i32
      %dma_start3A_41 = tpu.memref_slice %arg11[%add3A_22, %dma_start3A_40] : memref<10112x128xf32, #tpu.memory_space<vmem_shared>> -> memref<128x128xf32, #tpu.memory_space<vmem_shared>>
      tpu.enqueue_dma source(%dma_start3A_41 : memref<128x128xf32, #tpu.memory_space<vmem_shared>>) target(%dma_start3A_39 : memref<128x128xf32, #tpu.memory_space<vmem>>) target_semaphore(%run_scoped3A : memref<!tpu.dma_semaphore, #tpu.memory_space<semaphore_mem>>)
      %dma_wait3A = arith.constant 0 : i32
      %dma_wait3A_42 = arith.constant 0 : i32
      %dma_wait3A_43 = tpu.memref_slice %arg9[%dma_wait3A, %dma_wait3A_42] : memref<128x128xf32, #tpu.memory_space<vmem>> -> memref<128x128xf32, #tpu.memory_space<vmem>>
      %dma_wait3A_44 = arith.constant 0 : i32
      %dma_wait3A_45 = tpu.memref_slice %arg11[%add3A_22, %dma_wait3A_44] : memref<10112x128xf32, #tpu.memory_space<vmem_shared>> -> memref<128x128xf32, #tpu.memory_space<vmem_shared>>
      %dma_wait3A_46 = arith.constant 0 : i32
      %dma_wait3A_47 = arith.constant 0 : i32
      %dma_wait3A_48 = tpu.memref_slice %arg9[%dma_wait3A_46, %dma_wait3A_47] : memref<128x128xf32, #tpu.memory_space<vmem>> -> memref<128x128xf32, #tpu.memory_space<vmem>>
      %dma_wait3A_49 = arith.constant 0 : i32
      %dma_wait3A_50 = tpu.memref_slice %arg11[%add3A_22, %dma_wait3A_49] : memref<10112x128xf32, #tpu.memory_space<vmem_shared>> -> memref<128x128xf32, #tpu.memory_space<vmem_shared>>
      tpu.wait_dma2 semaphore(%run_scoped3A : memref<!tpu.dma_semaphore, #tpu.memory_space<semaphore_mem>>) src(%dma_wait3A_50 : memref<128x128xf32, #tpu.memory_space<vmem_shared>>) dst(%dma_wait3A_48 : memref<128x128xf32, #tpu.memory_space<vmem>>)
      tpu.yield
    }) : () -> ()
    %add3A_23 = arith.constant 256 : i32
    %add3A_24 = arith.addi %mul3A_0, %add3A_23 : i32
    "tpu.region"() ({
      %run_scoped3A = tpu.sem_alloc : memref<!tpu.dma_semaphore, #tpu.memory_space<semaphore_mem>>
      %dma_start3A = arith.constant 0 : i32
      %dma_start3A_33 = arith.constant 0 : i32
      %dma_start3A_34 = tpu.memref_slice %arg9[%dma_start3A, %dma_start3A_33] : memref<128x128xf32, #tpu.memory_space<vmem>> -> memref<128x128xf32, #tpu.memory_space<vmem>>
      %dma_start3A_35 = arith.constant 0 : i32
      %dma_start3A_36 = tpu.memref_slice %arg6[%arg0, %add3A_24, %dma_start3A_35] : memref<2x10112x128xf32, #tpu.memory_space<hbm>> -> memref<1x128x128xf32, #tpu.memory_space<hbm>>
      %dma_start3A_37 = tpu.memref_squeeze %dma_start3A_36 : memref<1x128x128xf32, #tpu.memory_space<hbm>> -> memref<128x128xf32, #tpu.memory_space<hbm>>
      %dma_start3A_38 = arith.constant 0 : i32
      %dma_start3A_39 = tpu.memref_slice %arg6[%arg0, %add3A_24, %dma_start3A_38] : memref<2x10112x128xf32, #tpu.memory_space<hbm>> -> memref<1x128x128xf32, #tpu.memory_space<hbm>>
      %dma_start3A_40 = tpu.memref_squeeze %dma_start3A_39 : memref<1x128x128xf32, #tpu.memory_space<hbm>> -> memref<128x128xf32, #tpu.memory_space<hbm>>
      %dma_start3A_41 = arith.constant 0 : i32
      %dma_start3A_42 = arith.constant 0 : i32
      %dma_start3A_43 = tpu.memref_slice %arg9[%dma_start3A_41, %dma_start3A_42] : memref<128x128xf32, #tpu.memory_space<vmem>> -> memref<128x128xf32, #tpu.memory_space<vmem>>
      tpu.enqueue_dma source(%dma_start3A_43 : memref<128x128xf32, #tpu.memory_space<vmem>>) target(%dma_start3A_40 : memref<128x128xf32, #tpu.memory_space<hbm>>) target_semaphore(%run_scoped3A : memref<!tpu.dma_semaphore, #tpu.memory_space<semaphore_mem>>)
      %dma_wait3A = arith.constant 0 : i32
      %dma_wait3A_44 = arith.constant 0 : i32
      %dma_wait3A_45 = tpu.memref_slice %arg9[%dma_wait3A, %dma_wait3A_44] : memref<128x128xf32, #tpu.memory_space<vmem>> -> memref<128x128xf32, #tpu.memory_space<vmem>>
      %dma_wait3A_46 = arith.constant 0 : i32
      %dma_wait3A_47 = tpu.memref_slice %arg6[%arg0, %add3A_24, %dma_wait3A_46] : memref<2x10112x128xf32, #tpu.memory_space<hbm>> -> memref<1x128x128xf32, #tpu.memory_space<hbm>>
      %dma_wait3A_48 = tpu.memref_squeeze %dma_wait3A_47 : memref<1x128x128xf32, #tpu.memory_space<hbm>> -> memref<128x128xf32, #tpu.memory_space<hbm>>
      %dma_wait3A_49 = arith.constant 0 : i32
      %dma_wait3A_50 = tpu.memref_slice %arg6[%arg0, %add3A_24, %dma_wait3A_49] : memref<2x10112x128xf32, #tpu.memory_space<hbm>> -> memref<1x128x128xf32, #tpu.memory_space<hbm>>
      %dma_wait3A_51 = tpu.memref_squeeze %dma_wait3A_50 : memref<1x128x128xf32, #tpu.memory_space<hbm>> -> memref<128x128xf32, #tpu.memory_space<hbm>>
      %dma_wait3A_52 = arith.constant 0 : i32
      %dma_wait3A_53 = arith.constant 0 : i32
      %dma_wait3A_54 = tpu.memref_slice %arg9[%dma_wait3A_52, %dma_wait3A_53] : memref<128x128xf32, #tpu.memory_space<vmem>> -> memref<128x128xf32, #tpu.memory_space<vmem>>
      tpu.wait_dma2 semaphore(%run_scoped3A : memref<!tpu.dma_semaphore, #tpu.memory_space<semaphore_mem>>) src(%dma_wait3A_54 : memref<128x128xf32, #tpu.memory_space<vmem>>) dst(%dma_wait3A_51 : memref<128x128xf32, #tpu.memory_space<hbm>>)
      tpu.yield
    }) : () -> ()
    %add3A_25 = arith.constant 384 : i32
    %add3A_26 = arith.addi %mul3A_0, %add3A_25 : i32
    "tpu.region"() ({
      %run_scoped3A = tpu.sem_alloc : memref<!tpu.dma_semaphore, #tpu.memory_space<semaphore_mem>>
      %dma_start3A = arith.constant 0 : i32
      %dma_start3A_33 = arith.constant 0 : i32
      %dma_start3A_34 = tpu.memref_slice %arg9[%dma_start3A, %dma_start3A_33] : memref<128x128xf32, #tpu.memory_space<vmem>> -> memref<128x128xf32, #tpu.memory_space<vmem>>
      %dma_start3A_35 = arith.constant 0 : i32
      %dma_start3A_36 = tpu.memref_slice %arg11[%add3A_26, %dma_start3A_35] : memref<10112x128xf32, #tpu.memory_space<vmem_shared>> -> memref<128x128xf32, #tpu.memory_space<vmem_shared>>
      %dma_start3A_37 = arith.constant 0 : i32
      %dma_start3A_38 = arith.constant 0 : i32
      %dma_start3A_39 = tpu.memref_slice %arg9[%dma_start3A_37, %dma_start3A_38] : memref<128x128xf32, #tpu.memory_space<vmem>> -> memref<128x128xf32, #tpu.memory_space<vmem>>
      %dma_start3A_40 = arith.constant 0 : i32
      %dma_start3A_41 = tpu.memref_slice %arg11[%add3A_26, %dma_start3A_40] : memref<10112x128xf32, #tpu.memory_space<vmem_shared>> -> memref<128x128xf32, #tpu.memory_space<vmem_shared>>
      tpu.enqueue_dma source(%dma_start3A_41 : memref<128x128xf32, #tpu.memory_space<vmem_shared>>) target(%dma_start3A_39 : memref<128x128xf32, #tpu.memory_space<vmem>>) target_semaphore(%run_scoped3A : memref<!tpu.dma_semaphore, #tpu.memory_space<semaphore_mem>>)
      %dma_wait3A = arith.constant 0 : i32
      %dma_wait3A_42 = arith.constant 0 : i32
      %dma_wait3A_43 = tpu.memref_slice %arg9[%dma_wait3A, %dma_wait3A_42] : memref<128x128xf32, #tpu.memory_space<vmem>> -> memref<128x128xf32, #tpu.memory_space<vmem>>
      %dma_wait3A_44 = arith.constant 0 : i32
      %dma_wait3A_45 = tpu.memref_slice %arg11[%add3A_26, %dma_wait3A_44] : memref<10112x128xf32, #tpu.memory_space<vmem_shared>> -> memref<128x128xf32, #tpu.memory_space<vmem_shared>>
      %dma_wait3A_46 = arith.constant 0 : i32
      %dma_wait3A_47 = arith.constant 0 : i32
      %dma_wait3A_48 = tpu.memref_slice %arg9[%dma_wait3A_46, %dma_wait3A_47] : memref<128x128xf32, #tpu.memory_space<vmem>> -> memref<128x128xf32, #tpu.memory_space<vmem>>
      %dma_wait3A_49 = arith.constant 0 : i32
      %dma_wait3A_50 = tpu.memref_slice %arg11[%add3A_26, %dma_wait3A_49] : memref<10112x128xf32, #tpu.memory_space<vmem_shared>> -> memref<128x128xf32, #tpu.memory_space<vmem_shared>>
      tpu.wait_dma2 semaphore(%run_scoped3A : memref<!tpu.dma_semaphore, #tpu.memory_space<semaphore_mem>>) src(%dma_wait3A_50 : memref<128x128xf32, #tpu.memory_space<vmem_shared>>) dst(%dma_wait3A_48 : memref<128x128xf32, #tpu.memory_space<vmem>>)
      tpu.yield
    }) : () -> ()
    %add3A_27 = arith.constant 384 : i32
    %add3A_28 = arith.addi %mul3A_0, %add3A_27 : i32
    "tpu.region"() ({
      %run_scoped3A = tpu.sem_alloc : memref<!tpu.dma_semaphore, #tpu.memory_space<semaphore_mem>>
      %dma_start3A = arith.constant 0 : i32
      %dma_start3A_33 = arith.constant 0 : i32
      %dma_start3A_34 = tpu.memref_slice %arg9[%dma_start3A, %dma_start3A_33] : memref<128x128xf32, #tpu.memory_space<vmem>> -> memref<128x128xf32, #tpu.memory_space<vmem>>
      %dma_start3A_35 = arith.constant 0 : i32
      %dma_start3A_36 = tpu.memref_slice %arg6[%arg0, %add3A_28, %dma_start3A_35] : memref<2x10112x128xf32, #tpu.memory_space<hbm>> -> memref<1x128x128xf32, #tpu.memory_space<hbm>>
      %dma_start3A_37 = tpu.memref_squeeze %dma_start3A_36 : memref<1x128x128xf32, #tpu.memory_space<hbm>> -> memref<128x128xf32, #tpu.memory_space<hbm>>
      %dma_start3A_38 = arith.constant 0 : i32
      %dma_start3A_39 = tpu.memref_slice %arg6[%arg0, %add3A_28, %dma_start3A_38] : memref<2x10112x128xf32, #tpu.memory_space<hbm>> -> memref<1x128x128xf32, #tpu.memory_space<hbm>>
      %dma_start3A_40 = tpu.memref_squeeze %dma_start3A_39 : memref<1x128x128xf32, #tpu.memory_space<hbm>> -> memref<128x128xf32, #tpu.memory_space<hbm>>
      %dma_start3A_41 = arith.constant 0 : i32
      %dma_start3A_42 = arith.constant 0 : i32
      %dma_start3A_43 = tpu.memref_slice %arg9[%dma_start3A_41, %dma_start3A_42] : memref<128x128xf32, #tpu.memory_space<vmem>> -> memref<128x128xf32, #tpu.memory_space<vmem>>
      tpu.enqueue_dma source(%dma_start3A_43 : memref<128x128xf32, #tpu.memory_space<vmem>>) target(%dma_start3A_40 : memref<128x128xf32, #tpu.memory_space<hbm>>) target_semaphore(%run_scoped3A : memref<!tpu.dma_semaphore, #tpu.memory_space<semaphore_mem>>)
      %dma_wait3A = arith.constant 0 : i32
      %dma_wait3A_44 = arith.constant 0 : i32
      %dma_wait3A_45 = tpu.memref_slice %arg9[%dma_wait3A, %dma_wait3A_44] : memref<128x128xf32, #tpu.memory_space<vmem>> -> memref<128x128xf32, #tpu.memory_space<vmem>>
      %dma_wait3A_46 = arith.constant 0 : i32
      %dma_wait3A_47 = tpu.memref_slice %arg6[%arg0, %add3A_28, %dma_wait3A_46] : memref<2x10112x128xf32, #tpu.memory_space<hbm>> -> memref<1x128x128xf32, #tpu.memory_space<hbm>>
      %dma_wait3A_48 = tpu.memref_squeeze %dma_wait3A_47 : memref<1x128x128xf32, #tpu.memory_space<hbm>> -> memref<128x128xf32, #tpu.memory_space<hbm>>
      %dma_wait3A_49 = arith.constant 0 : i32
      %dma_wait3A_50 = tpu.memref_slice %arg6[%arg0, %add3A_28, %dma_wait3A_49] : memref<2x10112x128xf32, #tpu.memory_space<hbm>> -> memref<1x128x128xf32, #tpu.memory_space<hbm>>
      %dma_wait3A_51 = tpu.memref_squeeze %dma_wait3A_50 : memref<1x128x128xf32, #tpu.memory_space<hbm>> -> memref<128x128xf32, #tpu.memory_space<hbm>>
      %dma_wait3A_52 = arith.constant 0 : i32
      %dma_wait3A_53 = arith.constant 0 : i32
      %dma_wait3A_54 = tpu.memref_slice %arg9[%dma_wait3A_52, %dma_wait3A_53] : memref<128x128xf32, #tpu.memory_space<vmem>> -> memref<128x128xf32, #tpu.memory_space<vmem>>
      tpu.wait_dma2 semaphore(%run_scoped3A : memref<!tpu.dma_semaphore, #tpu.memory_space<semaphore_mem>>) src(%dma_wait3A_54 : memref<128x128xf32, #tpu.memory_space<vmem>>) dst(%dma_wait3A_51 : memref<128x128xf32, #tpu.memory_space<hbm>>)
      tpu.yield
    }) : () -> ()
    %add3A_29 = arith.constant 512 : i32
    %add3A_30 = arith.addi %mul3A_0, %add3A_29 : i32
    "tpu.region"() ({
      %run_scoped3A = tpu.sem_alloc : memref<!tpu.dma_semaphore, #tpu.memory_space<semaphore_mem>>
      %dma_start3A = arith.constant 0 : i32
      %dma_start3A_33 = arith.constant 0 : i32
      %dma_start3A_34 = tpu.memref_slice %arg9[%dma_start3A, %dma_start3A_33] : memref<128x128xf32, #tpu.memory_space<vmem>> -> memref<120x128xf32, #tpu.memory_space<vmem>>
      %dma_start3A_35 = arith.constant 0 : i32
      %dma_start3A_36 = tpu.memref_slice %arg11[%add3A_30, %dma_start3A_35] : memref<10112x128xf32, #tpu.memory_space<vmem_shared>> -> memref<120x128xf32, #tpu.memory_space<vmem_shared>>
      %dma_start3A_37 = arith.constant 0 : i32
      %dma_start3A_38 = arith.constant 0 : i32
      %dma_start3A_39 = tpu.memref_slice %arg9[%dma_start3A_37, %dma_start3A_38] : memref<128x128xf32, #tpu.memory_space<vmem>> -> memref<120x128xf32, #tpu.memory_space<vmem>>
      %dma_start3A_40 = arith.constant 0 : i32
      %dma_start3A_41 = tpu.memref_slice %arg11[%add3A_30, %dma_start3A_40] : memref<10112x128xf32, #tpu.memory_space<vmem_shared>> -> memref<120x128xf32, #tpu.memory_space<vmem_shared>>
      tpu.enqueue_dma source(%dma_start3A_41 : memref<120x128xf32, #tpu.memory_space<vmem_shared>>) target(%dma_start3A_39 : memref<120x128xf32, #tpu.memory_space<vmem>>) target_semaphore(%run_scoped3A : memref<!tpu.dma_semaphore, #tpu.memory_space<semaphore_mem>>)
      %dma_wait3A = arith.constant 0 : i32
      %dma_wait3A_42 = arith.constant 0 : i32
      %dma_wait3A_43 = tpu.memref_slice %arg9[%dma_wait3A, %dma_wait3A_42] : memref<128x128xf32, #tpu.memory_space<vmem>> -> memref<120x128xf32, #tpu.memory_space<vmem>>
      %dma_wait3A_44 = arith.constant 0 : i32
      %dma_wait3A_45 = tpu.memref_slice %arg11[%add3A_30, %dma_wait3A_44] : memref<10112x128xf32, #tpu.memory_space<vmem_shared>> -> memref<120x128xf32, #tpu.memory_space<vmem_shared>>
      %dma_wait3A_46 = arith.constant 0 : i32
      %dma_wait3A_47 = arith.constant 0 : i32
      %dma_wait3A_48 = tpu.memref_slice %arg9[%dma_wait3A_46, %dma_wait3A_47] : memref<128x128xf32, #tpu.memory_space<vmem>> -> memref<120x128xf32, #tpu.memory_space<vmem>>
      %dma_wait3A_49 = arith.constant 0 : i32
      %dma_wait3A_50 = tpu.memref_slice %arg11[%add3A_30, %dma_wait3A_49] : memref<10112x128xf32, #tpu.memory_space<vmem_shared>> -> memref<120x128xf32, #tpu.memory_space<vmem_shared>>
      tpu.wait_dma2 semaphore(%run_scoped3A : memref<!tpu.dma_semaphore, #tpu.memory_space<semaphore_mem>>) src(%dma_wait3A_50 : memref<120x128xf32, #tpu.memory_space<vmem_shared>>) dst(%dma_wait3A_48 : memref<120x128xf32, #tpu.memory_space<vmem>>)
      tpu.yield
    }) : () -> ()
    %add3A_31 = arith.constant 512 : i32
    %add3A_32 = arith.addi %mul3A_0, %add3A_31 : i32
    "tpu.region"() ({
      %run_scoped3A = tpu.sem_alloc : memref<!tpu.dma_semaphore, #tpu.memory_space<semaphore_mem>>
      %dma_start3A = arith.constant 0 : i32
      %dma_start3A_33 = arith.constant 0 : i32
      %dma_start3A_34 = tpu.memref_slice %arg9[%dma_start3A, %dma_start3A_33] : memref<128x128xf32, #tpu.memory_space<vmem>> -> memref<120x128xf32, #tpu.memory_space<vmem>>
      %dma_start3A_35 = arith.constant 0 : i32
      %dma_start3A_36 = tpu.memref_slice %arg6[%arg0, %add3A_32, %dma_start3A_35] : memref<2x10112x128xf32, #tpu.memory_space<hbm>> -> memref<1x120x128xf32, #tpu.memory_space<hbm>>
      %dma_start3A_37 = tpu.memref_squeeze %dma_start3A_36 : memref<1x120x128xf32, #tpu.memory_space<hbm>> -> memref<120x128xf32, #tpu.memory_space<hbm>>
      %dma_start3A_38 = arith.constant 0 : i32
      %dma_start3A_39 = tpu.memref_slice %arg6[%arg0, %add3A_32, %dma_start3A_38] : memref<2x10112x128xf32, #tpu.memory_space<hbm>> -> memref<1x120x128xf32, #tpu.memory_space<hbm>>
      %dma_start3A_40 = tpu.memref_squeeze %dma_start3A_39 : memref<1x120x128xf32, #tpu.memory_space<hbm>> -> memref<120x128xf32, #tpu.memory_space<hbm>>
      %dma_start3A_41 = arith.constant 0 : i32
      %dma_start3A_42 = arith.constant 0 : i32
      %dma_start3A_43 = tpu.memref_slice %arg9[%dma_start3A_41, %dma_start3A_42] : memref<128x128xf32, #tpu.memory_space<vmem>> -> memref<120x128xf32, #tpu.memory_space<vmem>>
      tpu.enqueue_dma source(%dma_start3A_43 : memref<120x128xf32, #tpu.memory_space<vmem>>) target(%dma_start3A_40 : memref<120x128xf32, #tpu.memory_space<hbm>>) target_semaphore(%run_scoped3A : memref<!tpu.dma_semaphore, #tpu.memory_space<semaphore_mem>>)
      %dma_wait3A = arith.constant 0 : i32
      %dma_wait3A_44 = arith.constant 0 : i32
      %dma_wait3A_45 = tpu.memref_slice %arg9[%dma_wait3A, %dma_wait3A_44] : memref<128x128xf32, #tpu.memory_space<vmem>> -> memref<120x128xf32, #tpu.memory_space<vmem>>
      %dma_wait3A_46 = arith.constant 0 : i32
      %dma_wait3A_47 = tpu.memref_slice %arg6[%arg0, %add3A_32, %dma_wait3A_46] : memref<2x10112x128xf32, #tpu.memory_space<hbm>> -> memref<1x120x128xf32, #tpu.memory_space<hbm>>
      %dma_wait3A_48 = tpu.memref_squeeze %dma_wait3A_47 : memref<1x120x128xf32, #tpu.memory_space<hbm>> -> memref<120x128xf32, #tpu.memory_space<hbm>>
      %dma_wait3A_49 = arith.constant 0 : i32
      %dma_wait3A_50 = tpu.memref_slice %arg6[%arg0, %add3A_32, %dma_wait3A_49] : memref<2x10112x128xf32, #tpu.memory_space<hbm>> -> memref<1x120x128xf32, #tpu.memory_space<hbm>>
      %dma_wait3A_51 = tpu.memref_squeeze %dma_wait3A_50 : memref<1x120x128xf32, #tpu.memory_space<hbm>> -> memref<120x128xf32, #tpu.memory_space<hbm>>
      %dma_wait3A_52 = arith.constant 0 : i32
      %dma_wait3A_53 = arith.constant 0 : i32
      %dma_wait3A_54 = tpu.memref_slice %arg9[%dma_wait3A_52, %dma_wait3A_53] : memref<128x128xf32, #tpu.memory_space<vmem>> -> memref<120x128xf32, #tpu.memory_space<vmem>>
      tpu.wait_dma2 semaphore(%run_scoped3A : memref<!tpu.dma_semaphore, #tpu.memory_space<semaphore_mem>>) src(%dma_wait3A_54 : memref<120x128xf32, #tpu.memory_space<vmem>>) dst(%dma_wait3A_51 : memref<120x128xf32, #tpu.memory_space<hbm>>)
      tpu.yield
    }) : () -> ()
    return
  }
}

module attributes {stable_mosaic.version = 14 : i64} {
  func.func @_prep_body(%arg0: i32, %arg1: memref<1024x16xf32, #tpu.memory_space<vmem>>, %arg2: memref<1024x16xf32, #tpu.memory_space<vmem>>, %arg3: memref<1024x128xf32, #tpu.memory_space<vmem>>, %arg4: memref<128x128xf32, #tpu.memory_space<vmem>>, %arg5: memref<1024x128xf32, #tpu.memory_space<vmem>>, %arg6: memref<1024x128xf32, #tpu.memory_space<vmem>>) attributes {dimension_semantics = [#tpu.dimension_semantics<arbitrary>], iteration_bounds = array<i64: 10>, scalar_prefetch = 0 : i64, scratch_operands = 0 : i64, tpu.core_type = #tpu.core_type<tc>, window_params = [{transform_indices = @transform_0, window_bounds = array<i64: 1024, 16>}, {transform_indices = @transform_1, window_bounds = array<i64: 1024, 16>}, {transform_indices = @transform_2, window_bounds = array<i64: 1024, 128>}, {pipeline_mode = #tpu.pipeline_mode<synchronous>, transform_indices = @transform_3, window_bounds = array<i64: 128, 128>}, {transform_indices = @transform_4, window_bounds = array<i64: 1024, 128>}, {transform_indices = @transform_5, window_bounds = array<i64: 1024, 128>}]} {
    %get3A = arith.constant 0 : index
    %get3A_0 = arith.constant 0 : index
    %get3A_1 = vector.load %arg1[%get3A, %get3A_0] : memref<1024x16xf32, #tpu.memory_space<vmem>>, vector<1024x1xf32>
    %get3A_2 = arith.constant 0 : index
    %get3A_3 = arith.constant 0 : index
    %get3A_4 = vector.load %arg2[%get3A_2, %get3A_3] : memref<1024x16xf32, #tpu.memory_space<vmem>>, vector<1024x1xf32>
    %add3A = arith.addf %get3A_1, %get3A_4 : vector<1024x1xf32>
    %add3A_5 = arith.constant 1.000000e+00 : f32
    %add3A_6 = vector.broadcast %add3A_5 : f32 to vector<1024x1xf32>
    %add3A_7 = arith.addf %add3A, %add3A_6 : vector<1024x1xf32>
    %rsqrt3A = math.rsqrt %add3A_7 : vector<1024x1xf32>
    %get3A_8 = arith.constant 0 : index
    %get3A_9 = arith.constant 0 : index
    %get3A_10 = vector.load %arg3[%get3A_8, %get3A_9] : memref<1024x128xf32, #tpu.memory_space<vmem>>, vector<1024x128xf32>
    %get3A_11 = arith.constant 0 : index
    %get3A_12 = arith.constant 0 : index
    %get3A_13 = vector.load %arg4[%get3A_11, %get3A_12] : memref<128x128xf32, #tpu.memory_space<vmem>>, vector<128x128xf32>
    %dot_general3A = arith.constant dense<0.000000e+00> : vector<1024x128xf32>
    %dot_general3A_14 = tpu.matmul %get3A_10, %get3A_13, %dot_general3A {dimension_numbers = #tpu.dot_dimension_numbers<[1], [0], [0], [1], [0, 0, 1, 1], [], []>, transpose_lhs_hint = false} : vector<1024x128xf32>, vector<128x128xf32>, vector<1024x128xf32> -> vector<1024x128xf32>
    %mul3A = vector.broadcast %rsqrt3A : vector<1024x1xf32> to vector<1024x128xf32>
    %mul3A_15 = arith.mulf %dot_general3A_14, %mul3A : vector<1024x128xf32>
    %swap3A = arith.constant 0 : index
    %swap3A_16 = arith.constant 0 : index
    %swap3A_17 = vector.load %arg5[%swap3A, %swap3A_16] : memref<1024x128xf32, #tpu.memory_space<vmem>>, vector<1024x128xf32>
    tpu.vector_store %arg5[%swap3A, %swap3A_16], %mul3A_15 {strides = array<i32>} : memref<1024x128xf32, #tpu.memory_space<vmem>>, vector<1024x128xf32>,
    %broadcast_in_dim3A = vector.shape_cast %rsqrt3A : vector<1024x1xf32> to vector<1024x1xf32>
    %broadcast_in_dim3A_18 = vector.broadcast %broadcast_in_dim3A : vector<1024x1xf32> to vector<1024x128xf32>
    %swap3A_19 = arith.constant 0 : index
    %swap3A_20 = arith.constant 0 : index
    %swap3A_21 = vector.load %arg6[%swap3A_19, %swap3A_20] : memref<1024x128xf32, #tpu.memory_space<vmem>>, vector<1024x128xf32>
    tpu.vector_store %arg6[%swap3A_19, %swap3A_20], %broadcast_in_dim3A_18 {strides = array<i32>} : memref<1024x128xf32, #tpu.memory_space<vmem>>, vector<1024x128xf32>,
    return
  }
  func.func @transform_0(%arg0: i32) -> (i32, i32) {
    %c0_i32 = arith.constant 0 : i32
    %c0_i32_0 = arith.constant 0 : i32
    return %arg0, %c0_i32 : i32, i32
  }
  func.func @transform_1(%arg0: i32) -> (i32, i32) {
    %c0_i32 = arith.constant 0 : i32
    %c0_i32_0 = arith.constant 0 : i32
    return %arg0, %c0_i32 : i32, i32
  }
  func.func @transform_2(%arg0: i32) -> (i32, i32) {
    %c0_i32 = arith.constant 0 : i32
    %c0_i32_0 = arith.constant 0 : i32
    return %arg0, %c0_i32 : i32, i32
  }
  func.func @transform_3(%arg0: i32) -> (i32, i32) {
    %c0_i32 = arith.constant 0 : i32
    %c0_i32_0 = arith.constant 0 : i32
    %c0_i32_1 = arith.constant 0 : i32
    return %c0_i32, %c0_i32_0 : i32, i32
  }
  func.func @transform_4(%arg0: i32) -> (i32, i32) {
    %c0_i32 = arith.constant 0 : i32
    %c0_i32_0 = arith.constant 0 : i32
    return %arg0, %c0_i32 : i32, i32
  }
  func.func @transform_5(%arg0: i32) -> (i32, i32) {
    %c0_i32 = arith.constant 0 : i32
    %c0_i32_0 = arith.constant 0 : i32
    return %arg0, %c0_i32 : i32, i32
  }
}

module attributes {stable_mosaic.version = 14 : i64} {
  func.func @_mid_body(%arg0: i32, %arg1: memref<1024x128xf32, #tpu.memory_space<vmem>>, %arg2: memref<1024x128xf32, #tpu.memory_space<vmem>>, %arg3: memref<1024x128xf32, #tpu.memory_space<vmem>>, %arg4: memref<1024x128xf32, #tpu.memory_space<vmem>>, %arg5: memref<1x128xf32, #tpu.memory_space<vmem>>, %arg6: memref<128x384xf32, #tpu.memory_space<vmem>>, %arg7: memref<1x384xf32, #tpu.memory_space<vmem>>, %arg8: memref<1x384xf32, #tpu.memory_space<vmem>>, %arg9: memref<128x128xf32, #tpu.memory_space<vmem>>, %arg10: memref<1024x128xf32, #tpu.memory_space<vmem>>) attributes {dimension_semantics = [#tpu.dimension_semantics<arbitrary>], iteration_bounds = array<i64: 10>, scalar_prefetch = 0 : i64, scratch_operands = 0 : i64, tpu.core_type = #tpu.core_type<tc>, window_params = [{transform_indices = @transform_0, window_bounds = array<i64: 1024, 128>}, {transform_indices = @transform_1, window_bounds = array<i64: 1024, 128>}, {transform_indices = @transform_2, window_bounds = array<i64: 1024, 128>}, {transform_indices = @transform_3, window_bounds = array<i64: 1024, 128>}, {pipeline_mode = #tpu.pipeline_mode<synchronous>, transform_indices = @transform_4, window_bounds = array<i64: 1, 128>}, {pipeline_mode = #tpu.pipeline_mode<synchronous>, transform_indices = @transform_5, window_bounds = array<i64: 128, 384>}, {pipeline_mode = #tpu.pipeline_mode<synchronous>, transform_indices = @transform_6, window_bounds = array<i64: 1, 384>}, {pipeline_mode = #tpu.pipeline_mode<synchronous>, transform_indices = @transform_7, window_bounds = array<i64: 1, 384>}, {pipeline_mode = #tpu.pipeline_mode<synchronous>, transform_indices = @transform_8, window_bounds = array<i64: 128, 128>}, {transform_indices = @transform_9, window_bounds = array<i64: 1024, 128>}]} {
    %get3A = arith.constant 0 : index
    %get3A_0 = arith.constant 0 : index
    %get3A_1 = vector.load %arg4[%get3A, %get3A_0] : memref<1024x128xf32, #tpu.memory_space<vmem>>, vector<1024x128xf32>
    %get3A_2 = arith.constant 0 : index
    %get3A_3 = arith.constant 0 : index
    %get3A_4 = vector.load %arg1[%get3A_2, %get3A_3] : memref<1024x128xf32, #tpu.memory_space<vmem>>, vector<1024x128xf32>
    %get3A_5 = arith.constant 0 : index
    %get3A_6 = arith.constant 0 : index
    %get3A_7 = vector.load %arg2[%get3A_5, %get3A_6] : memref<1024x128xf32, #tpu.memory_space<vmem>>, vector<1024x128xf32>
    %add3A = arith.addf %get3A_4, %get3A_7 : vector<1024x128xf32>
    %get3A_8 = arith.constant 0 : index
    %get3A_9 = arith.constant 0 : index
    %get3A_10 = vector.load %arg3[%get3A_8, %get3A_9] : memref<1024x128xf32, #tpu.memory_space<vmem>>, vector<1024x128xf32>
    %add3A_11 = arith.addf %add3A, %get3A_10 : vector<1024x128xf32>
    %mul3A = arith.mulf %get3A_1, %add3A_11 : vector<1024x128xf32>
    %get3A_12 = arith.constant 0 : index
    %get3A_13 = arith.constant 0 : index
    %get3A_14 = vector.load %arg5[%get3A_12, %get3A_13] : memref<1x128xf32, #tpu.memory_space<vmem>>, vector<1x128xf32>
    %add3A_15 = vector.broadcast %get3A_14 : vector<1x128xf32> to vector<1024x128xf32>
    %add3A_16 = arith.addf %mul3A, %add3A_15 : vector<1024x128xf32>
    %max3A = arith.constant 0.000000e+00 : f32
    %max3A_17 = vector.broadcast %max3A : f32 to vector<1024x128xf32>
    %max3A_18 = arith.maximumf %add3A_16, %max3A_17 : vector<1024x128xf32>
    %get3A_19 = arith.constant 0 : index
    %get3A_20 = arith.constant 0 : index
    %get3A_21 = vector.load %arg6[%get3A_19, %get3A_20] : memref<128x384xf32, #tpu.memory_space<vmem>>, vector<128x384xf32>
    %dot_general3A = arith.constant dense<0.000000e+00> : vector<1024x384xf32>
    %dot_general3A_22 = tpu.matmul %max3A_18, %get3A_21, %dot_general3A {dimension_numbers = #tpu.dot_dimension_numbers<[1], [0], [0], [1], [0, 0, 1, 1], [], []>, transpose_lhs_hint = false} : vector<1024x128xf32>, vector<128x384xf32>, vector<1024x384xf32> -> vector<1024x384xf32>
    %get3A_23 = arith.constant 0 : index
    %get3A_24 = arith.constant 0 : index
    %get3A_25 = vector.load %arg7[%get3A_23, %get3A_24] : memref<1x384xf32, #tpu.memory_space<vmem>>, vector<1x384xf32>
    %add3A_26 = vector.broadcast %get3A_25 : vector<1x384xf32> to vector<1024x384xf32>
    %add3A_27 = arith.addf %dot_general3A_22, %add3A_26 : vector<1024x384xf32>
    %get3A_28 = arith.constant 0 : index
    %get3A_29 = arith.constant 0 : index
    %get3A_30 = vector.load %arg8[%get3A_28, %get3A_29] : memref<1x384xf32, #tpu.memory_space<vmem>>, vector<1x384xf32>
    %slice3A = vector.extract_strided_slice %add3A_27 {offsets = [0, 0], sizes = [1024, 128], strides = [1, 1]} : vector<1024x384xf32> to vector<1024x128xf32>
    %slice3A_31 = vector.extract_strided_slice %get3A_30 {offsets = [0, 0], sizes = [1, 128], strides = [1, 1]} : vector<1x384xf32> to vector<1x128xf32>
    %add3A_32 = vector.broadcast %slice3A_31 : vector<1x128xf32> to vector<1024x128xf32>
    %add3A_33 = arith.addf %slice3A, %add3A_32 : vector<1024x128xf32>
    %logistic3A = arith.negf %add3A_33 : vector<1024x128xf32>
    %logistic3A_34 = math.exp %logistic3A : vector<1024x128xf32>
    %logistic3A_35 = arith.constant 1.000000e+00 : f32
    %logistic3A_36 = vector.broadcast %logistic3A_35 : f32 to vector<1024x128xf32>
    %logistic3A_37 = arith.addf %logistic3A_36, %logistic3A_34 : vector<1024x128xf32>
    %logistic3A_38 = arith.divf %logistic3A_36, %logistic3A_37 : vector<1024x128xf32>
    %slice3A_39 = vector.extract_strided_slice %add3A_27 {offsets = [0, 128], sizes = [1024, 128], strides = [1, 1]} : vector<1024x384xf32> to vector<1024x128xf32>
    %slice3A_40 = vector.extract_strided_slice %get3A_30 {offsets = [0, 128], sizes = [1, 128], strides = [1, 1]} : vector<1x384xf32> to vector<1x128xf32>
    %add3A_41 = vector.broadcast %slice3A_40 : vector<1x128xf32> to vector<1024x128xf32>
    %add3A_42 = arith.addf %slice3A_39, %add3A_41 : vector<1024x128xf32>
    %logistic3A_43 = arith.negf %add3A_42 : vector<1024x128xf32>
    %logistic3A_44 = math.exp %logistic3A_43 : vector<1024x128xf32>
    %logistic3A_45 = arith.constant 1.000000e+00 : f32
    %logistic3A_46 = vector.broadcast %logistic3A_45 : f32 to vector<1024x128xf32>
    %logistic3A_47 = arith.addf %logistic3A_46, %logistic3A_44 : vector<1024x128xf32>
    %logistic3A_48 = arith.divf %logistic3A_46, %logistic3A_47 : vector<1024x128xf32>
    %slice3A_49 = vector.extract_strided_slice %add3A_27 {offsets = [0, 256], sizes = [1024, 128], strides = [1, 1]} : vector<1024x384xf32> to vector<1024x128xf32>
    %slice3A_50 = vector.extract_strided_slice %get3A_30 {offsets = [0, 256], sizes = [1, 128], strides = [1, 1]} : vector<1x384xf32> to vector<1x128xf32>
    %mul3A_51 = vector.broadcast %slice3A_50 : vector<1x128xf32> to vector<1024x128xf32>
    %mul3A_52 = arith.mulf %logistic3A_38, %mul3A_51 : vector<1024x128xf32>
    %add3A_53 = arith.addf %slice3A_49, %mul3A_52 : vector<1024x128xf32>
    %tanh3A = math.tanh %add3A_53 : vector<1024x128xf32>
    %sub3A = arith.constant 1.000000e+00 : f32
    %sub3A_54 = vector.broadcast %sub3A : f32 to vector<1024x128xf32>
    %sub3A_55 = arith.subf %sub3A_54, %logistic3A_48 : vector<1024x128xf32>
    %mul3A_56 = arith.mulf %sub3A_55, %tanh3A : vector<1024x128xf32>
    %get3A_57 = arith.constant 0 : index
    %get3A_58 = arith.constant 0 : index
    %get3A_59 = vector.load %arg9[%get3A_57, %get3A_58] : memref<128x128xf32, #tpu.memory_space<vmem>>, vector<128x128xf32>
    %dot_general3A_60 = arith.constant dense<0.000000e+00> : vector<1024x128xf32>
    %dot_general3A_61 = tpu.matmul %mul3A_56, %get3A_59, %dot_general3A_60 {dimension_numbers = #tpu.dot_dimension_numbers<[1], [0], [0], [1], [0, 0, 1, 1], [], []>, transpose_lhs_hint = false} : vector<1024x128xf32>, vector<128x128xf32>, vector<1024x128xf32> -> vector<1024x128xf32>
    %get3A_62 = arith.constant 0 : index
    %get3A_63 = arith.constant 0 : index
    %get3A_64 = vector.load %arg4[%get3A_62, %get3A_63] : memref<1024x128xf32, #tpu.memory_space<vmem>>, vector<1024x128xf32>
    %mul3A_65 = arith.mulf %dot_general3A_61, %get3A_64 : vector<1024x128xf32>
    %swap3A = arith.constant 0 : index
    %swap3A_66 = arith.constant 0 : index
    %swap3A_67 = vector.load %arg10[%swap3A, %swap3A_66] : memref<1024x128xf32, #tpu.memory_space<vmem>>, vector<1024x128xf32>
    tpu.vector_store %arg10[%swap3A, %swap3A_66], %mul3A_65 {strides = array<i32>} : memref<1024x128xf32, #tpu.memory_space<vmem>>, vector<1024x128xf32>,
    return
  }
  func.func @transform_0(%arg0: i32) -> (i32, i32) {
    %c0_i32 = arith.constant 0 : i32
    %c0_i32_0 = arith.constant 0 : i32
    return %arg0, %c0_i32 : i32, i32
  }
  func.func @transform_1(%arg0: i32) -> (i32, i32) {
    %c0_i32 = arith.constant 0 : i32
    %c0_i32_0 = arith.constant 0 : i32
    return %arg0, %c0_i32 : i32, i32
  }
  func.func @transform_2(%arg0: i32) -> (i32, i32) {
    %c0_i32 = arith.constant 0 : i32
    %c0_i32_0 = arith.constant 0 : i32
    return %arg0, %c0_i32 : i32, i32
  }
  func.func @transform_3(%arg0: i32) -> (i32, i32) {
    %c0_i32 = arith.constant 0 : i32
    %c0_i32_0 = arith.constant 0 : i32
    return %arg0, %c0_i32 : i32, i32
  }
  func.func @transform_4(%arg0: i32) -> (i32, i32) {
    %c0_i32 = arith.constant 0 : i32
    %c0_i32_0 = arith.constant 0 : i32
    %c0_i32_1 = arith.constant 0 : i32
    return %c0_i32, %c0_i32_0 : i32, i32
  }
  func.func @transform_5(%arg0: i32) -> (i32, i32) {
    %c0_i32 = arith.constant 0 : i32
    %c0_i32_0 = arith.constant 0 : i32
    %c0_i32_1 = arith.constant 0 : i32
    return %c0_i32, %c0_i32_0 : i32, i32
  }
  func.func @transform_6(%arg0: i32) -> (i32, i32) {
    %c0_i32 = arith.constant 0 : i32
    %c0_i32_0 = arith.constant 0 : i32
    %c0_i32_1 = arith.constant 0 : i32
    return %c0_i32, %c0_i32_0 : i32, i32
  }
  func.func @transform_7(%arg0: i32) -> (i32, i32) {
    %c0_i32 = arith.constant 0 : i32
    %c0_i32_0 = arith.constant 0 : i32
    %c0_i32_1 = arith.constant 0 : i32
    return %c0_i32, %c0_i32_0 : i32, i32
  }
  func.func @transform_8(%arg0: i32) -> (i32, i32) {
    %c0_i32 = arith.constant 0 : i32
    %c0_i32_0 = arith.constant 0 : i32
    %c0_i32_1 = arith.constant 0 : i32
    return %c0_i32, %c0_i32_0 : i32, i32
  }
  func.func @transform_9(%arg0: i32) -> (i32, i32) {
    %c0_i32 = arith.constant 0 : i32
    %c0_i32_0 = arith.constant 0 : i32
    return %arg0, %c0_i32 : i32, i32
  }
}

module attributes {stable_mosaic.version = 14 : i64} {
  func.func @_fin_body(%arg0: i32, %arg1: memref<1024x128xf32, #tpu.memory_space<vmem>>, %arg2: memref<1024x128xf32, #tpu.memory_space<vmem>>, %arg3: memref<1024x128xf32, #tpu.memory_space<vmem>>, %arg4: memref<1024x128xf32, #tpu.memory_space<vmem>>, %arg5: memref<1x128xf32, #tpu.memory_space<vmem>>, %arg6: memref<128x384xf32, #tpu.memory_space<vmem>>, %arg7: memref<1x384xf32, #tpu.memory_space<vmem>>, %arg8: memref<1x384xf32, #tpu.memory_space<vmem>>, %arg9: memref<128x128xf32, #tpu.memory_space<vmem>>, %arg10: memref<1x128xf32, #tpu.memory_space<vmem>>, %arg11: memref<1024x128xf32, #tpu.memory_space<vmem>>) attributes {dimension_semantics = [#tpu.dimension_semantics<arbitrary>], iteration_bounds = array<i64: 10>, scalar_prefetch = 0 : i64, scratch_operands = 0 : i64, tpu.core_type = #tpu.core_type<tc>, window_params = [{transform_indices = @transform_0, window_bounds = array<i64: 1024, 128>}, {transform_indices = @transform_1, window_bounds = array<i64: 1024, 128>}, {transform_indices = @transform_2, window_bounds = array<i64: 1024, 128>}, {transform_indices = @transform_3, window_bounds = array<i64: 1024, 128>}, {pipeline_mode = #tpu.pipeline_mode<synchronous>, transform_indices = @transform_4, window_bounds = array<i64: 1, 128>}, {pipeline_mode = #tpu.pipeline_mode<synchronous>, transform_indices = @transform_5, window_bounds = array<i64: 128, 384>}, {pipeline_mode = #tpu.pipeline_mode<synchronous>, transform_indices = @transform_6, window_bounds = array<i64: 1, 384>}, {pipeline_mode = #tpu.pipeline_mode<synchronous>, transform_indices = @transform_7, window_bounds = array<i64: 1, 384>}, {pipeline_mode = #tpu.pipeline_mode<synchronous>, transform_indices = @transform_8, window_bounds = array<i64: 128, 128>}, {pipeline_mode = #tpu.pipeline_mode<synchronous>, transform_indices = @transform_9, window_bounds = array<i64: 1, 128>}, {transform_indices = @transform_10, window_bounds = array<i64: 1024, 128>}]} {
    %get3A = arith.constant 0 : index
    %get3A_0 = arith.constant 0 : index
    %get3A_1 = vector.load %arg4[%get3A, %get3A_0] : memref<1024x128xf32, #tpu.memory_space<vmem>>, vector<1024x128xf32>
    %get3A_2 = arith.constant 0 : index
    %get3A_3 = arith.constant 0 : index
    %get3A_4 = vector.load %arg1[%get3A_2, %get3A_3] : memref<1024x128xf32, #tpu.memory_space<vmem>>, vector<1024x128xf32>
    %get3A_5 = arith.constant 0 : index
    %get3A_6 = arith.constant 0 : index
    %get3A_7 = vector.load %arg2[%get3A_5, %get3A_6] : memref<1024x128xf32, #tpu.memory_space<vmem>>, vector<1024x128xf32>
    %add3A = arith.addf %get3A_4, %get3A_7 : vector<1024x128xf32>
    %get3A_8 = arith.constant 0 : index
    %get3A_9 = arith.constant 0 : index
    %get3A_10 = vector.load %arg3[%get3A_8, %get3A_9] : memref<1024x128xf32, #tpu.memory_space<vmem>>, vector<1024x128xf32>
    %add3A_11 = arith.addf %add3A, %get3A_10 : vector<1024x128xf32>
    %mul3A = arith.mulf %get3A_1, %add3A_11 : vector<1024x128xf32>
    %get3A_12 = arith.constant 0 : index
    %get3A_13 = arith.constant 0 : index
    %get3A_14 = vector.load %arg5[%get3A_12, %get3A_13] : memref<1x128xf32, #tpu.memory_space<vmem>>, vector<1x128xf32>
    %add3A_15 = vector.broadcast %get3A_14 : vector<1x128xf32> to vector<1024x128xf32>
    %add3A_16 = arith.addf %mul3A, %add3A_15 : vector<1024x128xf32>
    %max3A = arith.constant 0.000000e+00 : f32
    %max3A_17 = vector.broadcast %max3A : f32 to vector<1024x128xf32>
    %max3A_18 = arith.maximumf %add3A_16, %max3A_17 : vector<1024x128xf32>
    %get3A_19 = arith.constant 0 : index
    %get3A_20 = arith.constant 0 : index
    %get3A_21 = vector.load %arg6[%get3A_19, %get3A_20] : memref<128x384xf32, #tpu.memory_space<vmem>>, vector<128x384xf32>
    %dot_general3A = arith.constant dense<0.000000e+00> : vector<1024x384xf32>
    %dot_general3A_22 = tpu.matmul %max3A_18, %get3A_21, %dot_general3A {dimension_numbers = #tpu.dot_dimension_numbers<[1], [0], [0], [1], [0, 0, 1, 1], [], []>, transpose_lhs_hint = false} : vector<1024x128xf32>, vector<128x384xf32>, vector<1024x384xf32> -> vector<1024x384xf32>
    %get3A_23 = arith.constant 0 : index
    %get3A_24 = arith.constant 0 : index
    %get3A_25 = vector.load %arg7[%get3A_23, %get3A_24] : memref<1x384xf32, #tpu.memory_space<vmem>>, vector<1x384xf32>
    %add3A_26 = vector.broadcast %get3A_25 : vector<1x384xf32> to vector<1024x384xf32>
    %add3A_27 = arith.addf %dot_general3A_22, %add3A_26 : vector<1024x384xf32>
    %get3A_28 = arith.constant 0 : index
    %get3A_29 = arith.constant 0 : index
    %get3A_30 = vector.load %arg8[%get3A_28, %get3A_29] : memref<1x384xf32, #tpu.memory_space<vmem>>, vector<1x384xf32>
    %slice3A = vector.extract_strided_slice %add3A_27 {offsets = [0, 0], sizes = [1024, 128], strides = [1, 1]} : vector<1024x384xf32> to vector<1024x128xf32>
    %slice3A_31 = vector.extract_strided_slice %get3A_30 {offsets = [0, 0], sizes = [1, 128], strides = [1, 1]} : vector<1x384xf32> to vector<1x128xf32>
    %add3A_32 = vector.broadcast %slice3A_31 : vector<1x128xf32> to vector<1024x128xf32>
    %add3A_33 = arith.addf %slice3A, %add3A_32 : vector<1024x128xf32>
    %logistic3A = arith.negf %add3A_33 : vector<1024x128xf32>
    %logistic3A_34 = math.exp %logistic3A : vector<1024x128xf32>
    %logistic3A_35 = arith.constant 1.000000e+00 : f32
    %logistic3A_36 = vector.broadcast %logistic3A_35 : f32 to vector<1024x128xf32>
    %logistic3A_37 = arith.addf %logistic3A_36, %logistic3A_34 : vector<1024x128xf32>
    %logistic3A_38 = arith.divf %logistic3A_36, %logistic3A_37 : vector<1024x128xf32>
    %slice3A_39 = vector.extract_strided_slice %add3A_27 {offsets = [0, 128], sizes = [1024, 128], strides = [1, 1]} : vector<1024x384xf32> to vector<1024x128xf32>
    %slice3A_40 = vector.extract_strided_slice %get3A_30 {offsets = [0, 128], sizes = [1, 128], strides = [1, 1]} : vector<1x384xf32> to vector<1x128xf32>
    %add3A_41 = vector.broadcast %slice3A_40 : vector<1x128xf32> to vector<1024x128xf32>
    %add3A_42 = arith.addf %slice3A_39, %add3A_41 : vector<1024x128xf32>
    %logistic3A_43 = arith.negf %add3A_42 : vector<1024x128xf32>
    %logistic3A_44 = math.exp %logistic3A_43 : vector<1024x128xf32>
    %logistic3A_45 = arith.constant 1.000000e+00 : f32
    %logistic3A_46 = vector.broadcast %logistic3A_45 : f32 to vector<1024x128xf32>
    %logistic3A_47 = arith.addf %logistic3A_46, %logistic3A_44 : vector<1024x128xf32>
    %logistic3A_48 = arith.divf %logistic3A_46, %logistic3A_47 : vector<1024x128xf32>
    %slice3A_49 = vector.extract_strided_slice %add3A_27 {offsets = [0, 256], sizes = [1024, 128], strides = [1, 1]} : vector<1024x384xf32> to vector<1024x128xf32>
    %slice3A_50 = vector.extract_strided_slice %get3A_30 {offsets = [0, 256], sizes = [1, 128], strides = [1, 1]} : vector<1x384xf32> to vector<1x128xf32>
    %mul3A_51 = vector.broadcast %slice3A_50 : vector<1x128xf32> to vector<1024x128xf32>
    %mul3A_52 = arith.mulf %logistic3A_38, %mul3A_51 : vector<1024x128xf32>
    %add3A_53 = arith.addf %slice3A_49, %mul3A_52 : vector<1024x128xf32>
    %tanh3A = math.tanh %add3A_53 : vector<1024x128xf32>
    %sub3A = arith.constant 1.000000e+00 : f32
    %sub3A_54 = vector.broadcast %sub3A : f32 to vector<1024x128xf32>
    %sub3A_55 = arith.subf %sub3A_54, %logistic3A_48 : vector<1024x128xf32>
    %mul3A_56 = arith.mulf %sub3A_55, %tanh3A : vector<1024x128xf32>
    %get3A_57 = arith.constant 0 : index
    %get3A_58 = arith.constant 0 : index
    %get3A_59 = vector.load %arg9[%get3A_57, %get3A_58] : memref<128x128xf32, #tpu.memory_space<vmem>>, vector<128x128xf32>
    %dot_general3A_60 = arith.constant dense<0.000000e+00> : vector<1024x128xf32>
    %dot_general3A_61 = tpu.matmul %mul3A_56, %get3A_59, %dot_general3A_60 {dimension_numbers = #tpu.dot_dimension_numbers<[1], [0], [0], [1], [0, 0, 1, 1], [], []>, transpose_lhs_hint = false} : vector<1024x128xf32>, vector<128x128xf32>, vector<1024x128xf32> -> vector<1024x128xf32>
    %get3A_62 = arith.constant 0 : index
    %get3A_63 = arith.constant 0 : index
    %get3A_64 = vector.load %arg10[%get3A_62, %get3A_63] : memref<1x128xf32, #tpu.memory_space<vmem>>, vector<1x128xf32>
    %add3A_65 = vector.broadcast %get3A_64 : vector<1x128xf32> to vector<1024x128xf32>
    %add3A_66 = arith.addf %dot_general3A_61, %add3A_65 : vector<1024x128xf32>
    %swap3A = arith.constant 0 : index
    %swap3A_67 = arith.constant 0 : index
    %swap3A_68 = vector.load %arg11[%swap3A, %swap3A_67] : memref<1024x128xf32, #tpu.memory_space<vmem>>, vector<1024x128xf32>
    tpu.vector_store %arg11[%swap3A, %swap3A_67], %add3A_66 {strides = array<i32>} : memref<1024x128xf32, #tpu.memory_space<vmem>>, vector<1024x128xf32>,
    return
  }
  func.func @transform_0(%arg0: i32) -> (i32, i32) {
    %c0_i32 = arith.constant 0 : i32
    %c0_i32_0 = arith.constant 0 : i32
    return %arg0, %c0_i32 : i32, i32
  }
  func.func @transform_1(%arg0: i32) -> (i32, i32) {
    %c0_i32 = arith.constant 0 : i32
    %c0_i32_0 = arith.constant 0 : i32
    return %arg0, %c0_i32 : i32, i32
  }
  func.func @transform_2(%arg0: i32) -> (i32, i32) {
    %c0_i32 = arith.constant 0 : i32
    %c0_i32_0 = arith.constant 0 : i32
    return %arg0, %c0_i32 : i32, i32
  }
  func.func @transform_3(%arg0: i32) -> (i32, i32) {
    %c0_i32 = arith.constant 0 : i32
    %c0_i32_0 = arith.constant 0 : i32
    return %arg0, %c0_i32 : i32, i32
  }
  func.func @transform_4(%arg0: i32) -> (i32, i32) {
    %c0_i32 = arith.constant 0 : i32
    %c0_i32_0 = arith.constant 0 : i32
    %c0_i32_1 = arith.constant 0 : i32
    return %c0_i32, %c0_i32_0 : i32, i32
  }
  func.func @transform_5(%arg0: i32) -> (i32, i32) {
    %c0_i32 = arith.constant 0 : i32
    %c0_i32_0 = arith.constant 0 : i32
    %c0_i32_1 = arith.constant 0 : i32
    return %c0_i32, %c0_i32_0 : i32, i32
  }
  func.func @transform_6(%arg0: i32) -> (i32, i32) {
    %c0_i32 = arith.constant 0 : i32
    %c0_i32_0 = arith.constant 0 : i32
    %c0_i32_1 = arith.constant 0 : i32
    return %c0_i32, %c0_i32_0 : i32, i32
  }
  func.func @transform_7(%arg0: i32) -> (i32, i32) {
    %c0_i32 = arith.constant 0 : i32
    %c0_i32_0 = arith.constant 0 : i32
    %c0_i32_1 = arith.constant 0 : i32
    return %c0_i32, %c0_i32_0 : i32, i32
  }
  func.func @transform_8(%arg0: i32) -> (i32, i32) {
    %c0_i32 = arith.constant 0 : i32
    %c0_i32_0 = arith.constant 0 : i32
    %c0_i32_1 = arith.constant 0 : i32
    return %c0_i32, %c0_i32_0 : i32, i32
  }
  func.func @transform_9(%arg0: i32) -> (i32, i32) {
    %c0_i32 = arith.constant 0 : i32
    %c0_i32_0 = arith.constant 0 : i32
    %c0_i32_1 = arith.constant 0 : i32
    return %c0_i32, %c0_i32_0 : i32, i32
  }
  func.func @transform_10(%arg0: i32) -> (i32, i32) {
    %c0_i32 = arith.constant 0 : i32
    %c0_i32_0 = arith.constant 0 : i32
    return %arg0, %c0_i32 : i32, i32
  }
}

</mosaic_0001>

<sc_bundles>
// kernel: kernel.11.cloned.1.call-start
scs
__scs_entry_jumppad:
0x0: {  	(pc) =	sbr.rel $0x88, $3  }
0x1: {  	(tag) =	ssettag $0x0;
	lr =	simm.s32 $0x1  }
0x2: {  	[smem:$0x3F93] =	sst lr;
	_ =	strace $0xD0000000  }
0x3: {  	_ = 	snop  }
0x4: {  	_ = 	snop  }
0x5: {  	_ = 	snop  }
0x6: {  	_ = 	snop  }
0x7: {  	_ = 	snop  }
__scs_overlays_trampoline_lowered:
0x8: {  	[smem:$0x3FA2] =	sst s0  }
0x9: {  	[smem:$0x3FA3] =	sst s1  }
0xa: {  	[smem:$0x3FA4] =	sst s2  }
0xb: {  	[smem:$0x3FA5] =	sst s3  }
0xc: {  	[smem:$0x3FA6] =	sst s4  }
0xd: {  	[smem:$0x3FA7] =	sst s5  }
0xe: {  	[smem:$0x3FA8] =	sst s6  }
0xf: {  	[smem:$0x3FA9] =	sst s7  }
0x10: {  	[smem:$0x3FAA] =	sst s8  }
0x11: {  	[smem:$0x3FAB] =	sst s9;
	s0 =	simm.s32 @!p0 $0x0  }
0x12: {  	s1 =	sld [smem:$0x3F91];
	s0 =	simm.s32 @p0 $0x1  }
0x13: {  	[smem:$0x3FAC] =	sst s0;
	s0 =	simm.s32 @!p1 $0x0  }
0x14: {  	s2 =	sld [smem:$0x3F90];
	s0 =	simm.s32 @p1 $0x1  }
0x15: {  	[smem:$0x3FAD] =	sst s0;
	s0 =	simm.s32 @!p2 $0x0  }
0x16: {  	s3 =	sld [smem:$0x3FDB];
	s0 =	simm.s32 @p2 $0x1  }
0x17: {  	s4 =	simm.s32 $0x1BF5;
	[smem:$0x3FAF] =	sst s0  }
0x18: {  	s0 =	sld [smem:$0x3F92];
	_ =	swait.ge [sflag:s4], $0x0  }
0x19: {  	s7 =	sld [smem:$0x3F93]  }
0x1a: {  	s8 =	sadd.s32 $0xFFFFE003, lr  }
0x1b: {  	s9 =	sadd.s32 $0xFFFFFEF7, lr;
	s5 =	simm.s32 $0xFFFFFFFF;
	p2 =	slt.u32 s8, $0xFFFFF086  }
0x1c: {  	p1 =	slt.u32 s9, $0xF7A;
	s5 =	simm.s32 @!p2 $0x0  }
0x1d: {  	s5 =	simm.s32 @p1 $0x1;
	p0 =	seq.s32 s7, s2  }
0x1e: {  	s7 =	smul.u32 @!p0 $0xF7A, s2;
	p2 =	seq.s32 @!p0 s5, $0x0  }
0x1f: {  	s9 =	smul.u32 $0xF7A, s1;
	s8 =	simm.s32 @!p0 $0x1BF5;
	p2 =	por !p2, p0  }
0x20: {  	[sflag:s8] =	ssyncset.s32 @!p0 $0xFFFFF086;
	s6 =	sadd.s32 @!p0 s3, s7;
	s7 =	simm.s32 @!p0 $0x108  }
0x21: {  	s3 =	sadd.s32 s3, s9;
	s6 =	sadd.s32 @!p0 $0x88, s6;
	s7 =	simm.s32 @p2 $0x1082  }
0x22: {  	[simem:s7], [sflag:s8] =	dma.local @!p0 [hbm:s6], $0xF7A  }
0x23: {  	s9 =	sor.u32 $0xD0000000, s2;
	s6 =	simm.s32 $0x108;
	_ =	swait.ge @!p0 [sflag:s8], $0x0  }
0x24: {  	s3 =	sadd.s32 $0x88, s3;
	s6 =	simm.s32 @!p1 $0x1082;
	[sflag:s4] =	ssyncset.s32 $0xFFFFF086  }
0x25: {  	[simem:s6], [sflag:s4] =	dma.local [hbm:s3], $0xF7A  }
0x26: {  	[smem:$0x3F93] =	sst s1;
	(tag) =	ssettag s2;
	_ =	strace s9  }
0x27: {  	s1 =	sld [smem:$0x3FA3]  }
0x28: {  	s2 =	sld [smem:$0x3FA4]  }
0x29: {  	s4 =	sld [smem:$0x3FA6]  }
0x2a: {  	p0 =	seq.s32 s5, $0x0;
	s5 =	sld [smem:$0x3FA7]  }
0x2b: {  	s6 =	sld [smem:$0x3FA8]  }
0x2c: {  	s7 =	sld [smem:$0x3FA9]  }
0x2d: {  	s3 =	simm.s32 $0x108;
	s8 =	sld [smem:$0x3FAA]  }
0x2e: {  	s3 =	simm.s32 @!p0 $0x1082;
	s9 =	sld [smem:$0x3FAB]  }
0x2f: {  	lr =	sadd.s32 s0, s3;
	s0 =	sld [smem:$0x3FA2]  }
0x30: {  	s3 =	sld [smem:$0x3FA5]  }
0x31: {  	[smem:$0x3FAE] =	sst s10  }
0x32: {  	s10 =	sld [smem:$0x3FAC];
	_ =	sdelay $0x3  }
0x33: {  	p0 =	seq.s32 s10, $0x1;
	s10 =	sld [smem:$0x3FAE];
	_ =	sdelay $0x3  }
0x34: {  	[smem:$0x3FAE] =	sst s10  }
0x35: {  	s10 =	sld [smem:$0x3FAD];
	_ =	sdelay $0x3  }
0x36: {  	p1 =	seq.s32 s10, $0x1;
	s10 =	sld [smem:$0x3FAE];
	_ =	sdelay $0x3  }
0x37: {  	[smem:$0x3FAE] =	sst s10  }
0x38: {  	s10 =	sld [smem:$0x3FAF]  }
0x39: {  	_ = 	snop;
	(pc) =	sbr.ind lr, $3  }
0x3a: {  	_ = 	snop  }
0x3b: {  	_ = 	snop  }
0x3c: {  	p2 =	seq.s32 s10, $0x1;
	s10 =	sld [smem:$0x3FAE]  }
0x3d: {  	_ =	shalt  }
0x3e: {  	_ =	shalt  }
0x3f: {  	_ =	shalt  }
0x40: {  	_ =	shalt  }
0x41: {  	_ =	shalt  }
0x42: {  	_ =	shalt  }
0x43: {  	_ =	shalt  }
0x44: {  	_ =	shalt  }
0x45: {  	_ =	shalt  }
0x46: {  	_ =	shalt  }
0x47: {  	_ =	shalt  }
0x48: {  	_ =	shalt  }
0x49: {  	_ =	shalt  }
0x4a: {  	_ =	shalt  }
0x4b: {  	_ =	shalt  }
0x4c: {  	_ =	shalt  }
0x4d: {  	_ =	shalt  }
0x4e: {  	_ =	shalt  }
0x4f: {  	_ =	shalt  }
0x50: {  	_ =	shalt  }
0x51: {  	_ =	shalt  }
0x52: {  	_ =	shalt  }
0x53: {  	_ =	shalt  }
0x54: {  	_ =	shalt  }
0x55: {  	_ =	shalt  }
0x56: {  	_ =	shalt  }
0x57: {  	_ =	shalt  }
0x58: {  	_ =	shalt  }
0x59: {  	_ =	shalt  }
0x5a: {  	_ =	shalt  }
0x5b: {  	_ =	shalt  }
0x5c: {  	_ =	shalt  }
0x5d: {  	_ =	shalt  }
0x5e: {  	_ =	shalt  }
0x5f: {  	_ =	shalt  }
0x60: {  	_ =	shalt  }
0x61: {  	_ =	shalt  }
0x62: {  	_ =	shalt  }
0x63: {  	_ =	shalt  }
0x64: {  	_ =	shalt  }
0x65: {  	_ =	shalt  }
0x66: {  	_ =	shalt  }
0x67: {  	_ =	shalt  }
0x68: {  	_ =	shalt  }
0x69: {  	_ =	shalt  }
0x6a: {  	_ =	shalt  }
0x6b: {  	_ =	shalt  }
0x6c: {  	_ =	shalt  }
0x6d: {  	_ =	shalt  }
0x6e: {  	_ =	shalt  }
0x6f: {  	_ =	shalt  }
0x70: {  	_ =	shalt  }
0x71: {  	_ =	shalt  }
0x72: {  	_ =	shalt  }
0x73: {  	_ =	shalt  }
0x74: {  	_ =	shalt  }
0x75: {  	_ =	shalt  }
0x76: {  	_ =	shalt  }
0x77: {  	_ =	shalt  }
0x78: {  	_ =	shalt  }
0x79: {  	_ =	shalt  }
0x7a: {  	_ =	shalt  }
0x7b: {  	_ =	shalt  }
0x7c: {  	_ =	shalt  }
0x7d: {  	_ =	shalt  }
0x7e: {  	_ =	shalt  }
0x7f: {  	_ =	shalt  }
0x80: {  	_ =	shalt  }
0x81: {  	_ =	shalt  }
0x82: {  	_ =	shalt  }
0x83: {  	_ =	shalt  }
0x84: {  	_ =	shalt  }
0x85: {  	_ =	shalt  }
0x86: {  	_ =	shalt  }
0x87: {  	_ =	shalt  }
.Lfunc_end0:
.L_simem_size_0:
called_computation.1_lowered:
.L_overlay_start_0:
0x88: {  	s2 =	sld [smem:$0x3FD9]  }
0x89: {  	s3 =	sld [smem:$0x3FFE];
	_ =	sdelay $0x1  }
0x8a: {  	s1 =	srdreg.scid  }
0x8b: {  	s0 =	sand.u32 $0x1, s1  }
0x8c: {  	s17 =	sshll.u32 s0, $0xA;
	s2 =	sadd.s32 s3, s2  }
0x8d: {  	s2 =	sadd.s32 s2, s17  }
0x8e: {  	[smem:$0x3FBA] =	sst s2  }
0x8f: {  	_ = 	snop  }
0x90: {  	s2 =	sld [smem:$0x3FD0];
	(tm) =	ssettm $0x1  }
0x91: {  	s18 =	sld [smem:$0x3FFB];
	_ =	sdelay $0x3  }
0x92: {  	_ =	strace s18  }
0x93: {  	s3 =	sld [smem:$0x3FFC];
	_ =	sdelay $0x3  }
0x94: {  	_ =	strace s3  }
0x95: {  	s3 =	sld [smem:$0x3FFD];
	_ =	sdelay $0x3  }
0x96: {  	_ =	strace s3  }
0x97: {  	_ =	strace $0x8FFFFFFF  }
0x98: {  	s19 =	sld [smem:$0x3FDB];
	_ =	sdelay $0x1  }
0x99: {  	s4 =	simm.s32 $_scs_section_size  }
0x9a: {  	s5 =	simm.s32 $_size__tile_overlayer_lowered;
	s6 =	simm.s32 $_tile_overlayer_lowered  }
0x9b: {  	s22 =	simm.s32 $0x1BFF;
	s21 =	sshll.u32 s6, $0x1;
	s3 =	sadd.s32 s4, s19  }
0x9c: {  	s7 =	simm.s32 $0x0;
	s20 =	sshll.u32 s5, $0x1;
	s5 =	sadd.s32 s21, s3  }
0x9d: {  	[timem:s7], [sflag:s22] =	dma.local [hbm:s5], s20  }
0x9e: {  	_ =	swait.ge [sflag:s22], s20  }
0x9f: {  	s4 =	ssub.s32 $0x0, s20;
	[sflag:s22] =	ssyncset.done $0x0  }
0xa0: {  	[sflag:s22] =	ssyncadd.s32 s4;
	_ =	sdelay $0x1  }
0xa1: {  	s23 =	simm.s32 $0x1B8B  }
0xa2: {  	_ =	swait.ge [sflag:s23], $0x1  }
0xa3: {  	[sflag:s23] =	ssyncset.done $0x0  }
0xa4: {  	s25 =	simm.s32 $0x1B8E;
	s24 =	sld [smem:$0x3FFE];
	[sflag:s23] =	ssyncadd.s32 $0xFFFFFFFF  }
0xa5: {  	s26 =	simm.s32 $execute0_lowered;
	[smem:$0x3FD2] =	sst s25  }
0xa6: {  	s5 =	sshll.u32 s26, $0x1;
	_ =	strace $0x80000049;
	[dreg:$0x1] =	wrdreg $0xFFFFFFFF  }
0xa7: {  	s28 =	simm.s32 $_size_execute0_lowered;
	s3 =	sadd.s32 s3, s5;
	[dreg:$0x0] =	wrdreg $0x0  }
0xa8: {  	s5 =	sshll.u32 s28, $0x1;
	[dreg:$0x2] =	wrdreg s3  }
0xa9: {  	[dreg:$0x3] =	wrdreg s5  }
0xaa: {  	[dreg:$0x4] =	wrdreg $0xC0  }
0xab: {  	_ =	task [dreg:s7], $0x5FFFF  }
0xac: {  	[dreg:$0x1] =	wrdreg $0xFFFFFFFF  }
0xad: {  	[dreg:$0x0] =	wrdreg $0x60  }
0xae: {  	[dreg:$0x2] =	wrdreg s24  }
0xaf: {  	[dreg:$0x3] =	wrdreg s2  }
0xb0: {  	[dreg:$0x4] =	wrdreg $0xA8000  }
0xb1: {  	[dreg:$0x5] =	wrdreg $0x9  }
0xb2: {  	_ =	task.clear_ibuf [dreg:s7], $0x6FFFF;
	_ =	strace $0x90000049  }
0xb3: {  	s29 =	simm.s32 $0x9;
	_ =	strace $0x8000004B  }
0xb4: {  	_ =	swait.ge [sflag:s29], $0x1  }
0xb5: {  	[sflag:s29] =	ssyncadd.s32 $0xFFFFFFFF  }
0xb6: {  	_ =	strace $0x9000004B  }
0xb7: {  	_ =	sfence  }
0xb8: {  	s30 =	sld [smem:$0x0];
	_ =	sdelay $0x2  }
0xb9: {  	s31 =	sshll.u32 s1, $0xD;
	s1 =	sshrl.u32 s1, $0x2  }
0xba: {  	s3 =	sand.u32 $0x4000, s31;
	s1 =	sadd.s32 s1, s30  }
0xbb: {  	s0 =	sor.u32 s3, s0;
	s1 =	sshll.u32 s1, $0x11  }
0xbc: {  	s0 =	sor.u32 s1, s0  }
0xbd: {  	s0 =	sadd.s32 $0x8F2B, s0  }
0xbe: {  	[sflag:s0] =	ssyncadd.remote.s32 $0x1  }
0xbf: {  	_ =	sfence.sel $0xFFFF  }
0xc0: {  	[dreg:$0x0] =	wrdreg $0xFFFFFFFF;
	(pc) =	sbr.abs _section_cstart, $3  }
0xc1: {  	[dreg:$0x1] =	wrdreg $0xFFFFFFFF  }
0xc2: {  	_ =	task.clear_ibuf [dreg:s7], $0x2FFFF;
	_ =	strace $0x9FFFFFFF  }
0xc3: {  	(tm) =	ssettm $0x7FFFFFFF  }
tec
execute0_lowered:
.L_overlay_start_1:
0x0: {  	(tag) =	ssettag $0x1  }
0x1: {  	s0 =	rddreg [dreg:$0x0]  }
0x2: {  	s1 =	rddreg [dreg:$0x1]  }
0x3: {  	s2 =	rddreg [dreg:$0x2];
	s4 =	simm.s32 $0x0  }
0x4: {  	s3 =	srdreg.scid;
	s18 =	stileid.u32;
	s28 =	simm.s32 $0x1400  }
0x5: {  	s29 =	simm.s32 $0x80;
	s30 =	simm.s32 $0x2800;
	s31 =	simm.s32 $0x6800  }
0x6: {  	[smem:$0x7FF] =	sst s4;
	s5 =	sadd.s32 $0x3E00, s0;
	s8 =	smul.u32 $0x13C00, s18  }
0x7: {  	s3 =	sand.u32 $0x1, s3;
	s6 =	sadd.s32 $0xDE00, s0;
	s11 =	smul.u32 $0x5000, s18  }
0x8: {  	s9 =	sadd.s32 $0x67E00, s0;
	s15 =	smul.u32 $0xA00, s18;
	s7 =	ssub.s32 $0x2, s3  }
0x9: {  	p0 =	sne.s32 s3, $0x0;
	s10 =	sshrl.u32 s7, $0x1;
	s21 =	sadd.s32 $0x4000, s8  }
0xa: {  	s22 =	sadd.s32 $0x8000, s8;
	s23 =	sadd.s32 $0xC000, s8;
	s11 =	sshrl.u32 s11, $0x3  }
0xb: {  	s24 =	sadd.s32 $0x10000, s8;
	s12 =	sadd.s32 s5, s15;
	s7 =	ssub.s32 s7, s10  }
0xc: {  	[dreg:$0x4] =	wrdreg s12;
	s16 =	sadd.s32 $0x280, s11;
	s10 =	sadd.s32 s6, s15  }
0xd: {  	s20 =	sadd.s32 $0x500, s11;
	s25 =	sadd.s32 $0x780, s11;
	[dreg:$0x5] =	wrdreg s10  }
0xe: {  	s17 =	sadd.s32 s5, s16;
	s19 =	sadd.s32 s6, s16;
	s16 =	smul.u32 $0x13C000, s3  }
0xf: {  	s26 =	sadd.s32 s5, s20;
	s10 =	sadd.s32 s6, s20;
	[dreg:$0x6] =	wrdreg s17  }
0x10: {  	s11 =	sadd.s32 s5, s25;
	s12 =	sadd.s32 s6, s25;
	[dreg:$0x7] =	wrdreg s19  }
0x11: {  	s20 =	smul.u32 $0x4F000, s18;
	s3 =	simm.s32 $0x2;
	[dreg:$0x8] =	wrdreg s26  }
0x12: {  	[dreg:$0x9] =	wrdreg s10;
	s26 =	sshll.u32 s18, $0x6;
	s18 =	sadd.s32 $0x17E00, s0  }
0x13: {  	s0 =	simm.s32 $0x1;
	s6 =	sadd.s32 s8, s16;
	s8 =	sadd.s32 s16, s21  }
0x14: {  	s10 =	sadd.s32 s16, s22;
	s17 =	sadd.s32 s16, s23;
	s19 =	sadd.s32 s16, s24  }
0x15: {  	_ =	strace $0x8000004A;
	s25 =	sshrl.u32 s20, $0x2;
	s20 =	sor.u32 $0x1C03, s26  }
0x16: {  	s21 =	sadd.s32 s21, s2;
	s22 =	sadd.s32 s22, s2;
	s23 =	sadd.s32 s23, s2  }
0x17: {  	s24 =	sadd.s32 s24, s2;
	s26 =	simm.s32 $0x3;
	s5 =	sshrl.u32 s6, $0x3  }
.Ltmp0:
0x18: {  	s6 =	sshrl.u32 s8, $0x3;
	s15 =	sshrl.u32 s10, $0x3;
	(pc) =	sbr.rel .LBB2_1-.Ltmp0, $4  }
0x19: {  	s13 =	sadd.s32 s9, s5;
	s14 =	sadd.s32 s9, s6;
	s15 =	sadd.s32 s9, s15  }
0x1a: {  	s5 =	sshrl.u32 s17, $0x3;
	s6 =	sshrl.u32 s19, $0x3;
	s19 =	sadd.s32 s25, s2  }
0x1b: {  	s25 =	smax.u32 s7, $0x1;
	s7 =	simm.s32 $0x0;
	s16 =	sadd.s32 s9, s5  }
0x1c: {  	s17 =	sadd.s32 s9, s6;
	s5 =	simm.s32 $0x2700;
	s6 =	simm.s32 $0x2780  }
.LBB2_10:
0x1d: {  	[tilespmem:s31], [sflag:$0x2] =	stream.indirect.gather [hbm4b:s18+s29], $0x80, s9, s29, $0xb8;
	[tilespmem:$0x1E400] =	vst v63  }
0x1e: {  	_ =	swait.ge [sflag:s0], $0x4000  }
0x1f: {  	[sflag:s0] =	ssyncset.done $0x0  }
0x20: {  	[sflag:s0] =	ssyncadd.s32 $0xFFFFC000  }
0x21: {  	[spmem:s2] =	stream.indirect.scatter.add.f32 [tilespmem:s30], [sflag:$0x3], $0x80, s5, s29, $0xb8;
	[tilespmem:$0x1E400] =	vst v63  }
0x22: {  	_ =	swait.ge [sflag:s26], $0x4000  }
0x23: {  	[sflag:s26] =	ssyncset.done $0x0  }
0x24: {  	[sflag:s26] =	ssyncadd.s32 $0xFFFFC000  }
0x25: {  	[tilespmem:s30], [sflag:$0x1] =	stream.indirect.gather [hbm4b:s18+s29], $0x80, s4, s29, $0xb8;
	[tilespmem:$0x1E400] =	vst v63  }
0x26: {  	_ =	swait.ge [sflag:s3], $0x4000  }
0x27: {  	[sflag:s3] =	ssyncset.done $0x0  }
0x28: {  	[sflag:s3] =	ssyncadd.s32 $0xFFFFC000  }
0x29: {  	[spmem:s2] =	stream.indirect.scatter.add.f32 [tilespmem:s31], [sflag:$0x3], $0x80, s6, s29, $0xb8;
	[tilespmem:$0x1E400] =	vst v63  }
0x2a: {  	_ =	swait.ge [sflag:s26], $0x4000  }
0x2b: {  	[sflag:s26] =	ssyncset.done $0x0  }
0x2c: {  	[sflag:s26] =	ssyncadd.s32 $0xFFFFC000  }
0x2d: {  	[tilespmem:s31], [sflag:$0x2] =	stream.indirect.gather [hbm4b:s18+s29], $0x80, s29, s29, $0xb8;
	[tilespmem:$0x1E400] =	vst v63  }
0x2e: {  	_ =	swait.ge [sflag:s0], $0x4000  }
0x2f: {  	[sflag:s0] =	ssyncset.done $0x0  }
0x30: {  	[sflag:s0] =	ssyncadd.s32 $0xFFFFC000  }
0x31: {  	_ =	swait.ge [sflag:s3], $0x4000  }
0x32: {  	[sflag:s3] =	ssyncset.done $0x0  }
0x33: {  	[sflag:s3] =	ssyncadd.s32 $0xFFFFC000  }
.LBB2_11:
0x34: {  	[bflag:$0x0] =	sbarrier.arrive $0xFFFF  }
0x35: {  	[tilespmem:s30], [sflag:$0x3] =	stream.linear.gather [spmem:s19], $0x4000, $0x38;
	[tilespmem:$0x1E400] =	vst v63  }
0x36: {  	_ =	swait.ge [sflag:s26], $0x4000  }
0x37: {  	[sflag:s26] =	ssyncset.done $0x0  }
0x38: {  	[sflag:s26] =	ssyncadd.s32 $0xFFFFC000  }
0x39: {  	[hbm4b:s13+s4] =	stream.linear.scatter [tilespmem:s30], [sflag:$0x3], $0x4000, $0x38;
	[tilespmem:$0x1E400] =	vst v63  }
0x3a: {  	_ =	swait.ge [sflag:s26], $0x4000  }
0x3b: {  	[sflag:s26] =	ssyncset.done $0x0  }
0x3c: {  	[sflag:s26] =	ssyncadd.s32 $0xFFFFC000  }
0x3d: {  	[tilespmem:s30], [sflag:$0x3] =	stream.linear.gather [spmem:s21], $0x4000, $0x38;
	[tilespmem:$0x1E400] =	vst v63  }
0x3e: {  	_ =	swait.ge [sflag:s26], $0x4000  }
0x3f: {  	[sflag:s26] =	ssyncset.done $0x0  }
0x40: {  	[sflag:s26] =	ssyncadd.s32 $0xFFFFC000  }
0x41: {  	[hbm4b:s14+s4] =	stream.linear.scatter [tilespmem:s30], [sflag:$0x3], $0x4000, $0x38;
	[tilespmem:$0x1E400] =	vst v63  }
0x42: {  	_ =	swait.ge [sflag:s26], $0x4000  }
0x43: {  	[sflag:s26] =	ssyncset.done $0x0  }
0x44: {  	[sflag:s26] =	ssyncadd.s32 $0xFFFFC000  }
0x45: {  	[tilespmem:s30], [sflag:$0x3] =	stream.linear.gather [spmem:s22], $0x4000, $0x38;
	[tilespmem:$0x1E400] =	vst v63  }
0x46: {  	_ =	swait.ge [sflag:s26], $0x4000  }
0x47: {  	[sflag:s26] =	ssyncset.done $0x0  }
0x48: {  	[sflag:s26] =	ssyncadd.s32 $0xFFFFC000  }
0x49: {  	[hbm4b:s15+s4] =	stream.linear.scatter [tilespmem:s30], [sflag:$0x3], $0x4000, $0x38;
	[tilespmem:$0x1E400] =	vst v63  }
0x4a: {  	_ =	swait.ge [sflag:s26], $0x4000  }
0x4b: {  	[sflag:s26] =	ssyncset.done $0x0  }
0x4c: {  	[sflag:s26] =	ssyncadd.s32 $0xFFFFC000  }
0x4d: {  	[tilespmem:s30], [sflag:$0x3] =	stream.linear.gather [spmem:s23], $0x4000, $0x38;
	[tilespmem:$0x1E400] =	vst v63  }
0x4e: {  	_ =	swait.ge [sflag:s26], $0x4000  }
0x4f: {  	[sflag:s26] =	ssyncset.done $0x0  }
0x50: {  	[sflag:s26] =	ssyncadd.s32 $0xFFFFC000  }
0x51: {  	[hbm4b:s16+s4] =	stream.linear.scatter [tilespmem:s30], [sflag:$0x3], $0x4000, $0x38;
	[tilespmem:$0x1E400] =	vst v63  }
0x52: {  	_ =	swait.ge [sflag:s26], $0x4000  }
0x53: {  	[sflag:s26] =	ssyncset.done $0x0  }
0x54: {  	[sflag:s26] =	ssyncadd.s32 $0xFFFFC000  }
0x55: {  	[tilespmem:s30], [sflag:$0x3] =	stream.linear.gather [spmem:s24], $0x3C00, $0x38;
	[tilespmem:$0x1E400] =	vst v63  }
0x56: {  	s7 =	sadd.s32 $0x1, s7;
	_ =	swait.ge [sflag:s26], $0x3C00  }
0x57: {  	p1 =	sne.s32 s7, s25;
	[sflag:s26] =	ssyncset.done $0x0  }
.Ltmp1:
0x58: {  	[sflag:s26] =	ssyncadd.s32 $0xFFFFC400;
	(pc) =	sbr.rel @!p1 .LBB2_12-.Ltmp1, $4  }
0x59: {  	[hbm4b:s17+s4] =	stream.linear.scatter [tilespmem:s30], [sflag:$0x3], $0x3C00, $0x38;
	[tilespmem:$0x1E400] =	vst v63  }
0x5a: {  	_ =	swait.ge [sflag:s26], $0x3C00  }
0x5b: {  	[sflag:s26] =	ssyncset.done $0x0  }
0x5c: {  	[sflag:s26] =	ssyncadd.s32 $0xFFFFC400  }
.LBB2_1:
0x5d: {  	s8 =	sshrl.u32 s19, $0x3  }
0x5e: {  	[spmem:s8], [sflag:s20] =	dma.local [hbm:s1], $0x800  }
0x5f: {  	_ =	swait.ge [sflag:s26], $0x800  }
0x60: {  	[sflag:s26] =	ssyncset.done $0x0  }
0x61: {  	s9 =	sshrl.u32 s21, $0x3;
	[sflag:s26] =	ssyncadd.s32 $0xFFFFF800  }
0x62: {  	[spmem:s9], [sflag:s20] =	dma.local [hbm:s1], $0x800  }
0x63: {  	_ =	swait.ge [sflag:s26], $0x800  }
0x64: {  	[sflag:s26] =	ssyncset.done $0x0  }
0x65: {  	s10 =	sshrl.u32 s22, $0x3;
	[sflag:s26] =	ssyncadd.s32 $0xFFFFF800  }
0x66: {  	[spmem:s10], [sflag:s20] =	dma.local [hbm:s1], $0x800  }
0x67: {  	_ =	swait.ge [sflag:s26], $0x800  }
0x68: {  	[sflag:s26] =	ssyncset.done $0x0  }
0x69: {  	s9 =	sshrl.u32 s23, $0x3;
	[sflag:s26] =	ssyncadd.s32 $0xFFFFF800  }
0x6a: {  	[spmem:s9], [sflag:s20] =	dma.local [hbm:s1], $0x800  }
0x6b: {  	_ =	swait.ge [sflag:s26], $0x800  }
0x6c: {  	[sflag:s26] =	ssyncset.done $0x0  }
0x6d: {  	s10 =	sshrl.u32 s24, $0x3;
	[sflag:s26] =	ssyncadd.s32 $0xFFFFF800  }
0x6e: {  	[spmem:s10], [sflag:s20] =	dma.local [hbm:s1], $0x780  }
.Ltmp2:
0x6f: {  	_ =	swait.ge [sflag:s26], $0x780;
	(pc) =	sbr.rel @p0 .LBB2_11-.Ltmp2, $3  }
0x70: {  	[sflag:s26] =	ssyncset.done $0x0  }
0x71: {  	[sflag:s26] =	ssyncadd.s32 $0xFFFFF880  }
0x72: {  	[bflag:$0x0] =	sbarrier.arrive $0xFFFF;
	_ =	sdelay $0x1  }
0x73: {  	s8 =	simm.s32 $0x0;
	s9 =	rddreg [dreg:$0x4]  }
0x74: {  	[tilespmem:s8], [sflag:$0x3] =	stream.linear.gather [hbm4b:s9+s8], $0x1400, $0x38;
	[tilespmem:$0x1E400] =	vst v63  }
0x75: {  	_ =	swait.ge [sflag:s26], $0x1400  }
0x76: {  	[sflag:s26] =	ssyncset.done $0x0  }
0x77: {  	s10 =	rddreg [dreg:$0x5];
	[sflag:s26] =	ssyncadd.s32 $0xFFFFEC00  }
0x78: {  	[tilespmem:s28], [sflag:$0x3] =	stream.linear.gather [hbm4b:s10+s8], $0x1400, $0x38;
	[tilespmem:$0x1E400] =	vst v63  }
0x79: {  	_ =	swait.ge [sflag:s26], $0x1400  }
0x7a: {  	[sflag:s26] =	ssyncset.done $0x0  }
0x7b: {  	[sflag:s26] =	ssyncadd.s32 $0xFFFFEC00  }
0x7c: {  	[tilespmem:s30], [sflag:$0x1] =	stream.indirect.gather [hbm4b:s18+s29], $0x80, s8, s29, $0xb8;
	[tilespmem:$0x1E400] =	vst v63  }
0x7d: {  	_ = 	snop  }
0x7e: {  	[tilespmem:s31], [sflag:$0x2] =	stream.indirect.gather [hbm4b:s18+s29], $0x80, s29, s29, $0xb8;
	[tilespmem:$0x1E400] =	vst v63  }
0x7f: {  	_ =	swait.ge [sflag:s0], $0x4000  }
0x80: {  	[sflag:s0] =	ssyncset.done $0x0  }
0x81: {  	s10 =	simm.s32 $0x1400;
	[sflag:s0] =	ssyncadd.s32 $0xFFFFC000  }
0x82: {  	[spmem:s2] =	stream.indirect.scatter.add.f32 [tilespmem:s30], [sflag:$0x3], $0x80, s10, s29, $0xb8;
	[tilespmem:$0x1E400] =	vst v63  }
0x83: {  	_ =	swait.ge [sflag:s26], $0x4000  }
0x84: {  	[sflag:s26] =	ssyncset.done $0x0  }
0x85: {  	s9 =	simm.s32 $0x100;
	[sflag:s26] =	ssyncadd.s32 $0xFFFFC000  }
0x86: {  	[tilespmem:s30], [sflag:$0x1] =	stream.indirect.gather [hbm4b:s18+s29], $0x80, s9, s29, $0xb8;
	[tilespmem:$0x1E400] =	vst v63  }
0x87: {  	_ =	swait.ge [sflag:s3], $0x4000  }
0x88: {  	[sflag:s3] =	ssyncset.done $0x0  }
0x89: {  	s10 =	simm.s32 $0x1480;
	[sflag:s3] =	ssyncadd.s32 $0xFFFFC000  }
0x8a: {  	[spmem:s2] =	stream.indirect.scatter.add.f32 [tilespmem:s31], [sflag:$0x3], $0x80, s10, s29, $0xb8;
	[tilespmem:$0x1E400] =	vst v63  }
0x8b: {  	_ =	swait.ge [sflag:s26], $0x4000  }
0x8c: {  	[sflag:s26] =	ssyncset.done $0x0  }
0x8d: {  	s8 =	simm.s32 $0x400;
	s9 =	simm.s32 $0x180;
	[sflag:s26] =	ssyncadd.s32 $0xFFFFC000  }
.LBB2_3:
0x8e: {  	[tilespmem:s31], [sflag:$0x2] =	stream.indirect.gather [hbm4b:s18+s29], $0x80, s9, s29, $0xb8;
	[tilespmem:$0x1E400] =	vst v63  }
0x8f: {  	s9 =	smov.u32 s8  }
0x90: {  	p1 =	sne.s32 s8, $0x4800;
	s8 =	sadd.s32 $0x400, s8;
	_ =	swait.ge [sflag:s0], $0x4000  }
0x91: {  	s9 =	sshra.s32 s9, $0x2;
	[sflag:s0] =	ssyncset.done $0x0  }
0x92: {  	s10 =	sadd.s32 $0x1400, s9;
	[sflag:s0] =	ssyncadd.s32 $0xFFFFC000  }
0x93: {  	[spmem:s2] =	stream.indirect.scatter.add.f32 [tilespmem:s30], [sflag:$0x3], $0x80, s10, s29, $0xb8;
	[tilespmem:$0x1E400] =	vst v63  }
0x94: {  	_ =	swait.ge [sflag:s26], $0x4000  }
0x95: {  	[sflag:s26] =	ssyncset.done $0x0  }
0x96: {  	s10 =	sadd.s32 $0x100, s9;
	[sflag:s26] =	ssyncadd.s32 $0xFFFFC000  }
0x97: {  	[tilespmem:s30], [sflag:$0x1] =	stream.indirect.gather [hbm4b:s18+s29], $0x80, s10, s29, $0xb8;
	[tilespmem:$0x1E400] =	vst v63  }
0x98: {  	_ =	swait.ge [sflag:s3], $0x4000  }
0x99: {  	[sflag:s3] =	ssyncset.done $0x0  }
.Ltmp3:
0x9a: {  	s10 =	sadd.s32 $0x1480, s9;
	[sflag:s3] =	ssyncadd.s32 $0xFFFFC000;
	(pc) =	sbr.rel @p1 .LBB2_3-.Ltmp3, $4  }
0x9b: {  	[spmem:s2] =	stream.indirect.scatter.add.f32 [tilespmem:s31], [sflag:$0x3], $0x80, s10, s29, $0xb8;
	[tilespmem:$0x1E400] =	vst v63  }
0x9c: {  	_ =	swait.ge [sflag:s26], $0x4000  }
0x9d: {  	[sflag:s26] =	ssyncset.done $0x0  }
0x9e: {  	s9 =	sadd.s32 $0x180, s9;
	[sflag:s26] =	ssyncadd.s32 $0xFFFFC000  }
0x9f: {  	[tilespmem:s31], [sflag:$0x2] =	stream.indirect.gather [hbm4b:s18+s29], $0x80, s9, s29, $0xb8;
	[tilespmem:$0x1E400] =	vst v63  }
0xa0: {  	_ =	swait.ge [sflag:s0], $0x4000  }
0xa1: {  	[sflag:s0] =	ssyncset.done $0x0  }
0xa2: {  	[sflag:s0] =	ssyncadd.s32 $0xFFFFC000  }
0xa3: {  	[spmem:s2] =	stream.indirect.scatter.add.f32 [tilespmem:s30], [sflag:$0x3], $0x80, s5, s29, $0xb8;
	[tilespmem:$0x1E400] =	vst v63  }
0xa4: {  	_ =	swait.ge [sflag:s26], $0x4000  }
0xa5: {  	[sflag:s26] =	ssyncset.done $0x0  }
0xa6: {  	s8 =	simm.s32 $0x0;
	[sflag:s26] =	ssyncadd.s32 $0xFFFFC000  }
0xa7: {  	[tilespmem:s30], [sflag:$0x1] =	stream.indirect.gather [hbm4b:s18+s29], $0x80, s8, s29, $0xb8;
	[tilespmem:$0x1E400] =	vst v63  }
0xa8: {  	_ =	swait.ge [sflag:s3], $0x4000  }
0xa9: {  	[sflag:s3] =	ssyncset.done $0x0  }
0xaa: {  	[sflag:s3] =	ssyncadd.s32 $0xFFFFC000  }
0xab: {  	[spmem:s2] =	stream.indirect.scatter.add.f32 [tilespmem:s31], [sflag:$0x3], $0x80, s6, s29, $0xb8;
	[tilespmem:$0x1E400] =	vst v63  }
0xac: {  	_ =	swait.ge [sflag:s26], $0x4000  }
0xad: {  	[sflag:s26] =	ssyncset.done $0x0  }
0xae: {  	[sflag:s26] =	ssyncadd.s32 $0xFFFFC000  }
0xaf: {  	[tilespmem:s31], [sflag:$0x2] =	stream.indirect.gather [hbm4b:s18+s29], $0x80, s29, s29, $0xb8;
	[tilespmem:$0x1E400] =	vst v63  }
0xb0: {  	_ =	swait.ge [sflag:s0], $0x4000  }
0xb1: {  	[sflag:s0] =	ssyncset.done $0x0  }
0xb2: {  	[sflag:s0] =	ssyncadd.s32 $0xFFFFC000  }
0xb3: {  	_ =	swait.ge [sflag:s3], $0x4000  }
0xb4: {  	[sflag:s3] =	ssyncset.done $0x0  }
0xb5: {  	s10 =	rddreg [dreg:$0x6];
	[sflag:s3] =	ssyncadd.s32 $0xFFFFC000  }
0xb6: {  	[tilespmem:s8], [sflag:$0x3] =	stream.linear.gather [hbm4b:s10+s8], $0x1400, $0x38;
	[tilespmem:$0x1E400] =	vst v63  }
0xb7: {  	_ =	swait.ge [sflag:s26], $0x1400  }
0xb8: {  	[sflag:s26] =	ssyncset.done $0x0  }
0xb9: {  	s10 =	rddreg [dreg:$0x7];
	[sflag:s26] =	ssyncadd.s32 $0xFFFFEC00  }
0xba: {  	[tilespmem:s28], [sflag:$0x3] =	stream.linear.gather [hbm4b:s10+s8], $0x1400, $0x38;
	[tilespmem:$0x1E400] =	vst v63  }
0xbb: {  	_ =	swait.ge [sflag:s26], $0x1400  }
0xbc: {  	[sflag:s26] =	ssyncset.done $0x0  }
0xbd: {  	[sflag:s26] =	ssyncadd.s32 $0xFFFFEC00  }
0xbe: {  	[tilespmem:s30], [sflag:$0x1] =	stream.indirect.gather [hbm4b:s18+s29], $0x80, s8, s29, $0xb8;
	[tilespmem:$0x1E400] =	vst v63  }
0xbf: {  	_ = 	snop  }
0xc0: {  	[tilespmem:s31], [sflag:$0x2] =	stream.indirect.gather [hbm4b:s18+s29], $0x80, s29, s29, $0xb8;
	[tilespmem:$0x1E400] =	vst v63  }
0xc1: {  	_ =	swait.ge [sflag:s0], $0x4000  }
0xc2: {  	[sflag:s0] =	ssyncset.done $0x0  }
0xc3: {  	s10 =	simm.s32 $0x1400;
	[sflag:s0] =	ssyncadd.s32 $0xFFFFC000  }
0xc4: {  	[spmem:s2] =	stream.indirect.scatter.add.f32 [tilespmem:s30], [sflag:$0x3], $0x80, s10, s29, $0xb8;
	[tilespmem:$0x1E400] =	vst v63  }
0xc5: {  	_ =	swait.ge [sflag:s26], $0x4000  }
0xc6: {  	[sflag:s26] =	ssyncset.done $0x0  }
0xc7: {  	s9 =	simm.s32 $0x100;
	[sflag:s26] =	ssyncadd.s32 $0xFFFFC000  }
0xc8: {  	[tilespmem:s30], [sflag:$0x1] =	stream.indirect.gather [hbm4b:s18+s29], $0x80, s9, s29, $0xb8;
	[tilespmem:$0x1E400] =	vst v63  }
0xc9: {  	_ =	swait.ge [sflag:s3], $0x4000  }
0xca: {  	[sflag:s3] =	ssyncset.done $0x0  }
0xcb: {  	s10 =	simm.s32 $0x1480;
	[sflag:s3] =	ssyncadd.s32 $0xFFFFC000  }
0xcc: {  	[spmem:s2] =	stream.indirect.scatter.add.f32 [tilespmem:s31], [sflag:$0x3], $0x80, s10, s29, $0xb8;
	[tilespmem:$0x1E400] =	vst v63  }
0xcd: {  	_ =	swait.ge [sflag:s26], $0x4000  }
0xce: {  	[sflag:s26] =	ssyncset.done $0x0  }
0xcf: {  	s8 =	simm.s32 $0x400;
	s9 =	simm.s32 $0x180;
	[sflag:s26] =	ssyncadd.s32 $0xFFFFC000  }
.LBB2_5:
0xd0: {  	[tilespmem:s31], [sflag:$0x2] =	stream.indirect.gather [hbm4b:s18+s29], $0x80, s9, s29, $0xb8;
	[tilespmem:$0x1E400] =	vst v63  }
0xd1: {  	s9 =	smov.u32 s8  }
0xd2: {  	p1 =	sne.s32 s8, $0x4800;
	s8 =	sadd.s32 $0x400, s8;
	_ =	swait.ge [sflag:s0], $0x4000  }
0xd3: {  	s9 =	sshra.s32 s9, $0x2;
	[sflag:s0] =	ssyncset.done $0x0  }
0xd4: {  	s10 =	sadd.s32 $0x1400, s9;
	[sflag:s0] =	ssyncadd.s32 $0xFFFFC000  }
0xd5: {  	[spmem:s2] =	stream.indirect.scatter.add.f32 [tilespmem:s30], [sflag:$0x3], $0x80, s10, s29, $0xb8;
	[tilespmem:$0x1E400] =	vst v63  }
0xd6: {  	_ =	swait.ge [sflag:s26], $0x4000  }
0xd7: {  	[sflag:s26] =	ssyncset.done $0x0  }
0xd8: {  	s10 =	sadd.s32 $0x100, s9;
	[sflag:s26] =	ssyncadd.s32 $0xFFFFC000  }
0xd9: {  	[tilespmem:s30], [sflag:$0x1] =	stream.indirect.gather [hbm4b:s18+s29], $0x80, s10, s29, $0xb8;
	[tilespmem:$0x1E400] =	vst v63  }
0xda: {  	_ =	swait.ge [sflag:s3], $0x4000  }
0xdb: {  	[sflag:s3] =	ssyncset.done $0x0  }
.Ltmp4:
0xdc: {  	s10 =	sadd.s32 $0x1480, s9;
	[sflag:s3] =	ssyncadd.s32 $0xFFFFC000;
	(pc) =	sbr.rel @p1 .LBB2_5-.Ltmp4, $4  }
0xdd: {  	[spmem:s2] =	stream.indirect.scatter.add.f32 [tilespmem:s31], [sflag:$0x3], $0x80, s10, s29, $0xb8;
	[tilespmem:$0x1E400] =	vst v63  }
0xde: {  	_ =	swait.ge [sflag:s26], $0x4000  }
0xdf: {  	[sflag:s26] =	ssyncset.done $0x0  }
0xe0: {  	s9 =	sadd.s32 $0x180, s9;
	[sflag:s26] =	ssyncadd.s32 $0xFFFFC000  }
0xe1: {  	[tilespmem:s31], [sflag:$0x2] =	stream.indirect.gather [hbm4b:s18+s29], $0x80, s9, s29, $0xb8;
	[tilespmem:$0x1E400] =	vst v63  }
0xe2: {  	_ =	swait.ge [sflag:s0], $0x4000  }
0xe3: {  	[sflag:s0] =	ssyncset.done $0x0  }
0xe4: {  	[sflag:s0] =	ssyncadd.s32 $0xFFFFC000  }
0xe5: {  	[spmem:s2] =	stream.indirect.scatter.add.f32 [tilespmem:s30], [sflag:$0x3], $0x80, s5, s29, $0xb8;
	[tilespmem:$0x1E400] =	vst v63  }
0xe6: {  	_ =	swait.ge [sflag:s26], $0x4000  }
0xe7: {  	[sflag:s26] =	ssyncset.done $0x0  }
0xe8: {  	s8 =	simm.s32 $0x0;
	[sflag:s26] =	ssyncadd.s32 $0xFFFFC000  }
0xe9: {  	[tilespmem:s30], [sflag:$0x1] =	stream.indirect.gather [hbm4b:s18+s29], $0x80, s8, s29, $0xb8;
	[tilespmem:$0x1E400] =	vst v63  }
0xea: {  	_ =	swait.ge [sflag:s3], $0x4000  }
0xeb: {  	[sflag:s3] =	ssyncset.done $0x0  }
0xec: {  	[sflag:s3] =	ssyncadd.s32 $0xFFFFC000  }
0xed: {  	[spmem:s2] =	stream.indirect.scatter.add.f32 [tilespmem:s31], [sflag:$0x3], $0x80, s6, s29, $0xb8;
	[tilespmem:$0x1E400] =	vst v63  }
0xee: {  	_ =	swait.ge [sflag:s26], $0x4000  }
0xef: {  	[sflag:s26] =	ssyncset.done $0x0  }
0xf0: {  	[sflag:s26] =	ssyncadd.s32 $0xFFFFC000  }
0xf1: {  	[tilespmem:s31], [sflag:$0x2] =	stream.indirect.gather [hbm4b:s18+s29], $0x80, s29, s29, $0xb8;
	[tilespmem:$0x1E400] =	vst v63  }
0xf2: {  	_ =	swait.ge [sflag:s0], $0x4000  }
0xf3: {  	[sflag:s0] =	ssyncset.done $0x0  }
0xf4: {  	[sflag:s0] =	ssyncadd.s32 $0xFFFFC000  }
0xf5: {  	_ =	swait.ge [sflag:s3], $0x4000  }
0xf6: {  	[sflag:s3] =	ssyncset.done $0x0  }
0xf7: {  	s10 =	rddreg [dreg:$0x8];
	[sflag:s3] =	ssyncadd.s32 $0xFFFFC000  }
0xf8: {  	[tilespmem:s8], [sflag:$0x3] =	stream.linear.gather [hbm4b:s10+s8], $0x1400, $0x38;
	[tilespmem:$0x1E400] =	vst v63  }
0xf9: {  	_ =	swait.ge [sflag:s26], $0x1400  }
0xfa: {  	[sflag:s26] =	ssyncset.done $0x0  }
0xfb: {  	s10 =	rddreg [dreg:$0x9];
	[sflag:s26] =	ssyncadd.s32 $0xFFFFEC00  }
0xfc: {  	[tilespmem:s28], [sflag:$0x3] =	stream.linear.gather [hbm4b:s10+s8], $0x1400, $0x38;
	[tilespmem:$0x1E400] =	vst v63  }
0xfd: {  	_ =	swait.ge [sflag:s26], $0x1400  }
0xfe: {  	[sflag:s26] =	ssyncset.done $0x0  }
0xff: {  	[sflag:s26] =	ssyncadd.s32 $0xFFFFEC00  }
0x100: {  	[tilespmem:s30], [sflag:$0x1] =	stream.indirect.gather [hbm4b:s18+s29], $0x80, s8, s29, $0xb8;
	[tilespmem:$0x1E400] =	vst v63  }
0x101: {  	_ = 	snop  }
0x102: {  	[tilespmem:s31], [sflag:$0x2] =	stream.indirect.gather [hbm4b:s18+s29], $0x80, s29, s29, $0xb8;
	[tilespmem:$0x1E400] =	vst v63  }
0x103: {  	_ =	swait.ge [sflag:s0], $0x4000  }
0x104: {  	[sflag:s0] =	ssyncset.done $0x0  }
0x105: {  	s10 =	simm.s32 $0x1400;
	[sflag:s0] =	ssyncadd.s32 $0xFFFFC000  }
0x106: {  	[spmem:s2] =	stream.indirect.scatter.add.f32 [tilespmem:s30], [sflag:$0x3], $0x80, s10, s29, $0xb8;
	[tilespmem:$0x1E400] =	vst v63  }
0x107: {  	_ =	swait.ge [sflag:s26], $0x4000  }
0x108: {  	[sflag:s26] =	ssyncset.done $0x0  }
0x109: {  	s9 =	simm.s32 $0x100;
	[sflag:s26] =	ssyncadd.s32 $0xFFFFC000  }
0x10a: {  	[tilespmem:s30], [sflag:$0x1] =	stream.indirect.gather [hbm4b:s18+s29], $0x80, s9, s29, $0xb8;
	[tilespmem:$0x1E400] =	vst v63  }
0x10b: {  	_ =	swait.ge [sflag:s3], $0x4000  }
0x10c: {  	[sflag:s3] =	ssyncset.done $0x0  }
0x10d: {  	s10 =	simm.s32 $0x1480;
	[sflag:s3] =	ssyncadd.s32 $0xFFFFC000  }
0x10e: {  	[spmem:s2] =	stream.indirect.scatter.add.f32 [tilespmem:s31], [sflag:$0x3], $0x80, s10, s29, $0xb8;
	[tilespmem:$0x1E400] =	vst v63  }
0x10f: {  	_ =	swait.ge [sflag:s26], $0x4000  }
0x110: {  	[sflag:s26] =	ssyncset.done $0x0  }
0x111: {  	s8 =	simm.s32 $0x400;
	s9 =	simm.s32 $0x180;
	[sflag:s26] =	ssyncadd.s32 $0xFFFFC000  }
.LBB2_7:
0x112: {  	[tilespmem:s31], [sflag:$0x2] =	stream.indirect.gather [hbm4b:s18+s29], $0x80, s9, s29, $0xb8;
	[tilespmem:$0x1E400] =	vst v63  }
0x113: {  	s9 =	smov.u32 s8  }
0x114: {  	p1 =	sne.s32 s8, $0x4800;
	s8 =	sadd.s32 $0x400, s8;
	_ =	swait.ge [sflag:s0], $0x4000  }
0x115: {  	s9 =	sshra.s32 s9, $0x2;
	[sflag:s0] =	ssyncset.done $0x0  }
0x116: {  	s10 =	sadd.s32 $0x1400, s9;
	[sflag:s0] =	ssyncadd.s32 $0xFFFFC000  }
0x117: {  	[spmem:s2] =	stream.indirect.scatter.add.f32 [tilespmem:s30], [sflag:$0x3], $0x80, s10, s29, $0xb8;
	[tilespmem:$0x1E400] =	vst v63  }
0x118: {  	_ =	swait.ge [sflag:s26], $0x4000  }
0x119: {  	[sflag:s26] =	ssyncset.done $0x0  }
0x11a: {  	s10 =	sadd.s32 $0x100, s9;
	[sflag:s26] =	ssyncadd.s32 $0xFFFFC000  }
0x11b: {  	[tilespmem:s30], [sflag:$0x1] =	stream.indirect.gather [hbm4b:s18+s29], $0x80, s10, s29, $0xb8;
	[tilespmem:$0x1E400] =	vst v63  }
0x11c: {  	_ =	swait.ge [sflag:s3], $0x4000  }
0x11d: {  	[sflag:s3] =	ssyncset.done $0x0  }
.Ltmp5:
0x11e: {  	s10 =	sadd.s32 $0x1480, s9;
	[sflag:s3] =	ssyncadd.s32 $0xFFFFC000;
	(pc) =	sbr.rel @p1 .LBB2_7-.Ltmp5, $4  }
0x11f: {  	[spmem:s2] =	stream.indirect.scatter.add.f32 [tilespmem:s31], [sflag:$0x3], $0x80, s10, s29, $0xb8;
	[tilespmem:$0x1E400] =	vst v63  }
0x120: {  	_ =	swait.ge [sflag:s26], $0x4000  }
0x121: {  	[sflag:s26] =	ssyncset.done $0x0  }
0x122: {  	s9 =	sadd.s32 $0x180, s9;
	[sflag:s26] =	ssyncadd.s32 $0xFFFFC000  }
0x123: {  	[tilespmem:s31], [sflag:$0x2] =	stream.indirect.gather [hbm4b:s18+s29], $0x80, s9, s29, $0xb8;
	[tilespmem:$0x1E400] =	vst v63  }
0x124: {  	_ =	swait.ge [sflag:s0], $0x4000  }
0x125: {  	[sflag:s0] =	ssyncset.done $0x0  }
0x126: {  	[sflag:s0] =	ssyncadd.s32 $0xFFFFC000  }
0x127: {  	[spmem:s2] =	stream.indirect.scatter.add.f32 [tilespmem:s30], [sflag:$0x3], $0x80, s5, s29, $0xb8;
	[tilespmem:$0x1E400] =	vst v63  }
0x128: {  	_ =	swait.ge [sflag:s26], $0x4000  }
0x129: {  	[sflag:s26] =	ssyncset.done $0x0  }
0x12a: {  	s8 =	simm.s32 $0x0;
	[sflag:s26] =	ssyncadd.s32 $0xFFFFC000  }
0x12b: {  	[tilespmem:s30], [sflag:$0x1] =	stream.indirect.gather [hbm4b:s18+s29], $0x80, s8, s29, $0xb8;
	[tilespmem:$0x1E400] =	vst v63  }
0x12c: {  	_ =	swait.ge [sflag:s3], $0x4000  }
0x12d: {  	[sflag:s3] =	ssyncset.done $0x0  }
0x12e: {  	[sflag:s3] =	ssyncadd.s32 $0xFFFFC000  }
0x12f: {  	[spmem:s2] =	stream.indirect.scatter.add.f32 [tilespmem:s31], [sflag:$0x3], $0x80, s6, s29, $0xb8;
	[tilespmem:$0x1E400] =	vst v63  }
0x130: {  	_ =	swait.ge [sflag:s26], $0x4000  }
0x131: {  	[sflag:s26] =	ssyncset.done $0x0  }
0x132: {  	[sflag:s26] =	ssyncadd.s32 $0xFFFFC000  }
0x133: {  	[tilespmem:s31], [sflag:$0x2] =	stream.indirect.gather [hbm4b:s18+s29], $0x80, s29, s29, $0xb8;
	[tilespmem:$0x1E400] =	vst v63  }
0x134: {  	_ =	swait.ge [sflag:s0], $0x4000  }
0x135: {  	[sflag:s0] =	ssyncset.done $0x0  }
0x136: {  	[sflag:s0] =	ssyncadd.s32 $0xFFFFC000  }
0x137: {  	_ =	swait.ge [sflag:s3], $0x4000  }
0x138: {  	[sflag:s3] =	ssyncset.done $0x0  }
0x139: {  	[sflag:s3] =	ssyncadd.s32 $0xFFFFC000  }
0x13a: {  	[tilespmem:s8], [sflag:$0x3] =	stream.linear.gather [hbm4b:s11+s8], $0x1400, $0x38;
	[tilespmem:$0x1E400] =	vst v63  }
0x13b: {  	_ =	swait.ge [sflag:s26], $0x1400  }
0x13c: {  	[sflag:s26] =	ssyncset.done $0x0  }
0x13d: {  	[sflag:s26] =	ssyncadd.s32 $0xFFFFEC00  }
0x13e: {  	[tilespmem:s28], [sflag:$0x3] =	stream.linear.gather [hbm4b:s12+s8], $0x1400, $0x38;
	[tilespmem:$0x1E400] =	vst v63  }
0x13f: {  	_ =	swait.ge [sflag:s26], $0x1400  }
0x140: {  	[sflag:s26] =	ssyncset.done $0x0  }
0x141: {  	[sflag:s26] =	ssyncadd.s32 $0xFFFFEC00  }
0x142: {  	[tilespmem:s30], [sflag:$0x1] =	stream.indirect.gather [hbm4b:s18+s29], $0x80, s8, s29, $0xb8;
	[tilespmem:$0x1E400] =	vst v63  }
0x143: {  	_ = 	snop  }
0x144: {  	[tilespmem:s31], [sflag:$0x2] =	stream.indirect.gather [hbm4b:s18+s29], $0x80, s29, s29, $0xb8;
	[tilespmem:$0x1E400] =	vst v63  }
0x145: {  	_ =	swait.ge [sflag:s0], $0x4000  }
0x146: {  	[sflag:s0] =	ssyncset.done $0x0  }
0x147: {  	s10 =	simm.s32 $0x1400;
	[sflag:s0] =	ssyncadd.s32 $0xFFFFC000  }
0x148: {  	[spmem:s2] =	stream.indirect.scatter.add.f32 [tilespmem:s30], [sflag:$0x3], $0x80, s10, s29, $0xb8;
	[tilespmem:$0x1E400] =	vst v63  }
0x149: {  	_ =	swait.ge [sflag:s26], $0x4000  }
0x14a: {  	[sflag:s26] =	ssyncset.done $0x0  }
0x14b: {  	s9 =	simm.s32 $0x100;
	[sflag:s26] =	ssyncadd.s32 $0xFFFFC000  }
0x14c: {  	[tilespmem:s30], [sflag:$0x1] =	stream.indirect.gather [hbm4b:s18+s29], $0x80, s9, s29, $0xb8;
	[tilespmem:$0x1E400] =	vst v63  }
0x14d: {  	_ =	swait.ge [sflag:s3], $0x4000  }
0x14e: {  	[sflag:s3] =	ssyncset.done $0x0  }
0x14f: {  	s10 =	simm.s32 $0x1480;
	[sflag:s3] =	ssyncadd.s32 $0xFFFFC000  }
0x150: {  	[spmem:s2] =	stream.indirect.scatter.add.f32 [tilespmem:s31], [sflag:$0x3], $0x80, s10, s29, $0xb8;
	[tilespmem:$0x1E400] =	vst v63  }
0x151: {  	_ =	swait.ge [sflag:s26], $0x4000  }
0x152: {  	[sflag:s26] =	ssyncset.done $0x0  }
0x153: {  	s8 =	simm.s32 $0x400;
	s9 =	simm.s32 $0x180;
	[sflag:s26] =	ssyncadd.s32 $0xFFFFC000  }
.LBB2_9:
0x154: {  	[tilespmem:s31], [sflag:$0x2] =	stream.indirect.gather [hbm4b:s18+s29], $0x80, s9, s29, $0xb8;
	[tilespmem:$0x1E400] =	vst v63  }
0x155: {  	s9 =	smov.u32 s8  }
0x156: {  	p1 =	sne.s32 s8, $0x4800;
	s8 =	sadd.s32 $0x400, s8;
	_ =	swait.ge [sflag:s0], $0x4000  }
0x157: {  	s9 =	sshra.s32 s9, $0x2;
	[sflag:s0] =	ssyncset.done $0x0  }
0x158: {  	s10 =	sadd.s32 $0x1400, s9;
	[sflag:s0] =	ssyncadd.s32 $0xFFFFC000  }
0x159: {  	[spmem:s2] =	stream.indirect.scatter.add.f32 [tilespmem:s30], [sflag:$0x3], $0x80, s10, s29, $0xb8;
	[tilespmem:$0x1E400] =	vst v63  }
0x15a: {  	_ =	swait.ge [sflag:s26], $0x4000  }
0x15b: {  	[sflag:s26] =	ssyncset.done $0x0  }
0x15c: {  	s10 =	sadd.s32 $0x100, s9;
	[sflag:s26] =	ssyncadd.s32 $0xFFFFC000  }
0x15d: {  	[tilespmem:s30], [sflag:$0x1] =	stream.indirect.gather [hbm4b:s18+s29], $0x80, s10, s29, $0xb8;
	[tilespmem:$0x1E400] =	vst v63  }
0x15e: {  	_ =	swait.ge [sflag:s3], $0x4000  }
0x15f: {  	[sflag:s3] =	ssyncset.done $0x0  }
.Ltmp6:
0x160: {  	s10 =	sadd.s32 $0x1480, s9;
	[sflag:s3] =	ssyncadd.s32 $0xFFFFC000;
	(pc) =	sbr.rel @p1 .LBB2_9-.Ltmp6, $4  }
0x161: {  	[spmem:s2] =	stream.indirect.scatter.add.f32 [tilespmem:s31], [sflag:$0x3], $0x80, s10, s29, $0xb8;
	[tilespmem:$0x1E400] =	vst v63  }
0x162: {  	_ =	swait.ge [sflag:s26], $0x4000  }
0x163: {  	[sflag:s26] =	ssyncset.done $0x0  }
0x164: {  	s9 =	sadd.s32 $0x180, s9;
	[sflag:s26] =	ssyncadd.s32 $0xFFFFC000  }
.Ltmp7:
0x165: {  	_ = 	snop;
	(pc) =	sbr.rel .LBB2_10-.Ltmp7, $1  }
0x166: {  	_ =	sdelay $0x3  }
.LBB2_12:
0x167: {  	_ =	sfence.sel $0x180000  }
0x168: {  	[bflag:$0x0] =	sbarrier.arrive $0xFFFF  }
0x169: {  	_ =	strace $0x9000004A  }
0x16a: {  	s0 =	stileid.u32;
	[bflag:$0x2] =	sbarrier.arrive $0xFFFF  }
0x16b: {  	p0 =	sne.s32 s0, $0x0;
	s0 =	rddreg [dreg:$0x3]  }
0x16c: {  	s0 =	sadd.s32 @!p0 $0x100000, s0  }
0x16d: {  	[sflag:s0] =	ssyncadd.tile.s32 @!p0 $0x1;
	_ =	shalt  }
.Lfunc_end2:
_tile_overlayer_lowered:
.L_overlay_start_2:
0x16e: {  	(tag) =	ssettag $0x2  }
0x16f: {  	s0 =	rddreg [dreg:$0x0];
	s2 =	stileid.u32  }
0x170: {  	s1 =	rddreg [dreg:$0x1];
	p0 =	sne.s32 s2, $0x0  }
0x171: {  	s3 =	rddreg [dreg:$0x2];
	[bflag:$0x3] =	sbarrier.arrive $0xFFFF;
	s2 =	simm.s32 @!p0 $0x1C03  }
0x172: {  	[timem:s3], [sflag:s2] =	dma.local @!p0 [hbm:s0], s1  }
0x173: {  	s0 =	simm.s32 @!p0 $0x3  }
0x174: {  	_ =	swait.ge @!p0 [sflag:s0], s1  }
0x175: {  	s1 =	ssub.s32 @!p0 $0x0, s1;
	[sflag:s0] =	ssyncset.done @!p0 $0x0  }
0x176: {  	[sflag:s0] =	ssyncadd.s32 @!p0 s1  }
0x177: {  	[bflag:$0x3] =	sbarrier.arrive $0xFFFF  }
0x178: {  	_ =	shalt  }

// kernel: kernel.14.cloned.1.call-start
scs
__scs_entry_jumppad:
0x0: {  	(pc) =	sbr.rel $0x88, $3  }
0x1: {  	(tag) =	ssettag $0x0;
	lr =	simm.s32 $0x1  }
0x2: {  	[smem:$0x3F93] =	sst lr;
	_ =	strace $0xD0000000  }
0x3: {  	_ = 	snop  }
0x4: {  	_ = 	snop  }
0x5: {  	_ = 	snop  }
0x6: {  	_ = 	snop  }
0x7: {  	_ = 	snop  }
__scs_overlays_trampoline_lowered:
0x8: {  	[smem:$0x3FA2] =	sst s0  }
0x9: {  	[smem:$0x3FA3] =	sst s1  }
0xa: {  	[smem:$0x3FA4] =	sst s2  }
0xb: {  	[smem:$0x3FA5] =	sst s3  }
0xc: {  	[smem:$0x3FA6] =	sst s4  }
0xd: {  	[smem:$0x3FA7] =	sst s5  }
0xe: {  	[smem:$0x3FA8] =	sst s6  }
0xf: {  	[smem:$0x3FA9] =	sst s7  }
0x10: {  	[smem:$0x3FAA] =	sst s8  }
0x11: {  	[smem:$0x3FAB] =	sst s9;
	s0 =	simm.s32 @!p0 $0x0  }
0x12: {  	s1 =	sld [smem:$0x3F91];
	s0 =	simm.s32 @p0 $0x1  }
0x13: {  	[smem:$0x3FAC] =	sst s0;
	s0 =	simm.s32 @!p1 $0x0  }
0x14: {  	s2 =	sld [smem:$0x3F90];
	s0 =	simm.s32 @p1 $0x1  }
0x15: {  	[smem:$0x3FAD] =	sst s0;
	s0 =	simm.s32 @!p2 $0x0  }
0x16: {  	s3 =	sld [smem:$0x3FDB];
	s0 =	simm.s32 @p2 $0x1  }
0x17: {  	s4 =	simm.s32 $0x1BF5;
	[smem:$0x3FAF] =	sst s0  }
0x18: {  	s0 =	sld [smem:$0x3F92];
	_ =	swait.ge [sflag:s4], $0x0  }
0x19: {  	s7 =	sld [smem:$0x3F93]  }
0x1a: {  	s8 =	sadd.s32 $0xFFFFE003, lr  }
0x1b: {  	s9 =	sadd.s32 $0xFFFFFEF7, lr;
	s5 =	simm.s32 $0xFFFFFFFF;
	p2 =	slt.u32 s8, $0xFFFFF086  }
0x1c: {  	p1 =	slt.u32 s9, $0xF7A;
	s5 =	simm.s32 @!p2 $0x0  }
0x1d: {  	s5 =	simm.s32 @p1 $0x1;
	p0 =	seq.s32 s7, s2  }
0x1e: {  	s7 =	smul.u32 @!p0 $0xF7A, s2;
	p2 =	seq.s32 @!p0 s5, $0x0  }
0x1f: {  	s9 =	smul.u32 $0xF7A, s1;
	s8 =	simm.s32 @!p0 $0x1BF5;
	p2 =	por !p2, p0  }
0x20: {  	[sflag:s8] =	ssyncset.s32 @!p0 $0xFFFFF086;
	s6 =	sadd.s32 @!p0 s3, s7;
	s7 =	simm.s32 @!p0 $0x108  }
0x21: {  	s3 =	sadd.s32 s3, s9;
	s6 =	sadd.s32 @!p0 $0x88, s6;
	s7 =	simm.s32 @p2 $0x1082  }
0x22: {  	[simem:s7], [sflag:s8] =	dma.local @!p0 [hbm:s6], $0xF7A  }
0x23: {  	s9 =	sor.u32 $0xD0000000, s2;
	s6 =	simm.s32 $0x108;
	_ =	swait.ge @!p0 [sflag:s8], $0x0  }
0x24: {  	s3 =	sadd.s32 $0x88, s3;
	s6 =	simm.s32 @!p1 $0x1082;
	[sflag:s4] =	ssyncset.s32 $0xFFFFF086  }
0x25: {  	[simem:s6], [sflag:s4] =	dma.local [hbm:s3], $0xF7A  }
0x26: {  	[smem:$0x3F93] =	sst s1;
	(tag) =	ssettag s2;
	_ =	strace s9  }
0x27: {  	s1 =	sld [smem:$0x3FA3]  }
0x28: {  	s2 =	sld [smem:$0x3FA4]  }
0x29: {  	s4 =	sld [smem:$0x3FA6]  }
0x2a: {  	p0 =	seq.s32 s5, $0x0;
	s5 =	sld [smem:$0x3FA7]  }
0x2b: {  	s6 =	sld [smem:$0x3FA8]  }
0x2c: {  	s7 =	sld [smem:$0x3FA9]  }
0x2d: {  	s3 =	simm.s32 $0x108;
	s8 =	sld [smem:$0x3FAA]  }
0x2e: {  	s3 =	simm.s32 @!p0 $0x1082;
	s9 =	sld [smem:$0x3FAB]  }
0x2f: {  	lr =	sadd.s32 s0, s3;
	s0 =	sld [smem:$0x3FA2]  }
0x30: {  	s3 =	sld [smem:$0x3FA5]  }
0x31: {  	[smem:$0x3FAE] =	sst s10  }
0x32: {  	s10 =	sld [smem:$0x3FAC];
	_ =	sdelay $0x3  }
0x33: {  	p0 =	seq.s32 s10, $0x1;
	s10 =	sld [smem:$0x3FAE];
	_ =	sdelay $0x3  }
0x34: {  	[smem:$0x3FAE] =	sst s10  }
0x35: {  	s10 =	sld [smem:$0x3FAD];
	_ =	sdelay $0x3  }
0x36: {  	p1 =	seq.s32 s10, $0x1;
	s10 =	sld [smem:$0x3FAE];
	_ =	sdelay $0x3  }
0x37: {  	[smem:$0x3FAE] =	sst s10  }
0x38: {  	s10 =	sld [smem:$0x3FAF]  }
0x39: {  	_ = 	snop;
	(pc) =	sbr.ind lr, $3  }
0x3a: {  	_ = 	snop  }
0x3b: {  	_ = 	snop  }
0x3c: {  	p2 =	seq.s32 s10, $0x1;
	s10 =	sld [smem:$0x3FAE]  }
0x3d: {  	_ =	shalt  }
0x3e: {  	_ =	shalt  }
0x3f: {  	_ =	shalt  }
0x40: {  	_ =	shalt  }
0x41: {  	_ =	shalt  }
0x42: {  	_ =	shalt  }
0x43: {  	_ =	shalt  }
0x44: {  	_ =	shalt  }
0x45: {  	_ =	shalt  }
0x46: {  	_ =	shalt  }
0x47: {  	_ =	shalt  }
0x48: {  	_ =	shalt  }
0x49: {  	_ =	shalt  }
0x4a: {  	_ =	shalt  }
0x4b: {  	_ =	shalt  }
0x4c: {  	_ =	shalt  }
0x4d: {  	_ =	shalt  }
0x4e: {  	_ =	shalt  }
0x4f: {  	_ =	shalt  }
0x50: {  	_ =	shalt  }
0x51: {  	_ =	shalt  }
0x52: {  	_ =	shalt  }
0x53: {  	_ =	shalt  }
0x54: {  	_ =	shalt  }
0x55: {  	_ =	shalt  }
0x56: {  	_ =	shalt  }
0x57: {  	_ =	shalt  }
0x58: {  	_ =	shalt  }
0x59: {  	_ =	shalt  }
0x5a: {  	_ =	shalt  }
0x5b: {  	_ =	shalt  }
0x5c: {  	_ =	shalt  }
0x5d: {  	_ =	shalt  }
0x5e: {  	_ =	shalt  }
0x5f: {  	_ =	shalt  }
0x60: {  	_ =	shalt  }
0x61: {  	_ =	shalt  }
0x62: {  	_ =	shalt  }
0x63: {  	_ =	shalt  }
0x64: {  	_ =	shalt  }
0x65: {  	_ =	shalt  }
0x66: {  	_ =	shalt  }
0x67: {  	_ =	shalt  }
0x68: {  	_ =	shalt  }
0x69: {  	_ =	shalt  }
0x6a: {  	_ =	shalt  }
0x6b: {  	_ =	shalt  }
0x6c: {  	_ =	shalt  }
0x6d: {  	_ =	shalt  }
0x6e: {  	_ =	shalt  }
0x6f: {  	_ =	shalt  }
0x70: {  	_ =	shalt  }
0x71: {  	_ =	shalt  }
0x72: {  	_ =	shalt  }
0x73: {  	_ =	shalt  }
0x74: {  	_ =	shalt  }
0x75: {  	_ =	shalt  }
0x76: {  	_ =	shalt  }
0x77: {  	_ =	shalt  }
0x78: {  	_ =	shalt  }
0x79: {  	_ =	shalt  }
0x7a: {  	_ =	shalt  }
0x7b: {  	_ =	shalt  }
0x7c: {  	_ =	shalt  }
0x7d: {  	_ =	shalt  }
0x7e: {  	_ =	shalt  }
0x7f: {  	_ =	shalt  }
0x80: {  	_ =	shalt  }
0x81: {  	_ =	shalt  }
0x82: {  	_ =	shalt  }
0x83: {  	_ =	shalt  }
0x84: {  	_ =	shalt  }
0x85: {  	_ =	shalt  }
0x86: {  	_ =	shalt  }
0x87: {  	_ =	shalt  }
.Lfunc_end0:
.L_simem_size_0:
called_computation.2_lowered:
.L_overlay_start_0:
0x88: {  	s2 =	sld [smem:$0x3FD9]  }
0x89: {  	s3 =	sld [smem:$0x3FFE];
	_ =	sdelay $0x1  }
0x8a: {  	s1 =	srdreg.scid  }
0x8b: {  	s0 =	sand.u32 $0x1, s1  }
0x8c: {  	s17 =	sshll.u32 s0, $0xA;
	s2 =	sadd.s32 s3, s2  }
0x8d: {  	s2 =	sadd.s32 s2, s17  }
0x8e: {  	[smem:$0x3FBA] =	sst s2  }
0x8f: {  	_ = 	snop  }
0x90: {  	s2 =	sld [smem:$0x3FD0];
	(tm) =	ssettm $0x1  }
0x91: {  	s18 =	sld [smem:$0x3FFB];
	_ =	sdelay $0x3  }
0x92: {  	_ =	strace s18  }
0x93: {  	s3 =	sld [smem:$0x3FFC];
	_ =	sdelay $0x3  }
0x94: {  	_ =	strace s3  }
0x95: {  	s3 =	sld [smem:$0x3FFD];
	_ =	sdelay $0x3  }
0x96: {  	_ =	strace s3  }
0x97: {  	_ =	strace $0x8FFFFFFF  }
0x98: {  	s19 =	sld [smem:$0x3FDB];
	_ =	sdelay $0x1  }
0x99: {  	s4 =	simm.s32 $_scs_section_size  }
0x9a: {  	s5 =	simm.s32 $_size__tile_overlayer_lowered;
	s6 =	simm.s32 $_tile_overlayer_lowered  }
0x9b: {  	s22 =	simm.s32 $0x1BFF;
	s21 =	sshll.u32 s6, $0x1;
	s3 =	sadd.s32 s4, s19  }
0x9c: {  	s7 =	simm.s32 $0x0;
	s20 =	sshll.u32 s5, $0x1;
	s5 =	sadd.s32 s21, s3  }
0x9d: {  	[timem:s7], [sflag:s22] =	dma.local [hbm:s5], s20  }
0x9e: {  	_ =	swait.ge [sflag:s22], s20  }
0x9f: {  	s4 =	ssub.s32 $0x0, s20;
	[sflag:s22] =	ssyncset.done $0x0  }
0xa0: {  	[sflag:s22] =	ssyncadd.s32 s4;
	_ =	sdelay $0x1  }
0xa1: {  	s23 =	simm.s32 $0x1B8B  }
0xa2: {  	_ =	swait.ge [sflag:s23], $0x1  }
0xa3: {  	[sflag:s23] =	ssyncset.done $0x0  }
0xa4: {  	s25 =	simm.s32 $0x1B8E;
	s24 =	sld [smem:$0x3FFE];
	[sflag:s23] =	ssyncadd.s32 $0xFFFFFFFF  }
0xa5: {  	s26 =	simm.s32 $execute0_lowered;
	[smem:$0x3FD2] =	sst s25  }
0xa6: {  	s5 =	sshll.u32 s26, $0x1;
	_ =	strace $0x8000004C;
	[dreg:$0x1] =	wrdreg $0xFFFFFFFF  }
0xa7: {  	s28 =	simm.s32 $_size_execute0_lowered;
	s3 =	sadd.s32 s3, s5;
	[dreg:$0x0] =	wrdreg $0x0  }
0xa8: {  	s5 =	sshll.u32 s28, $0x1;
	[dreg:$0x2] =	wrdreg s3  }
0xa9: {  	[dreg:$0x3] =	wrdreg s5  }
0xaa: {  	[dreg:$0x4] =	wrdreg $0xC0  }
0xab: {  	_ =	task [dreg:s7], $0x5FFFF  }
0xac: {  	[dreg:$0x1] =	wrdreg $0xFFFFFFFF  }
0xad: {  	[dreg:$0x0] =	wrdreg $0x60  }
0xae: {  	[dreg:$0x2] =	wrdreg s24  }
0xaf: {  	[dreg:$0x3] =	wrdreg s2  }
0xb0: {  	[dreg:$0x4] =	wrdreg $0xA8000  }
0xb1: {  	[dreg:$0x5] =	wrdreg $0x9  }
0xb2: {  	_ =	task.clear_ibuf [dreg:s7], $0x6FFFF;
	_ =	strace $0x9000004C  }
0xb3: {  	s29 =	simm.s32 $0x9;
	_ =	strace $0x8000004E  }
0xb4: {  	_ =	swait.ge [sflag:s29], $0x1  }
0xb5: {  	[sflag:s29] =	ssyncadd.s32 $0xFFFFFFFF  }
0xb6: {  	_ =	strace $0x9000004E  }
0xb7: {  	_ =	sfence  }
0xb8: {  	s30 =	sld [smem:$0x0];
	_ =	sdelay $0x2  }
0xb9: {  	s31 =	sshll.u32 s1, $0xD;
	s1 =	sshrl.u32 s1, $0x2  }
0xba: {  	s3 =	sand.u32 $0x4000, s31;
	s1 =	sadd.s32 s1, s30  }
0xbb: {  	s0 =	sor.u32 s3, s0;
	s1 =	sshll.u32 s1, $0x11  }
0xbc: {  	s0 =	sor.u32 s1, s0  }
0xbd: {  	s0 =	sadd.s32 $0x8F2B, s0  }
0xbe: {  	[sflag:s0] =	ssyncadd.remote.s32 $0x1  }
0xbf: {  	_ =	sfence.sel $0xFFFF  }
0xc0: {  	[dreg:$0x0] =	wrdreg $0xFFFFFFFF;
	(pc) =	sbr.abs _section_cstart, $3  }
0xc1: {  	[dreg:$0x1] =	wrdreg $0xFFFFFFFF  }
0xc2: {  	_ =	task.clear_ibuf [dreg:s7], $0x2FFFF;
	_ =	strace $0x9FFFFFFF  }
0xc3: {  	(tm) =	ssettm $0x7FFFFFFF  }
tec
execute0_lowered:
.L_overlay_start_1:
0x0: {  	(tag) =	ssettag $0x1  }
0x1: {  	s0 =	rddreg [dreg:$0x0]  }
0x2: {  	s1 =	rddreg [dreg:$0x1]  }
0x3: {  	s2 =	rddreg [dreg:$0x2];
	s4 =	simm.s32 $0x0  }
0x4: {  	s3 =	srdreg.scid;
	s18 =	stileid.u32;
	s28 =	simm.s32 $0x1400  }
0x5: {  	s29 =	simm.s32 $0x80;
	s30 =	simm.s32 $0x2800;
	s31 =	simm.s32 $0x6800  }
0x6: {  	[smem:$0x7FF] =	sst s4;
	s5 =	sadd.s32 $0x3E00, s0;
	s8 =	smul.u32 $0x13C00, s18  }
0x7: {  	s3 =	sand.u32 $0x1, s3;
	s6 =	sadd.s32 $0xDE00, s0;
	s11 =	smul.u32 $0x5000, s18  }
0x8: {  	s9 =	sadd.s32 $0x67E00, s0;
	s15 =	smul.u32 $0xA00, s18;
	s7 =	ssub.s32 $0x2, s3  }
0x9: {  	p0 =	sne.s32 s3, $0x0;
	s10 =	sshrl.u32 s7, $0x1;
	s21 =	sadd.s32 $0x4000, s8  }
0xa: {  	s22 =	sadd.s32 $0x8000, s8;
	s23 =	sadd.s32 $0xC000, s8;
	s11 =	sshrl.u32 s11, $0x3  }
0xb: {  	s24 =	sadd.s32 $0x10000, s8;
	s12 =	sadd.s32 s5, s15;
	s7 =	ssub.s32 s7, s10  }
0xc: {  	[dreg:$0x4] =	wrdreg s12;
	s16 =	sadd.s32 $0x280, s11;
	s10 =	sadd.s32 s6, s15  }
0xd: {  	s20 =	sadd.s32 $0x500, s11;
	s25 =	sadd.s32 $0x780, s11;
	[dreg:$0x5] =	wrdreg s10  }
0xe: {  	s17 =	sadd.s32 s5, s16;
	s19 =	sadd.s32 s6, s16;
	s16 =	smul.u32 $0x13C000, s3  }
0xf: {  	s26 =	sadd.s32 s5, s20;
	s10 =	sadd.s32 s6, s20;
	[dreg:$0x6] =	wrdreg s17  }
0x10: {  	s11 =	sadd.s32 s5, s25;
	s12 =	sadd.s32 s6, s25;
	[dreg:$0x7] =	wrdreg s19  }
0x11: {  	s20 =	smul.u32 $0x4F000, s18;
	s3 =	simm.s32 $0x2;
	[dreg:$0x8] =	wrdreg s26  }
0x12: {  	[dreg:$0x9] =	wrdreg s10;
	s26 =	sshll.u32 s18, $0x6;
	s18 =	sadd.s32 $0x17E00, s0  }
0x13: {  	s0 =	simm.s32 $0x1;
	s6 =	sadd.s32 s8, s16;
	s8 =	sadd.s32 s16, s21  }
0x14: {  	s10 =	sadd.s32 s16, s22;
	s17 =	sadd.s32 s16, s23;
	s19 =	sadd.s32 s16, s24  }
0x15: {  	_ =	strace $0x8000004D;
	s25 =	sshrl.u32 s20, $0x2;
	s20 =	sor.u32 $0x1C03, s26  }
0x16: {  	s21 =	sadd.s32 s21, s2;
	s22 =	sadd.s32 s22, s2;
	s23 =	sadd.s32 s23, s2  }
0x17: {  	s24 =	sadd.s32 s24, s2;
	s26 =	simm.s32 $0x3;
	s5 =	sshrl.u32 s6, $0x3  }
.Ltmp0:
0x18: {  	s6 =	sshrl.u32 s8, $0x3;
	s15 =	sshrl.u32 s10, $0x3;
	(pc) =	sbr.rel .LBB2_1-.Ltmp0, $4  }
0x19: {  	s13 =	sadd.s32 s9, s5;
	s14 =	sadd.s32 s9, s6;
	s15 =	sadd.s32 s9, s15  }
0x1a: {  	s5 =	sshrl.u32 s17, $0x3;
	s6 =	sshrl.u32 s19, $0x3;
	s19 =	sadd.s32 s25, s2  }
0x1b: {  	s25 =	smax.u32 s7, $0x1;
	s7 =	simm.s32 $0x0;
	s16 =	sadd.s32 s9, s5  }
0x1c: {  	s17 =	sadd.s32 s9, s6;
	s5 =	simm.s32 $0x2700;
	s6 =	simm.s32 $0x2780  }
.LBB2_10:
0x1d: {  	[tilespmem:s31], [sflag:$0x2] =	stream.indirect.gather [hbm4b:s18+s29], $0x80, s9, s29, $0xb8;
	[tilespmem:$0x1E400] =	vst v63  }
0x1e: {  	_ =	swait.ge [sflag:s0], $0x4000  }
0x1f: {  	[sflag:s0] =	ssyncset.done $0x0  }
0x20: {  	[sflag:s0] =	ssyncadd.s32 $0xFFFFC000  }
0x21: {  	[spmem:s2] =	stream.indirect.scatter.add.f32 [tilespmem:s30], [sflag:$0x3], $0x80, s5, s29, $0xb8;
	[tilespmem:$0x1E400] =	vst v63  }
0x22: {  	_ =	swait.ge [sflag:s26], $0x4000  }
0x23: {  	[sflag:s26] =	ssyncset.done $0x0  }
0x24: {  	[sflag:s26] =	ssyncadd.s32 $0xFFFFC000  }
0x25: {  	[tilespmem:s30], [sflag:$0x1] =	stream.indirect.gather [hbm4b:s18+s29], $0x80, s4, s29, $0xb8;
	[tilespmem:$0x1E400] =	vst v63  }
0x26: {  	_ =	swait.ge [sflag:s3], $0x4000  }
0x27: {  	[sflag:s3] =	ssyncset.done $0x0  }
0x28: {  	[sflag:s3] =	ssyncadd.s32 $0xFFFFC000  }
0x29: {  	[spmem:s2] =	stream.indirect.scatter.add.f32 [tilespmem:s31], [sflag:$0x3], $0x80, s6, s29, $0xb8;
	[tilespmem:$0x1E400] =	vst v63  }
0x2a: {  	_ =	swait.ge [sflag:s26], $0x4000  }
0x2b: {  	[sflag:s26] =	ssyncset.done $0x0  }
0x2c: {  	[sflag:s26] =	ssyncadd.s32 $0xFFFFC000  }
0x2d: {  	[tilespmem:s31], [sflag:$0x2] =	stream.indirect.gather [hbm4b:s18+s29], $0x80, s29, s29, $0xb8;
	[tilespmem:$0x1E400] =	vst v63  }
0x2e: {  	_ =	swait.ge [sflag:s0], $0x4000  }
0x2f: {  	[sflag:s0] =	ssyncset.done $0x0  }
0x30: {  	[sflag:s0] =	ssyncadd.s32 $0xFFFFC000  }
0x31: {  	_ =	swait.ge [sflag:s3], $0x4000  }
0x32: {  	[sflag:s3] =	ssyncset.done $0x0  }
0x33: {  	[sflag:s3] =	ssyncadd.s32 $0xFFFFC000  }
.LBB2_11:
0x34: {  	[bflag:$0x0] =	sbarrier.arrive $0xFFFF  }
0x35: {  	[tilespmem:s30], [sflag:$0x3] =	stream.linear.gather [spmem:s19], $0x4000, $0x38;
	[tilespmem:$0x1E400] =	vst v63  }
0x36: {  	_ =	swait.ge [sflag:s26], $0x4000  }
0x37: {  	[sflag:s26] =	ssyncset.done $0x0  }
0x38: {  	[sflag:s26] =	ssyncadd.s32 $0xFFFFC000  }
0x39: {  	[hbm4b:s13+s4] =	stream.linear.scatter [tilespmem:s30], [sflag:$0x3], $0x4000, $0x38;
	[tilespmem:$0x1E400] =	vst v63  }
0x3a: {  	_ =	swait.ge [sflag:s26], $0x4000  }
0x3b: {  	[sflag:s26] =	ssyncset.done $0x0  }
0x3c: {  	[sflag:s26] =	ssyncadd.s32 $0xFFFFC000  }
0x3d: {  	[tilespmem:s30], [sflag:$0x3] =	stream.linear.gather [spmem:s21], $0x4000, $0x38;
	[tilespmem:$0x1E400] =	vst v63  }
0x3e: {  	_ =	swait.ge [sflag:s26], $0x4000  }
0x3f: {  	[sflag:s26] =	ssyncset.done $0x0  }
0x40: {  	[sflag:s26] =	ssyncadd.s32 $0xFFFFC000  }
0x41: {  	[hbm4b:s14+s4] =	stream.linear.scatter [tilespmem:s30], [sflag:$0x3], $0x4000, $0x38;
	[tilespmem:$0x1E400] =	vst v63  }
0x42: {  	_ =	swait.ge [sflag:s26], $0x4000  }
0x43: {  	[sflag:s26] =	ssyncset.done $0x0  }
0x44: {  	[sflag:s26] =	ssyncadd.s32 $0xFFFFC000  }
0x45: {  	[tilespmem:s30], [sflag:$0x3] =	stream.linear.gather [spmem:s22], $0x4000, $0x38;
	[tilespmem:$0x1E400] =	vst v63  }
0x46: {  	_ =	swait.ge [sflag:s26], $0x4000  }
0x47: {  	[sflag:s26] =	ssyncset.done $0x0  }
0x48: {  	[sflag:s26] =	ssyncadd.s32 $0xFFFFC000  }
0x49: {  	[hbm4b:s15+s4] =	stream.linear.scatter [tilespmem:s30], [sflag:$0x3], $0x4000, $0x38;
	[tilespmem:$0x1E400] =	vst v63  }
0x4a: {  	_ =	swait.ge [sflag:s26], $0x4000  }
0x4b: {  	[sflag:s26] =	ssyncset.done $0x0  }
0x4c: {  	[sflag:s26] =	ssyncadd.s32 $0xFFFFC000  }
0x4d: {  	[tilespmem:s30], [sflag:$0x3] =	stream.linear.gather [spmem:s23], $0x4000, $0x38;
	[tilespmem:$0x1E400] =	vst v63  }
0x4e: {  	_ =	swait.ge [sflag:s26], $0x4000  }
0x4f: {  	[sflag:s26] =	ssyncset.done $0x0  }
0x50: {  	[sflag:s26] =	ssyncadd.s32 $0xFFFFC000  }
0x51: {  	[hbm4b:s16+s4] =	stream.linear.scatter [tilespmem:s30], [sflag:$0x3], $0x4000, $0x38;
	[tilespmem:$0x1E400] =	vst v63  }
0x52: {  	_ =	swait.ge [sflag:s26], $0x4000  }
0x53: {  	[sflag:s26] =	ssyncset.done $0x0  }
0x54: {  	[sflag:s26] =	ssyncadd.s32 $0xFFFFC000  }
0x55: {  	[tilespmem:s30], [sflag:$0x3] =	stream.linear.gather [spmem:s24], $0x3C00, $0x38;
	[tilespmem:$0x1E400] =	vst v63  }
0x56: {  	s7 =	sadd.s32 $0x1, s7;
	_ =	swait.ge [sflag:s26], $0x3C00  }
0x57: {  	p1 =	sne.s32 s7, s25;
	[sflag:s26] =	ssyncset.done $0x0  }
.Ltmp1:
0x58: {  	[sflag:s26] =	ssyncadd.s32 $0xFFFFC400;
	(pc) =	sbr.rel @!p1 .LBB2_12-.Ltmp1, $4  }
0x59: {  	[hbm4b:s17+s4] =	stream.linear.scatter [tilespmem:s30], [sflag:$0x3], $0x3C00, $0x38;
	[tilespmem:$0x1E400] =	vst v63  }
0x5a: {  	_ =	swait.ge [sflag:s26], $0x3C00  }
0x5b: {  	[sflag:s26] =	ssyncset.done $0x0  }
0x5c: {  	[sflag:s26] =	ssyncadd.s32 $0xFFFFC400  }
.LBB2_1:
0x5d: {  	s8 =	sshrl.u32 s19, $0x3  }
0x5e: {  	[spmem:s8], [sflag:s20] =	dma.local [hbm:s1], $0x800  }
0x5f: {  	_ =	swait.ge [sflag:s26], $0x800  }
0x60: {  	[sflag:s26] =	ssyncset.done $0x0  }
0x61: {  	s9 =	sshrl.u32 s21, $0x3;
	[sflag:s26] =	ssyncadd.s32 $0xFFFFF800  }
0x62: {  	[spmem:s9], [sflag:s20] =	dma.local [hbm:s1], $0x800  }
0x63: {  	_ =	swait.ge [sflag:s26], $0x800  }
0x64: {  	[sflag:s26] =	ssyncset.done $0x0  }
0x65: {  	s10 =	sshrl.u32 s22, $0x3;
	[sflag:s26] =	ssyncadd.s32 $0xFFFFF800  }
0x66: {  	[spmem:s10], [sflag:s20] =	dma.local [hbm:s1], $0x800  }
0x67: {  	_ =	swait.ge [sflag:s26], $0x800  }
0x68: {  	[sflag:s26] =	ssyncset.done $0x0  }
0x69: {  	s9 =	sshrl.u32 s23, $0x3;
	[sflag:s26] =	ssyncadd.s32 $0xFFFFF800  }
0x6a: {  	[spmem:s9], [sflag:s20] =	dma.local [hbm:s1], $0x800  }
0x6b: {  	_ =	swait.ge [sflag:s26], $0x800  }
0x6c: {  	[sflag:s26] =	ssyncset.done $0x0  }
0x6d: {  	s10 =	sshrl.u32 s24, $0x3;
	[sflag:s26] =	ssyncadd.s32 $0xFFFFF800  }
0x6e: {  	[spmem:s10], [sflag:s20] =	dma.local [hbm:s1], $0x780  }
.Ltmp2:
0x6f: {  	_ =	swait.ge [sflag:s26], $0x780;
	(pc) =	sbr.rel @p0 .LBB2_11-.Ltmp2, $3  }
0x70: {  	[sflag:s26] =	ssyncset.done $0x0  }
0x71: {  	[sflag:s26] =	ssyncadd.s32 $0xFFFFF880  }
0x72: {  	[bflag:$0x0] =	sbarrier.arrive $0xFFFF;
	_ =	sdelay $0x1  }
0x73: {  	s8 =	simm.s32 $0x0;
	s9 =	rddreg [dreg:$0x4]  }
0x74: {  	[tilespmem:s8], [sflag:$0x3] =	stream.linear.gather [hbm4b:s9+s8], $0x1400, $0x38;
	[tilespmem:$0x1E400] =	vst v63  }
0x75: {  	_ =	swait.ge [sflag:s26], $0x1400  }
0x76: {  	[sflag:s26] =	ssyncset.done $0x0  }
0x77: {  	s10 =	rddreg [dreg:$0x5];
	[sflag:s26] =	ssyncadd.s32 $0xFFFFEC00  }
0x78: {  	[tilespmem:s28], [sflag:$0x3] =	stream.linear.gather [hbm4b:s10+s8], $0x1400, $0x38;
	[tilespmem:$0x1E400] =	vst v63  }
0x79: {  	_ =	swait.ge [sflag:s26], $0x1400  }
0x7a: {  	[sflag:s26] =	ssyncset.done $0x0  }
0x7b: {  	[sflag:s26] =	ssyncadd.s32 $0xFFFFEC00  }
0x7c: {  	[tilespmem:s30], [sflag:$0x1] =	stream.indirect.gather [hbm4b:s18+s29], $0x80, s8, s29, $0xb8;
	[tilespmem:$0x1E400] =	vst v63  }
0x7d: {  	_ = 	snop  }
0x7e: {  	[tilespmem:s31], [sflag:$0x2] =	stream.indirect.gather [hbm4b:s18+s29], $0x80, s29, s29, $0xb8;
	[tilespmem:$0x1E400] =	vst v63  }
0x7f: {  	_ =	swait.ge [sflag:s0], $0x4000  }
0x80: {  	[sflag:s0] =	ssyncset.done $0x0  }
0x81: {  	s10 =	simm.s32 $0x1400;
	[sflag:s0] =	ssyncadd.s32 $0xFFFFC000  }
0x82: {  	[spmem:s2] =	stream.indirect.scatter.add.f32 [tilespmem:s30], [sflag:$0x3], $0x80, s10, s29, $0xb8;
	[tilespmem:$0x1E400] =	vst v63  }
0x83: {  	_ =	swait.ge [sflag:s26], $0x4000  }
0x84: {  	[sflag:s26] =	ssyncset.done $0x0  }
0x85: {  	s9 =	simm.s32 $0x100;
	[sflag:s26] =	ssyncadd.s32 $0xFFFFC000  }
0x86: {  	[tilespmem:s30], [sflag:$0x1] =	stream.indirect.gather [hbm4b:s18+s29], $0x80, s9, s29, $0xb8;
	[tilespmem:$0x1E400] =	vst v63  }
0x87: {  	_ =	swait.ge [sflag:s3], $0x4000  }
0x88: {  	[sflag:s3] =	ssyncset.done $0x0  }
0x89: {  	s10 =	simm.s32 $0x1480;
	[sflag:s3] =	ssyncadd.s32 $0xFFFFC000  }
0x8a: {  	[spmem:s2] =	stream.indirect.scatter.add.f32 [tilespmem:s31], [sflag:$0x3], $0x80, s10, s29, $0xb8;
	[tilespmem:$0x1E400] =	vst v63  }
0x8b: {  	_ =	swait.ge [sflag:s26], $0x4000  }
0x8c: {  	[sflag:s26] =	ssyncset.done $0x0  }
0x8d: {  	s8 =	simm.s32 $0x400;
	s9 =	simm.s32 $0x180;
	[sflag:s26] =	ssyncadd.s32 $0xFFFFC000  }
.LBB2_3:
0x8e: {  	[tilespmem:s31], [sflag:$0x2] =	stream.indirect.gather [hbm4b:s18+s29], $0x80, s9, s29, $0xb8;
	[tilespmem:$0x1E400] =	vst v63  }
0x8f: {  	s9 =	smov.u32 s8  }
0x90: {  	p1 =	sne.s32 s8, $0x4800;
	s8 =	sadd.s32 $0x400, s8;
	_ =	swait.ge [sflag:s0], $0x4000  }
0x91: {  	s9 =	sshra.s32 s9, $0x2;
	[sflag:s0] =	ssyncset.done $0x0  }
0x92: {  	s10 =	sadd.s32 $0x1400, s9;
	[sflag:s0] =	ssyncadd.s32 $0xFFFFC000  }
0x93: {  	[spmem:s2] =	stream.indirect.scatter.add.f32 [tilespmem:s30], [sflag:$0x3], $0x80, s10, s29, $0xb8;
	[tilespmem:$0x1E400] =	vst v63  }
0x94: {  	_ =	swait.ge [sflag:s26], $0x4000  }
0x95: {  	[sflag:s26] =	ssyncset.done $0x0  }
0x96: {  	s10 =	sadd.s32 $0x100, s9;
	[sflag:s26] =	ssyncadd.s32 $0xFFFFC000  }
0x97: {  	[tilespmem:s30], [sflag:$0x1] =	stream.indirect.gather [hbm4b:s18+s29], $0x80, s10, s29, $0xb8;
	[tilespmem:$0x1E400] =	vst v63  }
0x98: {  	_ =	swait.ge [sflag:s3], $0x4000  }
0x99: {  	[sflag:s3] =	ssyncset.done $0x0  }
.Ltmp3:
0x9a: {  	s10 =	sadd.s32 $0x1480, s9;
	[sflag:s3] =	ssyncadd.s32 $0xFFFFC000;
	(pc) =	sbr.rel @p1 .LBB2_3-.Ltmp3, $4  }
0x9b: {  	[spmem:s2] =	stream.indirect.scatter.add.f32 [tilespmem:s31], [sflag:$0x3], $0x80, s10, s29, $0xb8;
	[tilespmem:$0x1E400] =	vst v63  }
0x9c: {  	_ =	swait.ge [sflag:s26], $0x4000  }
0x9d: {  	[sflag:s26] =	ssyncset.done $0x0  }
0x9e: {  	s9 =	sadd.s32 $0x180, s9;
	[sflag:s26] =	ssyncadd.s32 $0xFFFFC000  }
0x9f: {  	[tilespmem:s31], [sflag:$0x2] =	stream.indirect.gather [hbm4b:s18+s29], $0x80, s9, s29, $0xb8;
	[tilespmem:$0x1E400] =	vst v63  }
0xa0: {  	_ =	swait.ge [sflag:s0], $0x4000  }
0xa1: {  	[sflag:s0] =	ssyncset.done $0x0  }
0xa2: {  	[sflag:s0] =	ssyncadd.s32 $0xFFFFC000  }
0xa3: {  	[spmem:s2] =	stream.indirect.scatter.add.f32 [tilespmem:s30], [sflag:$0x3], $0x80, s5, s29, $0xb8;
	[tilespmem:$0x1E400] =	vst v63  }
0xa4: {  	_ =	swait.ge [sflag:s26], $0x4000  }
0xa5: {  	[sflag:s26] =	ssyncset.done $0x0  }
0xa6: {  	s8 =	simm.s32 $0x0;
	[sflag:s26] =	ssyncadd.s32 $0xFFFFC000  }
0xa7: {  	[tilespmem:s30], [sflag:$0x1] =	stream.indirect.gather [hbm4b:s18+s29], $0x80, s8, s29, $0xb8;
	[tilespmem:$0x1E400] =	vst v63  }
0xa8: {  	_ =	swait.ge [sflag:s3], $0x4000  }
0xa9: {  	[sflag:s3] =	ssyncset.done $0x0  }
0xaa: {  	[sflag:s3] =	ssyncadd.s32 $0xFFFFC000  }
0xab: {  	[spmem:s2] =	stream.indirect.scatter.add.f32 [tilespmem:s31], [sflag:$0x3], $0x80, s6, s29, $0xb8;
	[tilespmem:$0x1E400] =	vst v63  }
0xac: {  	_ =	swait.ge [sflag:s26], $0x4000  }
0xad: {  	[sflag:s26] =	ssyncset.done $0x0  }
0xae: {  	[sflag:s26] =	ssyncadd.s32 $0xFFFFC000  }
0xaf: {  	[tilespmem:s31], [sflag:$0x2] =	stream.indirect.gather [hbm4b:s18+s29], $0x80, s29, s29, $0xb8;
	[tilespmem:$0x1E400] =	vst v63  }
0xb0: {  	_ =	swait.ge [sflag:s0], $0x4000  }
0xb1: {  	[sflag:s0] =	ssyncset.done $0x0  }
0xb2: {  	[sflag:s0] =	ssyncadd.s32 $0xFFFFC000  }
0xb3: {  	_ =	swait.ge [sflag:s3], $0x4000  }
0xb4: {  	[sflag:s3] =	ssyncset.done $0x0  }
0xb5: {  	s10 =	rddreg [dreg:$0x6];
	[sflag:s3] =	ssyncadd.s32 $0xFFFFC000  }
0xb6: {  	[tilespmem:s8], [sflag:$0x3] =	stream.linear.gather [hbm4b:s10+s8], $0x1400, $0x38;
	[tilespmem:$0x1E400] =	vst v63  }
0xb7: {  	_ =	swait.ge [sflag:s26], $0x1400  }
0xb8: {  	[sflag:s26] =	ssyncset.done $0x0  }
0xb9: {  	s10 =	rddreg [dreg:$0x7];
	[sflag:s26] =	ssyncadd.s32 $0xFFFFEC00  }
0xba: {  	[tilespmem:s28], [sflag:$0x3] =	stream.linear.gather [hbm4b:s10+s8], $0x1400, $0x38;
	[tilespmem:$0x1E400] =	vst v63  }
0xbb: {  	_ =	swait.ge [sflag:s26], $0x1400  }
0xbc: {  	[sflag:s26] =	ssyncset.done $0x0  }
0xbd: {  	[sflag:s26] =	ssyncadd.s32 $0xFFFFEC00  }
0xbe: {  	[tilespmem:s30], [sflag:$0x1] =	stream.indirect.gather [hbm4b:s18+s29], $0x80, s8, s29, $0xb8;
	[tilespmem:$0x1E400] =	vst v63  }
0xbf: {  	_ = 	snop  }
0xc0: {  	[tilespmem:s31], [sflag:$0x2] =	stream.indirect.gather [hbm4b:s18+s29], $0x80, s29, s29, $0xb8;
	[tilespmem:$0x1E400] =	vst v63  }
0xc1: {  	_ =	swait.ge [sflag:s0], $0x4000  }
0xc2: {  	[sflag:s0] =	ssyncset.done $0x0  }
0xc3: {  	s10 =	simm.s32 $0x1400;
	[sflag:s0] =	ssyncadd.s32 $0xFFFFC000  }
0xc4: {  	[spmem:s2] =	stream.indirect.scatter.add.f32 [tilespmem:s30], [sflag:$0x3], $0x80, s10, s29, $0xb8;
	[tilespmem:$0x1E400] =	vst v63  }
0xc5: {  	_ =	swait.ge [sflag:s26], $0x4000  }
0xc6: {  	[sflag:s26] =	ssyncset.done $0x0  }
0xc7: {  	s9 =	simm.s32 $0x100;
	[sflag:s26] =	ssyncadd.s32 $0xFFFFC000  }
0xc8: {  	[tilespmem:s30], [sflag:$0x1] =	stream.indirect.gather [hbm4b:s18+s29], $0x80, s9, s29, $0xb8;
	[tilespmem:$0x1E400] =	vst v63  }
0xc9: {  	_ =	swait.ge [sflag:s3], $0x4000  }
0xca: {  	[sflag:s3] =	ssyncset.done $0x0  }
0xcb: {  	s10 =	simm.s32 $0x1480;
	[sflag:s3] =	ssyncadd.s32 $0xFFFFC000  }
0xcc: {  	[spmem:s2] =	stream.indirect.scatter.add.f32 [tilespmem:s31], [sflag:$0x3], $0x80, s10, s29, $0xb8;
	[tilespmem:$0x1E400] =	vst v63  }
0xcd: {  	_ =	swait.ge [sflag:s26], $0x4000  }
0xce: {  	[sflag:s26] =	ssyncset.done $0x0  }
0xcf: {  	s8 =	simm.s32 $0x400;
	s9 =	simm.s32 $0x180;
	[sflag:s26] =	ssyncadd.s32 $0xFFFFC000  }
.LBB2_5:
0xd0: {  	[tilespmem:s31], [sflag:$0x2] =	stream.indirect.gather [hbm4b:s18+s29], $0x80, s9, s29, $0xb8;
	[tilespmem:$0x1E400] =	vst v63  }
0xd1: {  	s9 =	smov.u32 s8  }
0xd2: {  	p1 =	sne.s32 s8, $0x4800;
	s8 =	sadd.s32 $0x400, s8;
	_ =	swait.ge [sflag:s0], $0x4000  }
0xd3: {  	s9 =	sshra.s32 s9, $0x2;
	[sflag:s0] =	ssyncset.done $0x0  }
0xd4: {  	s10 =	sadd.s32 $0x1400, s9;
	[sflag:s0] =	ssyncadd.s32 $0xFFFFC000  }
0xd5: {  	[spmem:s2] =	stream.indirect.scatter.add.f32 [tilespmem:s30], [sflag:$0x3], $0x80, s10, s29, $0xb8;
	[tilespmem:$0x1E400] =	vst v63  }
0xd6: {  	_ =	swait.ge [sflag:s26], $0x4000  }
0xd7: {  	[sflag:s26] =	ssyncset.done $0x0  }
0xd8: {  	s10 =	sadd.s32 $0x100, s9;
	[sflag:s26] =	ssyncadd.s32 $0xFFFFC000  }
0xd9: {  	[tilespmem:s30], [sflag:$0x1] =	stream.indirect.gather [hbm4b:s18+s29], $0x80, s10, s29, $0xb8;
	[tilespmem:$0x1E400] =	vst v63  }
0xda: {  	_ =	swait.ge [sflag:s3], $0x4000  }
0xdb: {  	[sflag:s3] =	ssyncset.done $0x0  }
.Ltmp4:
0xdc: {  	s10 =	sadd.s32 $0x1480, s9;
	[sflag:s3] =	ssyncadd.s32 $0xFFFFC000;
	(pc) =	sbr.rel @p1 .LBB2_5-.Ltmp4, $4  }
0xdd: {  	[spmem:s2] =	stream.indirect.scatter.add.f32 [tilespmem:s31], [sflag:$0x3], $0x80, s10, s29, $0xb8;
	[tilespmem:$0x1E400] =	vst v63  }
0xde: {  	_ =	swait.ge [sflag:s26], $0x4000  }
0xdf: {  	[sflag:s26] =	ssyncset.done $0x0  }
0xe0: {  	s9 =	sadd.s32 $0x180, s9;
	[sflag:s26] =	ssyncadd.s32 $0xFFFFC000  }
0xe1: {  	[tilespmem:s31], [sflag:$0x2] =	stream.indirect.gather [hbm4b:s18+s29], $0x80, s9, s29, $0xb8;
	[tilespmem:$0x1E400] =	vst v63  }
0xe2: {  	_ =	swait.ge [sflag:s0], $0x4000  }
0xe3: {  	[sflag:s0] =	ssyncset.done $0x0  }
0xe4: {  	[sflag:s0] =	ssyncadd.s32 $0xFFFFC000  }
0xe5: {  	[spmem:s2] =	stream.indirect.scatter.add.f32 [tilespmem:s30], [sflag:$0x3], $0x80, s5, s29, $0xb8;
	[tilespmem:$0x1E400] =	vst v63  }
0xe6: {  	_ =	swait.ge [sflag:s26], $0x4000  }
0xe7: {  	[sflag:s26] =	ssyncset.done $0x0  }
0xe8: {  	s8 =	simm.s32 $0x0;
	[sflag:s26] =	ssyncadd.s32 $0xFFFFC000  }
0xe9: {  	[tilespmem:s30], [sflag:$0x1] =	stream.indirect.gather [hbm4b:s18+s29], $0x80, s8, s29, $0xb8;
	[tilespmem:$0x1E400] =	vst v63  }
0xea: {  	_ =	swait.ge [sflag:s3], $0x4000  }
0xeb: {  	[sflag:s3] =	ssyncset.done $0x0  }
0xec: {  	[sflag:s3] =	ssyncadd.s32 $0xFFFFC000  }
0xed: {  	[spmem:s2] =	stream.indirect.scatter.add.f32 [tilespmem:s31], [sflag:$0x3], $0x80, s6, s29, $0xb8;
	[tilespmem:$0x1E400] =	vst v63  }
0xee: {  	_ =	swait.ge [sflag:s26], $0x4000  }
0xef: {  	[sflag:s26] =	ssyncset.done $0x0  }
0xf0: {  	[sflag:s26] =	ssyncadd.s32 $0xFFFFC000  }
0xf1: {  	[tilespmem:s31], [sflag:$0x2] =	stream.indirect.gather [hbm4b:s18+s29], $0x80, s29, s29, $0xb8;
	[tilespmem:$0x1E400] =	vst v63  }
0xf2: {  	_ =	swait.ge [sflag:s0], $0x4000  }
0xf3: {  	[sflag:s0] =	ssyncset.done $0x0  }
0xf4: {  	[sflag:s0] =	ssyncadd.s32 $0xFFFFC000  }
0xf5: {  	_ =	swait.ge [sflag:s3], $0x4000  }
0xf6: {  	[sflag:s3] =	ssyncset.done $0x0  }
0xf7: {  	s10 =	rddreg [dreg:$0x8];
	[sflag:s3] =	ssyncadd.s32 $0xFFFFC000  }
0xf8: {  	[tilespmem:s8], [sflag:$0x3] =	stream.linear.gather [hbm4b:s10+s8], $0x1400, $0x38;
	[tilespmem:$0x1E400] =	vst v63  }
0xf9: {  	_ =	swait.ge [sflag:s26], $0x1400  }
0xfa: {  	[sflag:s26] =	ssyncset.done $0x0  }
0xfb: {  	s10 =	rddreg [dreg:$0x9];
	[sflag:s26] =	ssyncadd.s32 $0xFFFFEC00  }
0xfc: {  	[tilespmem:s28], [sflag:$0x3] =	stream.linear.gather [hbm4b:s10+s8], $0x1400, $0x38;
	[tilespmem:$0x1E400] =	vst v63  }
0xfd: {  	_ =	swait.ge [sflag:s26], $0x1400  }
0xfe: {  	[sflag:s26] =	ssyncset.done $0x0  }
0xff: {  	[sflag:s26] =	ssyncadd.s32 $0xFFFFEC00  }
0x100: {  	[tilespmem:s30], [sflag:$0x1] =	stream.indirect.gather [hbm4b:s18+s29], $0x80, s8, s29, $0xb8;
	[tilespmem:$0x1E400] =	vst v63  }
0x101: {  	_ = 	snop  }
0x102: {  	[tilespmem:s31], [sflag:$0x2] =	stream.indirect.gather [hbm4b:s18+s29], $0x80, s29, s29, $0xb8;
	[tilespmem:$0x1E400] =	vst v63  }
0x103: {  	_ =	swait.ge [sflag:s0], $0x4000  }
0x104: {  	[sflag:s0] =	ssyncset.done $0x0  }
0x105: {  	s10 =	simm.s32 $0x1400;
	[sflag:s0] =	ssyncadd.s32 $0xFFFFC000  }
0x106: {  	[spmem:s2] =	stream.indirect.scatter.add.f32 [tilespmem:s30], [sflag:$0x3], $0x80, s10, s29, $0xb8;
	[tilespmem:$0x1E400] =	vst v63  }
0x107: {  	_ =	swait.ge [sflag:s26], $0x4000  }
0x108: {  	[sflag:s26] =	ssyncset.done $0x0  }
0x109: {  	s9 =	simm.s32 $0x100;
	[sflag:s26] =	ssyncadd.s32 $0xFFFFC000  }
0x10a: {  	[tilespmem:s30], [sflag:$0x1] =	stream.indirect.gather [hbm4b:s18+s29], $0x80, s9, s29, $0xb8;
	[tilespmem:$0x1E400] =	vst v63  }
0x10b: {  	_ =	swait.ge [sflag:s3], $0x4000  }
0x10c: {  	[sflag:s3] =	ssyncset.done $0x0  }
0x10d: {  	s10 =	simm.s32 $0x1480;
	[sflag:s3] =	ssyncadd.s32 $0xFFFFC000  }
0x10e: {  	[spmem:s2] =	stream.indirect.scatter.add.f32 [tilespmem:s31], [sflag:$0x3], $0x80, s10, s29, $0xb8;
	[tilespmem:$0x1E400] =	vst v63  }
0x10f: {  	_ =	swait.ge [sflag:s26], $0x4000  }
0x110: {  	[sflag:s26] =	ssyncset.done $0x0  }
0x111: {  	s8 =	simm.s32 $0x400;
	s9 =	simm.s32 $0x180;
	[sflag:s26] =	ssyncadd.s32 $0xFFFFC000  }
.LBB2_7:
0x112: {  	[tilespmem:s31], [sflag:$0x2] =	stream.indirect.gather [hbm4b:s18+s29], $0x80, s9, s29, $0xb8;
	[tilespmem:$0x1E400] =	vst v63  }
0x113: {  	s9 =	smov.u32 s8  }
0x114: {  	p1 =	sne.s32 s8, $0x4800;
	s8 =	sadd.s32 $0x400, s8;
	_ =	swait.ge [sflag:s0], $0x4000  }
0x115: {  	s9 =	sshra.s32 s9, $0x2;
	[sflag:s0] =	ssyncset.done $0x0  }
0x116: {  	s10 =	sadd.s32 $0x1400, s9;
	[sflag:s0] =	ssyncadd.s32 $0xFFFFC000  }
0x117: {  	[spmem:s2] =	stream.indirect.scatter.add.f32 [tilespmem:s30], [sflag:$0x3], $0x80, s10, s29, $0xb8;
	[tilespmem:$0x1E400] =	vst v63  }
0x118: {  	_ =	swait.ge [sflag:s26], $0x4000  }
0x119: {  	[sflag:s26] =	ssyncset.done $0x0  }
0x11a: {  	s10 =	sadd.s32 $0x100, s9;
	[sflag:s26] =	ssyncadd.s32 $0xFFFFC000  }
0x11b: {  	[tilespmem:s30], [sflag:$0x1] =	stream.indirect.gather [hbm4b:s18+s29], $0x80, s10, s29, $0xb8;
	[tilespmem:$0x1E400] =	vst v63  }
0x11c: {  	_ =	swait.ge [sflag:s3], $0x4000  }
0x11d: {  	[sflag:s3] =	ssyncset.done $0x0  }
.Ltmp5:
0x11e: {  	s10 =	sadd.s32 $0x1480, s9;
	[sflag:s3] =	ssyncadd.s32 $0xFFFFC000;
	(pc) =	sbr.rel @p1 .LBB2_7-.Ltmp5, $4  }
0x11f: {  	[spmem:s2] =	stream.indirect.scatter.add.f32 [tilespmem:s31], [sflag:$0x3], $0x80, s10, s29, $0xb8;
	[tilespmem:$0x1E400] =	vst v63  }
0x120: {  	_ =	swait.ge [sflag:s26], $0x4000  }
0x121: {  	[sflag:s26] =	ssyncset.done $0x0  }
0x122: {  	s9 =	sadd.s32 $0x180, s9;
	[sflag:s26] =	ssyncadd.s32 $0xFFFFC000  }
0x123: {  	[tilespmem:s31], [sflag:$0x2] =	stream.indirect.gather [hbm4b:s18+s29], $0x80, s9, s29, $0xb8;
	[tilespmem:$0x1E400] =	vst v63  }
0x124: {  	_ =	swait.ge [sflag:s0], $0x4000  }
0x125: {  	[sflag:s0] =	ssyncset.done $0x0  }
0x126: {  	[sflag:s0] =	ssyncadd.s32 $0xFFFFC000  }
0x127: {  	[spmem:s2] =	stream.indirect.scatter.add.f32 [tilespmem:s30], [sflag:$0x3], $0x80, s5, s29, $0xb8;
	[tilespmem:$0x1E400] =	vst v63  }
0x128: {  	_ =	swait.ge [sflag:s26], $0x4000  }
0x129: {  	[sflag:s26] =	ssyncset.done $0x0  }
0x12a: {  	s8 =	simm.s32 $0x0;
	[sflag:s26] =	ssyncadd.s32 $0xFFFFC000  }
0x12b: {  	[tilespmem:s30], [sflag:$0x1] =	stream.indirect.gather [hbm4b:s18+s29], $0x80, s8, s29, $0xb8;
	[tilespmem:$0x1E400] =	vst v63  }
0x12c: {  	_ =	swait.ge [sflag:s3], $0x4000  }
0x12d: {  	[sflag:s3] =	ssyncset.done $0x0  }
0x12e: {  	[sflag:s3] =	ssyncadd.s32 $0xFFFFC000  }
0x12f: {  	[spmem:s2] =	stream.indirect.scatter.add.f32 [tilespmem:s31], [sflag:$0x3], $0x80, s6, s29, $0xb8;
	[tilespmem:$0x1E400] =	vst v63  }
0x130: {  	_ =	swait.ge [sflag:s26], $0x4000  }
0x131: {  	[sflag:s26] =	ssyncset.done $0x0  }
0x132: {  	[sflag:s26] =	ssyncadd.s32 $0xFFFFC000  }
0x133: {  	[tilespmem:s31], [sflag:$0x2] =	stream.indirect.gather [hbm4b:s18+s29], $0x80, s29, s29, $0xb8;
	[tilespmem:$0x1E400] =	vst v63  }
0x134: {  	_ =	swait.ge [sflag:s0], $0x4000  }
0x135: {  	[sflag:s0] =	ssyncset.done $0x0  }
0x136: {  	[sflag:s0] =	ssyncadd.s32 $0xFFFFC000  }
0x137: {  	_ =	swait.ge [sflag:s3], $0x4000  }
0x138: {  	[sflag:s3] =	ssyncset.done $0x0  }
0x139: {  	[sflag:s3] =	ssyncadd.s32 $0xFFFFC000  }
0x13a: {  	[tilespmem:s8], [sflag:$0x3] =	stream.linear.gather [hbm4b:s11+s8], $0x1400, $0x38;
	[tilespmem:$0x1E400] =	vst v63  }
0x13b: {  	_ =	swait.ge [sflag:s26], $0x1400  }
0x13c: {  	[sflag:s26] =	ssyncset.done $0x0  }
0x13d: {  	[sflag:s26] =	ssyncadd.s32 $0xFFFFEC00  }
0x13e: {  	[tilespmem:s28], [sflag:$0x3] =	stream.linear.gather [hbm4b:s12+s8], $0x1400, $0x38;
	[tilespmem:$0x1E400] =	vst v63  }
0x13f: {  	_ =	swait.ge [sflag:s26], $0x1400  }
0x140: {  	[sflag:s26] =	ssyncset.done $0x0  }
0x141: {  	[sflag:s26] =	ssyncadd.s32 $0xFFFFEC00  }
0x142: {  	[tilespmem:s30], [sflag:$0x1] =	stream.indirect.gather [hbm4b:s18+s29], $0x80, s8, s29, $0xb8;
	[tilespmem:$0x1E400] =	vst v63  }
0x143: {  	_ = 	snop  }
0x144: {  	[tilespmem:s31], [sflag:$0x2] =	stream.indirect.gather [hbm4b:s18+s29], $0x80, s29, s29, $0xb8;
	[tilespmem:$0x1E400] =	vst v63  }
0x145: {  	_ =	swait.ge [sflag:s0], $0x4000  }
0x146: {  	[sflag:s0] =	ssyncset.done $0x0  }
0x147: {  	s10 =	simm.s32 $0x1400;
	[sflag:s0] =	ssyncadd.s32 $0xFFFFC000  }
0x148: {  	[spmem:s2] =	stream.indirect.scatter.add.f32 [tilespmem:s30], [sflag:$0x3], $0x80, s10, s29, $0xb8;
	[tilespmem:$0x1E400] =	vst v63  }
0x149: {  	_ =	swait.ge [sflag:s26], $0x4000  }
0x14a: {  	[sflag:s26] =	ssyncset.done $0x0  }
0x14b: {  	s9 =	simm.s32 $0x100;
	[sflag:s26] =	ssyncadd.s32 $0xFFFFC000  }
0x14c: {  	[tilespmem:s30], [sflag:$0x1] =	stream.indirect.gather [hbm4b:s18+s29], $0x80, s9, s29, $0xb8;
	[tilespmem:$0x1E400] =	vst v63  }
0x14d: {  	_ =	swait.ge [sflag:s3], $0x4000  }
0x14e: {  	[sflag:s3] =	ssyncset.done $0x0  }
0x14f: {  	s10 =	simm.s32 $0x1480;
	[sflag:s3] =	ssyncadd.s32 $0xFFFFC000  }
0x150: {  	[spmem:s2] =	stream.indirect.scatter.add.f32 [tilespmem:s31], [sflag:$0x3], $0x80, s10, s29, $0xb8;
	[tilespmem:$0x1E400] =	vst v63  }
0x151: {  	_ =	swait.ge [sflag:s26], $0x4000  }
0x152: {  	[sflag:s26] =	ssyncset.done $0x0  }
0x153: {  	s8 =	simm.s32 $0x400;
	s9 =	simm.s32 $0x180;
	[sflag:s26] =	ssyncadd.s32 $0xFFFFC000  }
.LBB2_9:
0x154: {  	[tilespmem:s31], [sflag:$0x2] =	stream.indirect.gather [hbm4b:s18+s29], $0x80, s9, s29, $0xb8;
	[tilespmem:$0x1E400] =	vst v63  }
0x155: {  	s9 =	smov.u32 s8  }
0x156: {  	p1 =	sne.s32 s8, $0x4800;
	s8 =	sadd.s32 $0x400, s8;
	_ =	swait.ge [sflag:s0], $0x4000  }
0x157: {  	s9 =	sshra.s32 s9, $0x2;
	[sflag:s0] =	ssyncset.done $0x0  }
0x158: {  	s10 =	sadd.s32 $0x1400, s9;
	[sflag:s0] =	ssyncadd.s32 $0xFFFFC000  }
0x159: {  	[spmem:s2] =	stream.indirect.scatter.add.f32 [tilespmem:s30], [sflag:$0x3], $0x80, s10, s29, $0xb8;
	[tilespmem:$0x1E400] =	vst v63  }
0x15a: {  	_ =	swait.ge [sflag:s26], $0x4000  }
0x15b: {  	[sflag:s26] =	ssyncset.done $0x0  }
0x15c: {  	s10 =	sadd.s32 $0x100, s9;
	[sflag:s26] =	ssyncadd.s32 $0xFFFFC000  }
0x15d: {  	[tilespmem:s30], [sflag:$0x1] =	stream.indirect.gather [hbm4b:s18+s29], $0x80, s10, s29, $0xb8;
	[tilespmem:$0x1E400] =	vst v63  }
0x15e: {  	_ =	swait.ge [sflag:s3], $0x4000  }
0x15f: {  	[sflag:s3] =	ssyncset.done $0x0  }
.Ltmp6:
0x160: {  	s10 =	sadd.s32 $0x1480, s9;
	[sflag:s3] =	ssyncadd.s32 $0xFFFFC000;
	(pc) =	sbr.rel @p1 .LBB2_9-.Ltmp6, $4  }
0x161: {  	[spmem:s2] =	stream.indirect.scatter.add.f32 [tilespmem:s31], [sflag:$0x3], $0x80, s10, s29, $0xb8;
	[tilespmem:$0x1E400] =	vst v63  }
0x162: {  	_ =	swait.ge [sflag:s26], $0x4000  }
0x163: {  	[sflag:s26] =	ssyncset.done $0x0  }
0x164: {  	s9 =	sadd.s32 $0x180, s9;
	[sflag:s26] =	ssyncadd.s32 $0xFFFFC000  }
.Ltmp7:
0x165: {  	_ = 	snop;
	(pc) =	sbr.rel .LBB2_10-.Ltmp7, $1  }
0x166: {  	_ =	sdelay $0x3  }
.LBB2_12:
0x167: {  	_ =	sfence.sel $0x180000  }
0x168: {  	[bflag:$0x0] =	sbarrier.arrive $0xFFFF  }
0x169: {  	_ =	strace $0x9000004D  }
0x16a: {  	s0 =	stileid.u32;
	[bflag:$0x2] =	sbarrier.arrive $0xFFFF  }
0x16b: {  	p0 =	sne.s32 s0, $0x0;
	s0 =	rddreg [dreg:$0x3]  }
0x16c: {  	s0 =	sadd.s32 @!p0 $0x100000, s0  }
0x16d: {  	[sflag:s0] =	ssyncadd.tile.s32 @!p0 $0x1;
	_ =	shalt  }
.Lfunc_end2:
_tile_overlayer_lowered:
.L_overlay_start_2:
0x16e: {  	(tag) =	ssettag $0x2  }
0x16f: {  	s0 =	rddreg [dreg:$0x0];
	s2 =	stileid.u32  }
0x170: {  	s1 =	rddreg [dreg:$0x1];
	p0 =	sne.s32 s2, $0x0  }
0x171: {  	s3 =	rddreg [dreg:$0x2];
	[bflag:$0x3] =	sbarrier.arrive $0xFFFF;
	s2 =	simm.s32 @!p0 $0x1C03  }
0x172: {  	[timem:s3], [sflag:s2] =	dma.local @!p0 [hbm:s0], s1  }
0x173: {  	s0 =	simm.s32 @!p0 $0x3  }
0x174: {  	_ =	swait.ge @!p0 [sflag:s0], s1  }
0x175: {  	s1 =	ssub.s32 @!p0 $0x0, s1;
	[sflag:s0] =	ssyncset.done @!p0 $0x0  }
0x176: {  	[sflag:s0] =	ssyncadd.s32 @!p0 s1  }
0x177: {  	[bflag:$0x3] =	sbarrier.arrive $0xFFFF  }
0x178: {  	_ =	shalt  }

// kernel: kernel.8.cloned.1.call-start
scs
__scs_entry_jumppad:
0x0: {  	(pc) =	sbr.rel $0x88, $3  }
0x1: {  	(tag) =	ssettag $0x0;
	lr =	simm.s32 $0x1  }
0x2: {  	[smem:$0x3F93] =	sst lr;
	_ =	strace $0xD0000000  }
0x3: {  	_ = 	snop  }
0x4: {  	_ = 	snop  }
0x5: {  	_ = 	snop  }
0x6: {  	_ = 	snop  }
0x7: {  	_ = 	snop  }
__scs_overlays_trampoline_lowered:
0x8: {  	[smem:$0x3FA2] =	sst s0  }
0x9: {  	[smem:$0x3FA3] =	sst s1  }
0xa: {  	[smem:$0x3FA4] =	sst s2  }
0xb: {  	[smem:$0x3FA5] =	sst s3  }
0xc: {  	[smem:$0x3FA6] =	sst s4  }
0xd: {  	[smem:$0x3FA7] =	sst s5  }
0xe: {  	[smem:$0x3FA8] =	sst s6  }
0xf: {  	[smem:$0x3FA9] =	sst s7  }
0x10: {  	[smem:$0x3FAA] =	sst s8  }
0x11: {  	[smem:$0x3FAB] =	sst s9;
	s0 =	simm.s32 @!p0 $0x0  }
0x12: {  	s1 =	sld [smem:$0x3F91];
	s0 =	simm.s32 @p0 $0x1  }
0x13: {  	[smem:$0x3FAC] =	sst s0;
	s0 =	simm.s32 @!p1 $0x0  }
0x14: {  	s2 =	sld [smem:$0x3F90];
	s0 =	simm.s32 @p1 $0x1  }
0x15: {  	[smem:$0x3FAD] =	sst s0;
	s0 =	simm.s32 @!p2 $0x0  }
0x16: {  	s3 =	sld [smem:$0x3FDB];
	s0 =	simm.s32 @p2 $0x1  }
0x17: {  	s4 =	simm.s32 $0x1BF5;
	[smem:$0x3FAF] =	sst s0  }
0x18: {  	s0 =	sld [smem:$0x3F92];
	_ =	swait.ge [sflag:s4], $0x0  }
0x19: {  	s7 =	sld [smem:$0x3F93]  }
0x1a: {  	s8 =	sadd.s32 $0xFFFFE003, lr  }
0x1b: {  	s9 =	sadd.s32 $0xFFFFFEF7, lr;
	s5 =	simm.s32 $0xFFFFFFFF;
	p2 =	slt.u32 s8, $0xFFFFF086  }
0x1c: {  	p1 =	slt.u32 s9, $0xF7A;
	s5 =	simm.s32 @!p2 $0x0  }
0x1d: {  	s5 =	simm.s32 @p1 $0x1;
	p0 =	seq.s32 s7, s2  }
0x1e: {  	s7 =	smul.u32 @!p0 $0xF7A, s2;
	p2 =	seq.s32 @!p0 s5, $0x0  }
0x1f: {  	s9 =	smul.u32 $0xF7A, s1;
	s8 =	simm.s32 @!p0 $0x1BF5;
	p2 =	por !p2, p0  }
0x20: {  	[sflag:s8] =	ssyncset.s32 @!p0 $0xFFFFF086;
	s6 =	sadd.s32 @!p0 s3, s7;
	s7 =	simm.s32 @!p0 $0x108  }
0x21: {  	s3 =	sadd.s32 s3, s9;
	s6 =	sadd.s32 @!p0 $0x88, s6;
	s7 =	simm.s32 @p2 $0x1082  }
0x22: {  	[simem:s7], [sflag:s8] =	dma.local @!p0 [hbm:s6], $0xF7A  }
0x23: {  	s9 =	sor.u32 $0xD0000000, s2;
	s6 =	simm.s32 $0x108;
	_ =	swait.ge @!p0 [sflag:s8], $0x0  }
0x24: {  	s3 =	sadd.s32 $0x88, s3;
	s6 =	simm.s32 @!p1 $0x1082;
	[sflag:s4] =	ssyncset.s32 $0xFFFFF086  }
0x25: {  	[simem:s6], [sflag:s4] =	dma.local [hbm:s3], $0xF7A  }
0x26: {  	[smem:$0x3F93] =	sst s1;
	(tag) =	ssettag s2;
	_ =	strace s9  }
0x27: {  	s1 =	sld [smem:$0x3FA3]  }
0x28: {  	s2 =	sld [smem:$0x3FA4]  }
0x29: {  	s4 =	sld [smem:$0x3FA6]  }
0x2a: {  	p0 =	seq.s32 s5, $0x0;
	s5 =	sld [smem:$0x3FA7]  }
0x2b: {  	s6 =	sld [smem:$0x3FA8]  }
0x2c: {  	s7 =	sld [smem:$0x3FA9]  }
0x2d: {  	s3 =	simm.s32 $0x108;
	s8 =	sld [smem:$0x3FAA]  }
0x2e: {  	s3 =	simm.s32 @!p0 $0x1082;
	s9 =	sld [smem:$0x3FAB]  }
0x2f: {  	lr =	sadd.s32 s0, s3;
	s0 =	sld [smem:$0x3FA2]  }
0x30: {  	s3 =	sld [smem:$0x3FA5]  }
0x31: {  	[smem:$0x3FAE] =	sst s10  }
0x32: {  	s10 =	sld [smem:$0x3FAC];
	_ =	sdelay $0x3  }
0x33: {  	p0 =	seq.s32 s10, $0x1;
	s10 =	sld [smem:$0x3FAE];
	_ =	sdelay $0x3  }
0x34: {  	[smem:$0x3FAE] =	sst s10  }
0x35: {  	s10 =	sld [smem:$0x3FAD];
	_ =	sdelay $0x3  }
0x36: {  	p1 =	seq.s32 s10, $0x1;
	s10 =	sld [smem:$0x3FAE];
	_ =	sdelay $0x3  }
0x37: {  	[smem:$0x3FAE] =	sst s10  }
0x38: {  	s10 =	sld [smem:$0x3FAF]  }
0x39: {  	_ = 	snop;
	(pc) =	sbr.ind lr, $3  }
0x3a: {  	_ = 	snop  }
0x3b: {  	_ = 	snop  }
0x3c: {  	p2 =	seq.s32 s10, $0x1;
	s10 =	sld [smem:$0x3FAE]  }
0x3d: {  	_ =	shalt  }
0x3e: {  	_ =	shalt  }
0x3f: {  	_ =	shalt  }
0x40: {  	_ =	shalt  }
0x41: {  	_ =	shalt  }
0x42: {  	_ =	shalt  }
0x43: {  	_ =	shalt  }
0x44: {  	_ =	shalt  }
0x45: {  	_ =	shalt  }
0x46: {  	_ =	shalt  }
0x47: {  	_ =	shalt  }
0x48: {  	_ =	shalt  }
0x49: {  	_ =	shalt  }
0x4a: {  	_ =	shalt  }
0x4b: {  	_ =	shalt  }
0x4c: {  	_ =	shalt  }
0x4d: {  	_ =	shalt  }
0x4e: {  	_ =	shalt  }
0x4f: {  	_ =	shalt  }
0x50: {  	_ =	shalt  }
0x51: {  	_ =	shalt  }
0x52: {  	_ =	shalt  }
0x53: {  	_ =	shalt  }
0x54: {  	_ =	shalt  }
0x55: {  	_ =	shalt  }
0x56: {  	_ =	shalt  }
0x57: {  	_ =	shalt  }
0x58: {  	_ =	shalt  }
0x59: {  	_ =	shalt  }
0x5a: {  	_ =	shalt  }
0x5b: {  	_ =	shalt  }
0x5c: {  	_ =	shalt  }
0x5d: {  	_ =	shalt  }
0x5e: {  	_ =	shalt  }
0x5f: {  	_ =	shalt  }
0x60: {  	_ =	shalt  }
0x61: {  	_ =	shalt  }
0x62: {  	_ =	shalt  }
0x63: {  	_ =	shalt  }
0x64: {  	_ =	shalt  }
0x65: {  	_ =	shalt  }
0x66: {  	_ =	shalt  }
0x67: {  	_ =	shalt  }
0x68: {  	_ =	shalt  }
0x69: {  	_ =	shalt  }
0x6a: {  	_ =	shalt  }
0x6b: {  	_ =	shalt  }
0x6c: {  	_ =	shalt  }
0x6d: {  	_ =	shalt  }
0x6e: {  	_ =	shalt  }
0x6f: {  	_ =	shalt  }
0x70: {  	_ =	shalt  }
0x71: {  	_ =	shalt  }
0x72: {  	_ =	shalt  }
0x73: {  	_ =	shalt  }
0x74: {  	_ =	shalt  }
0x75: {  	_ =	shalt  }
0x76: {  	_ =	shalt  }
0x77: {  	_ =	shalt  }
0x78: {  	_ =	shalt  }
0x79: {  	_ =	shalt  }
0x7a: {  	_ =	shalt  }
0x7b: {  	_ =	shalt  }
0x7c: {  	_ =	shalt  }
0x7d: {  	_ =	shalt  }
0x7e: {  	_ =	shalt  }
0x7f: {  	_ =	shalt  }
0x80: {  	_ =	shalt  }
0x81: {  	_ =	shalt  }
0x82: {  	_ =	shalt  }
0x83: {  	_ =	shalt  }
0x84: {  	_ =	shalt  }
0x85: {  	_ =	shalt  }
0x86: {  	_ =	shalt  }
0x87: {  	_ =	shalt  }
.Lfunc_end0:
.L_simem_size_0:
called_computation_lowered:
.L_overlay_start_0:
0x88: {  	s2 =	sld [smem:$0x3FD9]  }
0x89: {  	s3 =	sld [smem:$0x3FFE];
	_ =	sdelay $0x1  }
0x8a: {  	s1 =	srdreg.scid  }
0x8b: {  	s0 =	sand.u32 $0x1, s1  }
0x8c: {  	s17 =	sshll.u32 s0, $0xA;
	s2 =	sadd.s32 s3, s2  }
0x8d: {  	s2 =	sadd.s32 s2, s17  }
0x8e: {  	[smem:$0x3FBA] =	sst s2  }
0x8f: {  	_ = 	snop  }
0x90: {  	s2 =	sld [smem:$0x3FD0];
	(tm) =	ssettm $0x1  }
0x91: {  	s18 =	sld [smem:$0x3FFB];
	_ =	sdelay $0x3  }
0x92: {  	_ =	strace s18  }
0x93: {  	s3 =	sld [smem:$0x3FFC];
	_ =	sdelay $0x3  }
0x94: {  	_ =	strace s3  }
0x95: {  	s3 =	sld [smem:$0x3FFD];
	_ =	sdelay $0x3  }
0x96: {  	_ =	strace s3  }
0x97: {  	_ =	strace $0x8FFFFFFF  }
0x98: {  	s19 =	sld [smem:$0x3FDB];
	_ =	sdelay $0x1  }
0x99: {  	s4 =	simm.s32 $_scs_section_size  }
0x9a: {  	s5 =	simm.s32 $_size__tile_overlayer_lowered;
	s6 =	simm.s32 $_tile_overlayer_lowered  }
0x9b: {  	s22 =	simm.s32 $0x1BFF;
	s21 =	sshll.u32 s6, $0x1;
	s3 =	sadd.s32 s4, s19  }
0x9c: {  	s7 =	simm.s32 $0x0;
	s20 =	sshll.u32 s5, $0x1;
	s5 =	sadd.s32 s21, s3  }
0x9d: {  	[timem:s7], [sflag:s22] =	dma.local [hbm:s5], s20  }
0x9e: {  	_ =	swait.ge [sflag:s22], s20  }
0x9f: {  	s4 =	ssub.s32 $0x0, s20;
	[sflag:s22] =	ssyncset.done $0x0  }
0xa0: {  	[sflag:s22] =	ssyncadd.s32 s4;
	_ =	sdelay $0x1  }
0xa1: {  	s23 =	simm.s32 $0x1B8B  }
0xa2: {  	_ =	swait.ge [sflag:s23], $0x1  }
0xa3: {  	[sflag:s23] =	ssyncset.done $0x0  }
0xa4: {  	s25 =	simm.s32 $0x1B8E;
	s24 =	sld [smem:$0x3FFE];
	[sflag:s23] =	ssyncadd.s32 $0xFFFFFFFF  }
0xa5: {  	s26 =	simm.s32 $execute0_lowered;
	[smem:$0x3FD2] =	sst s25  }
0xa6: {  	s5 =	sshll.u32 s26, $0x1;
	_ =	strace $0x80000046;
	[dreg:$0x1] =	wrdreg $0xFFFFFFFF  }
0xa7: {  	s28 =	simm.s32 $_size_execute0_lowered;
	s3 =	sadd.s32 s3, s5;
	[dreg:$0x0] =	wrdreg $0x0  }
0xa8: {  	s5 =	sshll.u32 s28, $0x1;
	[dreg:$0x2] =	wrdreg s3  }
0xa9: {  	[dreg:$0x3] =	wrdreg s5  }
0xaa: {  	[dreg:$0x4] =	wrdreg $0xC0  }
0xab: {  	_ =	task [dreg:s7], $0x5FFFF  }
0xac: {  	[dreg:$0x1] =	wrdreg $0xFFFFFFFF  }
0xad: {  	[dreg:$0x0] =	wrdreg $0x60  }
0xae: {  	[dreg:$0x2] =	wrdreg s24  }
0xaf: {  	[dreg:$0x3] =	wrdreg s2  }
0xb0: {  	[dreg:$0x4] =	wrdreg $0xA8000  }
0xb1: {  	[dreg:$0x5] =	wrdreg $0x9  }
0xb2: {  	_ =	task.clear_ibuf [dreg:s7], $0x6FFFF;
	_ =	strace $0x90000046  }
0xb3: {  	s29 =	simm.s32 $0x9;
	_ =	strace $0x80000048  }
0xb4: {  	_ =	swait.ge [sflag:s29], $0x1  }
0xb5: {  	[sflag:s29] =	ssyncadd.s32 $0xFFFFFFFF  }
0xb6: {  	_ =	strace $0x90000048  }
0xb7: {  	_ =	sfence  }
0xb8: {  	s30 =	sld [smem:$0x0];
	_ =	sdelay $0x2  }
0xb9: {  	s31 =	sshll.u32 s1, $0xD;
	s1 =	sshrl.u32 s1, $0x2  }
0xba: {  	s3 =	sand.u32 $0x4000, s31;
	s1 =	sadd.s32 s1, s30  }
0xbb: {  	s0 =	sor.u32 s3, s0;
	s1 =	sshll.u32 s1, $0x11  }
0xbc: {  	s0 =	sor.u32 s1, s0  }
0xbd: {  	s0 =	sadd.s32 $0x8F2B, s0  }
0xbe: {  	[sflag:s0] =	ssyncadd.remote.s32 $0x1  }
0xbf: {  	_ =	sfence.sel $0xFFFF  }
0xc0: {  	[dreg:$0x0] =	wrdreg $0xFFFFFFFF;
	(pc) =	sbr.abs _section_cstart, $3  }
0xc1: {  	[dreg:$0x1] =	wrdreg $0xFFFFFFFF  }
0xc2: {  	_ =	task.clear_ibuf [dreg:s7], $0x2FFFF;
	_ =	strace $0x9FFFFFFF  }
0xc3: {  	(tm) =	ssettm $0x7FFFFFFF  }
tec
execute0_lowered:
.L_overlay_start_1:
0x0: {  	(tag) =	ssettag $0x1  }
0x1: {  	s6 =	rddreg [dreg:$0x0]  }
0x2: {  	s0 =	srdreg.scid;
	s2 =	rddreg [dreg:$0x1]  }
0x3: {  	s3 =	rddreg [dreg:$0x2];
	s4 =	simm.s32 $0x0;
	s21 =	simm.s32 $0x80  }
0x4: {  	s22 =	simm.s32 $0x0;
	s8 =	sand.u32 $0x1, s0;
	s0 =	stileid.u32  }
0x5: {  	[smem:$0x7FF] =	sst s4;
	s16 =	sadd.s32 $0x18600, s6;
	s9 =	smul.u32 $0x50000, s0  }
0x6: {  	s1 =	sshll.u32 s8, $0x4;
	s31 =	ssub.s32 $0x2, s8;
	s11 =	smul.u32 $0x14000, s0  }
0x7: {  	s15 =	smul.u32 $0x140000, s8;
	s5 =	sor.u32 s0, s1;
	s1 =	rddreg [dreg:$0x3]  }
0x8: {  	_ =	strace $0x80000047;
	s10 =	sshrl.u32 s31, $0x1;
	s5 =	smul.u32 $0x500, s5  }
0x9: {  	s9 =	sshrl.u32 s9, $0x2;
	s17 =	ssub.s32 s31, s10;
	s12 =	sadd.s32 $0x4000, s11  }
0xa: {  	s14 =	sadd.s32 $0x8000, s11;
	s18 =	sadd.s32 $0xC000, s11;
	s13 =	sadd.s32 s11, s15  }
0xb: {  	s19 =	sadd.s32 $0x10000, s11;
	s8 =	sadd.s32 s12, s3;
	s10 =	sadd.s32 s18, s3  }
0xc: {  	s12 =	sadd.s32 s15, s12;
	s13 =	sshrl.u32 s13, $0x3;
	s11 =	sadd.s32 s19, s3  }
0xd: {  	s18 =	sadd.s32 s15, s18;
	s17 =	smax.u32 s17, $0x1;
	s7 =	sadd.s32 s5, s6  }
0xe: {  	s5 =	sadd.s32 $0x17E00, s6;
	s20 =	sshrl.u32 s12, $0x3;
	s12 =	sadd.s32 s16, s13  }
0xf: {  	s18 =	sshrl.u32 s18, $0x3;
	s6 =	sadd.s32 $0xDE00, s7;
	s7 =	sadd.s32 s9, s3  }
0x10: {  	s9 =	sadd.s32 s14, s3;
	s13 =	sadd.s32 s16, s20;
	s14 =	sadd.s32 s15, s14  }
0x11: {  	s15 =	sadd.s32 s15, s19;
	s20 =	simm.s32 $0x6800;
	s14 =	sshrl.u32 s14, $0x3  }
0x12: {  	s19 =	sshrl.u32 s15, $0x3;
	s15 =	sadd.s32 s16, s18;
	s18 =	simm.s32 $0x1  }
0x13: {  	s14 =	sadd.s32 s16, s14;
	s16 =	sadd.s32 s16, s19;
	s19 =	simm.s32 $0x2800  }
.LBB2_1:
0x14: {  	[tilespmem:s4], [sflag:$0x1] =	stream.linear.gather [hbm4b:s6+s4], $0x2800, $0x38;
	[tilespmem:$0xD000] =	vst v63  }
0x15: {  	_ =	swait.ge [sflag:s18], $0x2800  }
0x16: {  	[sflag:s18] =	ssyncset.done $0x0  }
0x17: {  	[sflag:s18] =	ssyncadd.s32 $0xFFFFD800  }
0x18: {  	[tilespmem:s19], [sflag:$0x1] =	stream.linear.gather [hbm4b:s2+s4], $0x4000, $0x38;
	[tilespmem:$0xD000] =	vst v63  }
0x19: {  	_ =	swait.ge [sflag:s18], $0x4000  }
0x1a: {  	[sflag:s18] =	ssyncset.done $0x0  }
0x1b: {  	[sflag:s18] =	ssyncadd.s32 $0xFFFFC000  }
0x1c: {  	[tilespmem:s20], [sflag:$0x1] =	stream.linear.gather [hbm4b:s5+s4], $0x4000, $0x38;
	[tilespmem:$0xD000] =	vst v63  }
0x1d: {  	_ =	swait.ge [sflag:s18], $0x4000  }
0x1e: {  	[sflag:s18] =	ssyncset.done $0x0  }
0x1f: {  	[sflag:s18] =	ssyncadd.s32 $0xFFFFC000  }
0x20: {  	[spmem:s7] =	stream.linear.scatter [tilespmem:s19], [sflag:$0x1], $0x4000, $0x38;
	[tilespmem:$0xD000] =	vst v63  }
0x21: {  	_ =	swait.ge [sflag:s18], $0x4000  }
0x22: {  	[sflag:s18] =	ssyncset.done $0x0  }
0x23: {  	[sflag:s18] =	ssyncadd.s32 $0xFFFFC000  }
0x24: {  	[spmem:s8] =	stream.linear.scatter [tilespmem:s19], [sflag:$0x1], $0x4000, $0x38;
	[tilespmem:$0xD000] =	vst v63  }
0x25: {  	_ =	swait.ge [sflag:s18], $0x4000  }
0x26: {  	[sflag:s18] =	ssyncset.done $0x0  }
0x27: {  	[sflag:s18] =	ssyncadd.s32 $0xFFFFC000  }
0x28: {  	[spmem:s9] =	stream.linear.scatter [tilespmem:s19], [sflag:$0x1], $0x4000, $0x38;
	[tilespmem:$0xD000] =	vst v63  }
0x29: {  	_ =	swait.ge [sflag:s18], $0x4000  }
0x2a: {  	[sflag:s18] =	ssyncset.done $0x0  }
0x2b: {  	[sflag:s18] =	ssyncadd.s32 $0xFFFFC000  }
0x2c: {  	[spmem:s10] =	stream.linear.scatter [tilespmem:s19], [sflag:$0x1], $0x4000, $0x38;
	[tilespmem:$0xD000] =	vst v63  }
0x2d: {  	_ =	swait.ge [sflag:s18], $0x4000  }
0x2e: {  	[sflag:s18] =	ssyncset.done $0x0  }
0x2f: {  	[sflag:s18] =	ssyncadd.s32 $0xFFFFC000  }
0x30: {  	[spmem:s11] =	stream.linear.scatter [tilespmem:s19], [sflag:$0x1], $0x4000, $0x38;
	[tilespmem:$0xD000] =	vst v63  }
0x31: {  	_ =	swait.ge [sflag:s18], $0x4000  }
0x32: {  	[sflag:s18] =	ssyncset.done $0x0  }
0x33: {  	[sflag:s18] =	ssyncadd.s32 $0xFFFFC000  }
0x34: {  	s23 =	simm.s32 $0x0;
	[bflag:$0x0] =	sbarrier.arrive $0xFFFF  }
0x35: {  	[spmem:s3] =	stream.indirect.scatter.add.f32 [tilespmem:s20], [sflag:$0x1], $0x10, s23, s21, $0xb8;
	[tilespmem:$0xD000] =	vst v63  }
0x36: {  	_ =	swait.ge [sflag:s18], $0x800  }
0x37: {  	s23 =	simm.s32 $0x200;
	[sflag:s18] =	ssyncset.done $0x0  }
.LBB2_2:
0x38: {  	s24 =	sshra.s32 s23, $0x2;
	[sflag:s18] =	ssyncadd.s32 $0xFFFFF800;
	p0 =	sne.s32 s23, $0x9E00  }
0x39: {  	[spmem:s3] =	stream.indirect.scatter.add.f32 [tilespmem:s20], [sflag:$0x1], $0x10, s24, s21, $0xb8;
	[tilespmem:$0xD000] =	vst v63  }
.Ltmp0:
0x3a: {  	_ = 	snop;
	(pc) =	sbr.rel @p0 .LBB2_2-.Ltmp0, $4  }
0x3b: {  	_ = 	snop  }
0x3c: {  	s23 =	sadd.s32 $0x200, s23  }
0x3d: {  	_ =	swait.ge [sflag:s18], $0x800  }
0x3e: {  	[sflag:s18] =	ssyncset.done $0x0  }
0x3f: {  	[sflag:s18] =	ssyncadd.s32 $0xFFFFF800  }
0x40: {  	[bflag:$0x0] =	sbarrier.arrive $0xFFFF  }
0x41: {  	[tilespmem:s19], [sflag:$0x1] =	stream.linear.gather [spmem:s7], $0x4000, $0x38;
	[tilespmem:$0xD000] =	vst v63  }
0x42: {  	_ =	swait.ge [sflag:s18], $0x4000  }
0x43: {  	[sflag:s18] =	ssyncset.done $0x0  }
0x44: {  	[sflag:s18] =	ssyncadd.s32 $0xFFFFC000  }
0x45: {  	[hbm4b:s12+s4] =	stream.linear.scatter [tilespmem:s19], [sflag:$0x1], $0x4000, $0x38;
	[tilespmem:$0xD000] =	vst v63  }
0x46: {  	_ =	swait.ge [sflag:s18], $0x4000  }
0x47: {  	[sflag:s18] =	ssyncset.done $0x0  }
0x48: {  	[sflag:s18] =	ssyncadd.s32 $0xFFFFC000  }
0x49: {  	[tilespmem:s19], [sflag:$0x1] =	stream.linear.gather [spmem:s8], $0x4000, $0x38;
	[tilespmem:$0xD000] =	vst v63  }
0x4a: {  	_ =	swait.ge [sflag:s18], $0x4000  }
0x4b: {  	[sflag:s18] =	ssyncset.done $0x0  }
0x4c: {  	[sflag:s18] =	ssyncadd.s32 $0xFFFFC000  }
0x4d: {  	[hbm4b:s13+s4] =	stream.linear.scatter [tilespmem:s19], [sflag:$0x1], $0x4000, $0x38;
	[tilespmem:$0xD000] =	vst v63  }
0x4e: {  	_ =	swait.ge [sflag:s18], $0x4000  }
0x4f: {  	[sflag:s18] =	ssyncset.done $0x0  }
0x50: {  	[sflag:s18] =	ssyncadd.s32 $0xFFFFC000  }
0x51: {  	[tilespmem:s19], [sflag:$0x1] =	stream.linear.gather [spmem:s9], $0x4000, $0x38;
	[tilespmem:$0xD000] =	vst v63  }
0x52: {  	_ =	swait.ge [sflag:s18], $0x4000  }
0x53: {  	[sflag:s18] =	ssyncset.done $0x0  }
0x54: {  	[sflag:s18] =	ssyncadd.s32 $0xFFFFC000  }
0x55: {  	[hbm4b:s14+s4] =	stream.linear.scatter [tilespmem:s19], [sflag:$0x1], $0x4000, $0x38;
	[tilespmem:$0xD000] =	vst v63  }
0x56: {  	_ =	swait.ge [sflag:s18], $0x4000  }
0x57: {  	[sflag:s18] =	ssyncset.done $0x0  }
0x58: {  	[sflag:s18] =	ssyncadd.s32 $0xFFFFC000  }
0x59: {  	[tilespmem:s19], [sflag:$0x1] =	stream.linear.gather [spmem:s10], $0x4000, $0x38;
	[tilespmem:$0xD000] =	vst v63  }
0x5a: {  	_ =	swait.ge [sflag:s18], $0x4000  }
0x5b: {  	[sflag:s18] =	ssyncset.done $0x0  }
0x5c: {  	[sflag:s18] =	ssyncadd.s32 $0xFFFFC000  }
0x5d: {  	[hbm4b:s15+s4] =	stream.linear.scatter [tilespmem:s19], [sflag:$0x1], $0x4000, $0x38;
	[tilespmem:$0xD000] =	vst v63  }
0x5e: {  	_ =	swait.ge [sflag:s18], $0x4000  }
0x5f: {  	[sflag:s18] =	ssyncset.done $0x0  }
0x60: {  	[sflag:s18] =	ssyncadd.s32 $0xFFFFC000  }
0x61: {  	[tilespmem:s19], [sflag:$0x1] =	stream.linear.gather [spmem:s11], $0x4000, $0x38;
	[tilespmem:$0xD000] =	vst v63  }
0x62: {  	s22 =	sadd.s32 $0x1, s22;
	_ =	swait.ge [sflag:s18], $0x4000  }
0x63: {  	p0 =	sne.s32 s22, s17;
	[sflag:s18] =	ssyncset.done $0x0  }
.Ltmp1:
0x64: {  	[sflag:s18] =	ssyncadd.s32 $0xFFFFC000;
	(pc) =	sbr.rel @p0 .LBB2_1-.Ltmp1, $4  }
0x65: {  	[hbm4b:s16+s4] =	stream.linear.scatter [tilespmem:s19], [sflag:$0x1], $0x4000, $0x38;
	[tilespmem:$0xD000] =	vst v63  }
0x66: {  	_ =	swait.ge [sflag:s18], $0x4000  }
0x67: {  	[sflag:s18] =	ssyncset.done $0x0  }
0x68: {  	[sflag:s18] =	ssyncadd.s32 $0xFFFFC000  }
0x69: {  	_ =	sfence.sel $0x180000  }
0x6a: {  	[bflag:$0x0] =	sbarrier.arrive $0xFFFF  }
0x6b: {  	p0 =	sne.s32 s0, $0x0;
	_ =	strace $0x90000047  }
0x6c: {  	s0 =	sadd.s32 @!p0 $0x100000, s1;
	[bflag:$0x2] =	sbarrier.arrive $0xFFFF  }
0x6d: {  	[sflag:s0] =	ssyncadd.tile.s32 @!p0 $0x1;
	_ =	shalt  }
.Lfunc_end2:
_tile_overlayer_lowered:
.L_overlay_start_2:
0x6e: {  	(tag) =	ssettag $0x2  }
0x6f: {  	s0 =	rddreg [dreg:$0x0];
	s2 =	stileid.u32  }
0x70: {  	s1 =	rddreg [dreg:$0x1];
	p0 =	sne.s32 s2, $0x0  }
0x71: {  	s3 =	rddreg [dreg:$0x2];
	[bflag:$0x3] =	sbarrier.arrive $0xFFFF;
	s2 =	simm.s32 @!p0 $0x1C01  }
0x72: {  	[timem:s3], [sflag:s2] =	dma.local @!p0 [hbm:s0], s1  }
0x73: {  	s0 =	simm.s32 @!p0 $0x1  }
0x74: {  	_ =	swait.ge @!p0 [sflag:s0], s1  }
0x75: {  	s1 =	ssub.s32 @!p0 $0x0, s1;
	[sflag:s0] =	ssyncset.done @!p0 $0x0  }
0x76: {  	[sflag:s0] =	ssyncadd.s32 @!p0 s1  }
0x77: {  	[bflag:$0x3] =	sbarrier.arrive $0xFFFF  }
0x78: {  	_ =	shalt  }

</sc_bundles>
